<compile_context>
chip_gen: v7x
topology: tpu7x:2x2x1
jax: 0.10.2.dev20260603
libtpu: 0.0.44.dev20260713+nightly
codegen_flags: <defaults>
</compile_context>

<pallas_src>
import functools

import jax
import jax.numpy as jnp
from jax import lax
from jax.experimental import pallas as pl
from jax.experimental.pallas import tpu as pltpu
from jax.experimental.pallas import tpu_sc as plsc

VOCAB = 100000
N_EMBD = 1024
CTX = 4096
BATCH = 4
SEQ = 4096

NUM_CORES = 2
NUM_SUBCORES = 16
NUM_WORKERS = NUM_CORES * NUM_SUBCORES
LANES = 16

POS_PER_W = SEQ // NUM_WORKERS
CHUNK = 8
NGRP = 3
PCHUNKS = POS_PER_W // CHUNK
CPR = N_EMBD // LANES
ADD_UNROLL = 2


def _embed_sc(ids_flat, token_table, pos_table):
    mesh = plsc.VectorSubcoreMesh(core_axis_name="c", subcore_axis_name="s")

    @functools.partial(
        pl.kernel,
        out_type=jax.ShapeDtypeStruct((BATCH * SEQ, N_EMBD), jnp.float32),
        mesh=mesh,
        scratch_types=(
            [pltpu.VMEM((BATCH * POS_PER_W,), jnp.int32)]
            + [pltpu.VMEM((CHUNK, N_EMBD), jnp.float32) for _ in range(2)]
            + [pltpu.VMEM((CHUNK, N_EMBD), jnp.float32)
               for _ in range(NGRP * BATCH)]
            + [pltpu.SemaphoreType.DMA for _ in range(3 + 2 * NGRP * BATCH)]
        ),
    )
    def k(ids_hbm, tok_hbm, pos_hbm, out_hbm, idx_v, *bufs_and_sems):
        pos_bufs = list(bufs_and_sems[:2])
        rows = list(bufs_and_sems[2:2 + NGRP * BATCH])
        sems = list(bufs_and_sems[2 + NGRP * BATCH:])
        isem, psem0, psem1 = sems[:3]
        psem = [psem0, psem1]
        gsem = sems[3:3 + NGRP * BATCH]
        osem = sems[3 + NGRP * BATCH:]

        wid = lax.axis_index("s") * NUM_CORES + lax.axis_index("c")
        pbase = wid * POS_PER_W

        pending_pos = [None, None]

        def start_pos(p):
            pending_pos[p % 2] = pltpu.async_copy(
                pos_hbm.at[pl.ds(pbase + p * CHUNK, CHUNK)],
                pos_bufs[p % 2], psem[p % 2])

        start_pos(0)
        start_pos(1)
        idx_copies = [
            pltpu.async_copy(ids_hbm.at[pl.ds(b * SEQ + pbase, POS_PER_W)],
                             idx_v.at[pl.ds(b * POS_PER_W, POS_PER_W)], isem)
            for b in range(BATCH)
        ]
        for c in idx_copies:
            c.wait()

        pending_g = [None] * (NGRP * BATCH)
        pending_o = [None] * (NGRP * BATCH)

        def start_group_gathers(g):
            slot = g % NGRP
            for b in range(BATCH):
                sb = slot * BATCH + b
                if pending_o[sb] is not None:
                    pending_o[sb].wait()
                    pending_o[sb] = None
                idx_sl = idx_v.at[pl.ds(b * POS_PER_W + g * CHUNK, CHUNK)]
                pending_g[sb] = pltpu.async_copy(
                    tok_hbm.at[idx_sl], rows[sb], gsem[sb])

        for g in range(min(NGRP - 1, PCHUNKS)):
            start_group_gathers(g)

        for g in range(PCHUNKS):
            slot = g % NGRP

            j = g + NGRP - 1
            if j < PCHUNKS:
                start_group_gathers(j)

            pending_pos[g % 2].wait()
            pending_pos[g % 2] = None
            for b in range(BATCH):
                pending_g[slot * BATCH + b].wait()
                pending_g[slot * BATCH + b] = None

            pv = pos_bufs[g % 2]
            b0, b1, b2, b3 = (rows[slot * BATCH + b] for b in range(BATCH))

            @plsc.parallel_loop(0, CHUNK * CPR, unroll=ADD_UNROLL)
            def _(t, pv=pv, b0=b0, b1=b1, b2=b2, b3=b3):
                r = t >> 6
                sl = pl.ds((t & (CPR - 1)) * LANES, LANES)
                val = pv[r, sl]
                plsc.addupdate(b0.at[r, sl], val)
                plsc.addupdate(b1.at[r, sl], val)
                plsc.addupdate(b2.at[r, sl], val)
                plsc.addupdate(b3.at[r, sl], val)

            if g + 2 < PCHUNKS:
                start_pos(g + 2)

            for b in range(BATCH):
                sb = slot * BATCH + b
                pending_o[sb] = pltpu.async_copy(
                    rows[sb],
                    out_hbm.at[pl.ds(b * SEQ + pbase + g * CHUNK, CHUNK)],
                    osem[sb])

        for sb in range(NGRP * BATCH):
            if pending_o[sb] is not None:
                pending_o[sb].wait()

    return k(ids_flat, token_table, pos_table)


@jax.jit
def kernel(token_ids, token_table, pos_table):
    ids_flat = token_ids.reshape(BATCH * SEQ)
    out = _embed_sc(ids_flat, token_table, pos_table)
    return out.reshape(BATCH, SEQ, N_EMBD)

# --- scband reference (transcript-rebuilt; emitter-appended) ---
"""Pipeline reference for scband-embeddings-48103633715391 (READ-ONLY COPY).

The authoritative reference and input builder live on the scoring server;
editing this copy changes nothing except your own understanding.
"""

import jax, jax.numpy as jnp
import numpy as np

VOCAB = 100000
N_EMBD = 1024
CTX = 4096
BATCH = 4
SEQ = 4096

def setup_inputs(seed: int = 0) -> dict:
    key = jax.random.key(seed)
    k1, k2, k3 = jax.random.split(key, 3)
    token_ids = jax.random.randint(k1, (BATCH, SEQ), 0, VOCAB, dtype=jnp.int64 if jax.config.jax_enable_x64 else jnp.int32).astype(jnp.int32)
    token_table = jax.random.normal(k2, (VOCAB, N_EMBD), dtype=jnp.float32) * 0.02
    pos_table = jax.random.normal(k3, (CTX, N_EMBD), dtype=jnp.float32) * 0.02
    return {"token_ids": token_ids, "token_table": token_table, "pos_table": pos_table}

def reference(token_ids, token_table, pos_table):
    # token embedding lookup: [B, S] -> [B, S, D]
    embeddings = jnp.take(token_table, token_ids, axis=0)
    # learned absolute position embedding (use_rope=False)
    seq_len = token_ids.shape[1]
    positions = jnp.arange(seq_len)
    pos_emb = jnp.take(pos_table, positions, axis=0)  # [S, D]
    embeddings = embeddings + pos_emb[None, :, :]
    # dropout p=0.0 (eval) -> identity
    return embeddings

if __name__ == "__main__":
    import jax
    _d = setup_inputs()
    print(jax.jit(kernel)(*tuple(_d.values())))

</pallas_src>

<mosaic_0001>
#map = affine_map<(d0, d1) -> (0)>
#map1 = affine_map<(d0, d1) -> (0, 0)>
module attributes {stable_mosaic.version = 14 : i64} {
  func.func @k(%arg0: i32, %arg1: i32, %arg2: memref<16384xi32, #tpu.memory_space<hbm>>, %arg3: memref<100000x1024xf32, #tpu.memory_space<hbm>>, %arg4: memref<4096x1024xf32, #tpu.memory_space<hbm>>, %arg5: memref<16384x1024xf32, #tpu.memory_space<hbm>>, %arg6: memref<512xi32, #tpu.memory_space<vmem>>, %arg7: memref<8x1024xf32, #tpu.memory_space<vmem>>, %arg8: memref<8x1024xf32, #tpu.memory_space<vmem>>, %arg9: memref<8x1024xf32, #tpu.memory_space<vmem>>, %arg10: memref<8x1024xf32, #tpu.memory_space<vmem>>, %arg11: memref<8x1024xf32, #tpu.memory_space<vmem>>, %arg12: memref<8x1024xf32, #tpu.memory_space<vmem>>, %arg13: memref<8x1024xf32, #tpu.memory_space<vmem>>, %arg14: memref<8x1024xf32, #tpu.memory_space<vmem>>, %arg15: memref<8x1024xf32, #tpu.memory_space<vmem>>, %arg16: memref<8x1024xf32, #tpu.memory_space<vmem>>, %arg17: memref<8x1024xf32, #tpu.memory_space<vmem>>, %arg18: memref<8x1024xf32, #tpu.memory_space<vmem>>, %arg19: memref<8x1024xf32, #tpu.memory_space<vmem>>, %arg20: memref<8x1024xf32, #tpu.memory_space<vmem>>, %arg21: memref<!tpu.dma_semaphore, #tpu.memory_space<semaphore_mem>>, %arg22: memref<!tpu.dma_semaphore, #tpu.memory_space<semaphore_mem>>, %arg23: memref<!tpu.dma_semaphore, #tpu.memory_space<semaphore_mem>>, %arg24: memref<!tpu.dma_semaphore, #tpu.memory_space<semaphore_mem>>, %arg25: memref<!tpu.dma_semaphore, #tpu.memory_space<semaphore_mem>>, %arg26: memref<!tpu.dma_semaphore, #tpu.memory_space<semaphore_mem>>, %arg27: memref<!tpu.dma_semaphore, #tpu.memory_space<semaphore_mem>>, %arg28: memref<!tpu.dma_semaphore, #tpu.memory_space<semaphore_mem>>, %arg29: memref<!tpu.dma_semaphore, #tpu.memory_space<semaphore_mem>>, %arg30: memref<!tpu.dma_semaphore, #tpu.memory_space<semaphore_mem>>, %arg31: memref<!tpu.dma_semaphore, #tpu.memory_space<semaphore_mem>>, %arg32: memref<!tpu.dma_semaphore, #tpu.memory_space<semaphore_mem>>, %arg33: memref<!tpu.dma_semaphore, #tpu.memory_space<semaphore_mem>>, %arg34: memref<!tpu.dma_semaphore, #tpu.memory_space<semaphore_mem>>, %arg35: memref<!tpu.dma_semaphore, #tpu.memory_space<semaphore_mem>>, %arg36: memref<!tpu.dma_semaphore, #tpu.memory_space<semaphore_mem>>, %arg37: memref<!tpu.dma_semaphore, #tpu.memory_space<semaphore_mem>>, %arg38: memref<!tpu.dma_semaphore, #tpu.memory_space<semaphore_mem>>, %arg39: memref<!tpu.dma_semaphore, #tpu.memory_space<semaphore_mem>>, %arg40: memref<!tpu.dma_semaphore, #tpu.memory_space<semaphore_mem>>, %arg41: memref<!tpu.dma_semaphore, #tpu.memory_space<semaphore_mem>>, %arg42: memref<!tpu.dma_semaphore, #tpu.memory_space<semaphore_mem>>, %arg43: memref<!tpu.dma_semaphore, #tpu.memory_space<semaphore_mem>>, %arg44: memref<!tpu.dma_semaphore, #tpu.memory_space<semaphore_mem>>, %arg45: memref<!tpu.dma_semaphore, #tpu.memory_space<semaphore_mem>>, %arg46: memref<!tpu.dma_semaphore, #tpu.memory_space<semaphore_mem>>, %arg47: memref<!tpu.dma_semaphore, #tpu.memory_space<semaphore_mem>>) attributes {dimension_semantics = [#tpu.dimension_semantics<core_parallel>, #tpu.dimension_semantics<subcore_parallel>], iteration_bounds = array<i64: 2, 16>, scalar_prefetch = 0 : i64, scratch_operands = 42 : i64, tpu.core_type = #tpu.core_type<sc_vector_subcore>, window_params = [{transform_indices = #map}, {transform_indices = #map1}, {transform_indices = #map1}, {transform_indices = #map1}]} {
    %mul3A = arith.constant 2 : i32
    %mul3A_0 = arith.muli %arg1, %mul3A : i32
    %add3A = arith.addi %mul3A_0, %arg0 : i32
    %mul3A_1 = arith.constant 128 : i32
    %mul3A_2 = arith.muli %add3A, %mul3A_1 : i32
    %add3A_3 = arith.constant 0 : i32
    %add3A_4 = arith.addi %mul3A_2, %add3A_3 : i32
    %dma_start3A = arith.constant 0 : i32
    %dma_start3A_5 = tpu.memref_slice %arg4[%add3A_4, %dma_start3A] : memref<4096x1024xf32, #tpu.memory_space<hbm>> -> memref<8x1024xf32, #tpu.memory_space<hbm>>
    %dma_start3A_6 = arith.constant 0 : i32
    %dma_start3A_7 = tpu.memref_slice %arg4[%add3A_4, %dma_start3A_6] : memref<4096x1024xf32, #tpu.memory_space<hbm>> -> memref<8x1024xf32, #tpu.memory_space<hbm>>
    tpu.enqueue_dma source(%dma_start3A_7 : memref<8x1024xf32, #tpu.memory_space<hbm>>) target(%arg7 : memref<8x1024xf32, #tpu.memory_space<vmem>>) target_semaphore(%arg22 : memref<!tpu.dma_semaphore, #tpu.memory_space<semaphore_mem>>)
    %add3A_8 = arith.constant 8 : i32
    %add3A_9 = arith.addi %mul3A_2, %add3A_8 : i32
    %dma_start3A_10 = arith.constant 0 : i32
    %dma_start3A_11 = tpu.memref_slice %arg4[%add3A_9, %dma_start3A_10] : memref<4096x1024xf32, #tpu.memory_space<hbm>> -> memref<8x1024xf32, #tpu.memory_space<hbm>>
    %dma_start3A_12 = arith.constant 0 : i32
    %dma_start3A_13 = tpu.memref_slice %arg4[%add3A_9, %dma_start3A_12] : memref<4096x1024xf32, #tpu.memory_space<hbm>> -> memref<8x1024xf32, #tpu.memory_space<hbm>>
    tpu.enqueue_dma source(%dma_start3A_13 : memref<8x1024xf32, #tpu.memory_space<hbm>>) target(%arg8 : memref<8x1024xf32, #tpu.memory_space<vmem>>) target_semaphore(%arg23 : memref<!tpu.dma_semaphore, #tpu.memory_space<semaphore_mem>>)
    %add3A_14 = arith.constant 0 : i32
    %add3A_15 = arith.addi %add3A_14, %mul3A_2 : i32
    %dma_start3A_16 = arith.constant 0 : i32
    %dma_start3A_17 = tpu.memref_slice %arg6[%dma_start3A_16] : memref<512xi32, #tpu.memory_space<vmem>> -> memref<128xi32, #tpu.memory_space<vmem>>
    %dma_start3A_18 = tpu.memref_slice %arg2[%add3A_15] : memref<16384xi32, #tpu.memory_space<hbm>> -> memref<128xi32, #tpu.memory_space<hbm>>
    %dma_start3A_19 = arith.constant 0 : i32
    %dma_start3A_20 = tpu.memref_slice %arg6[%dma_start3A_19] : memref<512xi32, #tpu.memory_space<vmem>> -> memref<128xi32, #tpu.memory_space<vmem>>
    %dma_start3A_21 = tpu.memref_slice %arg2[%add3A_15] : memref<16384xi32, #tpu.memory_space<hbm>> -> memref<128xi32, #tpu.memory_space<hbm>>
    tpu.enqueue_dma source(%dma_start3A_21 : memref<128xi32, #tpu.memory_space<hbm>>) target(%dma_start3A_20 : memref<128xi32, #tpu.memory_space<vmem>>) target_semaphore(%arg21 : memref<!tpu.dma_semaphore, #tpu.memory_space<semaphore_mem>>)
    %add3A_22 = arith.constant 4096 : i32
    %add3A_23 = arith.addi %add3A_22, %mul3A_2 : i32
    %dma_start3A_24 = arith.constant 128 : i32
    %dma_start3A_25 = tpu.memref_slice %arg6[%dma_start3A_24] : memref<512xi32, #tpu.memory_space<vmem>> -> memref<128xi32, #tpu.memory_space<vmem>>
    %dma_start3A_26 = tpu.memref_slice %arg2[%add3A_23] : memref<16384xi32, #tpu.memory_space<hbm>> -> memref<128xi32, #tpu.memory_space<hbm>>
    %dma_start3A_27 = arith.constant 128 : i32
    %dma_start3A_28 = tpu.memref_slice %arg6[%dma_start3A_27] : memref<512xi32, #tpu.memory_space<vmem>> -> memref<128xi32, #tpu.memory_space<vmem>>
    %dma_start3A_29 = tpu.memref_slice %arg2[%add3A_23] : memref<16384xi32, #tpu.memory_space<hbm>> -> memref<128xi32, #tpu.memory_space<hbm>>
    tpu.enqueue_dma source(%dma_start3A_29 : memref<128xi32, #tpu.memory_space<hbm>>) target(%dma_start3A_28 : memref<128xi32, #tpu.memory_space<vmem>>) target_semaphore(%arg21 : memref<!tpu.dma_semaphore, #tpu.memory_space<semaphore_mem>>)
    %add3A_30 = arith.constant 8192 : i32
    %add3A_31 = arith.addi %add3A_30, %mul3A_2 : i32
    %dma_start3A_32 = arith.constant 256 : i32
    %dma_start3A_33 = tpu.memref_slice %arg6[%dma_start3A_32] : memref<512xi32, #tpu.memory_space<vmem>> -> memref<128xi32, #tpu.memory_space<vmem>>
    %dma_start3A_34 = tpu.memref_slice %arg2[%add3A_31] : memref<16384xi32, #tpu.memory_space<hbm>> -> memref<128xi32, #tpu.memory_space<hbm>>
    %dma_start3A_35 = arith.constant 256 : i32
    %dma_start3A_36 = tpu.memref_slice %arg6[%dma_start3A_35] : memref<512xi32, #tpu.memory_space<vmem>> -> memref<128xi32, #tpu.memory_space<vmem>>
    %dma_start3A_37 = tpu.memref_slice %arg2[%add3A_31] : memref<16384xi32, #tpu.memory_space<hbm>> -> memref<128xi32, #tpu.memory_space<hbm>>
    tpu.enqueue_dma source(%dma_start3A_37 : memref<128xi32, #tpu.memory_space<hbm>>) target(%dma_start3A_36 : memref<128xi32, #tpu.memory_space<vmem>>) target_semaphore(%arg21 : memref<!tpu.dma_semaphore, #tpu.memory_space<semaphore_mem>>)
    %add3A_38 = arith.constant 12288 : i32
    %add3A_39 = arith.addi %add3A_38, %mul3A_2 : i32
    %dma_start3A_40 = arith.constant 384 : i32
    %dma_start3A_41 = tpu.memref_slice %arg6[%dma_start3A_40] : memref<512xi32, #tpu.memory_space<vmem>> -> memref<128xi32, #tpu.memory_space<vmem>>
    %dma_start3A_42 = tpu.memref_slice %arg2[%add3A_39] : memref<16384xi32, #tpu.memory_space<hbm>> -> memref<128xi32, #tpu.memory_space<hbm>>
    %dma_start3A_43 = arith.constant 384 : i32
    %dma_start3A_44 = tpu.memref_slice %arg6[%dma_start3A_43] : memref<512xi32, #tpu.memory_space<vmem>> -> memref<128xi32, #tpu.memory_space<vmem>>
    %dma_start3A_45 = tpu.memref_slice %arg2[%add3A_39] : memref<16384xi32, #tpu.memory_space<hbm>> -> memref<128xi32, #tpu.memory_space<hbm>>
    tpu.enqueue_dma source(%dma_start3A_45 : memref<128xi32, #tpu.memory_space<hbm>>) target(%dma_start3A_44 : memref<128xi32, #tpu.memory_space<vmem>>) target_semaphore(%arg21 : memref<!tpu.dma_semaphore, #tpu.memory_space<semaphore_mem>>)
    %dma_wait3A = arith.constant 0 : i32
    %dma_wait3A_46 = tpu.memref_slice %arg6[%dma_wait3A] : memref<512xi32, #tpu.memory_space<vmem>> -> memref<128xi32, #tpu.memory_space<vmem>>
    %dma_wait3A_47 = tpu.memref_slice %arg2[%add3A_15] : memref<16384xi32, #tpu.memory_space<hbm>> -> memref<128xi32, #tpu.memory_space<hbm>>
    %dma_wait3A_48 = arith.constant 0 : i32
    %dma_wait3A_49 = tpu.memref_slice %arg6[%dma_wait3A_48] : memref<512xi32, #tpu.memory_space<vmem>> -> memref<128xi32, #tpu.memory_space<vmem>>
    %dma_wait3A_50 = tpu.memref_slice %arg2[%add3A_15] : memref<16384xi32, #tpu.memory_space<hbm>> -> memref<128xi32, #tpu.memory_space<hbm>>
    tpu.wait_dma2 semaphore(%arg21 : memref<!tpu.dma_semaphore, #tpu.memory_space<semaphore_mem>>) src(%dma_wait3A_50 : memref<128xi32, #tpu.memory_space<hbm>>) dst(%dma_wait3A_49 : memref<128xi32, #tpu.memory_space<vmem>>)
    %dma_wait3A_51 = arith.constant 128 : i32
    %dma_wait3A_52 = tpu.memref_slice %arg6[%dma_wait3A_51] : memref<512xi32, #tpu.memory_space<vmem>> -> memref<128xi32, #tpu.memory_space<vmem>>
    %dma_wait3A_53 = tpu.memref_slice %arg2[%add3A_23] : memref<16384xi32, #tpu.memory_space<hbm>> -> memref<128xi32, #tpu.memory_space<hbm>>
    %dma_wait3A_54 = arith.constant 128 : i32
    %dma_wait3A_55 = tpu.memref_slice %arg6[%dma_wait3A_54] : memref<512xi32, #tpu.memory_space<vmem>> -> memref<128xi32, #tpu.memory_space<vmem>>
    %dma_wait3A_56 = tpu.memref_slice %arg2[%add3A_23] : memref<16384xi32, #tpu.memory_space<hbm>> -> memref<128xi32, #tpu.memory_space<hbm>>
    tpu.wait_dma2 semaphore(%arg21 : memref<!tpu.dma_semaphore, #tpu.memory_space<semaphore_mem>>) src(%dma_wait3A_56 : memref<128xi32, #tpu.memory_space<hbm>>) dst(%dma_wait3A_55 : memref<128xi32, #tpu.memory_space<vmem>>)
    %dma_wait3A_57 = arith.constant 256 : i32
    %dma_wait3A_58 = tpu.memref_slice %arg6[%dma_wait3A_57] : memref<512xi32, #tpu.memory_space<vmem>> -> memref<128xi32, #tpu.memory_space<vmem>>
    %dma_wait3A_59 = tpu.memref_slice %arg2[%add3A_31] : memref<16384xi32, #tpu.memory_space<hbm>> -> memref<128xi32, #tpu.memory_space<hbm>>
    %dma_wait3A_60 = arith.constant 256 : i32
    %dma_wait3A_61 = tpu.memref_slice %arg6[%dma_wait3A_60] : memref<512xi32, #tpu.memory_space<vmem>> -> memref<128xi32, #tpu.memory_space<vmem>>
    %dma_wait3A_62 = tpu.memref_slice %arg2[%add3A_31] : memref<16384xi32, #tpu.memory_space<hbm>> -> memref<128xi32, #tpu.memory_space<hbm>>
    tpu.wait_dma2 semaphore(%arg21 : memref<!tpu.dma_semaphore, #tpu.memory_space<semaphore_mem>>) src(%dma_wait3A_62 : memref<128xi32, #tpu.memory_space<hbm>>) dst(%dma_wait3A_61 : memref<128xi32, #tpu.memory_space<vmem>>)
    %dma_wait3A_63 = arith.constant 384 : i32
    %dma_wait3A_64 = tpu.memref_slice %arg6[%dma_wait3A_63] : memref<512xi32, #tpu.memory_space<vmem>> -> memref<128xi32, #tpu.memory_space<vmem>>
    %dma_wait3A_65 = tpu.memref_slice %arg2[%add3A_39] : memref<16384xi32, #tpu.memory_space<hbm>> -> memref<128xi32, #tpu.memory_space<hbm>>
    %dma_wait3A_66 = arith.constant 384 : i32
    %dma_wait3A_67 = tpu.memref_slice %arg6[%dma_wait3A_66] : memref<512xi32, #tpu.memory_space<vmem>> -> memref<128xi32, #tpu.memory_space<vmem>>
    %dma_wait3A_68 = tpu.memref_slice %arg2[%add3A_39] : memref<16384xi32, #tpu.memory_space<hbm>> -> memref<128xi32, #tpu.memory_space<hbm>>
    tpu.wait_dma2 semaphore(%arg21 : memref<!tpu.dma_semaphore, #tpu.memory_space<semaphore_mem>>) src(%dma_wait3A_68 : memref<128xi32, #tpu.memory_space<hbm>>) dst(%dma_wait3A_67 : memref<128xi32, #tpu.memory_space<vmem>>)
    %dma_start3A_69 = arith.constant 0 : i32
    %dma_start3A_70 = tpu.memref_slice %arg6[%dma_start3A_69] : memref<512xi32, #tpu.memory_space<vmem>> -> memref<8xi32, #tpu.memory_space<vmem>>
    %dma_start3A_71 = arith.constant 0 : i32
    %dma_start3A_72 = arith.constant 0 : i32
    %dma_start3A_73 = tpu.memref_slice %arg3[%dma_start3A_71, %dma_start3A_72] : memref<100000x1024xf32, #tpu.memory_space<hbm>> -> memref<100000x1024xf32, #tpu.memory_space<hbm>>
    tpu.enqueue_indirect_dma source(%dma_start3A_73 : memref<100000x1024xf32, #tpu.memory_space<hbm>>) target(%arg9 : memref<8x1024xf32, #tpu.memory_space<vmem>>) offsets(%dma_start3A_70 : memref<8xi32, #tpu.memory_space<vmem>>) semaphore(%arg24 : memref<!tpu.dma_semaphore, #tpu.memory_space<semaphore_mem>>)
    %dma_start3A_74 = arith.constant 128 : i32
    %dma_start3A_75 = tpu.memref_slice %arg6[%dma_start3A_74] : memref<512xi32, #tpu.memory_space<vmem>> -> memref<8xi32, #tpu.memory_space<vmem>>
    %dma_start3A_76 = arith.constant 0 : i32
    %dma_start3A_77 = arith.constant 0 : i32
    %dma_start3A_78 = tpu.memref_slice %arg3[%dma_start3A_76, %dma_start3A_77] : memref<100000x1024xf32, #tpu.memory_space<hbm>> -> memref<100000x1024xf32, #tpu.memory_space<hbm>>
    tpu.enqueue_indirect_dma source(%dma_start3A_78 : memref<100000x1024xf32, #tpu.memory_space<hbm>>) target(%arg10 : memref<8x1024xf32, #tpu.memory_space<vmem>>) offsets(%dma_start3A_75 : memref<8xi32, #tpu.memory_space<vmem>>) semaphore(%arg25 : memref<!tpu.dma_semaphore, #tpu.memory_space<semaphore_mem>>)
    %dma_start3A_79 = arith.constant 256 : i32
    %dma_start3A_80 = tpu.memref_slice %arg6[%dma_start3A_79] : memref<512xi32, #tpu.memory_space<vmem>> -> memref<8xi32, #tpu.memory_space<vmem>>
    %dma_start3A_81 = arith.constant 0 : i32
    %dma_start3A_82 = arith.constant 0 : i32
    %dma_start3A_83 = tpu.memref_slice %arg3[%dma_start3A_81, %dma_start3A_82] : memref<100000x1024xf32, #tpu.memory_space<hbm>> -> memref<100000x1024xf32, #tpu.memory_space<hbm>>
    tpu.enqueue_indirect_dma source(%dma_start3A_83 : memref<100000x1024xf32, #tpu.memory_space<hbm>>) target(%arg11 : memref<8x1024xf32, #tpu.memory_space<vmem>>) offsets(%dma_start3A_80 : memref<8xi32, #tpu.memory_space<vmem>>) semaphore(%arg26 : memref<!tpu.dma_semaphore, #tpu.memory_space<semaphore_mem>>)
    %dma_start3A_84 = arith.constant 384 : i32
    %dma_start3A_85 = tpu.memref_slice %arg6[%dma_start3A_84] : memref<512xi32, #tpu.memory_space<vmem>> -> memref<8xi32, #tpu.memory_space<vmem>>
    %dma_start3A_86 = arith.constant 0 : i32
    %dma_start3A_87 = arith.constant 0 : i32
    %dma_start3A_88 = tpu.memref_slice %arg3[%dma_start3A_86, %dma_start3A_87] : memref<100000x1024xf32, #tpu.memory_space<hbm>> -> memref<100000x1024xf32, #tpu.memory_space<hbm>>
    tpu.enqueue_indirect_dma source(%dma_start3A_88 : memref<100000x1024xf32, #tpu.memory_space<hbm>>) target(%arg12 : memref<8x1024xf32, #tpu.memory_space<vmem>>) offsets(%dma_start3A_85 : memref<8xi32, #tpu.memory_space<vmem>>) semaphore(%arg27 : memref<!tpu.dma_semaphore, #tpu.memory_space<semaphore_mem>>)
    %dma_start3A_89 = arith.constant 8 : i32
    %dma_start3A_90 = tpu.memref_slice %arg6[%dma_start3A_89] : memref<512xi32, #tpu.memory_space<vmem>> -> memref<8xi32, #tpu.memory_space<vmem>>
    %dma_start3A_91 = arith.constant 0 : i32
    %dma_start3A_92 = arith.constant 0 : i32
    %dma_start3A_93 = tpu.memref_slice %arg3[%dma_start3A_91, %dma_start3A_92] : memref<100000x1024xf32, #tpu.memory_space<hbm>> -> memref<100000x1024xf32, #tpu.memory_space<hbm>>
    tpu.enqueue_indirect_dma source(%dma_start3A_93 : memref<100000x1024xf32, #tpu.memory_space<hbm>>) target(%arg13 : memref<8x1024xf32, #tpu.memory_space<vmem>>) offsets(%dma_start3A_90 : memref<8xi32, #tpu.memory_space<vmem>>) semaphore(%arg28 : memref<!tpu.dma_semaphore, #tpu.memory_space<semaphore_mem>>)
    %dma_start3A_94 = arith.constant 136 : i32
    %dma_start3A_95 = tpu.memref_slice %arg6[%dma_start3A_94] : memref<512xi32, #tpu.memory_space<vmem>> -> memref<8xi32, #tpu.memory_space<vmem>>
    %dma_start3A_96 = arith.constant 0 : i32
    %dma_start3A_97 = arith.constant 0 : i32
    %dma_start3A_98 = tpu.memref_slice %arg3[%dma_start3A_96, %dma_start3A_97] : memref<100000x1024xf32, #tpu.memory_space<hbm>> -> memref<100000x1024xf32, #tpu.memory_space<hbm>>
    tpu.enqueue_indirect_dma source(%dma_start3A_98 : memref<100000x1024xf32, #tpu.memory_space<hbm>>) target(%arg14 : memref<8x1024xf32, #tpu.memory_space<vmem>>) offsets(%dma_start3A_95 : memref<8xi32, #tpu.memory_space<vmem>>) semaphore(%arg29 : memref<!tpu.dma_semaphore, #tpu.memory_space<semaphore_mem>>)
    %dma_start3A_99 = arith.constant 264 : i32
    %dma_start3A_100 = tpu.memref_slice %arg6[%dma_start3A_99] : memref<512xi32, #tpu.memory_space<vmem>> -> memref<8xi32, #tpu.memory_space<vmem>>
    %dma_start3A_101 = arith.constant 0 : i32
    %dma_start3A_102 = arith.constant 0 : i32
    %dma_start3A_103 = tpu.memref_slice %arg3[%dma_start3A_101, %dma_start3A_102] : memref<100000x1024xf32, #tpu.memory_space<hbm>> -> memref<100000x1024xf32, #tpu.memory_space<hbm>>
    tpu.enqueue_indirect_dma source(%dma_start3A_103 : memref<100000x1024xf32, #tpu.memory_space<hbm>>) target(%arg15 : memref<8x1024xf32, #tpu.memory_space<vmem>>) offsets(%dma_start3A_100 : memref<8xi32, #tpu.memory_space<vmem>>) semaphore(%arg30 : memref<!tpu.dma_semaphore, #tpu.memory_space<semaphore_mem>>)
    %dma_start3A_104 = arith.constant 392 : i32
    %dma_start3A_105 = tpu.memref_slice %arg6[%dma_start3A_104] : memref<512xi32, #tpu.memory_space<vmem>> -> memref<8xi32, #tpu.memory_space<vmem>>
    %dma_start3A_106 = arith.constant 0 : i32
    %dma_start3A_107 = arith.constant 0 : i32
    %dma_start3A_108 = tpu.memref_slice %arg3[%dma_start3A_106, %dma_start3A_107] : memref<100000x1024xf32, #tpu.memory_space<hbm>> -> memref<100000x1024xf32, #tpu.memory_space<hbm>>
    tpu.enqueue_indirect_dma source(%dma_start3A_108 : memref<100000x1024xf32, #tpu.memory_space<hbm>>) target(%arg16 : memref<8x1024xf32, #tpu.memory_space<vmem>>) offsets(%dma_start3A_105 : memref<8xi32, #tpu.memory_space<vmem>>) semaphore(%arg31 : memref<!tpu.dma_semaphore, #tpu.memory_space<semaphore_mem>>)
    %dma_start3A_109 = arith.constant 16 : i32
    %dma_start3A_110 = tpu.memref_slice %arg6[%dma_start3A_109] : memref<512xi32, #tpu.memory_space<vmem>> -> memref<8xi32, #tpu.memory_space<vmem>>
    %dma_start3A_111 = arith.constant 0 : i32
    %dma_start3A_112 = arith.constant 0 : i32
    %dma_start3A_113 = tpu.memref_slice %arg3[%dma_start3A_111, %dma_start3A_112] : memref<100000x1024xf32, #tpu.memory_space<hbm>> -> memref<100000x1024xf32, #tpu.memory_space<hbm>>
    tpu.enqueue_indirect_dma source(%dma_start3A_113 : memref<100000x1024xf32, #tpu.memory_space<hbm>>) target(%arg17 : memref<8x1024xf32, #tpu.memory_space<vmem>>) offsets(%dma_start3A_110 : memref<8xi32, #tpu.memory_space<vmem>>) semaphore(%arg32 : memref<!tpu.dma_semaphore, #tpu.memory_space<semaphore_mem>>)
    %dma_start3A_114 = arith.constant 144 : i32
    %dma_start3A_115 = tpu.memref_slice %arg6[%dma_start3A_114] : memref<512xi32, #tpu.memory_space<vmem>> -> memref<8xi32, #tpu.memory_space<vmem>>
    %dma_start3A_116 = arith.constant 0 : i32
    %dma_start3A_117 = arith.constant 0 : i32
    %dma_start3A_118 = tpu.memref_slice %arg3[%dma_start3A_116, %dma_start3A_117] : memref<100000x1024xf32, #tpu.memory_space<hbm>> -> memref<100000x1024xf32, #tpu.memory_space<hbm>>
    tpu.enqueue_indirect_dma source(%dma_start3A_118 : memref<100000x1024xf32, #tpu.memory_space<hbm>>) target(%arg18 : memref<8x1024xf32, #tpu.memory_space<vmem>>) offsets(%dma_start3A_115 : memref<8xi32, #tpu.memory_space<vmem>>) semaphore(%arg33 : memref<!tpu.dma_semaphore, #tpu.memory_space<semaphore_mem>>)
    %dma_start3A_119 = arith.constant 272 : i32
    %dma_start3A_120 = tpu.memref_slice %arg6[%dma_start3A_119] : memref<512xi32, #tpu.memory_space<vmem>> -> memref<8xi32, #tpu.memory_space<vmem>>
    %dma_start3A_121 = arith.constant 0 : i32
    %dma_start3A_122 = arith.constant 0 : i32
    %dma_start3A_123 = tpu.memref_slice %arg3[%dma_start3A_121, %dma_start3A_122] : memref<100000x1024xf32, #tpu.memory_space<hbm>> -> memref<100000x1024xf32, #tpu.memory_space<hbm>>
    tpu.enqueue_indirect_dma source(%dma_start3A_123 : memref<100000x1024xf32, #tpu.memory_space<hbm>>) target(%arg19 : memref<8x1024xf32, #tpu.memory_space<vmem>>) offsets(%dma_start3A_120 : memref<8xi32, #tpu.memory_space<vmem>>) semaphore(%arg34 : memref<!tpu.dma_semaphore, #tpu.memory_space<semaphore_mem>>)
    %dma_start3A_124 = arith.constant 400 : i32
    %dma_start3A_125 = tpu.memref_slice %arg6[%dma_start3A_124] : memref<512xi32, #tpu.memory_space<vmem>> -> memref<8xi32, #tpu.memory_space<vmem>>
    %dma_start3A_126 = arith.constant 0 : i32
    %dma_start3A_127 = arith.constant 0 : i32
    %dma_start3A_128 = tpu.memref_slice %arg3[%dma_start3A_126, %dma_start3A_127] : memref<100000x1024xf32, #tpu.memory_space<hbm>> -> memref<100000x1024xf32, #tpu.memory_space<hbm>>
    tpu.enqueue_indirect_dma source(%dma_start3A_128 : memref<100000x1024xf32, #tpu.memory_space<hbm>>) target(%arg20 : memref<8x1024xf32, #tpu.memory_space<vmem>>) offsets(%dma_start3A_125 : memref<8xi32, #tpu.memory_space<vmem>>) semaphore(%arg35 : memref<!tpu.dma_semaphore, #tpu.memory_space<semaphore_mem>>)
    %dma_wait3A_129 = arith.constant 0 : i32
    %dma_wait3A_130 = tpu.memref_slice %arg4[%add3A_4, %dma_wait3A_129] : memref<4096x1024xf32, #tpu.memory_space<hbm>> -> memref<8x1024xf32, #tpu.memory_space<hbm>>
    %dma_wait3A_131 = arith.constant 0 : i32
    %dma_wait3A_132 = tpu.memref_slice %arg4[%add3A_4, %dma_wait3A_131] : memref<4096x1024xf32, #tpu.memory_space<hbm>> -> memref<8x1024xf32, #tpu.memory_space<hbm>>
    tpu.wait_dma2 semaphore(%arg22 : memref<!tpu.dma_semaphore, #tpu.memory_space<semaphore_mem>>) src(%dma_wait3A_132 : memref<8x1024xf32, #tpu.memory_space<hbm>>) dst(%arg7 : memref<8x1024xf32, #tpu.memory_space<vmem>>)
    %dma_wait3A_133 = arith.constant 0 : i32
    %dma_wait3A_134 = tpu.memref_slice %arg6[%dma_wait3A_133] : memref<512xi32, #tpu.memory_space<vmem>> -> memref<8xi32, #tpu.memory_space<vmem>>
    %dma_wait3A_135 = arith.constant 0 : i32
    %dma_wait3A_136 = arith.constant 0 : i32
    %dma_wait3A_137 = tpu.memref_slice %arg3[%dma_wait3A_135, %dma_wait3A_136] : memref<100000x1024xf32, #tpu.memory_space<hbm>> -> memref<100000x1024xf32, #tpu.memory_space<hbm>>
    tpu.wait_indirect_dma semaphore(%arg24 : memref<!tpu.dma_semaphore, #tpu.memory_space<semaphore_mem>>) src(%dma_wait3A_137 : memref<100000x1024xf32, #tpu.memory_space<hbm>>) dst(%arg9 : memref<8x1024xf32, #tpu.memory_space<vmem>>)
    %dma_wait3A_138 = arith.constant 128 : i32
    %dma_wait3A_139 = tpu.memref_slice %arg6[%dma_wait3A_138] : memref<512xi32, #tpu.memory_space<vmem>> -> memref<8xi32, #tpu.memory_space<vmem>>
    %dma_wait3A_140 = arith.constant 0 : i32
    %dma_wait3A_141 = arith.constant 0 : i32
    %dma_wait3A_142 = tpu.memref_slice %arg3[%dma_wait3A_140, %dma_wait3A_141] : memref<100000x1024xf32, #tpu.memory_space<hbm>> -> memref<100000x1024xf32, #tpu.memory_space<hbm>>
    tpu.wait_indirect_dma semaphore(%arg25 : memref<!tpu.dma_semaphore, #tpu.memory_space<semaphore_mem>>) src(%dma_wait3A_142 : memref<100000x1024xf32, #tpu.memory_space<hbm>>) dst(%arg10 : memref<8x1024xf32, #tpu.memory_space<vmem>>)
    %dma_wait3A_143 = arith.constant 256 : i32
    %dma_wait3A_144 = tpu.memref_slice %arg6[%dma_wait3A_143] : memref<512xi32, #tpu.memory_space<vmem>> -> memref<8xi32, #tpu.memory_space<vmem>>
    %dma_wait3A_145 = arith.constant 0 : i32
    %dma_wait3A_146 = arith.constant 0 : i32
    %dma_wait3A_147 = tpu.memref_slice %arg3[%dma_wait3A_145, %dma_wait3A_146] : memref<100000x1024xf32, #tpu.memory_space<hbm>> -> memref<100000x1024xf32, #tpu.memory_space<hbm>>
    tpu.wait_indirect_dma semaphore(%arg26 : memref<!tpu.dma_semaphore, #tpu.memory_space<semaphore_mem>>) src(%dma_wait3A_147 : memref<100000x1024xf32, #tpu.memory_space<hbm>>) dst(%arg11 : memref<8x1024xf32, #tpu.memory_space<vmem>>)
    %dma_wait3A_148 = arith.constant 384 : i32
    %dma_wait3A_149 = tpu.memref_slice %arg6[%dma_wait3A_148] : memref<512xi32, #tpu.memory_space<vmem>> -> memref<8xi32, #tpu.memory_space<vmem>>
    %dma_wait3A_150 = arith.constant 0 : i32
    %dma_wait3A_151 = arith.constant 0 : i32
    %dma_wait3A_152 = tpu.memref_slice %arg3[%dma_wait3A_150, %dma_wait3A_151] : memref<100000x1024xf32, #tpu.memory_space<hbm>> -> memref<100000x1024xf32, #tpu.memory_space<hbm>>
    tpu.wait_indirect_dma semaphore(%arg27 : memref<!tpu.dma_semaphore, #tpu.memory_space<semaphore_mem>>) src(%dma_wait3A_152 : memref<100000x1024xf32, #tpu.memory_space<hbm>>) dst(%arg12 : memref<8x1024xf32, #tpu.memory_space<vmem>>)
    %parallel_loop3A = arith.constant 0 : i32
    %parallel_loop3A_153 = arith.constant 512 : i32
    %parallel_loop3A_154 = arith.constant 1 : i32
    scf.for %parallel_loop3A_1672 = %parallel_loop3A to %parallel_loop3A_153 step %parallel_loop3A_154  : i32 {
      %parallel_loop3A_1673 = arith.constant 6 : i32
      %parallel_loop3A_1674 = arith.shrsi %parallel_loop3A_1672, %parallel_loop3A_1673 : i32
      %parallel_loop3A_1675 = arith.constant 63 : i32
      %parallel_loop3A_1676 = arith.andi %parallel_loop3A_1672, %parallel_loop3A_1675 : i32
      %parallel_loop3A_1677 = arith.constant 16 : i32
      %parallel_loop3A_1678 = arith.muli %parallel_loop3A_1676, %parallel_loop3A_1677 : i32
      %parallel_loop3A_1679 = arith.index_cast %parallel_loop3A_1674 : i32 to index
      %parallel_loop3A_1680 = arith.index_cast %parallel_loop3A_1678 : i32 to index
      %parallel_loop3A_1681 = tpu.vector_load %arg7[%parallel_loop3A_1679, %parallel_loop3A_1680] {strides = array<i32>} : memref<8x1024xf32, #tpu.memory_space<vmem>>, vector<1x16xf32>,
      %parallel_loop3A_1682 = vector.shape_cast %parallel_loop3A_1681 : vector<1x16xf32> to vector<16xf32>
      %parallel_loop3A_1683 = arith.index_cast %parallel_loop3A_1674 : i32 to index
      %parallel_loop3A_1684 = arith.index_cast %parallel_loop3A_1678 : i32 to index
      %parallel_loop3A_1685 = tpu.vector_load %arg9[%parallel_loop3A_1683, %parallel_loop3A_1684] {strides = array<i32>} : memref<8x1024xf32, #tpu.memory_space<vmem>>, vector<1x16xf32>,
      %parallel_loop3A_1686 = vector.shape_cast %parallel_loop3A_1685 : vector<1x16xf32> to vector<16xf32>
      %parallel_loop3A_1687 = vector.shape_cast %parallel_loop3A_1682 : vector<16xf32> to vector<1x16xf32>
      tpu.vector_store %arg9[%parallel_loop3A_1683, %parallel_loop3A_1684], %parallel_loop3A_1687 {add = true, strides = array<i32>} : memref<8x1024xf32, #tpu.memory_space<vmem>>, vector<1x16xf32>,
      %parallel_loop3A_1688 = arith.index_cast %parallel_loop3A_1674 : i32 to index
      %parallel_loop3A_1689 = arith.index_cast %parallel_loop3A_1678 : i32 to index
      %parallel_loop3A_1690 = tpu.vector_load %arg10[%parallel_loop3A_1688, %parallel_loop3A_1689] {strides = array<i32>} : memref<8x1024xf32, #tpu.memory_space<vmem>>, vector<1x16xf32>,
      %parallel_loop3A_1691 = vector.shape_cast %parallel_loop3A_1690 : vector<1x16xf32> to vector<16xf32>
      %parallel_loop3A_1692 = vector.shape_cast %parallel_loop3A_1682 : vector<16xf32> to vector<1x16xf32>
      tpu.vector_store %arg10[%parallel_loop3A_1688, %parallel_loop3A_1689], %parallel_loop3A_1692 {add = true, strides = array<i32>} : memref<8x1024xf32, #tpu.memory_space<vmem>>, vector<1x16xf32>,
      %parallel_loop3A_1693 = arith.index_cast %parallel_loop3A_1674 : i32 to index
      %parallel_loop3A_1694 = arith.index_cast %parallel_loop3A_1678 : i32 to index
      %parallel_loop3A_1695 = tpu.vector_load %arg11[%parallel_loop3A_1693, %parallel_loop3A_1694] {strides = array<i32>} : memref<8x1024xf32, #tpu.memory_space<vmem>>, vector<1x16xf32>,
      %parallel_loop3A_1696 = vector.shape_cast %parallel_loop3A_1695 : vector<1x16xf32> to vector<16xf32>
      %parallel_loop3A_1697 = vector.shape_cast %parallel_loop3A_1682 : vector<16xf32> to vector<1x16xf32>
      tpu.vector_store %arg11[%parallel_loop3A_1693, %parallel_loop3A_1694], %parallel_loop3A_1697 {add = true, strides = array<i32>} : memref<8x1024xf32, #tpu.memory_space<vmem>>, vector<1x16xf32>,
      %parallel_loop3A_1698 = arith.index_cast %parallel_loop3A_1674 : i32 to index
      %parallel_loop3A_1699 = arith.index_cast %parallel_loop3A_1678 : i32 to index
      %parallel_loop3A_1700 = tpu.vector_load %arg12[%parallel_loop3A_1698, %parallel_loop3A_1699] {strides = array<i32>} : memref<8x1024xf32, #tpu.memory_space<vmem>>, vector<1x16xf32>,
      %parallel_loop3A_1701 = vector.shape_cast %parallel_loop3A_1700 : vector<1x16xf32> to vector<16xf32>
      %parallel_loop3A_1702 = vector.shape_cast %parallel_loop3A_1682 : vector<16xf32> to vector<1x16xf32>
      tpu.vector_store %arg12[%parallel_loop3A_1698, %parallel_loop3A_1699], %parallel_loop3A_1702 {add = true, strides = array<i32>} : memref<8x1024xf32, #tpu.memory_space<vmem>>, vector<1x16xf32>,
    } {sc.loop_unroll_factor = 2 : i64, sc.parallel_access}
    %add3A_155 = arith.constant 16 : i32
    %add3A_156 = arith.addi %mul3A_2, %add3A_155 : i32
    %dma_start3A_157 = arith.constant 0 : i32
    %dma_start3A_158 = tpu.memref_slice %arg4[%add3A_156, %dma_start3A_157] : memref<4096x1024xf32, #tpu.memory_space<hbm>> -> memref<8x1024xf32, #tpu.memory_space<hbm>>
    %dma_start3A_159 = arith.constant 0 : i32
    %dma_start3A_160 = tpu.memref_slice %arg4[%add3A_156, %dma_start3A_159] : memref<4096x1024xf32, #tpu.memory_space<hbm>> -> memref<8x1024xf32, #tpu.memory_space<hbm>>
    tpu.enqueue_dma source(%dma_start3A_160 : memref<8x1024xf32, #tpu.memory_space<hbm>>) target(%arg7 : memref<8x1024xf32, #tpu.memory_space<vmem>>) target_semaphore(%arg22 : memref<!tpu.dma_semaphore, #tpu.memory_space<semaphore_mem>>)
    %add3A_161 = arith.constant 0 : i32
    %add3A_162 = arith.addi %add3A_161, %mul3A_2 : i32
    %add3A_163 = arith.constant 0 : i32
    %add3A_164 = arith.addi %add3A_162, %add3A_163 : i32
    %dma_start3A_165 = arith.constant 0 : i32
    %dma_start3A_166 = tpu.memref_slice %arg5[%add3A_164, %dma_start3A_165] : memref<16384x1024xf32, #tpu.memory_space<hbm>> -> memref<8x1024xf32, #tpu.memory_space<hbm>>
    %dma_start3A_167 = arith.constant 0 : i32
    %dma_start3A_168 = tpu.memref_slice %arg5[%add3A_164, %dma_start3A_167] : memref<16384x1024xf32, #tpu.memory_space<hbm>> -> memref<8x1024xf32, #tpu.memory_space<hbm>>
    tpu.enqueue_dma source(%arg9 : memref<8x1024xf32, #tpu.memory_space<vmem>>) target(%dma_start3A_168 : memref<8x1024xf32, #tpu.memory_space<hbm>>) target_semaphore(%arg36 : memref<!tpu.dma_semaphore, #tpu.memory_space<semaphore_mem>>)
    %add3A_169 = arith.constant 4096 : i32
    %add3A_170 = arith.addi %add3A_169, %mul3A_2 : i32
    %add3A_171 = arith.constant 0 : i32
    %add3A_172 = arith.addi %add3A_170, %add3A_171 : i32
    %dma_start3A_173 = arith.constant 0 : i32
    %dma_start3A_174 = tpu.memref_slice %arg5[%add3A_172, %dma_start3A_173] : memref<16384x1024xf32, #tpu.memory_space<hbm>> -> memref<8x1024xf32, #tpu.memory_space<hbm>>
    %dma_start3A_175 = arith.constant 0 : i32
    %dma_start3A_176 = tpu.memref_slice %arg5[%add3A_172, %dma_start3A_175] : memref<16384x1024xf32, #tpu.memory_space<hbm>> -> memref<8x1024xf32, #tpu.memory_space<hbm>>
    tpu.enqueue_dma source(%arg10 : memref<8x1024xf32, #tpu.memory_space<vmem>>) target(%dma_start3A_176 : memref<8x1024xf32, #tpu.memory_space<hbm>>) target_semaphore(%arg37 : memref<!tpu.dma_semaphore, #tpu.memory_space<semaphore_mem>>)
    %add3A_177 = arith.constant 8192 : i32
    %add3A_178 = arith.addi %add3A_177, %mul3A_2 : i32
    %add3A_179 = arith.constant 0 : i32
    %add3A_180 = arith.addi %add3A_178, %add3A_179 : i32
    %dma_start3A_181 = arith.constant 0 : i32
    %dma_start3A_182 = tpu.memref_slice %arg5[%add3A_180, %dma_start3A_181] : memref<16384x1024xf32, #tpu.memory_space<hbm>> -> memref<8x1024xf32, #tpu.memory_space<hbm>>
    %dma_start3A_183 = arith.constant 0 : i32
    %dma_start3A_184 = tpu.memref_slice %arg5[%add3A_180, %dma_start3A_183] : memref<16384x1024xf32, #tpu.memory_space<hbm>> -> memref<8x1024xf32, #tpu.memory_space<hbm>>
    tpu.enqueue_dma source(%arg11 : memref<8x1024xf32, #tpu.memory_space<vmem>>) target(%dma_start3A_184 : memref<8x1024xf32, #tpu.memory_space<hbm>>) target_semaphore(%arg38 : memref<!tpu.dma_semaphore, #tpu.memory_space<semaphore_mem>>)
    %add3A_185 = arith.constant 12288 : i32
    %add3A_186 = arith.addi %add3A_185, %mul3A_2 : i32
    %add3A_187 = arith.constant 0 : i32
    %add3A_188 = arith.addi %add3A_186, %add3A_187 : i32
    %dma_start3A_189 = arith.constant 0 : i32
    %dma_start3A_190 = tpu.memref_slice %arg5[%add3A_188, %dma_start3A_189] : memref<16384x1024xf32, #tpu.memory_space<hbm>> -> memref<8x1024xf32, #tpu.memory_space<hbm>>
    %dma_start3A_191 = arith.constant 0 : i32
    %dma_start3A_192 = tpu.memref_slice %arg5[%add3A_188, %dma_start3A_191] : memref<16384x1024xf32, #tpu.memory_space<hbm>> -> memref<8x1024xf32, #tpu.memory_space<hbm>>
    tpu.enqueue_dma source(%arg12 : memref<8x1024xf32, #tpu.memory_space<vmem>>) target(%dma_start3A_192 : memref<8x1024xf32, #tpu.memory_space<hbm>>) target_semaphore(%arg39 : memref<!tpu.dma_semaphore, #tpu.memory_space<semaphore_mem>>)
    %dma_wait3A_193 = arith.constant 0 : i32
    %dma_wait3A_194 = tpu.memref_slice %arg5[%add3A_164, %dma_wait3A_193] : memref<16384x1024xf32, #tpu.memory_space<hbm>> -> memref<8x1024xf32, #tpu.memory_space<hbm>>
    %dma_wait3A_195 = arith.constant 0 : i32
    %dma_wait3A_196 = tpu.memref_slice %arg5[%add3A_164, %dma_wait3A_195] : memref<16384x1024xf32, #tpu.memory_space<hbm>> -> memref<8x1024xf32, #tpu.memory_space<hbm>>
    tpu.wait_dma2 semaphore(%arg36 : memref<!tpu.dma_semaphore, #tpu.memory_space<semaphore_mem>>) src(%arg9 : memref<8x1024xf32, #tpu.memory_space<vmem>>) dst(%dma_wait3A_196 : memref<8x1024xf32, #tpu.memory_space<hbm>>)
    %dma_start3A_197 = arith.constant 24 : i32
    %dma_start3A_198 = tpu.memref_slice %arg6[%dma_start3A_197] : memref<512xi32, #tpu.memory_space<vmem>> -> memref<8xi32, #tpu.memory_space<vmem>>
    %dma_start3A_199 = arith.constant 0 : i32
    %dma_start3A_200 = arith.constant 0 : i32
    %dma_start3A_201 = tpu.memref_slice %arg3[%dma_start3A_199, %dma_start3A_200] : memref<100000x1024xf32, #tpu.memory_space<hbm>> -> memref<100000x1024xf32, #tpu.memory_space<hbm>>
    tpu.enqueue_indirect_dma source(%dma_start3A_201 : memref<100000x1024xf32, #tpu.memory_space<hbm>>) target(%arg9 : memref<8x1024xf32, #tpu.memory_space<vmem>>) offsets(%dma_start3A_198 : memref<8xi32, #tpu.memory_space<vmem>>) semaphore(%arg24 : memref<!tpu.dma_semaphore, #tpu.memory_space<semaphore_mem>>)
    %dma_wait3A_202 = arith.constant 0 : i32
    %dma_wait3A_203 = tpu.memref_slice %arg5[%add3A_172, %dma_wait3A_202] : memref<16384x1024xf32, #tpu.memory_space<hbm>> -> memref<8x1024xf32, #tpu.memory_space<hbm>>
    %dma_wait3A_204 = arith.constant 0 : i32
    %dma_wait3A_205 = tpu.memref_slice %arg5[%add3A_172, %dma_wait3A_204] : memref<16384x1024xf32, #tpu.memory_space<hbm>> -> memref<8x1024xf32, #tpu.memory_space<hbm>>
    tpu.wait_dma2 semaphore(%arg37 : memref<!tpu.dma_semaphore, #tpu.memory_space<semaphore_mem>>) src(%arg10 : memref<8x1024xf32, #tpu.memory_space<vmem>>) dst(%dma_wait3A_205 : memref<8x1024xf32, #tpu.memory_space<hbm>>)
    %dma_start3A_206 = arith.constant 152 : i32
    %dma_start3A_207 = tpu.memref_slice %arg6[%dma_start3A_206] : memref<512xi32, #tpu.memory_space<vmem>> -> memref<8xi32, #tpu.memory_space<vmem>>
    %dma_start3A_208 = arith.constant 0 : i32
    %dma_start3A_209 = arith.constant 0 : i32
    %dma_start3A_210 = tpu.memref_slice %arg3[%dma_start3A_208, %dma_start3A_209] : memref<100000x1024xf32, #tpu.memory_space<hbm>> -> memref<100000x1024xf32, #tpu.memory_space<hbm>>
    tpu.enqueue_indirect_dma source(%dma_start3A_210 : memref<100000x1024xf32, #tpu.memory_space<hbm>>) target(%arg10 : memref<8x1024xf32, #tpu.memory_space<vmem>>) offsets(%dma_start3A_207 : memref<8xi32, #tpu.memory_space<vmem>>) semaphore(%arg25 : memref<!tpu.dma_semaphore, #tpu.memory_space<semaphore_mem>>)
    %dma_wait3A_211 = arith.constant 0 : i32
    %dma_wait3A_212 = tpu.memref_slice %arg5[%add3A_180, %dma_wait3A_211] : memref<16384x1024xf32, #tpu.memory_space<hbm>> -> memref<8x1024xf32, #tpu.memory_space<hbm>>
    %dma_wait3A_213 = arith.constant 0 : i32
    %dma_wait3A_214 = tpu.memref_slice %arg5[%add3A_180, %dma_wait3A_213] : memref<16384x1024xf32, #tpu.memory_space<hbm>> -> memref<8x1024xf32, #tpu.memory_space<hbm>>
    tpu.wait_dma2 semaphore(%arg38 : memref<!tpu.dma_semaphore, #tpu.memory_space<semaphore_mem>>) src(%arg11 : memref<8x1024xf32, #tpu.memory_space<vmem>>) dst(%dma_wait3A_214 : memref<8x1024xf32, #tpu.memory_space<hbm>>)
    %dma_start3A_215 = arith.constant 280 : i32
    %dma_start3A_216 = tpu.memref_slice %arg6[%dma_start3A_215] : memref<512xi32, #tpu.memory_space<vmem>> -> memref<8xi32, #tpu.memory_space<vmem>>
    %dma_start3A_217 = arith.constant 0 : i32
    %dma_start3A_218 = arith.constant 0 : i32
    %dma_start3A_219 = tpu.memref_slice %arg3[%dma_start3A_217, %dma_start3A_218] : memref<100000x1024xf32, #tpu.memory_space<hbm>> -> memref<100000x1024xf32, #tpu.memory_space<hbm>>
    tpu.enqueue_indirect_dma source(%dma_start3A_219 : memref<100000x1024xf32, #tpu.memory_space<hbm>>) target(%arg11 : memref<8x1024xf32, #tpu.memory_space<vmem>>) offsets(%dma_start3A_216 : memref<8xi32, #tpu.memory_space<vmem>>) semaphore(%arg26 : memref<!tpu.dma_semaphore, #tpu.memory_space<semaphore_mem>>)
    %dma_wait3A_220 = arith.constant 0 : i32
    %dma_wait3A_221 = tpu.memref_slice %arg5[%add3A_188, %dma_wait3A_220] : memref<16384x1024xf32, #tpu.memory_space<hbm>> -> memref<8x1024xf32, #tpu.memory_space<hbm>>
    %dma_wait3A_222 = arith.constant 0 : i32
    %dma_wait3A_223 = tpu.memref_slice %arg5[%add3A_188, %dma_wait3A_222] : memref<16384x1024xf32, #tpu.memory_space<hbm>> -> memref<8x1024xf32, #tpu.memory_space<hbm>>
    tpu.wait_dma2 semaphore(%arg39 : memref<!tpu.dma_semaphore, #tpu.memory_space<semaphore_mem>>) src(%arg12 : memref<8x1024xf32, #tpu.memory_space<vmem>>) dst(%dma_wait3A_223 : memref<8x1024xf32, #tpu.memory_space<hbm>>)
    %dma_start3A_224 = arith.constant 408 : i32
    %dma_start3A_225 = tpu.memref_slice %arg6[%dma_start3A_224] : memref<512xi32, #tpu.memory_space<vmem>> -> memref<8xi32, #tpu.memory_space<vmem>>
    %dma_start3A_226 = arith.constant 0 : i32
    %dma_start3A_227 = arith.constant 0 : i32
    %dma_start3A_228 = tpu.memref_slice %arg3[%dma_start3A_226, %dma_start3A_227] : memref<100000x1024xf32, #tpu.memory_space<hbm>> -> memref<100000x1024xf32, #tpu.memory_space<hbm>>
    tpu.enqueue_indirect_dma source(%dma_start3A_228 : memref<100000x1024xf32, #tpu.memory_space<hbm>>) target(%arg12 : memref<8x1024xf32, #tpu.memory_space<vmem>>) offsets(%dma_start3A_225 : memref<8xi32, #tpu.memory_space<vmem>>) semaphore(%arg27 : memref<!tpu.dma_semaphore, #tpu.memory_space<semaphore_mem>>)
    %dma_wait3A_229 = arith.constant 0 : i32
    %dma_wait3A_230 = tpu.memref_slice %arg4[%add3A_9, %dma_wait3A_229] : memref<4096x1024xf32, #tpu.memory_space<hbm>> -> memref<8x1024xf32, #tpu.memory_space<hbm>>
    %dma_wait3A_231 = arith.constant 0 : i32
    %dma_wait3A_232 = tpu.memref_slice %arg4[%add3A_9, %dma_wait3A_231] : memref<4096x1024xf32, #tpu.memory_space<hbm>> -> memref<8x1024xf32, #tpu.memory_space<hbm>>
    tpu.wait_dma2 semaphore(%arg23 : memref<!tpu.dma_semaphore, #tpu.memory_space<semaphore_mem>>) src(%dma_wait3A_232 : memref<8x1024xf32, #tpu.memory_space<hbm>>) dst(%arg8 : memref<8x1024xf32, #tpu.memory_space<vmem>>)
    %dma_wait3A_233 = arith.constant 8 : i32
    %dma_wait3A_234 = tpu.memref_slice %arg6[%dma_wait3A_233] : memref<512xi32, #tpu.memory_space<vmem>> -> memref<8xi32, #tpu.memory_space<vmem>>
    %dma_wait3A_235 = arith.constant 0 : i32
    %dma_wait3A_236 = arith.constant 0 : i32
    %dma_wait3A_237 = tpu.memref_slice %arg3[%dma_wait3A_235, %dma_wait3A_236] : memref<100000x1024xf32, #tpu.memory_space<hbm>> -> memref<100000x1024xf32, #tpu.memory_space<hbm>>
    tpu.wait_indirect_dma semaphore(%arg28 : memref<!tpu.dma_semaphore, #tpu.memory_space<semaphore_mem>>) src(%dma_wait3A_237 : memref<100000x1024xf32, #tpu.memory_space<hbm>>) dst(%arg13 : memref<8x1024xf32, #tpu.memory_space<vmem>>)
    %dma_wait3A_238 = arith.constant 136 : i32
    %dma_wait3A_239 = tpu.memref_slice %arg6[%dma_wait3A_238] : memref<512xi32, #tpu.memory_space<vmem>> -> memref<8xi32, #tpu.memory_space<vmem>>
    %dma_wait3A_240 = arith.constant 0 : i32
    %dma_wait3A_241 = arith.constant 0 : i32
    %dma_wait3A_242 = tpu.memref_slice %arg3[%dma_wait3A_240, %dma_wait3A_241] : memref<100000x1024xf32, #tpu.memory_space<hbm>> -> memref<100000x1024xf32, #tpu.memory_space<hbm>>
    tpu.wait_indirect_dma semaphore(%arg29 : memref<!tpu.dma_semaphore, #tpu.memory_space<semaphore_mem>>) src(%dma_wait3A_242 : memref<100000x1024xf32, #tpu.memory_space<hbm>>) dst(%arg14 : memref<8x1024xf32, #tpu.memory_space<vmem>>)
    %dma_wait3A_243 = arith.constant 264 : i32
    %dma_wait3A_244 = tpu.memref_slice %arg6[%dma_wait3A_243] : memref<512xi32, #tpu.memory_space<vmem>> -> memref<8xi32, #tpu.memory_space<vmem>>
    %dma_wait3A_245 = arith.constant 0 : i32
    %dma_wait3A_246 = arith.constant 0 : i32
    %dma_wait3A_247 = tpu.memref_slice %arg3[%dma_wait3A_245, %dma_wait3A_246] : memref<100000x1024xf32, #tpu.memory_space<hbm>> -> memref<100000x1024xf32, #tpu.memory_space<hbm>>
    tpu.wait_indirect_dma semaphore(%arg30 : memref<!tpu.dma_semaphore, #tpu.memory_space<semaphore_mem>>) src(%dma_wait3A_247 : memref<100000x1024xf32, #tpu.memory_space<hbm>>) dst(%arg15 : memref<8x1024xf32, #tpu.memory_space<vmem>>)
    %dma_wait3A_248 = arith.constant 392 : i32
    %dma_wait3A_249 = tpu.memref_slice %arg6[%dma_wait3A_248] : memref<512xi32, #tpu.memory_space<vmem>> -> memref<8xi32, #tpu.memory_space<vmem>>
    %dma_wait3A_250 = arith.constant 0 : i32
    %dma_wait3A_251 = arith.constant 0 : i32
    %dma_wait3A_252 = tpu.memref_slice %arg3[%dma_wait3A_250, %dma_wait3A_251] : memref<100000x1024xf32, #tpu.memory_space<hbm>> -> memref<100000x1024xf32, #tpu.memory_space<hbm>>
    tpu.wait_indirect_dma semaphore(%arg31 : memref<!tpu.dma_semaphore, #tpu.memory_space<semaphore_mem>>) src(%dma_wait3A_252 : memref<100000x1024xf32, #tpu.memory_space<hbm>>) dst(%arg16 : memref<8x1024xf32, #tpu.memory_space<vmem>>)
    %parallel_loop3A_253 = arith.constant 0 : i32
    %parallel_loop3A_254 = arith.constant 512 : i32
    %parallel_loop3A_255 = arith.constant 1 : i32
    scf.for %parallel_loop3A_1672 = %parallel_loop3A_253 to %parallel_loop3A_254 step %parallel_loop3A_255  : i32 {
      %parallel_loop3A_1673 = arith.constant 6 : i32
      %parallel_loop3A_1674 = arith.shrsi %parallel_loop3A_1672, %parallel_loop3A_1673 : i32
      %parallel_loop3A_1675 = arith.constant 63 : i32
      %parallel_loop3A_1676 = arith.andi %parallel_loop3A_1672, %parallel_loop3A_1675 : i32
      %parallel_loop3A_1677 = arith.constant 16 : i32
      %parallel_loop3A_1678 = arith.muli %parallel_loop3A_1676, %parallel_loop3A_1677 : i32
      %parallel_loop3A_1679 = arith.index_cast %parallel_loop3A_1674 : i32 to index
      %parallel_loop3A_1680 = arith.index_cast %parallel_loop3A_1678 : i32 to index
      %parallel_loop3A_1681 = tpu.vector_load %arg8[%parallel_loop3A_1679, %parallel_loop3A_1680] {strides = array<i32>} : memref<8x1024xf32, #tpu.memory_space<vmem>>, vector<1x16xf32>,
      %parallel_loop3A_1682 = vector.shape_cast %parallel_loop3A_1681 : vector<1x16xf32> to vector<16xf32>
      %parallel_loop3A_1683 = arith.index_cast %parallel_loop3A_1674 : i32 to index
      %parallel_loop3A_1684 = arith.index_cast %parallel_loop3A_1678 : i32 to index
      %parallel_loop3A_1685 = tpu.vector_load %arg13[%parallel_loop3A_1683, %parallel_loop3A_1684] {strides = array<i32>} : memref<8x1024xf32, #tpu.memory_space<vmem>>, vector<1x16xf32>,
      %parallel_loop3A_1686 = vector.shape_cast %parallel_loop3A_1685 : vector<1x16xf32> to vector<16xf32>
      %parallel_loop3A_1687 = vector.shape_cast %parallel_loop3A_1682 : vector<16xf32> to vector<1x16xf32>
      tpu.vector_store %arg13[%parallel_loop3A_1683, %parallel_loop3A_1684], %parallel_loop3A_1687 {add = true, strides = array<i32>} : memref<8x1024xf32, #tpu.memory_space<vmem>>, vector<1x16xf32>,
      %parallel_loop3A_1688 = arith.index_cast %parallel_loop3A_1674 : i32 to index
      %parallel_loop3A_1689 = arith.index_cast %parallel_loop3A_1678 : i32 to index
      %parallel_loop3A_1690 = tpu.vector_load %arg14[%parallel_loop3A_1688, %parallel_loop3A_1689] {strides = array<i32>} : memref<8x1024xf32, #tpu.memory_space<vmem>>, vector<1x16xf32>,
      %parallel_loop3A_1691 = vector.shape_cast %parallel_loop3A_1690 : vector<1x16xf32> to vector<16xf32>
      %parallel_loop3A_1692 = vector.shape_cast %parallel_loop3A_1682 : vector<16xf32> to vector<1x16xf32>
      tpu.vector_store %arg14[%parallel_loop3A_1688, %parallel_loop3A_1689], %parallel_loop3A_1692 {add = true, strides = array<i32>} : memref<8x1024xf32, #tpu.memory_space<vmem>>, vector<1x16xf32>,
      %parallel_loop3A_1693 = arith.index_cast %parallel_loop3A_1674 : i32 to index
      %parallel_loop3A_1694 = arith.index_cast %parallel_loop3A_1678 : i32 to index
      %parallel_loop3A_1695 = tpu.vector_load %arg15[%parallel_loop3A_1693, %parallel_loop3A_1694] {strides = array<i32>} : memref<8x1024xf32, #tpu.memory_space<vmem>>, vector<1x16xf32>,
      %parallel_loop3A_1696 = vector.shape_cast %parallel_loop3A_1695 : vector<1x16xf32> to vector<16xf32>
      %parallel_loop3A_1697 = vector.shape_cast %parallel_loop3A_1682 : vector<16xf32> to vector<1x16xf32>
      tpu.vector_store %arg15[%parallel_loop3A_1693, %parallel_loop3A_1694], %parallel_loop3A_1697 {add = true, strides = array<i32>} : memref<8x1024xf32, #tpu.memory_space<vmem>>, vector<1x16xf32>,
      %parallel_loop3A_1698 = arith.index_cast %parallel_loop3A_1674 : i32 to index
      %parallel_loop3A_1699 = arith.index_cast %parallel_loop3A_1678 : i32 to index
      %parallel_loop3A_1700 = tpu.vector_load %arg16[%parallel_loop3A_1698, %parallel_loop3A_1699] {strides = array<i32>} : memref<8x1024xf32, #tpu.memory_space<vmem>>, vector<1x16xf32>,
      %parallel_loop3A_1701 = vector.shape_cast %parallel_loop3A_1700 : vector<1x16xf32> to vector<16xf32>
      %parallel_loop3A_1702 = vector.shape_cast %parallel_loop3A_1682 : vector<16xf32> to vector<1x16xf32>
      tpu.vector_store %arg16[%parallel_loop3A_1698, %parallel_loop3A_1699], %parallel_loop3A_1702 {add = true, strides = array<i32>} : memref<8x1024xf32, #tpu.memory_space<vmem>>, vector<1x16xf32>,
    } {sc.loop_unroll_factor = 2 : i64, sc.parallel_access}
    %add3A_256 = arith.constant 24 : i32
    %add3A_257 = arith.addi %mul3A_2, %add3A_256 : i32
    %dma_start3A_258 = arith.constant 0 : i32
    %dma_start3A_259 = tpu.memref_slice %arg4[%add3A_257, %dma_start3A_258] : memref<4096x1024xf32, #tpu.memory_space<hbm>> -> memref<8x1024xf32, #tpu.memory_space<hbm>>
    %dma_start3A_260 = arith.constant 0 : i32
    %dma_start3A_261 = tpu.memref_slice %arg4[%add3A_257, %dma_start3A_260] : memref<4096x1024xf32, #tpu.memory_space<hbm>> -> memref<8x1024xf32, #tpu.memory_space<hbm>>
    tpu.enqueue_dma source(%dma_start3A_261 : memref<8x1024xf32, #tpu.memory_space<hbm>>) target(%arg8 : memref<8x1024xf32, #tpu.memory_space<vmem>>) target_semaphore(%arg23 : memref<!tpu.dma_semaphore, #tpu.memory_space<semaphore_mem>>)
    %add3A_262 = arith.constant 0 : i32
    %add3A_263 = arith.addi %add3A_262, %mul3A_2 : i32
    %add3A_264 = arith.constant 8 : i32
    %add3A_265 = arith.addi %add3A_263, %add3A_264 : i32
    %dma_start3A_266 = arith.constant 0 : i32
    %dma_start3A_267 = tpu.memref_slice %arg5[%add3A_265, %dma_start3A_266] : memref<16384x1024xf32, #tpu.memory_space<hbm>> -> memref<8x1024xf32, #tpu.memory_space<hbm>>
    %dma_start3A_268 = arith.constant 0 : i32
    %dma_start3A_269 = tpu.memref_slice %arg5[%add3A_265, %dma_start3A_268] : memref<16384x1024xf32, #tpu.memory_space<hbm>> -> memref<8x1024xf32, #tpu.memory_space<hbm>>
    tpu.enqueue_dma source(%arg13 : memref<8x1024xf32, #tpu.memory_space<vmem>>) target(%dma_start3A_269 : memref<8x1024xf32, #tpu.memory_space<hbm>>) target_semaphore(%arg40 : memref<!tpu.dma_semaphore, #tpu.memory_space<semaphore_mem>>)
    %add3A_270 = arith.constant 4096 : i32
    %add3A_271 = arith.addi %add3A_270, %mul3A_2 : i32
    %add3A_272 = arith.constant 8 : i32
    %add3A_273 = arith.addi %add3A_271, %add3A_272 : i32
    %dma_start3A_274 = arith.constant 0 : i32
    %dma_start3A_275 = tpu.memref_slice %arg5[%add3A_273, %dma_start3A_274] : memref<16384x1024xf32, #tpu.memory_space<hbm>> -> memref<8x1024xf32, #tpu.memory_space<hbm>>
    %dma_start3A_276 = arith.constant 0 : i32
    %dma_start3A_277 = tpu.memref_slice %arg5[%add3A_273, %dma_start3A_276] : memref<16384x1024xf32, #tpu.memory_space<hbm>> -> memref<8x1024xf32, #tpu.memory_space<hbm>>
    tpu.enqueue_dma source(%arg14 : memref<8x1024xf32, #tpu.memory_space<vmem>>) target(%dma_start3A_277 : memref<8x1024xf32, #tpu.memory_space<hbm>>) target_semaphore(%arg41 : memref<!tpu.dma_semaphore, #tpu.memory_space<semaphore_mem>>)
    %add3A_278 = arith.constant 8192 : i32
    %add3A_279 = arith.addi %add3A_278, %mul3A_2 : i32
    %add3A_280 = arith.constant 8 : i32
    %add3A_281 = arith.addi %add3A_279, %add3A_280 : i32
    %dma_start3A_282 = arith.constant 0 : i32
    %dma_start3A_283 = tpu.memref_slice %arg5[%add3A_281, %dma_start3A_282] : memref<16384x1024xf32, #tpu.memory_space<hbm>> -> memref<8x1024xf32, #tpu.memory_space<hbm>>
    %dma_start3A_284 = arith.constant 0 : i32
    %dma_start3A_285 = tpu.memref_slice %arg5[%add3A_281, %dma_start3A_284] : memref<16384x1024xf32, #tpu.memory_space<hbm>> -> memref<8x1024xf32, #tpu.memory_space<hbm>>
    tpu.enqueue_dma source(%arg15 : memref<8x1024xf32, #tpu.memory_space<vmem>>) target(%dma_start3A_285 : memref<8x1024xf32, #tpu.memory_space<hbm>>) target_semaphore(%arg42 : memref<!tpu.dma_semaphore, #tpu.memory_space<semaphore_mem>>)
    %add3A_286 = arith.constant 12288 : i32
    %add3A_287 = arith.addi %add3A_286, %mul3A_2 : i32
    %add3A_288 = arith.constant 8 : i32
    %add3A_289 = arith.addi %add3A_287, %add3A_288 : i32
    %dma_start3A_290 = arith.constant 0 : i32
    %dma_start3A_291 = tpu.memref_slice %arg5[%add3A_289, %dma_start3A_290] : memref<16384x1024xf32, #tpu.memory_space<hbm>> -> memref<8x1024xf32, #tpu.memory_space<hbm>>
    %dma_start3A_292 = arith.constant 0 : i32
    %dma_start3A_293 = tpu.memref_slice %arg5[%add3A_289, %dma_start3A_292] : memref<16384x1024xf32, #tpu.memory_space<hbm>> -> memref<8x1024xf32, #tpu.memory_space<hbm>>
    tpu.enqueue_dma source(%arg16 : memref<8x1024xf32, #tpu.memory_space<vmem>>) target(%dma_start3A_293 : memref<8x1024xf32, #tpu.memory_space<hbm>>) target_semaphore(%arg43 : memref<!tpu.dma_semaphore, #tpu.memory_space<semaphore_mem>>)
    %dma_wait3A_294 = arith.constant 0 : i32
    %dma_wait3A_295 = tpu.memref_slice %arg5[%add3A_265, %dma_wait3A_294] : memref<16384x1024xf32, #tpu.memory_space<hbm>> -> memref<8x1024xf32, #tpu.memory_space<hbm>>
    %dma_wait3A_296 = arith.constant 0 : i32
    %dma_wait3A_297 = tpu.memref_slice %arg5[%add3A_265, %dma_wait3A_296] : memref<16384x1024xf32, #tpu.memory_space<hbm>> -> memref<8x1024xf32, #tpu.memory_space<hbm>>
    tpu.wait_dma2 semaphore(%arg40 : memref<!tpu.dma_semaphore, #tpu.memory_space<semaphore_mem>>) src(%arg13 : memref<8x1024xf32, #tpu.memory_space<vmem>>) dst(%dma_wait3A_297 : memref<8x1024xf32, #tpu.memory_space<hbm>>)
    %dma_start3A_298 = arith.constant 32 : i32
    %dma_start3A_299 = tpu.memref_slice %arg6[%dma_start3A_298] : memref<512xi32, #tpu.memory_space<vmem>> -> memref<8xi32, #tpu.memory_space<vmem>>
    %dma_start3A_300 = arith.constant 0 : i32
    %dma_start3A_301 = arith.constant 0 : i32
    %dma_start3A_302 = tpu.memref_slice %arg3[%dma_start3A_300, %dma_start3A_301] : memref<100000x1024xf32, #tpu.memory_space<hbm>> -> memref<100000x1024xf32, #tpu.memory_space<hbm>>
    tpu.enqueue_indirect_dma source(%dma_start3A_302 : memref<100000x1024xf32, #tpu.memory_space<hbm>>) target(%arg13 : memref<8x1024xf32, #tpu.memory_space<vmem>>) offsets(%dma_start3A_299 : memref<8xi32, #tpu.memory_space<vmem>>) semaphore(%arg28 : memref<!tpu.dma_semaphore, #tpu.memory_space<semaphore_mem>>)
    %dma_wait3A_303 = arith.constant 0 : i32
    %dma_wait3A_304 = tpu.memref_slice %arg5[%add3A_273, %dma_wait3A_303] : memref<16384x1024xf32, #tpu.memory_space<hbm>> -> memref<8x1024xf32, #tpu.memory_space<hbm>>
    %dma_wait3A_305 = arith.constant 0 : i32
    %dma_wait3A_306 = tpu.memref_slice %arg5[%add3A_273, %dma_wait3A_305] : memref<16384x1024xf32, #tpu.memory_space<hbm>> -> memref<8x1024xf32, #tpu.memory_space<hbm>>
    tpu.wait_dma2 semaphore(%arg41 : memref<!tpu.dma_semaphore, #tpu.memory_space<semaphore_mem>>) src(%arg14 : memref<8x1024xf32, #tpu.memory_space<vmem>>) dst(%dma_wait3A_306 : memref<8x1024xf32, #tpu.memory_space<hbm>>)
    %dma_start3A_307 = arith.constant 160 : i32
    %dma_start3A_308 = tpu.memref_slice %arg6[%dma_start3A_307] : memref<512xi32, #tpu.memory_space<vmem>> -> memref<8xi32, #tpu.memory_space<vmem>>
    %dma_start3A_309 = arith.constant 0 : i32
    %dma_start3A_310 = arith.constant 0 : i32
    %dma_start3A_311 = tpu.memref_slice %arg3[%dma_start3A_309, %dma_start3A_310] : memref<100000x1024xf32, #tpu.memory_space<hbm>> -> memref<100000x1024xf32, #tpu.memory_space<hbm>>
    tpu.enqueue_indirect_dma source(%dma_start3A_311 : memref<100000x1024xf32, #tpu.memory_space<hbm>>) target(%arg14 : memref<8x1024xf32, #tpu.memory_space<vmem>>) offsets(%dma_start3A_308 : memref<8xi32, #tpu.memory_space<vmem>>) semaphore(%arg29 : memref<!tpu.dma_semaphore, #tpu.memory_space<semaphore_mem>>)
    %dma_wait3A_312 = arith.constant 0 : i32
    %dma_wait3A_313 = tpu.memref_slice %arg5[%add3A_281, %dma_wait3A_312] : memref<16384x1024xf32, #tpu.memory_space<hbm>> -> memref<8x1024xf32, #tpu.memory_space<hbm>>
    %dma_wait3A_314 = arith.constant 0 : i32
    %dma_wait3A_315 = tpu.memref_slice %arg5[%add3A_281, %dma_wait3A_314] : memref<16384x1024xf32, #tpu.memory_space<hbm>> -> memref<8x1024xf32, #tpu.memory_space<hbm>>
    tpu.wait_dma2 semaphore(%arg42 : memref<!tpu.dma_semaphore, #tpu.memory_space<semaphore_mem>>) src(%arg15 : memref<8x1024xf32, #tpu.memory_space<vmem>>) dst(%dma_wait3A_315 : memref<8x1024xf32, #tpu.memory_space<hbm>>)
    %dma_start3A_316 = arith.constant 288 : i32
    %dma_start3A_317 = tpu.memref_slice %arg6[%dma_start3A_316] : memref<512xi32, #tpu.memory_space<vmem>> -> memref<8xi32, #tpu.memory_space<vmem>>
    %dma_start3A_318 = arith.constant 0 : i32
    %dma_start3A_319 = arith.constant 0 : i32
    %dma_start3A_320 = tpu.memref_slice %arg3[%dma_start3A_318, %dma_start3A_319] : memref<100000x1024xf32, #tpu.memory_space<hbm>> -> memref<100000x1024xf32, #tpu.memory_space<hbm>>
    tpu.enqueue_indirect_dma source(%dma_start3A_320 : memref<100000x1024xf32, #tpu.memory_space<hbm>>) target(%arg15 : memref<8x1024xf32, #tpu.memory_space<vmem>>) offsets(%dma_start3A_317 : memref<8xi32, #tpu.memory_space<vmem>>) semaphore(%arg30 : memref<!tpu.dma_semaphore, #tpu.memory_space<semaphore_mem>>)
    %dma_wait3A_321 = arith.constant 0 : i32
    %dma_wait3A_322 = tpu.memref_slice %arg5[%add3A_289, %dma_wait3A_321] : memref<16384x1024xf32, #tpu.memory_space<hbm>> -> memref<8x1024xf32, #tpu.memory_space<hbm>>
    %dma_wait3A_323 = arith.constant 0 : i32
    %dma_wait3A_324 = tpu.memref_slice %arg5[%add3A_289, %dma_wait3A_323] : memref<16384x1024xf32, #tpu.memory_space<hbm>> -> memref<8x1024xf32, #tpu.memory_space<hbm>>
    tpu.wait_dma2 semaphore(%arg43 : memref<!tpu.dma_semaphore, #tpu.memory_space<semaphore_mem>>) src(%arg16 : memref<8x1024xf32, #tpu.memory_space<vmem>>) dst(%dma_wait3A_324 : memref<8x1024xf32, #tpu.memory_space<hbm>>)
    %dma_start3A_325 = arith.constant 416 : i32
    %dma_start3A_326 = tpu.memref_slice %arg6[%dma_start3A_325] : memref<512xi32, #tpu.memory_space<vmem>> -> memref<8xi32, #tpu.memory_space<vmem>>
    %dma_start3A_327 = arith.constant 0 : i32
    %dma_start3A_328 = arith.constant 0 : i32
    %dma_start3A_329 = tpu.memref_slice %arg3[%dma_start3A_327, %dma_start3A_328] : memref<100000x1024xf32, #tpu.memory_space<hbm>> -> memref<100000x1024xf32, #tpu.memory_space<hbm>>
    tpu.enqueue_indirect_dma source(%dma_start3A_329 : memref<100000x1024xf32, #tpu.memory_space<hbm>>) target(%arg16 : memref<8x1024xf32, #tpu.memory_space<vmem>>) offsets(%dma_start3A_326 : memref<8xi32, #tpu.memory_space<vmem>>) semaphore(%arg31 : memref<!tpu.dma_semaphore, #tpu.memory_space<semaphore_mem>>)
    %dma_wait3A_330 = arith.constant 0 : i32
    %dma_wait3A_331 = tpu.memref_slice %arg4[%add3A_156, %dma_wait3A_330] : memref<4096x1024xf32, #tpu.memory_space<hbm>> -> memref<8x1024xf32, #tpu.memory_space<hbm>>
    %dma_wait3A_332 = arith.constant 0 : i32
    %dma_wait3A_333 = tpu.memref_slice %arg4[%add3A_156, %dma_wait3A_332] : memref<4096x1024xf32, #tpu.memory_space<hbm>> -> memref<8x1024xf32, #tpu.memory_space<hbm>>
    tpu.wait_dma2 semaphore(%arg22 : memref<!tpu.dma_semaphore, #tpu.memory_space<semaphore_mem>>) src(%dma_wait3A_333 : memref<8x1024xf32, #tpu.memory_space<hbm>>) dst(%arg7 : memref<8x1024xf32, #tpu.memory_space<vmem>>)
    %dma_wait3A_334 = arith.constant 16 : i32
    %dma_wait3A_335 = tpu.memref_slice %arg6[%dma_wait3A_334] : memref<512xi32, #tpu.memory_space<vmem>> -> memref<8xi32, #tpu.memory_space<vmem>>
    %dma_wait3A_336 = arith.constant 0 : i32
    %dma_wait3A_337 = arith.constant 0 : i32
    %dma_wait3A_338 = tpu.memref_slice %arg3[%dma_wait3A_336, %dma_wait3A_337] : memref<100000x1024xf32, #tpu.memory_space<hbm>> -> memref<100000x1024xf32, #tpu.memory_space<hbm>>
    tpu.wait_indirect_dma semaphore(%arg32 : memref<!tpu.dma_semaphore, #tpu.memory_space<semaphore_mem>>) src(%dma_wait3A_338 : memref<100000x1024xf32, #tpu.memory_space<hbm>>) dst(%arg17 : memref<8x1024xf32, #tpu.memory_space<vmem>>)
    %dma_wait3A_339 = arith.constant 144 : i32
    %dma_wait3A_340 = tpu.memref_slice %arg6[%dma_wait3A_339] : memref<512xi32, #tpu.memory_space<vmem>> -> memref<8xi32, #tpu.memory_space<vmem>>
    %dma_wait3A_341 = arith.constant 0 : i32
    %dma_wait3A_342 = arith.constant 0 : i32
    %dma_wait3A_343 = tpu.memref_slice %arg3[%dma_wait3A_341, %dma_wait3A_342] : memref<100000x1024xf32, #tpu.memory_space<hbm>> -> memref<100000x1024xf32, #tpu.memory_space<hbm>>
    tpu.wait_indirect_dma semaphore(%arg33 : memref<!tpu.dma_semaphore, #tpu.memory_space<semaphore_mem>>) src(%dma_wait3A_343 : memref<100000x1024xf32, #tpu.memory_space<hbm>>) dst(%arg18 : memref<8x1024xf32, #tpu.memory_space<vmem>>)
    %dma_wait3A_344 = arith.constant 272 : i32
    %dma_wait3A_345 = tpu.memref_slice %arg6[%dma_wait3A_344] : memref<512xi32, #tpu.memory_space<vmem>> -> memref<8xi32, #tpu.memory_space<vmem>>
    %dma_wait3A_346 = arith.constant 0 : i32
    %dma_wait3A_347 = arith.constant 0 : i32
    %dma_wait3A_348 = tpu.memref_slice %arg3[%dma_wait3A_346, %dma_wait3A_347] : memref<100000x1024xf32, #tpu.memory_space<hbm>> -> memref<100000x1024xf32, #tpu.memory_space<hbm>>
    tpu.wait_indirect_dma semaphore(%arg34 : memref<!tpu.dma_semaphore, #tpu.memory_space<semaphore_mem>>) src(%dma_wait3A_348 : memref<100000x1024xf32, #tpu.memory_space<hbm>>) dst(%arg19 : memref<8x1024xf32, #tpu.memory_space<vmem>>)
    %dma_wait3A_349 = arith.constant 400 : i32
    %dma_wait3A_350 = tpu.memref_slice %arg6[%dma_wait3A_349] : memref<512xi32, #tpu.memory_space<vmem>> -> memref<8xi32, #tpu.memory_space<vmem>>
    %dma_wait3A_351 = arith.constant 0 : i32
    %dma_wait3A_352 = arith.constant 0 : i32
    %dma_wait3A_353 = tpu.memref_slice %arg3[%dma_wait3A_351, %dma_wait3A_352] : memref<100000x1024xf32, #tpu.memory_space<hbm>> -> memref<100000x1024xf32, #tpu.memory_space<hbm>>
    tpu.wait_indirect_dma semaphore(%arg35 : memref<!tpu.dma_semaphore, #tpu.memory_space<semaphore_mem>>) src(%dma_wait3A_353 : memref<100000x1024xf32, #tpu.memory_space<hbm>>) dst(%arg20 : memref<8x1024xf32, #tpu.memory_space<vmem>>)
    %parallel_loop3A_354 = arith.constant 0 : i32
    %parallel_loop3A_355 = arith.constant 512 : i32
    %parallel_loop3A_356 = arith.constant 1 : i32
    scf.for %parallel_loop3A_1672 = %parallel_loop3A_354 to %parallel_loop3A_355 step %parallel_loop3A_356  : i32 {
      %parallel_loop3A_1673 = arith.constant 6 : i32
      %parallel_loop3A_1674 = arith.shrsi %parallel_loop3A_1672, %parallel_loop3A_1673 : i32
      %parallel_loop3A_1675 = arith.constant 63 : i32
      %parallel_loop3A_1676 = arith.andi %parallel_loop3A_1672, %parallel_loop3A_1675 : i32
      %parallel_loop3A_1677 = arith.constant 16 : i32
      %parallel_loop3A_1678 = arith.muli %parallel_loop3A_1676, %parallel_loop3A_1677 : i32
      %parallel_loop3A_1679 = arith.index_cast %parallel_loop3A_1674 : i32 to index
      %parallel_loop3A_1680 = arith.index_cast %parallel_loop3A_1678 : i32 to index
      %parallel_loop3A_1681 = tpu.vector_load %arg7[%parallel_loop3A_1679, %parallel_loop3A_1680] {strides = array<i32>} : memref<8x1024xf32, #tpu.memory_space<vmem>>, vector<1x16xf32>,
      %parallel_loop3A_1682 = vector.shape_cast %parallel_loop3A_1681 : vector<1x16xf32> to vector<16xf32>
      %parallel_loop3A_1683 = arith.index_cast %parallel_loop3A_1674 : i32 to index
      %parallel_loop3A_1684 = arith.index_cast %parallel_loop3A_1678 : i32 to index
      %parallel_loop3A_1685 = tpu.vector_load %arg17[%parallel_loop3A_1683, %parallel_loop3A_1684] {strides = array<i32>} : memref<8x1024xf32, #tpu.memory_space<vmem>>, vector<1x16xf32>,
      %parallel_loop3A_1686 = vector.shape_cast %parallel_loop3A_1685 : vector<1x16xf32> to vector<16xf32>
      %parallel_loop3A_1687 = vector.shape_cast %parallel_loop3A_1682 : vector<16xf32> to vector<1x16xf32>
      tpu.vector_store %arg17[%parallel_loop3A_1683, %parallel_loop3A_1684], %parallel_loop3A_1687 {add = true, strides = array<i32>} : memref<8x1024xf32, #tpu.memory_space<vmem>>, vector<1x16xf32>,
      %parallel_loop3A_1688 = arith.index_cast %parallel_loop3A_1674 : i32 to index
      %parallel_loop3A_1689 = arith.index_cast %parallel_loop3A_1678 : i32 to index
      %parallel_loop3A_1690 = tpu.vector_load %arg18[%parallel_loop3A_1688, %parallel_loop3A_1689] {strides = array<i32>} : memref<8x1024xf32, #tpu.memory_space<vmem>>, vector<1x16xf32>,
      %parallel_loop3A_1691 = vector.shape_cast %parallel_loop3A_1690 : vector<1x16xf32> to vector<16xf32>
      %parallel_loop3A_1692 = vector.shape_cast %parallel_loop3A_1682 : vector<16xf32> to vector<1x16xf32>
      tpu.vector_store %arg18[%parallel_loop3A_1688, %parallel_loop3A_1689], %parallel_loop3A_1692 {add = true, strides = array<i32>} : memref<8x1024xf32, #tpu.memory_space<vmem>>, vector<1x16xf32>,
      %parallel_loop3A_1693 = arith.index_cast %parallel_loop3A_1674 : i32 to index
      %parallel_loop3A_1694 = arith.index_cast %parallel_loop3A_1678 : i32 to index
      %parallel_loop3A_1695 = tpu.vector_load %arg19[%parallel_loop3A_1693, %parallel_loop3A_1694] {strides = array<i32>} : memref<8x1024xf32, #tpu.memory_space<vmem>>, vector<1x16xf32>,
      %parallel_loop3A_1696 = vector.shape_cast %parallel_loop3A_1695 : vector<1x16xf32> to vector<16xf32>
      %parallel_loop3A_1697 = vector.shape_cast %parallel_loop3A_1682 : vector<16xf32> to vector<1x16xf32>
      tpu.vector_store %arg19[%parallel_loop3A_1693, %parallel_loop3A_1694], %parallel_loop3A_1697 {add = true, strides = array<i32>} : memref<8x1024xf32, #tpu.memory_space<vmem>>, vector<1x16xf32>,
      %parallel_loop3A_1698 = arith.index_cast %parallel_loop3A_1674 : i32 to index
      %parallel_loop3A_1699 = arith.index_cast %parallel_loop3A_1678 : i32 to index
      %parallel_loop3A_1700 = tpu.vector_load %arg20[%parallel_loop3A_1698, %parallel_loop3A_1699] {strides = array<i32>} : memref<8x1024xf32, #tpu.memory_space<vmem>>, vector<1x16xf32>,
      %parallel_loop3A_1701 = vector.shape_cast %parallel_loop3A_1700 : vector<1x16xf32> to vector<16xf32>
      %parallel_loop3A_1702 = vector.shape_cast %parallel_loop3A_1682 : vector<16xf32> to vector<1x16xf32>
      tpu.vector_store %arg20[%parallel_loop3A_1698, %parallel_loop3A_1699], %parallel_loop3A_1702 {add = true, strides = array<i32>} : memref<8x1024xf32, #tpu.memory_space<vmem>>, vector<1x16xf32>,
    } {sc.loop_unroll_factor = 2 : i64, sc.parallel_access}
    %add3A_357 = arith.constant 32 : i32
    %add3A_358 = arith.addi %mul3A_2, %add3A_357 : i32
    %dma_start3A_359 = arith.constant 0 : i32
    %dma_start3A_360 = tpu.memref_slice %arg4[%add3A_358, %dma_start3A_359] : memref<4096x1024xf32, #tpu.memory_space<hbm>> -> memref<8x1024xf32, #tpu.memory_space<hbm>>
    %dma_start3A_361 = arith.constant 0 : i32
    %dma_start3A_362 = tpu.memref_slice %arg4[%add3A_358, %dma_start3A_361] : memref<4096x1024xf32, #tpu.memory_space<hbm>> -> memref<8x1024xf32, #tpu.memory_space<hbm>>
    tpu.enqueue_dma source(%dma_start3A_362 : memref<8x1024xf32, #tpu.memory_space<hbm>>) target(%arg7 : memref<8x1024xf32, #tpu.memory_space<vmem>>) target_semaphore(%arg22 : memref<!tpu.dma_semaphore, #tpu.memory_space<semaphore_mem>>)
    %add3A_363 = arith.constant 0 : i32
    %add3A_364 = arith.addi %add3A_363, %mul3A_2 : i32
    %add3A_365 = arith.constant 16 : i32
    %add3A_366 = arith.addi %add3A_364, %add3A_365 : i32
    %dma_start3A_367 = arith.constant 0 : i32
    %dma_start3A_368 = tpu.memref_slice %arg5[%add3A_366, %dma_start3A_367] : memref<16384x1024xf32, #tpu.memory_space<hbm>> -> memref<8x1024xf32, #tpu.memory_space<hbm>>
    %dma_start3A_369 = arith.constant 0 : i32
    %dma_start3A_370 = tpu.memref_slice %arg5[%add3A_366, %dma_start3A_369] : memref<16384x1024xf32, #tpu.memory_space<hbm>> -> memref<8x1024xf32, #tpu.memory_space<hbm>>
    tpu.enqueue_dma source(%arg17 : memref<8x1024xf32, #tpu.memory_space<vmem>>) target(%dma_start3A_370 : memref<8x1024xf32, #tpu.memory_space<hbm>>) target_semaphore(%arg44 : memref<!tpu.dma_semaphore, #tpu.memory_space<semaphore_mem>>)
    %add3A_371 = arith.constant 4096 : i32
    %add3A_372 = arith.addi %add3A_371, %mul3A_2 : i32
    %add3A_373 = arith.constant 16 : i32
    %add3A_374 = arith.addi %add3A_372, %add3A_373 : i32
    %dma_start3A_375 = arith.constant 0 : i32
    %dma_start3A_376 = tpu.memref_slice %arg5[%add3A_374, %dma_start3A_375] : memref<16384x1024xf32, #tpu.memory_space<hbm>> -> memref<8x1024xf32, #tpu.memory_space<hbm>>
    %dma_start3A_377 = arith.constant 0 : i32
    %dma_start3A_378 = tpu.memref_slice %arg5[%add3A_374, %dma_start3A_377] : memref<16384x1024xf32, #tpu.memory_space<hbm>> -> memref<8x1024xf32, #tpu.memory_space<hbm>>
    tpu.enqueue_dma source(%arg18 : memref<8x1024xf32, #tpu.memory_space<vmem>>) target(%dma_start3A_378 : memref<8x1024xf32, #tpu.memory_space<hbm>>) target_semaphore(%arg45 : memref<!tpu.dma_semaphore, #tpu.memory_space<semaphore_mem>>)
    %add3A_379 = arith.constant 8192 : i32
    %add3A_380 = arith.addi %add3A_379, %mul3A_2 : i32
    %add3A_381 = arith.constant 16 : i32
    %add3A_382 = arith.addi %add3A_380, %add3A_381 : i32
    %dma_start3A_383 = arith.constant 0 : i32
    %dma_start3A_384 = tpu.memref_slice %arg5[%add3A_382, %dma_start3A_383] : memref<16384x1024xf32, #tpu.memory_space<hbm>> -> memref<8x1024xf32, #tpu.memory_space<hbm>>
    %dma_start3A_385 = arith.constant 0 : i32
    %dma_start3A_386 = tpu.memref_slice %arg5[%add3A_382, %dma_start3A_385] : memref<16384x1024xf32, #tpu.memory_space<hbm>> -> memref<8x1024xf32, #tpu.memory_space<hbm>>
    tpu.enqueue_dma source(%arg19 : memref<8x1024xf32, #tpu.memory_space<vmem>>) target(%dma_start3A_386 : memref<8x1024xf32, #tpu.memory_space<hbm>>) target_semaphore(%arg46 : memref<!tpu.dma_semaphore, #tpu.memory_space<semaphore_mem>>)
    %add3A_387 = arith.constant 12288 : i32
    %add3A_388 = arith.addi %add3A_387, %mul3A_2 : i32
    %add3A_389 = arith.constant 16 : i32
    %add3A_390 = arith.addi %add3A_388, %add3A_389 : i32
    %dma_start3A_391 = arith.constant 0 : i32
    %dma_start3A_392 = tpu.memref_slice %arg5[%add3A_390, %dma_start3A_391] : memref<16384x1024xf32, #tpu.memory_space<hbm>> -> memref<8x1024xf32, #tpu.memory_space<hbm>>
    %dma_start3A_393 = arith.constant 0 : i32
    %dma_start3A_394 = tpu.memref_slice %arg5[%add3A_390, %dma_start3A_393] : memref<16384x1024xf32, #tpu.memory_space<hbm>> -> memref<8x1024xf32, #tpu.memory_space<hbm>>
    tpu.enqueue_dma source(%arg20 : memref<8x1024xf32, #tpu.memory_space<vmem>>) target(%dma_start3A_394 : memref<8x1024xf32, #tpu.memory_space<hbm>>) target_semaphore(%arg47 : memref<!tpu.dma_semaphore, #tpu.memory_space<semaphore_mem>>)
    %dma_wait3A_395 = arith.constant 0 : i32
    %dma_wait3A_396 = tpu.memref_slice %arg5[%add3A_366, %dma_wait3A_395] : memref<16384x1024xf32, #tpu.memory_space<hbm>> -> memref<8x1024xf32, #tpu.memory_space<hbm>>
    %dma_wait3A_397 = arith.constant 0 : i32
    %dma_wait3A_398 = tpu.memref_slice %arg5[%add3A_366, %dma_wait3A_397] : memref<16384x1024xf32, #tpu.memory_space<hbm>> -> memref<8x1024xf32, #tpu.memory_space<hbm>>
    tpu.wait_dma2 semaphore(%arg44 : memref<!tpu.dma_semaphore, #tpu.memory_space<semaphore_mem>>) src(%arg17 : memref<8x1024xf32, #tpu.memory_space<vmem>>) dst(%dma_wait3A_398 : memref<8x1024xf32, #tpu.memory_space<hbm>>)
    %dma_start3A_399 = arith.constant 40 : i32
    %dma_start3A_400 = tpu.memref_slice %arg6[%dma_start3A_399] : memref<512xi32, #tpu.memory_space<vmem>> -> memref<8xi32, #tpu.memory_space<vmem>>
    %dma_start3A_401 = arith.constant 0 : i32
    %dma_start3A_402 = arith.constant 0 : i32
    %dma_start3A_403 = tpu.memref_slice %arg3[%dma_start3A_401, %dma_start3A_402] : memref<100000x1024xf32, #tpu.memory_space<hbm>> -> memref<100000x1024xf32, #tpu.memory_space<hbm>>
    tpu.enqueue_indirect_dma source(%dma_start3A_403 : memref<100000x1024xf32, #tpu.memory_space<hbm>>) target(%arg17 : memref<8x1024xf32, #tpu.memory_space<vmem>>) offsets(%dma_start3A_400 : memref<8xi32, #tpu.memory_space<vmem>>) semaphore(%arg32 : memref<!tpu.dma_semaphore, #tpu.memory_space<semaphore_mem>>)
    %dma_wait3A_404 = arith.constant 0 : i32
    %dma_wait3A_405 = tpu.memref_slice %arg5[%add3A_374, %dma_wait3A_404] : memref<16384x1024xf32, #tpu.memory_space<hbm>> -> memref<8x1024xf32, #tpu.memory_space<hbm>>
    %dma_wait3A_406 = arith.constant 0 : i32
    %dma_wait3A_407 = tpu.memref_slice %arg5[%add3A_374, %dma_wait3A_406] : memref<16384x1024xf32, #tpu.memory_space<hbm>> -> memref<8x1024xf32, #tpu.memory_space<hbm>>
    tpu.wait_dma2 semaphore(%arg45 : memref<!tpu.dma_semaphore, #tpu.memory_space<semaphore_mem>>) src(%arg18 : memref<8x1024xf32, #tpu.memory_space<vmem>>) dst(%dma_wait3A_407 : memref<8x1024xf32, #tpu.memory_space<hbm>>)
    %dma_start3A_408 = arith.constant 168 : i32
    %dma_start3A_409 = tpu.memref_slice %arg6[%dma_start3A_408] : memref<512xi32, #tpu.memory_space<vmem>> -> memref<8xi32, #tpu.memory_space<vmem>>
    %dma_start3A_410 = arith.constant 0 : i32
    %dma_start3A_411 = arith.constant 0 : i32
    %dma_start3A_412 = tpu.memref_slice %arg3[%dma_start3A_410, %dma_start3A_411] : memref<100000x1024xf32, #tpu.memory_space<hbm>> -> memref<100000x1024xf32, #tpu.memory_space<hbm>>
    tpu.enqueue_indirect_dma source(%dma_start3A_412 : memref<100000x1024xf32, #tpu.memory_space<hbm>>) target(%arg18 : memref<8x1024xf32, #tpu.memory_space<vmem>>) offsets(%dma_start3A_409 : memref<8xi32, #tpu.memory_space<vmem>>) semaphore(%arg33 : memref<!tpu.dma_semaphore, #tpu.memory_space<semaphore_mem>>)
    %dma_wait3A_413 = arith.constant 0 : i32
    %dma_wait3A_414 = tpu.memref_slice %arg5[%add3A_382, %dma_wait3A_413] : memref<16384x1024xf32, #tpu.memory_space<hbm>> -> memref<8x1024xf32, #tpu.memory_space<hbm>>
    %dma_wait3A_415 = arith.constant 0 : i32
    %dma_wait3A_416 = tpu.memref_slice %arg5[%add3A_382, %dma_wait3A_415] : memref<16384x1024xf32, #tpu.memory_space<hbm>> -> memref<8x1024xf32, #tpu.memory_space<hbm>>
    tpu.wait_dma2 semaphore(%arg46 : memref<!tpu.dma_semaphore, #tpu.memory_space<semaphore_mem>>) src(%arg19 : memref<8x1024xf32, #tpu.memory_space<vmem>>) dst(%dma_wait3A_416 : memref<8x1024xf32, #tpu.memory_space<hbm>>)
    %dma_start3A_417 = arith.constant 296 : i32
    %dma_start3A_418 = tpu.memref_slice %arg6[%dma_start3A_417] : memref<512xi32, #tpu.memory_space<vmem>> -> memref<8xi32, #tpu.memory_space<vmem>>
    %dma_start3A_419 = arith.constant 0 : i32
    %dma_start3A_420 = arith.constant 0 : i32
    %dma_start3A_421 = tpu.memref_slice %arg3[%dma_start3A_419, %dma_start3A_420] : memref<100000x1024xf32, #tpu.memory_space<hbm>> -> memref<100000x1024xf32, #tpu.memory_space<hbm>>
    tpu.enqueue_indirect_dma source(%dma_start3A_421 : memref<100000x1024xf32, #tpu.memory_space<hbm>>) target(%arg19 : memref<8x1024xf32, #tpu.memory_space<vmem>>) offsets(%dma_start3A_418 : memref<8xi32, #tpu.memory_space<vmem>>) semaphore(%arg34 : memref<!tpu.dma_semaphore, #tpu.memory_space<semaphore_mem>>)
    %dma_wait3A_422 = arith.constant 0 : i32
    %dma_wait3A_423 = tpu.memref_slice %arg5[%add3A_390, %dma_wait3A_422] : memref<16384x1024xf32, #tpu.memory_space<hbm>> -> memref<8x1024xf32, #tpu.memory_space<hbm>>
    %dma_wait3A_424 = arith.constant 0 : i32
    %dma_wait3A_425 = tpu.memref_slice %arg5[%add3A_390, %dma_wait3A_424] : memref<16384x1024xf32, #tpu.memory_space<hbm>> -> memref<8x1024xf32, #tpu.memory_space<hbm>>
    tpu.wait_dma2 semaphore(%arg47 : memref<!tpu.dma_semaphore, #tpu.memory_space<semaphore_mem>>) src(%arg20 : memref<8x1024xf32, #tpu.memory_space<vmem>>) dst(%dma_wait3A_425 : memref<8x1024xf32, #tpu.memory_space<hbm>>)
    %dma_start3A_426 = arith.constant 424 : i32
    %dma_start3A_427 = tpu.memref_slice %arg6[%dma_start3A_426] : memref<512xi32, #tpu.memory_space<vmem>> -> memref<8xi32, #tpu.memory_space<vmem>>
    %dma_start3A_428 = arith.constant 0 : i32
    %dma_start3A_429 = arith.constant 0 : i32
    %dma_start3A_430 = tpu.memref_slice %arg3[%dma_start3A_428, %dma_start3A_429] : memref<100000x1024xf32, #tpu.memory_space<hbm>> -> memref<100000x1024xf32, #tpu.memory_space<hbm>>
    tpu.enqueue_indirect_dma source(%dma_start3A_430 : memref<100000x1024xf32, #tpu.memory_space<hbm>>) target(%arg20 : memref<8x1024xf32, #tpu.memory_space<vmem>>) offsets(%dma_start3A_427 : memref<8xi32, #tpu.memory_space<vmem>>) semaphore(%arg35 : memref<!tpu.dma_semaphore, #tpu.memory_space<semaphore_mem>>)
    %dma_wait3A_431 = arith.constant 0 : i32
    %dma_wait3A_432 = tpu.memref_slice %arg4[%add3A_257, %dma_wait3A_431] : memref<4096x1024xf32, #tpu.memory_space<hbm>> -> memref<8x1024xf32, #tpu.memory_space<hbm>>
    %dma_wait3A_433 = arith.constant 0 : i32
    %dma_wait3A_434 = tpu.memref_slice %arg4[%add3A_257, %dma_wait3A_433] : memref<4096x1024xf32, #tpu.memory_space<hbm>> -> memref<8x1024xf32, #tpu.memory_space<hbm>>
    tpu.wait_dma2 semaphore(%arg23 : memref<!tpu.dma_semaphore, #tpu.memory_space<semaphore_mem>>) src(%dma_wait3A_434 : memref<8x1024xf32, #tpu.memory_space<hbm>>) dst(%arg8 : memref<8x1024xf32, #tpu.memory_space<vmem>>)
    %dma_wait3A_435 = arith.constant 24 : i32
    %dma_wait3A_436 = tpu.memref_slice %arg6[%dma_wait3A_435] : memref<512xi32, #tpu.memory_space<vmem>> -> memref<8xi32, #tpu.memory_space<vmem>>
    %dma_wait3A_437 = arith.constant 0 : i32
    %dma_wait3A_438 = arith.constant 0 : i32
    %dma_wait3A_439 = tpu.memref_slice %arg3[%dma_wait3A_437, %dma_wait3A_438] : memref<100000x1024xf32, #tpu.memory_space<hbm>> -> memref<100000x1024xf32, #tpu.memory_space<hbm>>
    tpu.wait_indirect_dma semaphore(%arg24 : memref<!tpu.dma_semaphore, #tpu.memory_space<semaphore_mem>>) src(%dma_wait3A_439 : memref<100000x1024xf32, #tpu.memory_space<hbm>>) dst(%arg9 : memref<8x1024xf32, #tpu.memory_space<vmem>>)
    %dma_wait3A_440 = arith.constant 152 : i32
    %dma_wait3A_441 = tpu.memref_slice %arg6[%dma_wait3A_440] : memref<512xi32, #tpu.memory_space<vmem>> -> memref<8xi32, #tpu.memory_space<vmem>>
    %dma_wait3A_442 = arith.constant 0 : i32
    %dma_wait3A_443 = arith.constant 0 : i32
    %dma_wait3A_444 = tpu.memref_slice %arg3[%dma_wait3A_442, %dma_wait3A_443] : memref<100000x1024xf32, #tpu.memory_space<hbm>> -> memref<100000x1024xf32, #tpu.memory_space<hbm>>
    tpu.wait_indirect_dma semaphore(%arg25 : memref<!tpu.dma_semaphore, #tpu.memory_space<semaphore_mem>>) src(%dma_wait3A_444 : memref<100000x1024xf32, #tpu.memory_space<hbm>>) dst(%arg10 : memref<8x1024xf32, #tpu.memory_space<vmem>>)
    %dma_wait3A_445 = arith.constant 280 : i32
    %dma_wait3A_446 = tpu.memref_slice %arg6[%dma_wait3A_445] : memref<512xi32, #tpu.memory_space<vmem>> -> memref<8xi32, #tpu.memory_space<vmem>>
    %dma_wait3A_447 = arith.constant 0 : i32
    %dma_wait3A_448 = arith.constant 0 : i32
    %dma_wait3A_449 = tpu.memref_slice %arg3[%dma_wait3A_447, %dma_wait3A_448] : memref<100000x1024xf32, #tpu.memory_space<hbm>> -> memref<100000x1024xf32, #tpu.memory_space<hbm>>
    tpu.wait_indirect_dma semaphore(%arg26 : memref<!tpu.dma_semaphore, #tpu.memory_space<semaphore_mem>>) src(%dma_wait3A_449 : memref<100000x1024xf32, #tpu.memory_space<hbm>>) dst(%arg11 : memref<8x1024xf32, #tpu.memory_space<vmem>>)
    %dma_wait3A_450 = arith.constant 408 : i32
    %dma_wait3A_451 = tpu.memref_slice %arg6[%dma_wait3A_450] : memref<512xi32, #tpu.memory_space<vmem>> -> memref<8xi32, #tpu.memory_space<vmem>>
    %dma_wait3A_452 = arith.constant 0 : i32
    %dma_wait3A_453 = arith.constant 0 : i32
    %dma_wait3A_454 = tpu.memref_slice %arg3[%dma_wait3A_452, %dma_wait3A_453] : memref<100000x1024xf32, #tpu.memory_space<hbm>> -> memref<100000x1024xf32, #tpu.memory_space<hbm>>
    tpu.wait_indirect_dma semaphore(%arg27 : memref<!tpu.dma_semaphore, #tpu.memory_space<semaphore_mem>>) src(%dma_wait3A_454 : memref<100000x1024xf32, #tpu.memory_space<hbm>>) dst(%arg12 : memref<8x1024xf32, #tpu.memory_space<vmem>>)
    %parallel_loop3A_455 = arith.constant 0 : i32
    %parallel_loop3A_456 = arith.constant 512 : i32
    %parallel_loop3A_457 = arith.constant 1 : i32
    scf.for %parallel_loop3A_1672 = %parallel_loop3A_455 to %parallel_loop3A_456 step %parallel_loop3A_457  : i32 {
      %parallel_loop3A_1673 = arith.constant 6 : i32
      %parallel_loop3A_1674 = arith.shrsi %parallel_loop3A_1672, %parallel_loop3A_1673 : i32
      %parallel_loop3A_1675 = arith.constant 63 : i32
      %parallel_loop3A_1676 = arith.andi %parallel_loop3A_1672, %parallel_loop3A_1675 : i32
      %parallel_loop3A_1677 = arith.constant 16 : i32
      %parallel_loop3A_1678 = arith.muli %parallel_loop3A_1676, %parallel_loop3A_1677 : i32
      %parallel_loop3A_1679 = arith.index_cast %parallel_loop3A_1674 : i32 to index
      %parallel_loop3A_1680 = arith.index_cast %parallel_loop3A_1678 : i32 to index
      %parallel_loop3A_1681 = tpu.vector_load %arg8[%parallel_loop3A_1679, %parallel_loop3A_1680] {strides = array<i32>} : memref<8x1024xf32, #tpu.memory_space<vmem>>, vector<1x16xf32>,
      %parallel_loop3A_1682 = vector.shape_cast %parallel_loop3A_1681 : vector<1x16xf32> to vector<16xf32>
      %parallel_loop3A_1683 = arith.index_cast %parallel_loop3A_1674 : i32 to index
      %parallel_loop3A_1684 = arith.index_cast %parallel_loop3A_1678 : i32 to index
      %parallel_loop3A_1685 = tpu.vector_load %arg9[%parallel_loop3A_1683, %parallel_loop3A_1684] {strides = array<i32>} : memref<8x1024xf32, #tpu.memory_space<vmem>>, vector<1x16xf32>,
      %parallel_loop3A_1686 = vector.shape_cast %parallel_loop3A_1685 : vector<1x16xf32> to vector<16xf32>
      %parallel_loop3A_1687 = vector.shape_cast %parallel_loop3A_1682 : vector<16xf32> to vector<1x16xf32>
      tpu.vector_store %arg9[%parallel_loop3A_1683, %parallel_loop3A_1684], %parallel_loop3A_1687 {add = true, strides = array<i32>} : memref<8x1024xf32, #tpu.memory_space<vmem>>, vector<1x16xf32>,
      %parallel_loop3A_1688 = arith.index_cast %parallel_loop3A_1674 : i32 to index
      %parallel_loop3A_1689 = arith.index_cast %parallel_loop3A_1678 : i32 to index
      %parallel_loop3A_1690 = tpu.vector_load %arg10[%parallel_loop3A_1688, %parallel_loop3A_1689] {strides = array<i32>} : memref<8x1024xf32, #tpu.memory_space<vmem>>, vector<1x16xf32>,
      %parallel_loop3A_1691 = vector.shape_cast %parallel_loop3A_1690 : vector<1x16xf32> to vector<16xf32>
      %parallel_loop3A_1692 = vector.shape_cast %parallel_loop3A_1682 : vector<16xf32> to vector<1x16xf32>
      tpu.vector_store %arg10[%parallel_loop3A_1688, %parallel_loop3A_1689], %parallel_loop3A_1692 {add = true, strides = array<i32>} : memref<8x1024xf32, #tpu.memory_space<vmem>>, vector<1x16xf32>,
      %parallel_loop3A_1693 = arith.index_cast %parallel_loop3A_1674 : i32 to index
      %parallel_loop3A_1694 = arith.index_cast %parallel_loop3A_1678 : i32 to index
      %parallel_loop3A_1695 = tpu.vector_load %arg11[%parallel_loop3A_1693, %parallel_loop3A_1694] {strides = array<i32>} : memref<8x1024xf32, #tpu.memory_space<vmem>>, vector<1x16xf32>,
      %parallel_loop3A_1696 = vector.shape_cast %parallel_loop3A_1695 : vector<1x16xf32> to vector<16xf32>
      %parallel_loop3A_1697 = vector.shape_cast %parallel_loop3A_1682 : vector<16xf32> to vector<1x16xf32>
      tpu.vector_store %arg11[%parallel_loop3A_1693, %parallel_loop3A_1694], %parallel_loop3A_1697 {add = true, strides = array<i32>} : memref<8x1024xf32, #tpu.memory_space<vmem>>, vector<1x16xf32>,
      %parallel_loop3A_1698 = arith.index_cast %parallel_loop3A_1674 : i32 to index
      %parallel_loop3A_1699 = arith.index_cast %parallel_loop3A_1678 : i32 to index
      %parallel_loop3A_1700 = tpu.vector_load %arg12[%parallel_loop3A_1698, %parallel_loop3A_1699] {strides = array<i32>} : memref<8x1024xf32, #tpu.memory_space<vmem>>, vector<1x16xf32>,
      %parallel_loop3A_1701 = vector.shape_cast %parallel_loop3A_1700 : vector<1x16xf32> to vector<16xf32>
      %parallel_loop3A_1702 = vector.shape_cast %parallel_loop3A_1682 : vector<16xf32> to vector<1x16xf32>
      tpu.vector_store %arg12[%parallel_loop3A_1698, %parallel_loop3A_1699], %parallel_loop3A_1702 {add = true, strides = array<i32>} : memref<8x1024xf32, #tpu.memory_space<vmem>>, vector<1x16xf32>,
    } {sc.loop_unroll_factor = 2 : i64, sc.parallel_access}
    %add3A_458 = arith.constant 40 : i32
    %add3A_459 = arith.addi %mul3A_2, %add3A_458 : i32
    %dma_start3A_460 = arith.constant 0 : i32
    %dma_start3A_461 = tpu.memref_slice %arg4[%add3A_459, %dma_start3A_460] : memref<4096x1024xf32, #tpu.memory_space<hbm>> -> memref<8x1024xf32, #tpu.memory_space<hbm>>
    %dma_start3A_462 = arith.constant 0 : i32
    %dma_start3A_463 = tpu.memref_slice %arg4[%add3A_459, %dma_start3A_462] : memref<4096x1024xf32, #tpu.memory_space<hbm>> -> memref<8x1024xf32, #tpu.memory_space<hbm>>
    tpu.enqueue_dma source(%dma_start3A_463 : memref<8x1024xf32, #tpu.memory_space<hbm>>) target(%arg8 : memref<8x1024xf32, #tpu.memory_space<vmem>>) target_semaphore(%arg23 : memref<!tpu.dma_semaphore, #tpu.memory_space<semaphore_mem>>)
    %add3A_464 = arith.constant 0 : i32
    %add3A_465 = arith.addi %add3A_464, %mul3A_2 : i32
    %add3A_466 = arith.constant 24 : i32
    %add3A_467 = arith.addi %add3A_465, %add3A_466 : i32
    %dma_start3A_468 = arith.constant 0 : i32
    %dma_start3A_469 = tpu.memref_slice %arg5[%add3A_467, %dma_start3A_468] : memref<16384x1024xf32, #tpu.memory_space<hbm>> -> memref<8x1024xf32, #tpu.memory_space<hbm>>
    %dma_start3A_470 = arith.constant 0 : i32
    %dma_start3A_471 = tpu.memref_slice %arg5[%add3A_467, %dma_start3A_470] : memref<16384x1024xf32, #tpu.memory_space<hbm>> -> memref<8x1024xf32, #tpu.memory_space<hbm>>
    tpu.enqueue_dma source(%arg9 : memref<8x1024xf32, #tpu.memory_space<vmem>>) target(%dma_start3A_471 : memref<8x1024xf32, #tpu.memory_space<hbm>>) target_semaphore(%arg36 : memref<!tpu.dma_semaphore, #tpu.memory_space<semaphore_mem>>)
    %add3A_472 = arith.constant 4096 : i32
    %add3A_473 = arith.addi %add3A_472, %mul3A_2 : i32
    %add3A_474 = arith.constant 24 : i32
    %add3A_475 = arith.addi %add3A_473, %add3A_474 : i32
    %dma_start3A_476 = arith.constant 0 : i32
    %dma_start3A_477 = tpu.memref_slice %arg5[%add3A_475, %dma_start3A_476] : memref<16384x1024xf32, #tpu.memory_space<hbm>> -> memref<8x1024xf32, #tpu.memory_space<hbm>>
    %dma_start3A_478 = arith.constant 0 : i32
    %dma_start3A_479 = tpu.memref_slice %arg5[%add3A_475, %dma_start3A_478] : memref<16384x1024xf32, #tpu.memory_space<hbm>> -> memref<8x1024xf32, #tpu.memory_space<hbm>>
    tpu.enqueue_dma source(%arg10 : memref<8x1024xf32, #tpu.memory_space<vmem>>) target(%dma_start3A_479 : memref<8x1024xf32, #tpu.memory_space<hbm>>) target_semaphore(%arg37 : memref<!tpu.dma_semaphore, #tpu.memory_space<semaphore_mem>>)
    %add3A_480 = arith.constant 8192 : i32
    %add3A_481 = arith.addi %add3A_480, %mul3A_2 : i32
    %add3A_482 = arith.constant 24 : i32
    %add3A_483 = arith.addi %add3A_481, %add3A_482 : i32
    %dma_start3A_484 = arith.constant 0 : i32
    %dma_start3A_485 = tpu.memref_slice %arg5[%add3A_483, %dma_start3A_484] : memref<16384x1024xf32, #tpu.memory_space<hbm>> -> memref<8x1024xf32, #tpu.memory_space<hbm>>
    %dma_start3A_486 = arith.constant 0 : i32
    %dma_start3A_487 = tpu.memref_slice %arg5[%add3A_483, %dma_start3A_486] : memref<16384x1024xf32, #tpu.memory_space<hbm>> -> memref<8x1024xf32, #tpu.memory_space<hbm>>
    tpu.enqueue_dma source(%arg11 : memref<8x1024xf32, #tpu.memory_space<vmem>>) target(%dma_start3A_487 : memref<8x1024xf32, #tpu.memory_space<hbm>>) target_semaphore(%arg38 : memref<!tpu.dma_semaphore, #tpu.memory_space<semaphore_mem>>)
    %add3A_488 = arith.constant 12288 : i32
    %add3A_489 = arith.addi %add3A_488, %mul3A_2 : i32
    %add3A_490 = arith.constant 24 : i32
    %add3A_491 = arith.addi %add3A_489, %add3A_490 : i32
    %dma_start3A_492 = arith.constant 0 : i32
    %dma_start3A_493 = tpu.memref_slice %arg5[%add3A_491, %dma_start3A_492] : memref<16384x1024xf32, #tpu.memory_space<hbm>> -> memref<8x1024xf32, #tpu.memory_space<hbm>>
    %dma_start3A_494 = arith.constant 0 : i32
    %dma_start3A_495 = tpu.memref_slice %arg5[%add3A_491, %dma_start3A_494] : memref<16384x1024xf32, #tpu.memory_space<hbm>> -> memref<8x1024xf32, #tpu.memory_space<hbm>>
    tpu.enqueue_dma source(%arg12 : memref<8x1024xf32, #tpu.memory_space<vmem>>) target(%dma_start3A_495 : memref<8x1024xf32, #tpu.memory_space<hbm>>) target_semaphore(%arg39 : memref<!tpu.dma_semaphore, #tpu.memory_space<semaphore_mem>>)
    %dma_wait3A_496 = arith.constant 0 : i32
    %dma_wait3A_497 = tpu.memref_slice %arg5[%add3A_467, %dma_wait3A_496] : memref<16384x1024xf32, #tpu.memory_space<hbm>> -> memref<8x1024xf32, #tpu.memory_space<hbm>>
    %dma_wait3A_498 = arith.constant 0 : i32
    %dma_wait3A_499 = tpu.memref_slice %arg5[%add3A_467, %dma_wait3A_498] : memref<16384x1024xf32, #tpu.memory_space<hbm>> -> memref<8x1024xf32, #tpu.memory_space<hbm>>
    tpu.wait_dma2 semaphore(%arg36 : memref<!tpu.dma_semaphore, #tpu.memory_space<semaphore_mem>>) src(%arg9 : memref<8x1024xf32, #tpu.memory_space<vmem>>) dst(%dma_wait3A_499 : memref<8x1024xf32, #tpu.memory_space<hbm>>)
    %dma_start3A_500 = arith.constant 48 : i32
    %dma_start3A_501 = tpu.memref_slice %arg6[%dma_start3A_500] : memref<512xi32, #tpu.memory_space<vmem>> -> memref<8xi32, #tpu.memory_space<vmem>>
    %dma_start3A_502 = arith.constant 0 : i32
    %dma_start3A_503 = arith.constant 0 : i32
    %dma_start3A_504 = tpu.memref_slice %arg3[%dma_start3A_502, %dma_start3A_503] : memref<100000x1024xf32, #tpu.memory_space<hbm>> -> memref<100000x1024xf32, #tpu.memory_space<hbm>>
    tpu.enqueue_indirect_dma source(%dma_start3A_504 : memref<100000x1024xf32, #tpu.memory_space<hbm>>) target(%arg9 : memref<8x1024xf32, #tpu.memory_space<vmem>>) offsets(%dma_start3A_501 : memref<8xi32, #tpu.memory_space<vmem>>) semaphore(%arg24 : memref<!tpu.dma_semaphore, #tpu.memory_space<semaphore_mem>>)
    %dma_wait3A_505 = arith.constant 0 : i32
    %dma_wait3A_506 = tpu.memref_slice %arg5[%add3A_475, %dma_wait3A_505] : memref<16384x1024xf32, #tpu.memory_space<hbm>> -> memref<8x1024xf32, #tpu.memory_space<hbm>>
    %dma_wait3A_507 = arith.constant 0 : i32
    %dma_wait3A_508 = tpu.memref_slice %arg5[%add3A_475, %dma_wait3A_507] : memref<16384x1024xf32, #tpu.memory_space<hbm>> -> memref<8x1024xf32, #tpu.memory_space<hbm>>
    tpu.wait_dma2 semaphore(%arg37 : memref<!tpu.dma_semaphore, #tpu.memory_space<semaphore_mem>>) src(%arg10 : memref<8x1024xf32, #tpu.memory_space<vmem>>) dst(%dma_wait3A_508 : memref<8x1024xf32, #tpu.memory_space<hbm>>)
    %dma_start3A_509 = arith.constant 176 : i32
    %dma_start3A_510 = tpu.memref_slice %arg6[%dma_start3A_509] : memref<512xi32, #tpu.memory_space<vmem>> -> memref<8xi32, #tpu.memory_space<vmem>>
    %dma_start3A_511 = arith.constant 0 : i32
    %dma_start3A_512 = arith.constant 0 : i32
    %dma_start3A_513 = tpu.memref_slice %arg3[%dma_start3A_511, %dma_start3A_512] : memref<100000x1024xf32, #tpu.memory_space<hbm>> -> memref<100000x1024xf32, #tpu.memory_space<hbm>>
    tpu.enqueue_indirect_dma source(%dma_start3A_513 : memref<100000x1024xf32, #tpu.memory_space<hbm>>) target(%arg10 : memref<8x1024xf32, #tpu.memory_space<vmem>>) offsets(%dma_start3A_510 : memref<8xi32, #tpu.memory_space<vmem>>) semaphore(%arg25 : memref<!tpu.dma_semaphore, #tpu.memory_space<semaphore_mem>>)
    %dma_wait3A_514 = arith.constant 0 : i32
    %dma_wait3A_515 = tpu.memref_slice %arg5[%add3A_483, %dma_wait3A_514] : memref<16384x1024xf32, #tpu.memory_space<hbm>> -> memref<8x1024xf32, #tpu.memory_space<hbm>>
    %dma_wait3A_516 = arith.constant 0 : i32
    %dma_wait3A_517 = tpu.memref_slice %arg5[%add3A_483, %dma_wait3A_516] : memref<16384x1024xf32, #tpu.memory_space<hbm>> -> memref<8x1024xf32, #tpu.memory_space<hbm>>
    tpu.wait_dma2 semaphore(%arg38 : memref<!tpu.dma_semaphore, #tpu.memory_space<semaphore_mem>>) src(%arg11 : memref<8x1024xf32, #tpu.memory_space<vmem>>) dst(%dma_wait3A_517 : memref<8x1024xf32, #tpu.memory_space<hbm>>)
    %dma_start3A_518 = arith.constant 304 : i32
    %dma_start3A_519 = tpu.memref_slice %arg6[%dma_start3A_518] : memref<512xi32, #tpu.memory_space<vmem>> -> memref<8xi32, #tpu.memory_space<vmem>>
    %dma_start3A_520 = arith.constant 0 : i32
    %dma_start3A_521 = arith.constant 0 : i32
    %dma_start3A_522 = tpu.memref_slice %arg3[%dma_start3A_520, %dma_start3A_521] : memref<100000x1024xf32, #tpu.memory_space<hbm>> -> memref<100000x1024xf32, #tpu.memory_space<hbm>>
    tpu.enqueue_indirect_dma source(%dma_start3A_522 : memref<100000x1024xf32, #tpu.memory_space<hbm>>) target(%arg11 : memref<8x1024xf32, #tpu.memory_space<vmem>>) offsets(%dma_start3A_519 : memref<8xi32, #tpu.memory_space<vmem>>) semaphore(%arg26 : memref<!tpu.dma_semaphore, #tpu.memory_space<semaphore_mem>>)
    %dma_wait3A_523 = arith.constant 0 : i32
    %dma_wait3A_524 = tpu.memref_slice %arg5[%add3A_491, %dma_wait3A_523] : memref<16384x1024xf32, #tpu.memory_space<hbm>> -> memref<8x1024xf32, #tpu.memory_space<hbm>>
    %dma_wait3A_525 = arith.constant 0 : i32
    %dma_wait3A_526 = tpu.memref_slice %arg5[%add3A_491, %dma_wait3A_525] : memref<16384x1024xf32, #tpu.memory_space<hbm>> -> memref<8x1024xf32, #tpu.memory_space<hbm>>
    tpu.wait_dma2 semaphore(%arg39 : memref<!tpu.dma_semaphore, #tpu.memory_space<semaphore_mem>>) src(%arg12 : memref<8x1024xf32, #tpu.memory_space<vmem>>) dst(%dma_wait3A_526 : memref<8x1024xf32, #tpu.memory_space<hbm>>)
    %dma_start3A_527 = arith.constant 432 : i32
    %dma_start3A_528 = tpu.memref_slice %arg6[%dma_start3A_527] : memref<512xi32, #tpu.memory_space<vmem>> -> memref<8xi32, #tpu.memory_space<vmem>>
    %dma_start3A_529 = arith.constant 0 : i32
    %dma_start3A_530 = arith.constant 0 : i32
    %dma_start3A_531 = tpu.memref_slice %arg3[%dma_start3A_529, %dma_start3A_530] : memref<100000x1024xf32, #tpu.memory_space<hbm>> -> memref<100000x1024xf32, #tpu.memory_space<hbm>>
    tpu.enqueue_indirect_dma source(%dma_start3A_531 : memref<100000x1024xf32, #tpu.memory_space<hbm>>) target(%arg12 : memref<8x1024xf32, #tpu.memory_space<vmem>>) offsets(%dma_start3A_528 : memref<8xi32, #tpu.memory_space<vmem>>) semaphore(%arg27 : memref<!tpu.dma_semaphore, #tpu.memory_space<semaphore_mem>>)
    %dma_wait3A_532 = arith.constant 0 : i32
    %dma_wait3A_533 = tpu.memref_slice %arg4[%add3A_358, %dma_wait3A_532] : memref<4096x1024xf32, #tpu.memory_space<hbm>> -> memref<8x1024xf32, #tpu.memory_space<hbm>>
    %dma_wait3A_534 = arith.constant 0 : i32
    %dma_wait3A_535 = tpu.memref_slice %arg4[%add3A_358, %dma_wait3A_534] : memref<4096x1024xf32, #tpu.memory_space<hbm>> -> memref<8x1024xf32, #tpu.memory_space<hbm>>
    tpu.wait_dma2 semaphore(%arg22 : memref<!tpu.dma_semaphore, #tpu.memory_space<semaphore_mem>>) src(%dma_wait3A_535 : memref<8x1024xf32, #tpu.memory_space<hbm>>) dst(%arg7 : memref<8x1024xf32, #tpu.memory_space<vmem>>)
    %dma_wait3A_536 = arith.constant 32 : i32
    %dma_wait3A_537 = tpu.memref_slice %arg6[%dma_wait3A_536] : memref<512xi32, #tpu.memory_space<vmem>> -> memref<8xi32, #tpu.memory_space<vmem>>
    %dma_wait3A_538 = arith.constant 0 : i32
    %dma_wait3A_539 = arith.constant 0 : i32
    %dma_wait3A_540 = tpu.memref_slice %arg3[%dma_wait3A_538, %dma_wait3A_539] : memref<100000x1024xf32, #tpu.memory_space<hbm>> -> memref<100000x1024xf32, #tpu.memory_space<hbm>>
    tpu.wait_indirect_dma semaphore(%arg28 : memref<!tpu.dma_semaphore, #tpu.memory_space<semaphore_mem>>) src(%dma_wait3A_540 : memref<100000x1024xf32, #tpu.memory_space<hbm>>) dst(%arg13 : memref<8x1024xf32, #tpu.memory_space<vmem>>)
    %dma_wait3A_541 = arith.constant 160 : i32
    %dma_wait3A_542 = tpu.memref_slice %arg6[%dma_wait3A_541] : memref<512xi32, #tpu.memory_space<vmem>> -> memref<8xi32, #tpu.memory_space<vmem>>
    %dma_wait3A_543 = arith.constant 0 : i32
    %dma_wait3A_544 = arith.constant 0 : i32
    %dma_wait3A_545 = tpu.memref_slice %arg3[%dma_wait3A_543, %dma_wait3A_544] : memref<100000x1024xf32, #tpu.memory_space<hbm>> -> memref<100000x1024xf32, #tpu.memory_space<hbm>>
    tpu.wait_indirect_dma semaphore(%arg29 : memref<!tpu.dma_semaphore, #tpu.memory_space<semaphore_mem>>) src(%dma_wait3A_545 : memref<100000x1024xf32, #tpu.memory_space<hbm>>) dst(%arg14 : memref<8x1024xf32, #tpu.memory_space<vmem>>)
    %dma_wait3A_546 = arith.constant 288 : i32
    %dma_wait3A_547 = tpu.memref_slice %arg6[%dma_wait3A_546] : memref<512xi32, #tpu.memory_space<vmem>> -> memref<8xi32, #tpu.memory_space<vmem>>
    %dma_wait3A_548 = arith.constant 0 : i32
    %dma_wait3A_549 = arith.constant 0 : i32
    %dma_wait3A_550 = tpu.memref_slice %arg3[%dma_wait3A_548, %dma_wait3A_549] : memref<100000x1024xf32, #tpu.memory_space<hbm>> -> memref<100000x1024xf32, #tpu.memory_space<hbm>>
    tpu.wait_indirect_dma semaphore(%arg30 : memref<!tpu.dma_semaphore, #tpu.memory_space<semaphore_mem>>) src(%dma_wait3A_550 : memref<100000x1024xf32, #tpu.memory_space<hbm>>) dst(%arg15 : memref<8x1024xf32, #tpu.memory_space<vmem>>)
    %dma_wait3A_551 = arith.constant 416 : i32
    %dma_wait3A_552 = tpu.memref_slice %arg6[%dma_wait3A_551] : memref<512xi32, #tpu.memory_space<vmem>> -> memref<8xi32, #tpu.memory_space<vmem>>
    %dma_wait3A_553 = arith.constant 0 : i32
    %dma_wait3A_554 = arith.constant 0 : i32
    %dma_wait3A_555 = tpu.memref_slice %arg3[%dma_wait3A_553, %dma_wait3A_554] : memref<100000x1024xf32, #tpu.memory_space<hbm>> -> memref<100000x1024xf32, #tpu.memory_space<hbm>>
    tpu.wait_indirect_dma semaphore(%arg31 : memref<!tpu.dma_semaphore, #tpu.memory_space<semaphore_mem>>) src(%dma_wait3A_555 : memref<100000x1024xf32, #tpu.memory_space<hbm>>) dst(%arg16 : memref<8x1024xf32, #tpu.memory_space<vmem>>)
    %parallel_loop3A_556 = arith.constant 0 : i32
    %parallel_loop3A_557 = arith.constant 512 : i32
    %parallel_loop3A_558 = arith.constant 1 : i32
    scf.for %parallel_loop3A_1672 = %parallel_loop3A_556 to %parallel_loop3A_557 step %parallel_loop3A_558  : i32 {
      %parallel_loop3A_1673 = arith.constant 6 : i32
      %parallel_loop3A_1674 = arith.shrsi %parallel_loop3A_1672, %parallel_loop3A_1673 : i32
      %parallel_loop3A_1675 = arith.constant 63 : i32
      %parallel_loop3A_1676 = arith.andi %parallel_loop3A_1672, %parallel_loop3A_1675 : i32
      %parallel_loop3A_1677 = arith.constant 16 : i32
      %parallel_loop3A_1678 = arith.muli %parallel_loop3A_1676, %parallel_loop3A_1677 : i32
      %parallel_loop3A_1679 = arith.index_cast %parallel_loop3A_1674 : i32 to index
      %parallel_loop3A_1680 = arith.index_cast %parallel_loop3A_1678 : i32 to index
      %parallel_loop3A_1681 = tpu.vector_load %arg7[%parallel_loop3A_1679, %parallel_loop3A_1680] {strides = array<i32>} : memref<8x1024xf32, #tpu.memory_space<vmem>>, vector<1x16xf32>,
      %parallel_loop3A_1682 = vector.shape_cast %parallel_loop3A_1681 : vector<1x16xf32> to vector<16xf32>
      %parallel_loop3A_1683 = arith.index_cast %parallel_loop3A_1674 : i32 to index
      %parallel_loop3A_1684 = arith.index_cast %parallel_loop3A_1678 : i32 to index
      %parallel_loop3A_1685 = tpu.vector_load %arg13[%parallel_loop3A_1683, %parallel_loop3A_1684] {strides = array<i32>} : memref<8x1024xf32, #tpu.memory_space<vmem>>, vector<1x16xf32>,
      %parallel_loop3A_1686 = vector.shape_cast %parallel_loop3A_1685 : vector<1x16xf32> to vector<16xf32>
      %parallel_loop3A_1687 = vector.shape_cast %parallel_loop3A_1682 : vector<16xf32> to vector<1x16xf32>
      tpu.vector_store %arg13[%parallel_loop3A_1683, %parallel_loop3A_1684], %parallel_loop3A_1687 {add = true, strides = array<i32>} : memref<8x1024xf32, #tpu.memory_space<vmem>>, vector<1x16xf32>,
      %parallel_loop3A_1688 = arith.index_cast %parallel_loop3A_1674 : i32 to index
      %parallel_loop3A_1689 = arith.index_cast %parallel_loop3A_1678 : i32 to index
      %parallel_loop3A_1690 = tpu.vector_load %arg14[%parallel_loop3A_1688, %parallel_loop3A_1689] {strides = array<i32>} : memref<8x1024xf32, #tpu.memory_space<vmem>>, vector<1x16xf32>,
      %parallel_loop3A_1691 = vector.shape_cast %parallel_loop3A_1690 : vector<1x16xf32> to vector<16xf32>
      %parallel_loop3A_1692 = vector.shape_cast %parallel_loop3A_1682 : vector<16xf32> to vector<1x16xf32>
      tpu.vector_store %arg14[%parallel_loop3A_1688, %parallel_loop3A_1689], %parallel_loop3A_1692 {add = true, strides = array<i32>} : memref<8x1024xf32, #tpu.memory_space<vmem>>, vector<1x16xf32>,
      %parallel_loop3A_1693 = arith.index_cast %parallel_loop3A_1674 : i32 to index
      %parallel_loop3A_1694 = arith.index_cast %parallel_loop3A_1678 : i32 to index
      %parallel_loop3A_1695 = tpu.vector_load %arg15[%parallel_loop3A_1693, %parallel_loop3A_1694] {strides = array<i32>} : memref<8x1024xf32, #tpu.memory_space<vmem>>, vector<1x16xf32>,
      %parallel_loop3A_1696 = vector.shape_cast %parallel_loop3A_1695 : vector<1x16xf32> to vector<16xf32>
      %parallel_loop3A_1697 = vector.shape_cast %parallel_loop3A_1682 : vector<16xf32> to vector<1x16xf32>
      tpu.vector_store %arg15[%parallel_loop3A_1693, %parallel_loop3A_1694], %parallel_loop3A_1697 {add = true, strides = array<i32>} : memref<8x1024xf32, #tpu.memory_space<vmem>>, vector<1x16xf32>,
      %parallel_loop3A_1698 = arith.index_cast %parallel_loop3A_1674 : i32 to index
      %parallel_loop3A_1699 = arith.index_cast %parallel_loop3A_1678 : i32 to index
      %parallel_loop3A_1700 = tpu.vector_load %arg16[%parallel_loop3A_1698, %parallel_loop3A_1699] {strides = array<i32>} : memref<8x1024xf32, #tpu.memory_space<vmem>>, vector<1x16xf32>,
      %parallel_loop3A_1701 = vector.shape_cast %parallel_loop3A_1700 : vector<1x16xf32> to vector<16xf32>
      %parallel_loop3A_1702 = vector.shape_cast %parallel_loop3A_1682 : vector<16xf32> to vector<1x16xf32>
      tpu.vector_store %arg16[%parallel_loop3A_1698, %parallel_loop3A_1699], %parallel_loop3A_1702 {add = true, strides = array<i32>} : memref<8x1024xf32, #tpu.memory_space<vmem>>, vector<1x16xf32>,
    } {sc.loop_unroll_factor = 2 : i64, sc.parallel_access}
    %add3A_559 = arith.constant 48 : i32
    %add3A_560 = arith.addi %mul3A_2, %add3A_559 : i32
    %dma_start3A_561 = arith.constant 0 : i32
    %dma_start3A_562 = tpu.memref_slice %arg4[%add3A_560, %dma_start3A_561] : memref<4096x1024xf32, #tpu.memory_space<hbm>> -> memref<8x1024xf32, #tpu.memory_space<hbm>>
    %dma_start3A_563 = arith.constant 0 : i32
    %dma_start3A_564 = tpu.memref_slice %arg4[%add3A_560, %dma_start3A_563] : memref<4096x1024xf32, #tpu.memory_space<hbm>> -> memref<8x1024xf32, #tpu.memory_space<hbm>>
    tpu.enqueue_dma source(%dma_start3A_564 : memref<8x1024xf32, #tpu.memory_space<hbm>>) target(%arg7 : memref<8x1024xf32, #tpu.memory_space<vmem>>) target_semaphore(%arg22 : memref<!tpu.dma_semaphore, #tpu.memory_space<semaphore_mem>>)
    %add3A_565 = arith.constant 0 : i32
    %add3A_566 = arith.addi %add3A_565, %mul3A_2 : i32
    %add3A_567 = arith.constant 32 : i32
    %add3A_568 = arith.addi %add3A_566, %add3A_567 : i32
    %dma_start3A_569 = arith.constant 0 : i32
    %dma_start3A_570 = tpu.memref_slice %arg5[%add3A_568, %dma_start3A_569] : memref<16384x1024xf32, #tpu.memory_space<hbm>> -> memref<8x1024xf32, #tpu.memory_space<hbm>>
    %dma_start3A_571 = arith.constant 0 : i32
    %dma_start3A_572 = tpu.memref_slice %arg5[%add3A_568, %dma_start3A_571] : memref<16384x1024xf32, #tpu.memory_space<hbm>> -> memref<8x1024xf32, #tpu.memory_space<hbm>>
    tpu.enqueue_dma source(%arg13 : memref<8x1024xf32, #tpu.memory_space<vmem>>) target(%dma_start3A_572 : memref<8x1024xf32, #tpu.memory_space<hbm>>) target_semaphore(%arg40 : memref<!tpu.dma_semaphore, #tpu.memory_space<semaphore_mem>>)
    %add3A_573 = arith.constant 4096 : i32
    %add3A_574 = arith.addi %add3A_573, %mul3A_2 : i32
    %add3A_575 = arith.constant 32 : i32
    %add3A_576 = arith.addi %add3A_574, %add3A_575 : i32
    %dma_start3A_577 = arith.constant 0 : i32
    %dma_start3A_578 = tpu.memref_slice %arg5[%add3A_576, %dma_start3A_577] : memref<16384x1024xf32, #tpu.memory_space<hbm>> -> memref<8x1024xf32, #tpu.memory_space<hbm>>
    %dma_start3A_579 = arith.constant 0 : i32
    %dma_start3A_580 = tpu.memref_slice %arg5[%add3A_576, %dma_start3A_579] : memref<16384x1024xf32, #tpu.memory_space<hbm>> -> memref<8x1024xf32, #tpu.memory_space<hbm>>
    tpu.enqueue_dma source(%arg14 : memref<8x1024xf32, #tpu.memory_space<vmem>>) target(%dma_start3A_580 : memref<8x1024xf32, #tpu.memory_space<hbm>>) target_semaphore(%arg41 : memref<!tpu.dma_semaphore, #tpu.memory_space<semaphore_mem>>)
    %add3A_581 = arith.constant 8192 : i32
    %add3A_582 = arith.addi %add3A_581, %mul3A_2 : i32
    %add3A_583 = arith.constant 32 : i32
    %add3A_584 = arith.addi %add3A_582, %add3A_583 : i32
    %dma_start3A_585 = arith.constant 0 : i32
    %dma_start3A_586 = tpu.memref_slice %arg5[%add3A_584, %dma_start3A_585] : memref<16384x1024xf32, #tpu.memory_space<hbm>> -> memref<8x1024xf32, #tpu.memory_space<hbm>>
    %dma_start3A_587 = arith.constant 0 : i32
    %dma_start3A_588 = tpu.memref_slice %arg5[%add3A_584, %dma_start3A_587] : memref<16384x1024xf32, #tpu.memory_space<hbm>> -> memref<8x1024xf32, #tpu.memory_space<hbm>>
    tpu.enqueue_dma source(%arg15 : memref<8x1024xf32, #tpu.memory_space<vmem>>) target(%dma_start3A_588 : memref<8x1024xf32, #tpu.memory_space<hbm>>) target_semaphore(%arg42 : memref<!tpu.dma_semaphore, #tpu.memory_space<semaphore_mem>>)
    %add3A_589 = arith.constant 12288 : i32
    %add3A_590 = arith.addi %add3A_589, %mul3A_2 : i32
    %add3A_591 = arith.constant 32 : i32
    %add3A_592 = arith.addi %add3A_590, %add3A_591 : i32
    %dma_start3A_593 = arith.constant 0 : i32
    %dma_start3A_594 = tpu.memref_slice %arg5[%add3A_592, %dma_start3A_593] : memref<16384x1024xf32, #tpu.memory_space<hbm>> -> memref<8x1024xf32, #tpu.memory_space<hbm>>
    %dma_start3A_595 = arith.constant 0 : i32
    %dma_start3A_596 = tpu.memref_slice %arg5[%add3A_592, %dma_start3A_595] : memref<16384x1024xf32, #tpu.memory_space<hbm>> -> memref<8x1024xf32, #tpu.memory_space<hbm>>
    tpu.enqueue_dma source(%arg16 : memref<8x1024xf32, #tpu.memory_space<vmem>>) target(%dma_start3A_596 : memref<8x1024xf32, #tpu.memory_space<hbm>>) target_semaphore(%arg43 : memref<!tpu.dma_semaphore, #tpu.memory_space<semaphore_mem>>)
    %dma_wait3A_597 = arith.constant 0 : i32
    %dma_wait3A_598 = tpu.memref_slice %arg5[%add3A_568, %dma_wait3A_597] : memref<16384x1024xf32, #tpu.memory_space<hbm>> -> memref<8x1024xf32, #tpu.memory_space<hbm>>
    %dma_wait3A_599 = arith.constant 0 : i32
    %dma_wait3A_600 = tpu.memref_slice %arg5[%add3A_568, %dma_wait3A_599] : memref<16384x1024xf32, #tpu.memory_space<hbm>> -> memref<8x1024xf32, #tpu.memory_space<hbm>>
    tpu.wait_dma2 semaphore(%arg40 : memref<!tpu.dma_semaphore, #tpu.memory_space<semaphore_mem>>) src(%arg13 : memref<8x1024xf32, #tpu.memory_space<vmem>>) dst(%dma_wait3A_600 : memref<8x1024xf32, #tpu.memory_space<hbm>>)
    %dma_start3A_601 = arith.constant 56 : i32
    %dma_start3A_602 = tpu.memref_slice %arg6[%dma_start3A_601] : memref<512xi32, #tpu.memory_space<vmem>> -> memref<8xi32, #tpu.memory_space<vmem>>
    %dma_start3A_603 = arith.constant 0 : i32
    %dma_start3A_604 = arith.constant 0 : i32
    %dma_start3A_605 = tpu.memref_slice %arg3[%dma_start3A_603, %dma_start3A_604] : memref<100000x1024xf32, #tpu.memory_space<hbm>> -> memref<100000x1024xf32, #tpu.memory_space<hbm>>
    tpu.enqueue_indirect_dma source(%dma_start3A_605 : memref<100000x1024xf32, #tpu.memory_space<hbm>>) target(%arg13 : memref<8x1024xf32, #tpu.memory_space<vmem>>) offsets(%dma_start3A_602 : memref<8xi32, #tpu.memory_space<vmem>>) semaphore(%arg28 : memref<!tpu.dma_semaphore, #tpu.memory_space<semaphore_mem>>)
    %dma_wait3A_606 = arith.constant 0 : i32
    %dma_wait3A_607 = tpu.memref_slice %arg5[%add3A_576, %dma_wait3A_606] : memref<16384x1024xf32, #tpu.memory_space<hbm>> -> memref<8x1024xf32, #tpu.memory_space<hbm>>
    %dma_wait3A_608 = arith.constant 0 : i32
    %dma_wait3A_609 = tpu.memref_slice %arg5[%add3A_576, %dma_wait3A_608] : memref<16384x1024xf32, #tpu.memory_space<hbm>> -> memref<8x1024xf32, #tpu.memory_space<hbm>>
    tpu.wait_dma2 semaphore(%arg41 : memref<!tpu.dma_semaphore, #tpu.memory_space<semaphore_mem>>) src(%arg14 : memref<8x1024xf32, #tpu.memory_space<vmem>>) dst(%dma_wait3A_609 : memref<8x1024xf32, #tpu.memory_space<hbm>>)
    %dma_start3A_610 = arith.constant 184 : i32
    %dma_start3A_611 = tpu.memref_slice %arg6[%dma_start3A_610] : memref<512xi32, #tpu.memory_space<vmem>> -> memref<8xi32, #tpu.memory_space<vmem>>
    %dma_start3A_612 = arith.constant 0 : i32
    %dma_start3A_613 = arith.constant 0 : i32
    %dma_start3A_614 = tpu.memref_slice %arg3[%dma_start3A_612, %dma_start3A_613] : memref<100000x1024xf32, #tpu.memory_space<hbm>> -> memref<100000x1024xf32, #tpu.memory_space<hbm>>
    tpu.enqueue_indirect_dma source(%dma_start3A_614 : memref<100000x1024xf32, #tpu.memory_space<hbm>>) target(%arg14 : memref<8x1024xf32, #tpu.memory_space<vmem>>) offsets(%dma_start3A_611 : memref<8xi32, #tpu.memory_space<vmem>>) semaphore(%arg29 : memref<!tpu.dma_semaphore, #tpu.memory_space<semaphore_mem>>)
    %dma_wait3A_615 = arith.constant 0 : i32
    %dma_wait3A_616 = tpu.memref_slice %arg5[%add3A_584, %dma_wait3A_615] : memref<16384x1024xf32, #tpu.memory_space<hbm>> -> memref<8x1024xf32, #tpu.memory_space<hbm>>
    %dma_wait3A_617 = arith.constant 0 : i32
    %dma_wait3A_618 = tpu.memref_slice %arg5[%add3A_584, %dma_wait3A_617] : memref<16384x1024xf32, #tpu.memory_space<hbm>> -> memref<8x1024xf32, #tpu.memory_space<hbm>>
    tpu.wait_dma2 semaphore(%arg42 : memref<!tpu.dma_semaphore, #tpu.memory_space<semaphore_mem>>) src(%arg15 : memref<8x1024xf32, #tpu.memory_space<vmem>>) dst(%dma_wait3A_618 : memref<8x1024xf32, #tpu.memory_space<hbm>>)
    %dma_start3A_619 = arith.constant 312 : i32
    %dma_start3A_620 = tpu.memref_slice %arg6[%dma_start3A_619] : memref<512xi32, #tpu.memory_space<vmem>> -> memref<8xi32, #tpu.memory_space<vmem>>
    %dma_start3A_621 = arith.constant 0 : i32
    %dma_start3A_622 = arith.constant 0 : i32
    %dma_start3A_623 = tpu.memref_slice %arg3[%dma_start3A_621, %dma_start3A_622] : memref<100000x1024xf32, #tpu.memory_space<hbm>> -> memref<100000x1024xf32, #tpu.memory_space<hbm>>
    tpu.enqueue_indirect_dma source(%dma_start3A_623 : memref<100000x1024xf32, #tpu.memory_space<hbm>>) target(%arg15 : memref<8x1024xf32, #tpu.memory_space<vmem>>) offsets(%dma_start3A_620 : memref<8xi32, #tpu.memory_space<vmem>>) semaphore(%arg30 : memref<!tpu.dma_semaphore, #tpu.memory_space<semaphore_mem>>)
    %dma_wait3A_624 = arith.constant 0 : i32
    %dma_wait3A_625 = tpu.memref_slice %arg5[%add3A_592, %dma_wait3A_624] : memref<16384x1024xf32, #tpu.memory_space<hbm>> -> memref<8x1024xf32, #tpu.memory_space<hbm>>
    %dma_wait3A_626 = arith.constant 0 : i32
    %dma_wait3A_627 = tpu.memref_slice %arg5[%add3A_592, %dma_wait3A_626] : memref<16384x1024xf32, #tpu.memory_space<hbm>> -> memref<8x1024xf32, #tpu.memory_space<hbm>>
    tpu.wait_dma2 semaphore(%arg43 : memref<!tpu.dma_semaphore, #tpu.memory_space<semaphore_mem>>) src(%arg16 : memref<8x1024xf32, #tpu.memory_space<vmem>>) dst(%dma_wait3A_627 : memref<8x1024xf32, #tpu.memory_space<hbm>>)
    %dma_start3A_628 = arith.constant 440 : i32
    %dma_start3A_629 = tpu.memref_slice %arg6[%dma_start3A_628] : memref<512xi32, #tpu.memory_space<vmem>> -> memref<8xi32, #tpu.memory_space<vmem>>
    %dma_start3A_630 = arith.constant 0 : i32
    %dma_start3A_631 = arith.constant 0 : i32
    %dma_start3A_632 = tpu.memref_slice %arg3[%dma_start3A_630, %dma_start3A_631] : memref<100000x1024xf32, #tpu.memory_space<hbm>> -> memref<100000x1024xf32, #tpu.memory_space<hbm>>
    tpu.enqueue_indirect_dma source(%dma_start3A_632 : memref<100000x1024xf32, #tpu.memory_space<hbm>>) target(%arg16 : memref<8x1024xf32, #tpu.memory_space<vmem>>) offsets(%dma_start3A_629 : memref<8xi32, #tpu.memory_space<vmem>>) semaphore(%arg31 : memref<!tpu.dma_semaphore, #tpu.memory_space<semaphore_mem>>)
    %dma_wait3A_633 = arith.constant 0 : i32
    %dma_wait3A_634 = tpu.memref_slice %arg4[%add3A_459, %dma_wait3A_633] : memref<4096x1024xf32, #tpu.memory_space<hbm>> -> memref<8x1024xf32, #tpu.memory_space<hbm>>
    %dma_wait3A_635 = arith.constant 0 : i32
    %dma_wait3A_636 = tpu.memref_slice %arg4[%add3A_459, %dma_wait3A_635] : memref<4096x1024xf32, #tpu.memory_space<hbm>> -> memref<8x1024xf32, #tpu.memory_space<hbm>>
    tpu.wait_dma2 semaphore(%arg23 : memref<!tpu.dma_semaphore, #tpu.memory_space<semaphore_mem>>) src(%dma_wait3A_636 : memref<8x1024xf32, #tpu.memory_space<hbm>>) dst(%arg8 : memref<8x1024xf32, #tpu.memory_space<vmem>>)
    %dma_wait3A_637 = arith.constant 40 : i32
    %dma_wait3A_638 = tpu.memref_slice %arg6[%dma_wait3A_637] : memref<512xi32, #tpu.memory_space<vmem>> -> memref<8xi32, #tpu.memory_space<vmem>>
    %dma_wait3A_639 = arith.constant 0 : i32
    %dma_wait3A_640 = arith.constant 0 : i32
    %dma_wait3A_641 = tpu.memref_slice %arg3[%dma_wait3A_639, %dma_wait3A_640] : memref<100000x1024xf32, #tpu.memory_space<hbm>> -> memref<100000x1024xf32, #tpu.memory_space<hbm>>
    tpu.wait_indirect_dma semaphore(%arg32 : memref<!tpu.dma_semaphore, #tpu.memory_space<semaphore_mem>>) src(%dma_wait3A_641 : memref<100000x1024xf32, #tpu.memory_space<hbm>>) dst(%arg17 : memref<8x1024xf32, #tpu.memory_space<vmem>>)
    %dma_wait3A_642 = arith.constant 168 : i32
    %dma_wait3A_643 = tpu.memref_slice %arg6[%dma_wait3A_642] : memref<512xi32, #tpu.memory_space<vmem>> -> memref<8xi32, #tpu.memory_space<vmem>>
    %dma_wait3A_644 = arith.constant 0 : i32
    %dma_wait3A_645 = arith.constant 0 : i32
    %dma_wait3A_646 = tpu.memref_slice %arg3[%dma_wait3A_644, %dma_wait3A_645] : memref<100000x1024xf32, #tpu.memory_space<hbm>> -> memref<100000x1024xf32, #tpu.memory_space<hbm>>
    tpu.wait_indirect_dma semaphore(%arg33 : memref<!tpu.dma_semaphore, #tpu.memory_space<semaphore_mem>>) src(%dma_wait3A_646 : memref<100000x1024xf32, #tpu.memory_space<hbm>>) dst(%arg18 : memref<8x1024xf32, #tpu.memory_space<vmem>>)
    %dma_wait3A_647 = arith.constant 296 : i32
    %dma_wait3A_648 = tpu.memref_slice %arg6[%dma_wait3A_647] : memref<512xi32, #tpu.memory_space<vmem>> -> memref<8xi32, #tpu.memory_space<vmem>>
    %dma_wait3A_649 = arith.constant 0 : i32
    %dma_wait3A_650 = arith.constant 0 : i32
    %dma_wait3A_651 = tpu.memref_slice %arg3[%dma_wait3A_649, %dma_wait3A_650] : memref<100000x1024xf32, #tpu.memory_space<hbm>> -> memref<100000x1024xf32, #tpu.memory_space<hbm>>
    tpu.wait_indirect_dma semaphore(%arg34 : memref<!tpu.dma_semaphore, #tpu.memory_space<semaphore_mem>>) src(%dma_wait3A_651 : memref<100000x1024xf32, #tpu.memory_space<hbm>>) dst(%arg19 : memref<8x1024xf32, #tpu.memory_space<vmem>>)
    %dma_wait3A_652 = arith.constant 424 : i32
    %dma_wait3A_653 = tpu.memref_slice %arg6[%dma_wait3A_652] : memref<512xi32, #tpu.memory_space<vmem>> -> memref<8xi32, #tpu.memory_space<vmem>>
    %dma_wait3A_654 = arith.constant 0 : i32
    %dma_wait3A_655 = arith.constant 0 : i32
    %dma_wait3A_656 = tpu.memref_slice %arg3[%dma_wait3A_654, %dma_wait3A_655] : memref<100000x1024xf32, #tpu.memory_space<hbm>> -> memref<100000x1024xf32, #tpu.memory_space<hbm>>
    tpu.wait_indirect_dma semaphore(%arg35 : memref<!tpu.dma_semaphore, #tpu.memory_space<semaphore_mem>>) src(%dma_wait3A_656 : memref<100000x1024xf32, #tpu.memory_space<hbm>>) dst(%arg20 : memref<8x1024xf32, #tpu.memory_space<vmem>>)
    %parallel_loop3A_657 = arith.constant 0 : i32
    %parallel_loop3A_658 = arith.constant 512 : i32
    %parallel_loop3A_659 = arith.constant 1 : i32
    scf.for %parallel_loop3A_1672 = %parallel_loop3A_657 to %parallel_loop3A_658 step %parallel_loop3A_659  : i32 {
      %parallel_loop3A_1673 = arith.constant 6 : i32
      %parallel_loop3A_1674 = arith.shrsi %parallel_loop3A_1672, %parallel_loop3A_1673 : i32
      %parallel_loop3A_1675 = arith.constant 63 : i32
      %parallel_loop3A_1676 = arith.andi %parallel_loop3A_1672, %parallel_loop3A_1675 : i32
      %parallel_loop3A_1677 = arith.constant 16 : i32
      %parallel_loop3A_1678 = arith.muli %parallel_loop3A_1676, %parallel_loop3A_1677 : i32
      %parallel_loop3A_1679 = arith.index_cast %parallel_loop3A_1674 : i32 to index
      %parallel_loop3A_1680 = arith.index_cast %parallel_loop3A_1678 : i32 to index
      %parallel_loop3A_1681 = tpu.vector_load %arg8[%parallel_loop3A_1679, %parallel_loop3A_1680] {strides = array<i32>} : memref<8x1024xf32, #tpu.memory_space<vmem>>, vector<1x16xf32>,
      %parallel_loop3A_1682 = vector.shape_cast %parallel_loop3A_1681 : vector<1x16xf32> to vector<16xf32>
      %parallel_loop3A_1683 = arith.index_cast %parallel_loop3A_1674 : i32 to index
      %parallel_loop3A_1684 = arith.index_cast %parallel_loop3A_1678 : i32 to index
      %parallel_loop3A_1685 = tpu.vector_load %arg17[%parallel_loop3A_1683, %parallel_loop3A_1684] {strides = array<i32>} : memref<8x1024xf32, #tpu.memory_space<vmem>>, vector<1x16xf32>,
      %parallel_loop3A_1686 = vector.shape_cast %parallel_loop3A_1685 : vector<1x16xf32> to vector<16xf32>
      %parallel_loop3A_1687 = vector.shape_cast %parallel_loop3A_1682 : vector<16xf32> to vector<1x16xf32>
      tpu.vector_store %arg17[%parallel_loop3A_1683, %parallel_loop3A_1684], %parallel_loop3A_1687 {add = true, strides = array<i32>} : memref<8x1024xf32, #tpu.memory_space<vmem>>, vector<1x16xf32>,
      %parallel_loop3A_1688 = arith.index_cast %parallel_loop3A_1674 : i32 to index
      %parallel_loop3A_1689 = arith.index_cast %parallel_loop3A_1678 : i32 to index
      %parallel_loop3A_1690 = tpu.vector_load %arg18[%parallel_loop3A_1688, %parallel_loop3A_1689] {strides = array<i32>} : memref<8x1024xf32, #tpu.memory_space<vmem>>, vector<1x16xf32>,
      %parallel_loop3A_1691 = vector.shape_cast %parallel_loop3A_1690 : vector<1x16xf32> to vector<16xf32>
      %parallel_loop3A_1692 = vector.shape_cast %parallel_loop3A_1682 : vector<16xf32> to vector<1x16xf32>
      tpu.vector_store %arg18[%parallel_loop3A_1688, %parallel_loop3A_1689], %parallel_loop3A_1692 {add = true, strides = array<i32>} : memref<8x1024xf32, #tpu.memory_space<vmem>>, vector<1x16xf32>,
      %parallel_loop3A_1693 = arith.index_cast %parallel_loop3A_1674 : i32 to index
      %parallel_loop3A_1694 = arith.index_cast %parallel_loop3A_1678 : i32 to index
      %parallel_loop3A_1695 = tpu.vector_load %arg19[%parallel_loop3A_1693, %parallel_loop3A_1694] {strides = array<i32>} : memref<8x1024xf32, #tpu.memory_space<vmem>>, vector<1x16xf32>,
      %parallel_loop3A_1696 = vector.shape_cast %parallel_loop3A_1695 : vector<1x16xf32> to vector<16xf32>
      %parallel_loop3A_1697 = vector.shape_cast %parallel_loop3A_1682 : vector<16xf32> to vector<1x16xf32>
      tpu.vector_store %arg19[%parallel_loop3A_1693, %parallel_loop3A_1694], %parallel_loop3A_1697 {add = true, strides = array<i32>} : memref<8x1024xf32, #tpu.memory_space<vmem>>, vector<1x16xf32>,
      %parallel_loop3A_1698 = arith.index_cast %parallel_loop3A_1674 : i32 to index
      %parallel_loop3A_1699 = arith.index_cast %parallel_loop3A_1678 : i32 to index
      %parallel_loop3A_1700 = tpu.vector_load %arg20[%parallel_loop3A_1698, %parallel_loop3A_1699] {strides = array<i32>} : memref<8x1024xf32, #tpu.memory_space<vmem>>, vector<1x16xf32>,
      %parallel_loop3A_1701 = vector.shape_cast %parallel_loop3A_1700 : vector<1x16xf32> to vector<16xf32>
      %parallel_loop3A_1702 = vector.shape_cast %parallel_loop3A_1682 : vector<16xf32> to vector<1x16xf32>
      tpu.vector_store %arg20[%parallel_loop3A_1698, %parallel_loop3A_1699], %parallel_loop3A_1702 {add = true, strides = array<i32>} : memref<8x1024xf32, #tpu.memory_space<vmem>>, vector<1x16xf32>,
    } {sc.loop_unroll_factor = 2 : i64, sc.parallel_access}
    %add3A_660 = arith.constant 56 : i32
    %add3A_661 = arith.addi %mul3A_2, %add3A_660 : i32
    %dma_start3A_662 = arith.constant 0 : i32
    %dma_start3A_663 = tpu.memref_slice %arg4[%add3A_661, %dma_start3A_662] : memref<4096x1024xf32, #tpu.memory_space<hbm>> -> memref<8x1024xf32, #tpu.memory_space<hbm>>
    %dma_start3A_664 = arith.constant 0 : i32
    %dma_start3A_665 = tpu.memref_slice %arg4[%add3A_661, %dma_start3A_664] : memref<4096x1024xf32, #tpu.memory_space<hbm>> -> memref<8x1024xf32, #tpu.memory_space<hbm>>
    tpu.enqueue_dma source(%dma_start3A_665 : memref<8x1024xf32, #tpu.memory_space<hbm>>) target(%arg8 : memref<8x1024xf32, #tpu.memory_space<vmem>>) target_semaphore(%arg23 : memref<!tpu.dma_semaphore, #tpu.memory_space<semaphore_mem>>)
    %add3A_666 = arith.constant 0 : i32
    %add3A_667 = arith.addi %add3A_666, %mul3A_2 : i32
    %add3A_668 = arith.constant 40 : i32
    %add3A_669 = arith.addi %add3A_667, %add3A_668 : i32
    %dma_start3A_670 = arith.constant 0 : i32
    %dma_start3A_671 = tpu.memref_slice %arg5[%add3A_669, %dma_start3A_670] : memref<16384x1024xf32, #tpu.memory_space<hbm>> -> memref<8x1024xf32, #tpu.memory_space<hbm>>
    %dma_start3A_672 = arith.constant 0 : i32
    %dma_start3A_673 = tpu.memref_slice %arg5[%add3A_669, %dma_start3A_672] : memref<16384x1024xf32, #tpu.memory_space<hbm>> -> memref<8x1024xf32, #tpu.memory_space<hbm>>
    tpu.enqueue_dma source(%arg17 : memref<8x1024xf32, #tpu.memory_space<vmem>>) target(%dma_start3A_673 : memref<8x1024xf32, #tpu.memory_space<hbm>>) target_semaphore(%arg44 : memref<!tpu.dma_semaphore, #tpu.memory_space<semaphore_mem>>)
    %add3A_674 = arith.constant 4096 : i32
    %add3A_675 = arith.addi %add3A_674, %mul3A_2 : i32
    %add3A_676 = arith.constant 40 : i32
    %add3A_677 = arith.addi %add3A_675, %add3A_676 : i32
    %dma_start3A_678 = arith.constant 0 : i32
    %dma_start3A_679 = tpu.memref_slice %arg5[%add3A_677, %dma_start3A_678] : memref<16384x1024xf32, #tpu.memory_space<hbm>> -> memref<8x1024xf32, #tpu.memory_space<hbm>>
    %dma_start3A_680 = arith.constant 0 : i32
    %dma_start3A_681 = tpu.memref_slice %arg5[%add3A_677, %dma_start3A_680] : memref<16384x1024xf32, #tpu.memory_space<hbm>> -> memref<8x1024xf32, #tpu.memory_space<hbm>>
    tpu.enqueue_dma source(%arg18 : memref<8x1024xf32, #tpu.memory_space<vmem>>) target(%dma_start3A_681 : memref<8x1024xf32, #tpu.memory_space<hbm>>) target_semaphore(%arg45 : memref<!tpu.dma_semaphore, #tpu.memory_space<semaphore_mem>>)
    %add3A_682 = arith.constant 8192 : i32
    %add3A_683 = arith.addi %add3A_682, %mul3A_2 : i32
    %add3A_684 = arith.constant 40 : i32
    %add3A_685 = arith.addi %add3A_683, %add3A_684 : i32
    %dma_start3A_686 = arith.constant 0 : i32
    %dma_start3A_687 = tpu.memref_slice %arg5[%add3A_685, %dma_start3A_686] : memref<16384x1024xf32, #tpu.memory_space<hbm>> -> memref<8x1024xf32, #tpu.memory_space<hbm>>
    %dma_start3A_688 = arith.constant 0 : i32
    %dma_start3A_689 = tpu.memref_slice %arg5[%add3A_685, %dma_start3A_688] : memref<16384x1024xf32, #tpu.memory_space<hbm>> -> memref<8x1024xf32, #tpu.memory_space<hbm>>
    tpu.enqueue_dma source(%arg19 : memref<8x1024xf32, #tpu.memory_space<vmem>>) target(%dma_start3A_689 : memref<8x1024xf32, #tpu.memory_space<hbm>>) target_semaphore(%arg46 : memref<!tpu.dma_semaphore, #tpu.memory_space<semaphore_mem>>)
    %add3A_690 = arith.constant 12288 : i32
    %add3A_691 = arith.addi %add3A_690, %mul3A_2 : i32
    %add3A_692 = arith.constant 40 : i32
    %add3A_693 = arith.addi %add3A_691, %add3A_692 : i32
    %dma_start3A_694 = arith.constant 0 : i32
    %dma_start3A_695 = tpu.memref_slice %arg5[%add3A_693, %dma_start3A_694] : memref<16384x1024xf32, #tpu.memory_space<hbm>> -> memref<8x1024xf32, #tpu.memory_space<hbm>>
    %dma_start3A_696 = arith.constant 0 : i32
    %dma_start3A_697 = tpu.memref_slice %arg5[%add3A_693, %dma_start3A_696] : memref<16384x1024xf32, #tpu.memory_space<hbm>> -> memref<8x1024xf32, #tpu.memory_space<hbm>>
    tpu.enqueue_dma source(%arg20 : memref<8x1024xf32, #tpu.memory_space<vmem>>) target(%dma_start3A_697 : memref<8x1024xf32, #tpu.memory_space<hbm>>) target_semaphore(%arg47 : memref<!tpu.dma_semaphore, #tpu.memory_space<semaphore_mem>>)
    %dma_wait3A_698 = arith.constant 0 : i32
    %dma_wait3A_699 = tpu.memref_slice %arg5[%add3A_669, %dma_wait3A_698] : memref<16384x1024xf32, #tpu.memory_space<hbm>> -> memref<8x1024xf32, #tpu.memory_space<hbm>>
    %dma_wait3A_700 = arith.constant 0 : i32
    %dma_wait3A_701 = tpu.memref_slice %arg5[%add3A_669, %dma_wait3A_700] : memref<16384x1024xf32, #tpu.memory_space<hbm>> -> memref<8x1024xf32, #tpu.memory_space<hbm>>
    tpu.wait_dma2 semaphore(%arg44 : memref<!tpu.dma_semaphore, #tpu.memory_space<semaphore_mem>>) src(%arg17 : memref<8x1024xf32, #tpu.memory_space<vmem>>) dst(%dma_wait3A_701 : memref<8x1024xf32, #tpu.memory_space<hbm>>)
    %dma_start3A_702 = arith.constant 64 : i32
    %dma_start3A_703 = tpu.memref_slice %arg6[%dma_start3A_702] : memref<512xi32, #tpu.memory_space<vmem>> -> memref<8xi32, #tpu.memory_space<vmem>>
    %dma_start3A_704 = arith.constant 0 : i32
    %dma_start3A_705 = arith.constant 0 : i32
    %dma_start3A_706 = tpu.memref_slice %arg3[%dma_start3A_704, %dma_start3A_705] : memref<100000x1024xf32, #tpu.memory_space<hbm>> -> memref<100000x1024xf32, #tpu.memory_space<hbm>>
    tpu.enqueue_indirect_dma source(%dma_start3A_706 : memref<100000x1024xf32, #tpu.memory_space<hbm>>) target(%arg17 : memref<8x1024xf32, #tpu.memory_space<vmem>>) offsets(%dma_start3A_703 : memref<8xi32, #tpu.memory_space<vmem>>) semaphore(%arg32 : memref<!tpu.dma_semaphore, #tpu.memory_space<semaphore_mem>>)
    %dma_wait3A_707 = arith.constant 0 : i32
    %dma_wait3A_708 = tpu.memref_slice %arg5[%add3A_677, %dma_wait3A_707] : memref<16384x1024xf32, #tpu.memory_space<hbm>> -> memref<8x1024xf32, #tpu.memory_space<hbm>>
    %dma_wait3A_709 = arith.constant 0 : i32
    %dma_wait3A_710 = tpu.memref_slice %arg5[%add3A_677, %dma_wait3A_709] : memref<16384x1024xf32, #tpu.memory_space<hbm>> -> memref<8x1024xf32, #tpu.memory_space<hbm>>
    tpu.wait_dma2 semaphore(%arg45 : memref<!tpu.dma_semaphore, #tpu.memory_space<semaphore_mem>>) src(%arg18 : memref<8x1024xf32, #tpu.memory_space<vmem>>) dst(%dma_wait3A_710 : memref<8x1024xf32, #tpu.memory_space<hbm>>)
    %dma_start3A_711 = arith.constant 192 : i32
    %dma_start3A_712 = tpu.memref_slice %arg6[%dma_start3A_711] : memref<512xi32, #tpu.memory_space<vmem>> -> memref<8xi32, #tpu.memory_space<vmem>>
    %dma_start3A_713 = arith.constant 0 : i32
    %dma_start3A_714 = arith.constant 0 : i32
    %dma_start3A_715 = tpu.memref_slice %arg3[%dma_start3A_713, %dma_start3A_714] : memref<100000x1024xf32, #tpu.memory_space<hbm>> -> memref<100000x1024xf32, #tpu.memory_space<hbm>>
    tpu.enqueue_indirect_dma source(%dma_start3A_715 : memref<100000x1024xf32, #tpu.memory_space<hbm>>) target(%arg18 : memref<8x1024xf32, #tpu.memory_space<vmem>>) offsets(%dma_start3A_712 : memref<8xi32, #tpu.memory_space<vmem>>) semaphore(%arg33 : memref<!tpu.dma_semaphore, #tpu.memory_space<semaphore_mem>>)
    %dma_wait3A_716 = arith.constant 0 : i32
    %dma_wait3A_717 = tpu.memref_slice %arg5[%add3A_685, %dma_wait3A_716] : memref<16384x1024xf32, #tpu.memory_space<hbm>> -> memref<8x1024xf32, #tpu.memory_space<hbm>>
    %dma_wait3A_718 = arith.constant 0 : i32
    %dma_wait3A_719 = tpu.memref_slice %arg5[%add3A_685, %dma_wait3A_718] : memref<16384x1024xf32, #tpu.memory_space<hbm>> -> memref<8x1024xf32, #tpu.memory_space<hbm>>
    tpu.wait_dma2 semaphore(%arg46 : memref<!tpu.dma_semaphore, #tpu.memory_space<semaphore_mem>>) src(%arg19 : memref<8x1024xf32, #tpu.memory_space<vmem>>) dst(%dma_wait3A_719 : memref<8x1024xf32, #tpu.memory_space<hbm>>)
    %dma_start3A_720 = arith.constant 320 : i32
    %dma_start3A_721 = tpu.memref_slice %arg6[%dma_start3A_720] : memref<512xi32, #tpu.memory_space<vmem>> -> memref<8xi32, #tpu.memory_space<vmem>>
    %dma_start3A_722 = arith.constant 0 : i32
    %dma_start3A_723 = arith.constant 0 : i32
    %dma_start3A_724 = tpu.memref_slice %arg3[%dma_start3A_722, %dma_start3A_723] : memref<100000x1024xf32, #tpu.memory_space<hbm>> -> memref<100000x1024xf32, #tpu.memory_space<hbm>>
    tpu.enqueue_indirect_dma source(%dma_start3A_724 : memref<100000x1024xf32, #tpu.memory_space<hbm>>) target(%arg19 : memref<8x1024xf32, #tpu.memory_space<vmem>>) offsets(%dma_start3A_721 : memref<8xi32, #tpu.memory_space<vmem>>) semaphore(%arg34 : memref<!tpu.dma_semaphore, #tpu.memory_space<semaphore_mem>>)
    %dma_wait3A_725 = arith.constant 0 : i32
    %dma_wait3A_726 = tpu.memref_slice %arg5[%add3A_693, %dma_wait3A_725] : memref<16384x1024xf32, #tpu.memory_space<hbm>> -> memref<8x1024xf32, #tpu.memory_space<hbm>>
    %dma_wait3A_727 = arith.constant 0 : i32
    %dma_wait3A_728 = tpu.memref_slice %arg5[%add3A_693, %dma_wait3A_727] : memref<16384x1024xf32, #tpu.memory_space<hbm>> -> memref<8x1024xf32, #tpu.memory_space<hbm>>
    tpu.wait_dma2 semaphore(%arg47 : memref<!tpu.dma_semaphore, #tpu.memory_space<semaphore_mem>>) src(%arg20 : memref<8x1024xf32, #tpu.memory_space<vmem>>) dst(%dma_wait3A_728 : memref<8x1024xf32, #tpu.memory_space<hbm>>)
    %dma_start3A_729 = arith.constant 448 : i32
    %dma_start3A_730 = tpu.memref_slice %arg6[%dma_start3A_729] : memref<512xi32, #tpu.memory_space<vmem>> -> memref<8xi32, #tpu.memory_space<vmem>>
    %dma_start3A_731 = arith.constant 0 : i32
    %dma_start3A_732 = arith.constant 0 : i32
    %dma_start3A_733 = tpu.memref_slice %arg3[%dma_start3A_731, %dma_start3A_732] : memref<100000x1024xf32, #tpu.memory_space<hbm>> -> memref<100000x1024xf32, #tpu.memory_space<hbm>>
    tpu.enqueue_indirect_dma source(%dma_start3A_733 : memref<100000x1024xf32, #tpu.memory_space<hbm>>) target(%arg20 : memref<8x1024xf32, #tpu.memory_space<vmem>>) offsets(%dma_start3A_730 : memref<8xi32, #tpu.memory_space<vmem>>) semaphore(%arg35 : memref<!tpu.dma_semaphore, #tpu.memory_space<semaphore_mem>>)
    %dma_wait3A_734 = arith.constant 0 : i32
    %dma_wait3A_735 = tpu.memref_slice %arg4[%add3A_560, %dma_wait3A_734] : memref<4096x1024xf32, #tpu.memory_space<hbm>> -> memref<8x1024xf32, #tpu.memory_space<hbm>>
    %dma_wait3A_736 = arith.constant 0 : i32
    %dma_wait3A_737 = tpu.memref_slice %arg4[%add3A_560, %dma_wait3A_736] : memref<4096x1024xf32, #tpu.memory_space<hbm>> -> memref<8x1024xf32, #tpu.memory_space<hbm>>
    tpu.wait_dma2 semaphore(%arg22 : memref<!tpu.dma_semaphore, #tpu.memory_space<semaphore_mem>>) src(%dma_wait3A_737 : memref<8x1024xf32, #tpu.memory_space<hbm>>) dst(%arg7 : memref<8x1024xf32, #tpu.memory_space<vmem>>)
    %dma_wait3A_738 = arith.constant 48 : i32
    %dma_wait3A_739 = tpu.memref_slice %arg6[%dma_wait3A_738] : memref<512xi32, #tpu.memory_space<vmem>> -> memref<8xi32, #tpu.memory_space<vmem>>
    %dma_wait3A_740 = arith.constant 0 : i32
    %dma_wait3A_741 = arith.constant 0 : i32
    %dma_wait3A_742 = tpu.memref_slice %arg3[%dma_wait3A_740, %dma_wait3A_741] : memref<100000x1024xf32, #tpu.memory_space<hbm>> -> memref<100000x1024xf32, #tpu.memory_space<hbm>>
    tpu.wait_indirect_dma semaphore(%arg24 : memref<!tpu.dma_semaphore, #tpu.memory_space<semaphore_mem>>) src(%dma_wait3A_742 : memref<100000x1024xf32, #tpu.memory_space<hbm>>) dst(%arg9 : memref<8x1024xf32, #tpu.memory_space<vmem>>)
    %dma_wait3A_743 = arith.constant 176 : i32
    %dma_wait3A_744 = tpu.memref_slice %arg6[%dma_wait3A_743] : memref<512xi32, #tpu.memory_space<vmem>> -> memref<8xi32, #tpu.memory_space<vmem>>
    %dma_wait3A_745 = arith.constant 0 : i32
    %dma_wait3A_746 = arith.constant 0 : i32
    %dma_wait3A_747 = tpu.memref_slice %arg3[%dma_wait3A_745, %dma_wait3A_746] : memref<100000x1024xf32, #tpu.memory_space<hbm>> -> memref<100000x1024xf32, #tpu.memory_space<hbm>>
    tpu.wait_indirect_dma semaphore(%arg25 : memref<!tpu.dma_semaphore, #tpu.memory_space<semaphore_mem>>) src(%dma_wait3A_747 : memref<100000x1024xf32, #tpu.memory_space<hbm>>) dst(%arg10 : memref<8x1024xf32, #tpu.memory_space<vmem>>)
    %dma_wait3A_748 = arith.constant 304 : i32
    %dma_wait3A_749 = tpu.memref_slice %arg6[%dma_wait3A_748] : memref<512xi32, #tpu.memory_space<vmem>> -> memref<8xi32, #tpu.memory_space<vmem>>
    %dma_wait3A_750 = arith.constant 0 : i32
    %dma_wait3A_751 = arith.constant 0 : i32
    %dma_wait3A_752 = tpu.memref_slice %arg3[%dma_wait3A_750, %dma_wait3A_751] : memref<100000x1024xf32, #tpu.memory_space<hbm>> -> memref<100000x1024xf32, #tpu.memory_space<hbm>>
    tpu.wait_indirect_dma semaphore(%arg26 : memref<!tpu.dma_semaphore, #tpu.memory_space<semaphore_mem>>) src(%dma_wait3A_752 : memref<100000x1024xf32, #tpu.memory_space<hbm>>) dst(%arg11 : memref<8x1024xf32, #tpu.memory_space<vmem>>)
    %dma_wait3A_753 = arith.constant 432 : i32
    %dma_wait3A_754 = tpu.memref_slice %arg6[%dma_wait3A_753] : memref<512xi32, #tpu.memory_space<vmem>> -> memref<8xi32, #tpu.memory_space<vmem>>
    %dma_wait3A_755 = arith.constant 0 : i32
    %dma_wait3A_756 = arith.constant 0 : i32
    %dma_wait3A_757 = tpu.memref_slice %arg3[%dma_wait3A_755, %dma_wait3A_756] : memref<100000x1024xf32, #tpu.memory_space<hbm>> -> memref<100000x1024xf32, #tpu.memory_space<hbm>>
    tpu.wait_indirect_dma semaphore(%arg27 : memref<!tpu.dma_semaphore, #tpu.memory_space<semaphore_mem>>) src(%dma_wait3A_757 : memref<100000x1024xf32, #tpu.memory_space<hbm>>) dst(%arg12 : memref<8x1024xf32, #tpu.memory_space<vmem>>)
    %parallel_loop3A_758 = arith.constant 0 : i32
    %parallel_loop3A_759 = arith.constant 512 : i32
    %parallel_loop3A_760 = arith.constant 1 : i32
    scf.for %parallel_loop3A_1672 = %parallel_loop3A_758 to %parallel_loop3A_759 step %parallel_loop3A_760  : i32 {
      %parallel_loop3A_1673 = arith.constant 6 : i32
      %parallel_loop3A_1674 = arith.shrsi %parallel_loop3A_1672, %parallel_loop3A_1673 : i32
      %parallel_loop3A_1675 = arith.constant 63 : i32
      %parallel_loop3A_1676 = arith.andi %parallel_loop3A_1672, %parallel_loop3A_1675 : i32
      %parallel_loop3A_1677 = arith.constant 16 : i32
      %parallel_loop3A_1678 = arith.muli %parallel_loop3A_1676, %parallel_loop3A_1677 : i32
      %parallel_loop3A_1679 = arith.index_cast %parallel_loop3A_1674 : i32 to index
      %parallel_loop3A_1680 = arith.index_cast %parallel_loop3A_1678 : i32 to index
      %parallel_loop3A_1681 = tpu.vector_load %arg7[%parallel_loop3A_1679, %parallel_loop3A_1680] {strides = array<i32>} : memref<8x1024xf32, #tpu.memory_space<vmem>>, vector<1x16xf32>,
      %parallel_loop3A_1682 = vector.shape_cast %parallel_loop3A_1681 : vector<1x16xf32> to vector<16xf32>
      %parallel_loop3A_1683 = arith.index_cast %parallel_loop3A_1674 : i32 to index
      %parallel_loop3A_1684 = arith.index_cast %parallel_loop3A_1678 : i32 to index
      %parallel_loop3A_1685 = tpu.vector_load %arg9[%parallel_loop3A_1683, %parallel_loop3A_1684] {strides = array<i32>} : memref<8x1024xf32, #tpu.memory_space<vmem>>, vector<1x16xf32>,
      %parallel_loop3A_1686 = vector.shape_cast %parallel_loop3A_1685 : vector<1x16xf32> to vector<16xf32>
      %parallel_loop3A_1687 = vector.shape_cast %parallel_loop3A_1682 : vector<16xf32> to vector<1x16xf32>
      tpu.vector_store %arg9[%parallel_loop3A_1683, %parallel_loop3A_1684], %parallel_loop3A_1687 {add = true, strides = array<i32>} : memref<8x1024xf32, #tpu.memory_space<vmem>>, vector<1x16xf32>,
      %parallel_loop3A_1688 = arith.index_cast %parallel_loop3A_1674 : i32 to index
      %parallel_loop3A_1689 = arith.index_cast %parallel_loop3A_1678 : i32 to index
      %parallel_loop3A_1690 = tpu.vector_load %arg10[%parallel_loop3A_1688, %parallel_loop3A_1689] {strides = array<i32>} : memref<8x1024xf32, #tpu.memory_space<vmem>>, vector<1x16xf32>,
      %parallel_loop3A_1691 = vector.shape_cast %parallel_loop3A_1690 : vector<1x16xf32> to vector<16xf32>
      %parallel_loop3A_1692 = vector.shape_cast %parallel_loop3A_1682 : vector<16xf32> to vector<1x16xf32>
      tpu.vector_store %arg10[%parallel_loop3A_1688, %parallel_loop3A_1689], %parallel_loop3A_1692 {add = true, strides = array<i32>} : memref<8x1024xf32, #tpu.memory_space<vmem>>, vector<1x16xf32>,
      %parallel_loop3A_1693 = arith.index_cast %parallel_loop3A_1674 : i32 to index
      %parallel_loop3A_1694 = arith.index_cast %parallel_loop3A_1678 : i32 to index
      %parallel_loop3A_1695 = tpu.vector_load %arg11[%parallel_loop3A_1693, %parallel_loop3A_1694] {strides = array<i32>} : memref<8x1024xf32, #tpu.memory_space<vmem>>, vector<1x16xf32>,
      %parallel_loop3A_1696 = vector.shape_cast %parallel_loop3A_1695 : vector<1x16xf32> to vector<16xf32>
      %parallel_loop3A_1697 = vector.shape_cast %parallel_loop3A_1682 : vector<16xf32> to vector<1x16xf32>
      tpu.vector_store %arg11[%parallel_loop3A_1693, %parallel_loop3A_1694], %parallel_loop3A_1697 {add = true, strides = array<i32>} : memref<8x1024xf32, #tpu.memory_space<vmem>>, vector<1x16xf32>,
      %parallel_loop3A_1698 = arith.index_cast %parallel_loop3A_1674 : i32 to index
      %parallel_loop3A_1699 = arith.index_cast %parallel_loop3A_1678 : i32 to index
      %parallel_loop3A_1700 = tpu.vector_load %arg12[%parallel_loop3A_1698, %parallel_loop3A_1699] {strides = array<i32>} : memref<8x1024xf32, #tpu.memory_space<vmem>>, vector<1x16xf32>,
      %parallel_loop3A_1701 = vector.shape_cast %parallel_loop3A_1700 : vector<1x16xf32> to vector<16xf32>
      %parallel_loop3A_1702 = vector.shape_cast %parallel_loop3A_1682 : vector<16xf32> to vector<1x16xf32>
      tpu.vector_store %arg12[%parallel_loop3A_1698, %parallel_loop3A_1699], %parallel_loop3A_1702 {add = true, strides = array<i32>} : memref<8x1024xf32, #tpu.memory_space<vmem>>, vector<1x16xf32>,
    } {sc.loop_unroll_factor = 2 : i64, sc.parallel_access}
    %add3A_761 = arith.constant 64 : i32
    %add3A_762 = arith.addi %mul3A_2, %add3A_761 : i32
    %dma_start3A_763 = arith.constant 0 : i32
    %dma_start3A_764 = tpu.memref_slice %arg4[%add3A_762, %dma_start3A_763] : memref<4096x1024xf32, #tpu.memory_space<hbm>> -> memref<8x1024xf32, #tpu.memory_space<hbm>>
    %dma_start3A_765 = arith.constant 0 : i32
    %dma_start3A_766 = tpu.memref_slice %arg4[%add3A_762, %dma_start3A_765] : memref<4096x1024xf32, #tpu.memory_space<hbm>> -> memref<8x1024xf32, #tpu.memory_space<hbm>>
    tpu.enqueue_dma source(%dma_start3A_766 : memref<8x1024xf32, #tpu.memory_space<hbm>>) target(%arg7 : memref<8x1024xf32, #tpu.memory_space<vmem>>) target_semaphore(%arg22 : memref<!tpu.dma_semaphore, #tpu.memory_space<semaphore_mem>>)
    %add3A_767 = arith.constant 0 : i32
    %add3A_768 = arith.addi %add3A_767, %mul3A_2 : i32
    %add3A_769 = arith.constant 48 : i32
    %add3A_770 = arith.addi %add3A_768, %add3A_769 : i32
    %dma_start3A_771 = arith.constant 0 : i32
    %dma_start3A_772 = tpu.memref_slice %arg5[%add3A_770, %dma_start3A_771] : memref<16384x1024xf32, #tpu.memory_space<hbm>> -> memref<8x1024xf32, #tpu.memory_space<hbm>>
    %dma_start3A_773 = arith.constant 0 : i32
    %dma_start3A_774 = tpu.memref_slice %arg5[%add3A_770, %dma_start3A_773] : memref<16384x1024xf32, #tpu.memory_space<hbm>> -> memref<8x1024xf32, #tpu.memory_space<hbm>>
    tpu.enqueue_dma source(%arg9 : memref<8x1024xf32, #tpu.memory_space<vmem>>) target(%dma_start3A_774 : memref<8x1024xf32, #tpu.memory_space<hbm>>) target_semaphore(%arg36 : memref<!tpu.dma_semaphore, #tpu.memory_space<semaphore_mem>>)
    %add3A_775 = arith.constant 4096 : i32
    %add3A_776 = arith.addi %add3A_775, %mul3A_2 : i32
    %add3A_777 = arith.constant 48 : i32
    %add3A_778 = arith.addi %add3A_776, %add3A_777 : i32
    %dma_start3A_779 = arith.constant 0 : i32
    %dma_start3A_780 = tpu.memref_slice %arg5[%add3A_778, %dma_start3A_779] : memref<16384x1024xf32, #tpu.memory_space<hbm>> -> memref<8x1024xf32, #tpu.memory_space<hbm>>
    %dma_start3A_781 = arith.constant 0 : i32
    %dma_start3A_782 = tpu.memref_slice %arg5[%add3A_778, %dma_start3A_781] : memref<16384x1024xf32, #tpu.memory_space<hbm>> -> memref<8x1024xf32, #tpu.memory_space<hbm>>
    tpu.enqueue_dma source(%arg10 : memref<8x1024xf32, #tpu.memory_space<vmem>>) target(%dma_start3A_782 : memref<8x1024xf32, #tpu.memory_space<hbm>>) target_semaphore(%arg37 : memref<!tpu.dma_semaphore, #tpu.memory_space<semaphore_mem>>)
    %add3A_783 = arith.constant 8192 : i32
    %add3A_784 = arith.addi %add3A_783, %mul3A_2 : i32
    %add3A_785 = arith.constant 48 : i32
    %add3A_786 = arith.addi %add3A_784, %add3A_785 : i32
    %dma_start3A_787 = arith.constant 0 : i32
    %dma_start3A_788 = tpu.memref_slice %arg5[%add3A_786, %dma_start3A_787] : memref<16384x1024xf32, #tpu.memory_space<hbm>> -> memref<8x1024xf32, #tpu.memory_space<hbm>>
    %dma_start3A_789 = arith.constant 0 : i32
    %dma_start3A_790 = tpu.memref_slice %arg5[%add3A_786, %dma_start3A_789] : memref<16384x1024xf32, #tpu.memory_space<hbm>> -> memref<8x1024xf32, #tpu.memory_space<hbm>>
    tpu.enqueue_dma source(%arg11 : memref<8x1024xf32, #tpu.memory_space<vmem>>) target(%dma_start3A_790 : memref<8x1024xf32, #tpu.memory_space<hbm>>) target_semaphore(%arg38 : memref<!tpu.dma_semaphore, #tpu.memory_space<semaphore_mem>>)
    %add3A_791 = arith.constant 12288 : i32
    %add3A_792 = arith.addi %add3A_791, %mul3A_2 : i32
    %add3A_793 = arith.constant 48 : i32
    %add3A_794 = arith.addi %add3A_792, %add3A_793 : i32
    %dma_start3A_795 = arith.constant 0 : i32
    %dma_start3A_796 = tpu.memref_slice %arg5[%add3A_794, %dma_start3A_795] : memref<16384x1024xf32, #tpu.memory_space<hbm>> -> memref<8x1024xf32, #tpu.memory_space<hbm>>
    %dma_start3A_797 = arith.constant 0 : i32
    %dma_start3A_798 = tpu.memref_slice %arg5[%add3A_794, %dma_start3A_797] : memref<16384x1024xf32, #tpu.memory_space<hbm>> -> memref<8x1024xf32, #tpu.memory_space<hbm>>
    tpu.enqueue_dma source(%arg12 : memref<8x1024xf32, #tpu.memory_space<vmem>>) target(%dma_start3A_798 : memref<8x1024xf32, #tpu.memory_space<hbm>>) target_semaphore(%arg39 : memref<!tpu.dma_semaphore, #tpu.memory_space<semaphore_mem>>)
    %dma_wait3A_799 = arith.constant 0 : i32
    %dma_wait3A_800 = tpu.memref_slice %arg5[%add3A_770, %dma_wait3A_799] : memref<16384x1024xf32, #tpu.memory_space<hbm>> -> memref<8x1024xf32, #tpu.memory_space<hbm>>
    %dma_wait3A_801 = arith.constant 0 : i32
    %dma_wait3A_802 = tpu.memref_slice %arg5[%add3A_770, %dma_wait3A_801] : memref<16384x1024xf32, #tpu.memory_space<hbm>> -> memref<8x1024xf32, #tpu.memory_space<hbm>>
    tpu.wait_dma2 semaphore(%arg36 : memref<!tpu.dma_semaphore, #tpu.memory_space<semaphore_mem>>) src(%arg9 : memref<8x1024xf32, #tpu.memory_space<vmem>>) dst(%dma_wait3A_802 : memref<8x1024xf32, #tpu.memory_space<hbm>>)
    %dma_start3A_803 = arith.constant 72 : i32
    %dma_start3A_804 = tpu.memref_slice %arg6[%dma_start3A_803] : memref<512xi32, #tpu.memory_space<vmem>> -> memref<8xi32, #tpu.memory_space<vmem>>
    %dma_start3A_805 = arith.constant 0 : i32
    %dma_start3A_806 = arith.constant 0 : i32
    %dma_start3A_807 = tpu.memref_slice %arg3[%dma_start3A_805, %dma_start3A_806] : memref<100000x1024xf32, #tpu.memory_space<hbm>> -> memref<100000x1024xf32, #tpu.memory_space<hbm>>
    tpu.enqueue_indirect_dma source(%dma_start3A_807 : memref<100000x1024xf32, #tpu.memory_space<hbm>>) target(%arg9 : memref<8x1024xf32, #tpu.memory_space<vmem>>) offsets(%dma_start3A_804 : memref<8xi32, #tpu.memory_space<vmem>>) semaphore(%arg24 : memref<!tpu.dma_semaphore, #tpu.memory_space<semaphore_mem>>)
    %dma_wait3A_808 = arith.constant 0 : i32
    %dma_wait3A_809 = tpu.memref_slice %arg5[%add3A_778, %dma_wait3A_808] : memref<16384x1024xf32, #tpu.memory_space<hbm>> -> memref<8x1024xf32, #tpu.memory_space<hbm>>
    %dma_wait3A_810 = arith.constant 0 : i32
    %dma_wait3A_811 = tpu.memref_slice %arg5[%add3A_778, %dma_wait3A_810] : memref<16384x1024xf32, #tpu.memory_space<hbm>> -> memref<8x1024xf32, #tpu.memory_space<hbm>>
    tpu.wait_dma2 semaphore(%arg37 : memref<!tpu.dma_semaphore, #tpu.memory_space<semaphore_mem>>) src(%arg10 : memref<8x1024xf32, #tpu.memory_space<vmem>>) dst(%dma_wait3A_811 : memref<8x1024xf32, #tpu.memory_space<hbm>>)
    %dma_start3A_812 = arith.constant 200 : i32
    %dma_start3A_813 = tpu.memref_slice %arg6[%dma_start3A_812] : memref<512xi32, #tpu.memory_space<vmem>> -> memref<8xi32, #tpu.memory_space<vmem>>
    %dma_start3A_814 = arith.constant 0 : i32
    %dma_start3A_815 = arith.constant 0 : i32
    %dma_start3A_816 = tpu.memref_slice %arg3[%dma_start3A_814, %dma_start3A_815] : memref<100000x1024xf32, #tpu.memory_space<hbm>> -> memref<100000x1024xf32, #tpu.memory_space<hbm>>
    tpu.enqueue_indirect_dma source(%dma_start3A_816 : memref<100000x1024xf32, #tpu.memory_space<hbm>>) target(%arg10 : memref<8x1024xf32, #tpu.memory_space<vmem>>) offsets(%dma_start3A_813 : memref<8xi32, #tpu.memory_space<vmem>>) semaphore(%arg25 : memref<!tpu.dma_semaphore, #tpu.memory_space<semaphore_mem>>)
    %dma_wait3A_817 = arith.constant 0 : i32
    %dma_wait3A_818 = tpu.memref_slice %arg5[%add3A_786, %dma_wait3A_817] : memref<16384x1024xf32, #tpu.memory_space<hbm>> -> memref<8x1024xf32, #tpu.memory_space<hbm>>
    %dma_wait3A_819 = arith.constant 0 : i32
    %dma_wait3A_820 = tpu.memref_slice %arg5[%add3A_786, %dma_wait3A_819] : memref<16384x1024xf32, #tpu.memory_space<hbm>> -> memref<8x1024xf32, #tpu.memory_space<hbm>>
    tpu.wait_dma2 semaphore(%arg38 : memref<!tpu.dma_semaphore, #tpu.memory_space<semaphore_mem>>) src(%arg11 : memref<8x1024xf32, #tpu.memory_space<vmem>>) dst(%dma_wait3A_820 : memref<8x1024xf32, #tpu.memory_space<hbm>>)
    %dma_start3A_821 = arith.constant 328 : i32
    %dma_start3A_822 = tpu.memref_slice %arg6[%dma_start3A_821] : memref<512xi32, #tpu.memory_space<vmem>> -> memref<8xi32, #tpu.memory_space<vmem>>
    %dma_start3A_823 = arith.constant 0 : i32
    %dma_start3A_824 = arith.constant 0 : i32
    %dma_start3A_825 = tpu.memref_slice %arg3[%dma_start3A_823, %dma_start3A_824] : memref<100000x1024xf32, #tpu.memory_space<hbm>> -> memref<100000x1024xf32, #tpu.memory_space<hbm>>
    tpu.enqueue_indirect_dma source(%dma_start3A_825 : memref<100000x1024xf32, #tpu.memory_space<hbm>>) target(%arg11 : memref<8x1024xf32, #tpu.memory_space<vmem>>) offsets(%dma_start3A_822 : memref<8xi32, #tpu.memory_space<vmem>>) semaphore(%arg26 : memref<!tpu.dma_semaphore, #tpu.memory_space<semaphore_mem>>)
    %dma_wait3A_826 = arith.constant 0 : i32
    %dma_wait3A_827 = tpu.memref_slice %arg5[%add3A_794, %dma_wait3A_826] : memref<16384x1024xf32, #tpu.memory_space<hbm>> -> memref<8x1024xf32, #tpu.memory_space<hbm>>
    %dma_wait3A_828 = arith.constant 0 : i32
    %dma_wait3A_829 = tpu.memref_slice %arg5[%add3A_794, %dma_wait3A_828] : memref<16384x1024xf32, #tpu.memory_space<hbm>> -> memref<8x1024xf32, #tpu.memory_space<hbm>>
    tpu.wait_dma2 semaphore(%arg39 : memref<!tpu.dma_semaphore, #tpu.memory_space<semaphore_mem>>) src(%arg12 : memref<8x1024xf32, #tpu.memory_space<vmem>>) dst(%dma_wait3A_829 : memref<8x1024xf32, #tpu.memory_space<hbm>>)
    %dma_start3A_830 = arith.constant 456 : i32
    %dma_start3A_831 = tpu.memref_slice %arg6[%dma_start3A_830] : memref<512xi32, #tpu.memory_space<vmem>> -> memref<8xi32, #tpu.memory_space<vmem>>
    %dma_start3A_832 = arith.constant 0 : i32
    %dma_start3A_833 = arith.constant 0 : i32
    %dma_start3A_834 = tpu.memref_slice %arg3[%dma_start3A_832, %dma_start3A_833] : memref<100000x1024xf32, #tpu.memory_space<hbm>> -> memref<100000x1024xf32, #tpu.memory_space<hbm>>
    tpu.enqueue_indirect_dma source(%dma_start3A_834 : memref<100000x1024xf32, #tpu.memory_space<hbm>>) target(%arg12 : memref<8x1024xf32, #tpu.memory_space<vmem>>) offsets(%dma_start3A_831 : memref<8xi32, #tpu.memory_space<vmem>>) semaphore(%arg27 : memref<!tpu.dma_semaphore, #tpu.memory_space<semaphore_mem>>)
    %dma_wait3A_835 = arith.constant 0 : i32
    %dma_wait3A_836 = tpu.memref_slice %arg4[%add3A_661, %dma_wait3A_835] : memref<4096x1024xf32, #tpu.memory_space<hbm>> -> memref<8x1024xf32, #tpu.memory_space<hbm>>
    %dma_wait3A_837 = arith.constant 0 : i32
    %dma_wait3A_838 = tpu.memref_slice %arg4[%add3A_661, %dma_wait3A_837] : memref<4096x1024xf32, #tpu.memory_space<hbm>> -> memref<8x1024xf32, #tpu.memory_space<hbm>>
    tpu.wait_dma2 semaphore(%arg23 : memref<!tpu.dma_semaphore, #tpu.memory_space<semaphore_mem>>) src(%dma_wait3A_838 : memref<8x1024xf32, #tpu.memory_space<hbm>>) dst(%arg8 : memref<8x1024xf32, #tpu.memory_space<vmem>>)
    %dma_wait3A_839 = arith.constant 56 : i32
    %dma_wait3A_840 = tpu.memref_slice %arg6[%dma_wait3A_839] : memref<512xi32, #tpu.memory_space<vmem>> -> memref<8xi32, #tpu.memory_space<vmem>>
    %dma_wait3A_841 = arith.constant 0 : i32
    %dma_wait3A_842 = arith.constant 0 : i32
    %dma_wait3A_843 = tpu.memref_slice %arg3[%dma_wait3A_841, %dma_wait3A_842] : memref<100000x1024xf32, #tpu.memory_space<hbm>> -> memref<100000x1024xf32, #tpu.memory_space<hbm>>
    tpu.wait_indirect_dma semaphore(%arg28 : memref<!tpu.dma_semaphore, #tpu.memory_space<semaphore_mem>>) src(%dma_wait3A_843 : memref<100000x1024xf32, #tpu.memory_space<hbm>>) dst(%arg13 : memref<8x1024xf32, #tpu.memory_space<vmem>>)
    %dma_wait3A_844 = arith.constant 184 : i32
    %dma_wait3A_845 = tpu.memref_slice %arg6[%dma_wait3A_844] : memref<512xi32, #tpu.memory_space<vmem>> -> memref<8xi32, #tpu.memory_space<vmem>>
    %dma_wait3A_846 = arith.constant 0 : i32
    %dma_wait3A_847 = arith.constant 0 : i32
    %dma_wait3A_848 = tpu.memref_slice %arg3[%dma_wait3A_846, %dma_wait3A_847] : memref<100000x1024xf32, #tpu.memory_space<hbm>> -> memref<100000x1024xf32, #tpu.memory_space<hbm>>
    tpu.wait_indirect_dma semaphore(%arg29 : memref<!tpu.dma_semaphore, #tpu.memory_space<semaphore_mem>>) src(%dma_wait3A_848 : memref<100000x1024xf32, #tpu.memory_space<hbm>>) dst(%arg14 : memref<8x1024xf32, #tpu.memory_space<vmem>>)
    %dma_wait3A_849 = arith.constant 312 : i32
    %dma_wait3A_850 = tpu.memref_slice %arg6[%dma_wait3A_849] : memref<512xi32, #tpu.memory_space<vmem>> -> memref<8xi32, #tpu.memory_space<vmem>>
    %dma_wait3A_851 = arith.constant 0 : i32
    %dma_wait3A_852 = arith.constant 0 : i32
    %dma_wait3A_853 = tpu.memref_slice %arg3[%dma_wait3A_851, %dma_wait3A_852] : memref<100000x1024xf32, #tpu.memory_space<hbm>> -> memref<100000x1024xf32, #tpu.memory_space<hbm>>
    tpu.wait_indirect_dma semaphore(%arg30 : memref<!tpu.dma_semaphore, #tpu.memory_space<semaphore_mem>>) src(%dma_wait3A_853 : memref<100000x1024xf32, #tpu.memory_space<hbm>>) dst(%arg15 : memref<8x1024xf32, #tpu.memory_space<vmem>>)
    %dma_wait3A_854 = arith.constant 440 : i32
    %dma_wait3A_855 = tpu.memref_slice %arg6[%dma_wait3A_854] : memref<512xi32, #tpu.memory_space<vmem>> -> memref<8xi32, #tpu.memory_space<vmem>>
    %dma_wait3A_856 = arith.constant 0 : i32
    %dma_wait3A_857 = arith.constant 0 : i32
    %dma_wait3A_858 = tpu.memref_slice %arg3[%dma_wait3A_856, %dma_wait3A_857] : memref<100000x1024xf32, #tpu.memory_space<hbm>> -> memref<100000x1024xf32, #tpu.memory_space<hbm>>
    tpu.wait_indirect_dma semaphore(%arg31 : memref<!tpu.dma_semaphore, #tpu.memory_space<semaphore_mem>>) src(%dma_wait3A_858 : memref<100000x1024xf32, #tpu.memory_space<hbm>>) dst(%arg16 : memref<8x1024xf32, #tpu.memory_space<vmem>>)
    %parallel_loop3A_859 = arith.constant 0 : i32
    %parallel_loop3A_860 = arith.constant 512 : i32
    %parallel_loop3A_861 = arith.constant 1 : i32
    scf.for %parallel_loop3A_1672 = %parallel_loop3A_859 to %parallel_loop3A_860 step %parallel_loop3A_861  : i32 {
      %parallel_loop3A_1673 = arith.constant 6 : i32
      %parallel_loop3A_1674 = arith.shrsi %parallel_loop3A_1672, %parallel_loop3A_1673 : i32
      %parallel_loop3A_1675 = arith.constant 63 : i32
      %parallel_loop3A_1676 = arith.andi %parallel_loop3A_1672, %parallel_loop3A_1675 : i32
      %parallel_loop3A_1677 = arith.constant 16 : i32
      %parallel_loop3A_1678 = arith.muli %parallel_loop3A_1676, %parallel_loop3A_1677 : i32
      %parallel_loop3A_1679 = arith.index_cast %parallel_loop3A_1674 : i32 to index
      %parallel_loop3A_1680 = arith.index_cast %parallel_loop3A_1678 : i32 to index
      %parallel_loop3A_1681 = tpu.vector_load %arg8[%parallel_loop3A_1679, %parallel_loop3A_1680] {strides = array<i32>} : memref<8x1024xf32, #tpu.memory_space<vmem>>, vector<1x16xf32>,
      %parallel_loop3A_1682 = vector.shape_cast %parallel_loop3A_1681 : vector<1x16xf32> to vector<16xf32>
      %parallel_loop3A_1683 = arith.index_cast %parallel_loop3A_1674 : i32 to index
      %parallel_loop3A_1684 = arith.index_cast %parallel_loop3A_1678 : i32 to index
      %parallel_loop3A_1685 = tpu.vector_load %arg13[%parallel_loop3A_1683, %parallel_loop3A_1684] {strides = array<i32>} : memref<8x1024xf32, #tpu.memory_space<vmem>>, vector<1x16xf32>,
      %parallel_loop3A_1686 = vector.shape_cast %parallel_loop3A_1685 : vector<1x16xf32> to vector<16xf32>
      %parallel_loop3A_1687 = vector.shape_cast %parallel_loop3A_1682 : vector<16xf32> to vector<1x16xf32>
      tpu.vector_store %arg13[%parallel_loop3A_1683, %parallel_loop3A_1684], %parallel_loop3A_1687 {add = true, strides = array<i32>} : memref<8x1024xf32, #tpu.memory_space<vmem>>, vector<1x16xf32>,
      %parallel_loop3A_1688 = arith.index_cast %parallel_loop3A_1674 : i32 to index
      %parallel_loop3A_1689 = arith.index_cast %parallel_loop3A_1678 : i32 to index
      %parallel_loop3A_1690 = tpu.vector_load %arg14[%parallel_loop3A_1688, %parallel_loop3A_1689] {strides = array<i32>} : memref<8x1024xf32, #tpu.memory_space<vmem>>, vector<1x16xf32>,
      %parallel_loop3A_1691 = vector.shape_cast %parallel_loop3A_1690 : vector<1x16xf32> to vector<16xf32>
      %parallel_loop3A_1692 = vector.shape_cast %parallel_loop3A_1682 : vector<16xf32> to vector<1x16xf32>
      tpu.vector_store %arg14[%parallel_loop3A_1688, %parallel_loop3A_1689], %parallel_loop3A_1692 {add = true, strides = array<i32>} : memref<8x1024xf32, #tpu.memory_space<vmem>>, vector<1x16xf32>,
      %parallel_loop3A_1693 = arith.index_cast %parallel_loop3A_1674 : i32 to index
      %parallel_loop3A_1694 = arith.index_cast %parallel_loop3A_1678 : i32 to index
      %parallel_loop3A_1695 = tpu.vector_load %arg15[%parallel_loop3A_1693, %parallel_loop3A_1694] {strides = array<i32>} : memref<8x1024xf32, #tpu.memory_space<vmem>>, vector<1x16xf32>,
      %parallel_loop3A_1696 = vector.shape_cast %parallel_loop3A_1695 : vector<1x16xf32> to vector<16xf32>
      %parallel_loop3A_1697 = vector.shape_cast %parallel_loop3A_1682 : vector<16xf32> to vector<1x16xf32>
      tpu.vector_store %arg15[%parallel_loop3A_1693, %parallel_loop3A_1694], %parallel_loop3A_1697 {add = true, strides = array<i32>} : memref<8x1024xf32, #tpu.memory_space<vmem>>, vector<1x16xf32>,
      %parallel_loop3A_1698 = arith.index_cast %parallel_loop3A_1674 : i32 to index
      %parallel_loop3A_1699 = arith.index_cast %parallel_loop3A_1678 : i32 to index
      %parallel_loop3A_1700 = tpu.vector_load %arg16[%parallel_loop3A_1698, %parallel_loop3A_1699] {strides = array<i32>} : memref<8x1024xf32, #tpu.memory_space<vmem>>, vector<1x16xf32>,
      %parallel_loop3A_1701 = vector.shape_cast %parallel_loop3A_1700 : vector<1x16xf32> to vector<16xf32>
      %parallel_loop3A_1702 = vector.shape_cast %parallel_loop3A_1682 : vector<16xf32> to vector<1x16xf32>
      tpu.vector_store %arg16[%parallel_loop3A_1698, %parallel_loop3A_1699], %parallel_loop3A_1702 {add = true, strides = array<i32>} : memref<8x1024xf32, #tpu.memory_space<vmem>>, vector<1x16xf32>,
    } {sc.loop_unroll_factor = 2 : i64, sc.parallel_access}
    %add3A_862 = arith.constant 72 : i32
    %add3A_863 = arith.addi %mul3A_2, %add3A_862 : i32
    %dma_start3A_864 = arith.constant 0 : i32
    %dma_start3A_865 = tpu.memref_slice %arg4[%add3A_863, %dma_start3A_864] : memref<4096x1024xf32, #tpu.memory_space<hbm>> -> memref<8x1024xf32, #tpu.memory_space<hbm>>
    %dma_start3A_866 = arith.constant 0 : i32
    %dma_start3A_867 = tpu.memref_slice %arg4[%add3A_863, %dma_start3A_866] : memref<4096x1024xf32, #tpu.memory_space<hbm>> -> memref<8x1024xf32, #tpu.memory_space<hbm>>
    tpu.enqueue_dma source(%dma_start3A_867 : memref<8x1024xf32, #tpu.memory_space<hbm>>) target(%arg8 : memref<8x1024xf32, #tpu.memory_space<vmem>>) target_semaphore(%arg23 : memref<!tpu.dma_semaphore, #tpu.memory_space<semaphore_mem>>)
    %add3A_868 = arith.constant 0 : i32
    %add3A_869 = arith.addi %add3A_868, %mul3A_2 : i32
    %add3A_870 = arith.constant 56 : i32
    %add3A_871 = arith.addi %add3A_869, %add3A_870 : i32
    %dma_start3A_872 = arith.constant 0 : i32
    %dma_start3A_873 = tpu.memref_slice %arg5[%add3A_871, %dma_start3A_872] : memref<16384x1024xf32, #tpu.memory_space<hbm>> -> memref<8x1024xf32, #tpu.memory_space<hbm>>
    %dma_start3A_874 = arith.constant 0 : i32
    %dma_start3A_875 = tpu.memref_slice %arg5[%add3A_871, %dma_start3A_874] : memref<16384x1024xf32, #tpu.memory_space<hbm>> -> memref<8x1024xf32, #tpu.memory_space<hbm>>
    tpu.enqueue_dma source(%arg13 : memref<8x1024xf32, #tpu.memory_space<vmem>>) target(%dma_start3A_875 : memref<8x1024xf32, #tpu.memory_space<hbm>>) target_semaphore(%arg40 : memref<!tpu.dma_semaphore, #tpu.memory_space<semaphore_mem>>)
    %add3A_876 = arith.constant 4096 : i32
    %add3A_877 = arith.addi %add3A_876, %mul3A_2 : i32
    %add3A_878 = arith.constant 56 : i32
    %add3A_879 = arith.addi %add3A_877, %add3A_878 : i32
    %dma_start3A_880 = arith.constant 0 : i32
    %dma_start3A_881 = tpu.memref_slice %arg5[%add3A_879, %dma_start3A_880] : memref<16384x1024xf32, #tpu.memory_space<hbm>> -> memref<8x1024xf32, #tpu.memory_space<hbm>>
    %dma_start3A_882 = arith.constant 0 : i32
    %dma_start3A_883 = tpu.memref_slice %arg5[%add3A_879, %dma_start3A_882] : memref<16384x1024xf32, #tpu.memory_space<hbm>> -> memref<8x1024xf32, #tpu.memory_space<hbm>>
    tpu.enqueue_dma source(%arg14 : memref<8x1024xf32, #tpu.memory_space<vmem>>) target(%dma_start3A_883 : memref<8x1024xf32, #tpu.memory_space<hbm>>) target_semaphore(%arg41 : memref<!tpu.dma_semaphore, #tpu.memory_space<semaphore_mem>>)
    %add3A_884 = arith.constant 8192 : i32
    %add3A_885 = arith.addi %add3A_884, %mul3A_2 : i32
    %add3A_886 = arith.constant 56 : i32
    %add3A_887 = arith.addi %add3A_885, %add3A_886 : i32
    %dma_start3A_888 = arith.constant 0 : i32
    %dma_start3A_889 = tpu.memref_slice %arg5[%add3A_887, %dma_start3A_888] : memref<16384x1024xf32, #tpu.memory_space<hbm>> -> memref<8x1024xf32, #tpu.memory_space<hbm>>
    %dma_start3A_890 = arith.constant 0 : i32
    %dma_start3A_891 = tpu.memref_slice %arg5[%add3A_887, %dma_start3A_890] : memref<16384x1024xf32, #tpu.memory_space<hbm>> -> memref<8x1024xf32, #tpu.memory_space<hbm>>
    tpu.enqueue_dma source(%arg15 : memref<8x1024xf32, #tpu.memory_space<vmem>>) target(%dma_start3A_891 : memref<8x1024xf32, #tpu.memory_space<hbm>>) target_semaphore(%arg42 : memref<!tpu.dma_semaphore, #tpu.memory_space<semaphore_mem>>)
    %add3A_892 = arith.constant 12288 : i32
    %add3A_893 = arith.addi %add3A_892, %mul3A_2 : i32
    %add3A_894 = arith.constant 56 : i32
    %add3A_895 = arith.addi %add3A_893, %add3A_894 : i32
    %dma_start3A_896 = arith.constant 0 : i32
    %dma_start3A_897 = tpu.memref_slice %arg5[%add3A_895, %dma_start3A_896] : memref<16384x1024xf32, #tpu.memory_space<hbm>> -> memref<8x1024xf32, #tpu.memory_space<hbm>>
    %dma_start3A_898 = arith.constant 0 : i32
    %dma_start3A_899 = tpu.memref_slice %arg5[%add3A_895, %dma_start3A_898] : memref<16384x1024xf32, #tpu.memory_space<hbm>> -> memref<8x1024xf32, #tpu.memory_space<hbm>>
    tpu.enqueue_dma source(%arg16 : memref<8x1024xf32, #tpu.memory_space<vmem>>) target(%dma_start3A_899 : memref<8x1024xf32, #tpu.memory_space<hbm>>) target_semaphore(%arg43 : memref<!tpu.dma_semaphore, #tpu.memory_space<semaphore_mem>>)
    %dma_wait3A_900 = arith.constant 0 : i32
    %dma_wait3A_901 = tpu.memref_slice %arg5[%add3A_871, %dma_wait3A_900] : memref<16384x1024xf32, #tpu.memory_space<hbm>> -> memref<8x1024xf32, #tpu.memory_space<hbm>>
    %dma_wait3A_902 = arith.constant 0 : i32
    %dma_wait3A_903 = tpu.memref_slice %arg5[%add3A_871, %dma_wait3A_902] : memref<16384x1024xf32, #tpu.memory_space<hbm>> -> memref<8x1024xf32, #tpu.memory_space<hbm>>
    tpu.wait_dma2 semaphore(%arg40 : memref<!tpu.dma_semaphore, #tpu.memory_space<semaphore_mem>>) src(%arg13 : memref<8x1024xf32, #tpu.memory_space<vmem>>) dst(%dma_wait3A_903 : memref<8x1024xf32, #tpu.memory_space<hbm>>)
    %dma_start3A_904 = arith.constant 80 : i32
    %dma_start3A_905 = tpu.memref_slice %arg6[%dma_start3A_904] : memref<512xi32, #tpu.memory_space<vmem>> -> memref<8xi32, #tpu.memory_space<vmem>>
    %dma_start3A_906 = arith.constant 0 : i32
    %dma_start3A_907 = arith.constant 0 : i32
    %dma_start3A_908 = tpu.memref_slice %arg3[%dma_start3A_906, %dma_start3A_907] : memref<100000x1024xf32, #tpu.memory_space<hbm>> -> memref<100000x1024xf32, #tpu.memory_space<hbm>>
    tpu.enqueue_indirect_dma source(%dma_start3A_908 : memref<100000x1024xf32, #tpu.memory_space<hbm>>) target(%arg13 : memref<8x1024xf32, #tpu.memory_space<vmem>>) offsets(%dma_start3A_905 : memref<8xi32, #tpu.memory_space<vmem>>) semaphore(%arg28 : memref<!tpu.dma_semaphore, #tpu.memory_space<semaphore_mem>>)
    %dma_wait3A_909 = arith.constant 0 : i32
    %dma_wait3A_910 = tpu.memref_slice %arg5[%add3A_879, %dma_wait3A_909] : memref<16384x1024xf32, #tpu.memory_space<hbm>> -> memref<8x1024xf32, #tpu.memory_space<hbm>>
    %dma_wait3A_911 = arith.constant 0 : i32
    %dma_wait3A_912 = tpu.memref_slice %arg5[%add3A_879, %dma_wait3A_911] : memref<16384x1024xf32, #tpu.memory_space<hbm>> -> memref<8x1024xf32, #tpu.memory_space<hbm>>
    tpu.wait_dma2 semaphore(%arg41 : memref<!tpu.dma_semaphore, #tpu.memory_space<semaphore_mem>>) src(%arg14 : memref<8x1024xf32, #tpu.memory_space<vmem>>) dst(%dma_wait3A_912 : memref<8x1024xf32, #tpu.memory_space<hbm>>)
    %dma_start3A_913 = arith.constant 208 : i32
    %dma_start3A_914 = tpu.memref_slice %arg6[%dma_start3A_913] : memref<512xi32, #tpu.memory_space<vmem>> -> memref<8xi32, #tpu.memory_space<vmem>>
    %dma_start3A_915 = arith.constant 0 : i32
    %dma_start3A_916 = arith.constant 0 : i32
    %dma_start3A_917 = tpu.memref_slice %arg3[%dma_start3A_915, %dma_start3A_916] : memref<100000x1024xf32, #tpu.memory_space<hbm>> -> memref<100000x1024xf32, #tpu.memory_space<hbm>>
    tpu.enqueue_indirect_dma source(%dma_start3A_917 : memref<100000x1024xf32, #tpu.memory_space<hbm>>) target(%arg14 : memref<8x1024xf32, #tpu.memory_space<vmem>>) offsets(%dma_start3A_914 : memref<8xi32, #tpu.memory_space<vmem>>) semaphore(%arg29 : memref<!tpu.dma_semaphore, #tpu.memory_space<semaphore_mem>>)
    %dma_wait3A_918 = arith.constant 0 : i32
    %dma_wait3A_919 = tpu.memref_slice %arg5[%add3A_887, %dma_wait3A_918] : memref<16384x1024xf32, #tpu.memory_space<hbm>> -> memref<8x1024xf32, #tpu.memory_space<hbm>>
    %dma_wait3A_920 = arith.constant 0 : i32
    %dma_wait3A_921 = tpu.memref_slice %arg5[%add3A_887, %dma_wait3A_920] : memref<16384x1024xf32, #tpu.memory_space<hbm>> -> memref<8x1024xf32, #tpu.memory_space<hbm>>
    tpu.wait_dma2 semaphore(%arg42 : memref<!tpu.dma_semaphore, #tpu.memory_space<semaphore_mem>>) src(%arg15 : memref<8x1024xf32, #tpu.memory_space<vmem>>) dst(%dma_wait3A_921 : memref<8x1024xf32, #tpu.memory_space<hbm>>)
    %dma_start3A_922 = arith.constant 336 : i32
    %dma_start3A_923 = tpu.memref_slice %arg6[%dma_start3A_922] : memref<512xi32, #tpu.memory_space<vmem>> -> memref<8xi32, #tpu.memory_space<vmem>>
    %dma_start3A_924 = arith.constant 0 : i32
    %dma_start3A_925 = arith.constant 0 : i32
    %dma_start3A_926 = tpu.memref_slice %arg3[%dma_start3A_924, %dma_start3A_925] : memref<100000x1024xf32, #tpu.memory_space<hbm>> -> memref<100000x1024xf32, #tpu.memory_space<hbm>>
    tpu.enqueue_indirect_dma source(%dma_start3A_926 : memref<100000x1024xf32, #tpu.memory_space<hbm>>) target(%arg15 : memref<8x1024xf32, #tpu.memory_space<vmem>>) offsets(%dma_start3A_923 : memref<8xi32, #tpu.memory_space<vmem>>) semaphore(%arg30 : memref<!tpu.dma_semaphore, #tpu.memory_space<semaphore_mem>>)
    %dma_wait3A_927 = arith.constant 0 : i32
    %dma_wait3A_928 = tpu.memref_slice %arg5[%add3A_895, %dma_wait3A_927] : memref<16384x1024xf32, #tpu.memory_space<hbm>> -> memref<8x1024xf32, #tpu.memory_space<hbm>>
    %dma_wait3A_929 = arith.constant 0 : i32
    %dma_wait3A_930 = tpu.memref_slice %arg5[%add3A_895, %dma_wait3A_929] : memref<16384x1024xf32, #tpu.memory_space<hbm>> -> memref<8x1024xf32, #tpu.memory_space<hbm>>
    tpu.wait_dma2 semaphore(%arg43 : memref<!tpu.dma_semaphore, #tpu.memory_space<semaphore_mem>>) src(%arg16 : memref<8x1024xf32, #tpu.memory_space<vmem>>) dst(%dma_wait3A_930 : memref<8x1024xf32, #tpu.memory_space<hbm>>)
    %dma_start3A_931 = arith.constant 464 : i32
    %dma_start3A_932 = tpu.memref_slice %arg6[%dma_start3A_931] : memref<512xi32, #tpu.memory_space<vmem>> -> memref<8xi32, #tpu.memory_space<vmem>>
    %dma_start3A_933 = arith.constant 0 : i32
    %dma_start3A_934 = arith.constant 0 : i32
    %dma_start3A_935 = tpu.memref_slice %arg3[%dma_start3A_933, %dma_start3A_934] : memref<100000x1024xf32, #tpu.memory_space<hbm>> -> memref<100000x1024xf32, #tpu.memory_space<hbm>>
    tpu.enqueue_indirect_dma source(%dma_start3A_935 : memref<100000x1024xf32, #tpu.memory_space<hbm>>) target(%arg16 : memref<8x1024xf32, #tpu.memory_space<vmem>>) offsets(%dma_start3A_932 : memref<8xi32, #tpu.memory_space<vmem>>) semaphore(%arg31 : memref<!tpu.dma_semaphore, #tpu.memory_space<semaphore_mem>>)
    %dma_wait3A_936 = arith.constant 0 : i32
    %dma_wait3A_937 = tpu.memref_slice %arg4[%add3A_762, %dma_wait3A_936] : memref<4096x1024xf32, #tpu.memory_space<hbm>> -> memref<8x1024xf32, #tpu.memory_space<hbm>>
    %dma_wait3A_938 = arith.constant 0 : i32
    %dma_wait3A_939 = tpu.memref_slice %arg4[%add3A_762, %dma_wait3A_938] : memref<4096x1024xf32, #tpu.memory_space<hbm>> -> memref<8x1024xf32, #tpu.memory_space<hbm>>
    tpu.wait_dma2 semaphore(%arg22 : memref<!tpu.dma_semaphore, #tpu.memory_space<semaphore_mem>>) src(%dma_wait3A_939 : memref<8x1024xf32, #tpu.memory_space<hbm>>) dst(%arg7 : memref<8x1024xf32, #tpu.memory_space<vmem>>)
    %dma_wait3A_940 = arith.constant 64 : i32
    %dma_wait3A_941 = tpu.memref_slice %arg6[%dma_wait3A_940] : memref<512xi32, #tpu.memory_space<vmem>> -> memref<8xi32, #tpu.memory_space<vmem>>
    %dma_wait3A_942 = arith.constant 0 : i32
    %dma_wait3A_943 = arith.constant 0 : i32
    %dma_wait3A_944 = tpu.memref_slice %arg3[%dma_wait3A_942, %dma_wait3A_943] : memref<100000x1024xf32, #tpu.memory_space<hbm>> -> memref<100000x1024xf32, #tpu.memory_space<hbm>>
    tpu.wait_indirect_dma semaphore(%arg32 : memref<!tpu.dma_semaphore, #tpu.memory_space<semaphore_mem>>) src(%dma_wait3A_944 : memref<100000x1024xf32, #tpu.memory_space<hbm>>) dst(%arg17 : memref<8x1024xf32, #tpu.memory_space<vmem>>)
    %dma_wait3A_945 = arith.constant 192 : i32
    %dma_wait3A_946 = tpu.memref_slice %arg6[%dma_wait3A_945] : memref<512xi32, #tpu.memory_space<vmem>> -> memref<8xi32, #tpu.memory_space<vmem>>
    %dma_wait3A_947 = arith.constant 0 : i32
    %dma_wait3A_948 = arith.constant 0 : i32
    %dma_wait3A_949 = tpu.memref_slice %arg3[%dma_wait3A_947, %dma_wait3A_948] : memref<100000x1024xf32, #tpu.memory_space<hbm>> -> memref<100000x1024xf32, #tpu.memory_space<hbm>>
    tpu.wait_indirect_dma semaphore(%arg33 : memref<!tpu.dma_semaphore, #tpu.memory_space<semaphore_mem>>) src(%dma_wait3A_949 : memref<100000x1024xf32, #tpu.memory_space<hbm>>) dst(%arg18 : memref<8x1024xf32, #tpu.memory_space<vmem>>)
    %dma_wait3A_950 = arith.constant 320 : i32
    %dma_wait3A_951 = tpu.memref_slice %arg6[%dma_wait3A_950] : memref<512xi32, #tpu.memory_space<vmem>> -> memref<8xi32, #tpu.memory_space<vmem>>
    %dma_wait3A_952 = arith.constant 0 : i32
    %dma_wait3A_953 = arith.constant 0 : i32
    %dma_wait3A_954 = tpu.memref_slice %arg3[%dma_wait3A_952, %dma_wait3A_953] : memref<100000x1024xf32, #tpu.memory_space<hbm>> -> memref<100000x1024xf32, #tpu.memory_space<hbm>>
    tpu.wait_indirect_dma semaphore(%arg34 : memref<!tpu.dma_semaphore, #tpu.memory_space<semaphore_mem>>) src(%dma_wait3A_954 : memref<100000x1024xf32, #tpu.memory_space<hbm>>) dst(%arg19 : memref<8x1024xf32, #tpu.memory_space<vmem>>)
    %dma_wait3A_955 = arith.constant 448 : i32
    %dma_wait3A_956 = tpu.memref_slice %arg6[%dma_wait3A_955] : memref<512xi32, #tpu.memory_space<vmem>> -> memref<8xi32, #tpu.memory_space<vmem>>
    %dma_wait3A_957 = arith.constant 0 : i32
    %dma_wait3A_958 = arith.constant 0 : i32
    %dma_wait3A_959 = tpu.memref_slice %arg3[%dma_wait3A_957, %dma_wait3A_958] : memref<100000x1024xf32, #tpu.memory_space<hbm>> -> memref<100000x1024xf32, #tpu.memory_space<hbm>>
    tpu.wait_indirect_dma semaphore(%arg35 : memref<!tpu.dma_semaphore, #tpu.memory_space<semaphore_mem>>) src(%dma_wait3A_959 : memref<100000x1024xf32, #tpu.memory_space<hbm>>) dst(%arg20 : memref<8x1024xf32, #tpu.memory_space<vmem>>)
    %parallel_loop3A_960 = arith.constant 0 : i32
    %parallel_loop3A_961 = arith.constant 512 : i32
    %parallel_loop3A_962 = arith.constant 1 : i32
    scf.for %parallel_loop3A_1672 = %parallel_loop3A_960 to %parallel_loop3A_961 step %parallel_loop3A_962  : i32 {
      %parallel_loop3A_1673 = arith.constant 6 : i32
      %parallel_loop3A_1674 = arith.shrsi %parallel_loop3A_1672, %parallel_loop3A_1673 : i32
      %parallel_loop3A_1675 = arith.constant 63 : i32
      %parallel_loop3A_1676 = arith.andi %parallel_loop3A_1672, %parallel_loop3A_1675 : i32
      %parallel_loop3A_1677 = arith.constant 16 : i32
      %parallel_loop3A_1678 = arith.muli %parallel_loop3A_1676, %parallel_loop3A_1677 : i32
      %parallel_loop3A_1679 = arith.index_cast %parallel_loop3A_1674 : i32 to index
      %parallel_loop3A_1680 = arith.index_cast %parallel_loop3A_1678 : i32 to index
      %parallel_loop3A_1681 = tpu.vector_load %arg7[%parallel_loop3A_1679, %parallel_loop3A_1680] {strides = array<i32>} : memref<8x1024xf32, #tpu.memory_space<vmem>>, vector<1x16xf32>,
      %parallel_loop3A_1682 = vector.shape_cast %parallel_loop3A_1681 : vector<1x16xf32> to vector<16xf32>
      %parallel_loop3A_1683 = arith.index_cast %parallel_loop3A_1674 : i32 to index
      %parallel_loop3A_1684 = arith.index_cast %parallel_loop3A_1678 : i32 to index
      %parallel_loop3A_1685 = tpu.vector_load %arg17[%parallel_loop3A_1683, %parallel_loop3A_1684] {strides = array<i32>} : memref<8x1024xf32, #tpu.memory_space<vmem>>, vector<1x16xf32>,
      %parallel_loop3A_1686 = vector.shape_cast %parallel_loop3A_1685 : vector<1x16xf32> to vector<16xf32>
      %parallel_loop3A_1687 = vector.shape_cast %parallel_loop3A_1682 : vector<16xf32> to vector<1x16xf32>
      tpu.vector_store %arg17[%parallel_loop3A_1683, %parallel_loop3A_1684], %parallel_loop3A_1687 {add = true, strides = array<i32>} : memref<8x1024xf32, #tpu.memory_space<vmem>>, vector<1x16xf32>,
      %parallel_loop3A_1688 = arith.index_cast %parallel_loop3A_1674 : i32 to index
      %parallel_loop3A_1689 = arith.index_cast %parallel_loop3A_1678 : i32 to index
      %parallel_loop3A_1690 = tpu.vector_load %arg18[%parallel_loop3A_1688, %parallel_loop3A_1689] {strides = array<i32>} : memref<8x1024xf32, #tpu.memory_space<vmem>>, vector<1x16xf32>,
      %parallel_loop3A_1691 = vector.shape_cast %parallel_loop3A_1690 : vector<1x16xf32> to vector<16xf32>
      %parallel_loop3A_1692 = vector.shape_cast %parallel_loop3A_1682 : vector<16xf32> to vector<1x16xf32>
      tpu.vector_store %arg18[%parallel_loop3A_1688, %parallel_loop3A_1689], %parallel_loop3A_1692 {add = true, strides = array<i32>} : memref<8x1024xf32, #tpu.memory_space<vmem>>, vector<1x16xf32>,
      %parallel_loop3A_1693 = arith.index_cast %parallel_loop3A_1674 : i32 to index
      %parallel_loop3A_1694 = arith.index_cast %parallel_loop3A_1678 : i32 to index
      %parallel_loop3A_1695 = tpu.vector_load %arg19[%parallel_loop3A_1693, %parallel_loop3A_1694] {strides = array<i32>} : memref<8x1024xf32, #tpu.memory_space<vmem>>, vector<1x16xf32>,
      %parallel_loop3A_1696 = vector.shape_cast %parallel_loop3A_1695 : vector<1x16xf32> to vector<16xf32>
      %parallel_loop3A_1697 = vector.shape_cast %parallel_loop3A_1682 : vector<16xf32> to vector<1x16xf32>
      tpu.vector_store %arg19[%parallel_loop3A_1693, %parallel_loop3A_1694], %parallel_loop3A_1697 {add = true, strides = array<i32>} : memref<8x1024xf32, #tpu.memory_space<vmem>>, vector<1x16xf32>,
      %parallel_loop3A_1698 = arith.index_cast %parallel_loop3A_1674 : i32 to index
      %parallel_loop3A_1699 = arith.index_cast %parallel_loop3A_1678 : i32 to index
      %parallel_loop3A_1700 = tpu.vector_load %arg20[%parallel_loop3A_1698, %parallel_loop3A_1699] {strides = array<i32>} : memref<8x1024xf32, #tpu.memory_space<vmem>>, vector<1x16xf32>,
      %parallel_loop3A_1701 = vector.shape_cast %parallel_loop3A_1700 : vector<1x16xf32> to vector<16xf32>
      %parallel_loop3A_1702 = vector.shape_cast %parallel_loop3A_1682 : vector<16xf32> to vector<1x16xf32>
      tpu.vector_store %arg20[%parallel_loop3A_1698, %parallel_loop3A_1699], %parallel_loop3A_1702 {add = true, strides = array<i32>} : memref<8x1024xf32, #tpu.memory_space<vmem>>, vector<1x16xf32>,
    } {sc.loop_unroll_factor = 2 : i64, sc.parallel_access}
    %add3A_963 = arith.constant 80 : i32
    %add3A_964 = arith.addi %mul3A_2, %add3A_963 : i32
    %dma_start3A_965 = arith.constant 0 : i32
    %dma_start3A_966 = tpu.memref_slice %arg4[%add3A_964, %dma_start3A_965] : memref<4096x1024xf32, #tpu.memory_space<hbm>> -> memref<8x1024xf32, #tpu.memory_space<hbm>>
    %dma_start3A_967 = arith.constant 0 : i32
    %dma_start3A_968 = tpu.memref_slice %arg4[%add3A_964, %dma_start3A_967] : memref<4096x1024xf32, #tpu.memory_space<hbm>> -> memref<8x1024xf32, #tpu.memory_space<hbm>>
    tpu.enqueue_dma source(%dma_start3A_968 : memref<8x1024xf32, #tpu.memory_space<hbm>>) target(%arg7 : memref<8x1024xf32, #tpu.memory_space<vmem>>) target_semaphore(%arg22 : memref<!tpu.dma_semaphore, #tpu.memory_space<semaphore_mem>>)
    %add3A_969 = arith.constant 0 : i32
    %add3A_970 = arith.addi %add3A_969, %mul3A_2 : i32
    %add3A_971 = arith.constant 64 : i32
    %add3A_972 = arith.addi %add3A_970, %add3A_971 : i32
    %dma_start3A_973 = arith.constant 0 : i32
    %dma_start3A_974 = tpu.memref_slice %arg5[%add3A_972, %dma_start3A_973] : memref<16384x1024xf32, #tpu.memory_space<hbm>> -> memref<8x1024xf32, #tpu.memory_space<hbm>>
    %dma_start3A_975 = arith.constant 0 : i32
    %dma_start3A_976 = tpu.memref_slice %arg5[%add3A_972, %dma_start3A_975] : memref<16384x1024xf32, #tpu.memory_space<hbm>> -> memref<8x1024xf32, #tpu.memory_space<hbm>>
    tpu.enqueue_dma source(%arg17 : memref<8x1024xf32, #tpu.memory_space<vmem>>) target(%dma_start3A_976 : memref<8x1024xf32, #tpu.memory_space<hbm>>) target_semaphore(%arg44 : memref<!tpu.dma_semaphore, #tpu.memory_space<semaphore_mem>>)
    %add3A_977 = arith.constant 4096 : i32
    %add3A_978 = arith.addi %add3A_977, %mul3A_2 : i32
    %add3A_979 = arith.constant 64 : i32
    %add3A_980 = arith.addi %add3A_978, %add3A_979 : i32
    %dma_start3A_981 = arith.constant 0 : i32
    %dma_start3A_982 = tpu.memref_slice %arg5[%add3A_980, %dma_start3A_981] : memref<16384x1024xf32, #tpu.memory_space<hbm>> -> memref<8x1024xf32, #tpu.memory_space<hbm>>
    %dma_start3A_983 = arith.constant 0 : i32
    %dma_start3A_984 = tpu.memref_slice %arg5[%add3A_980, %dma_start3A_983] : memref<16384x1024xf32, #tpu.memory_space<hbm>> -> memref<8x1024xf32, #tpu.memory_space<hbm>>
    tpu.enqueue_dma source(%arg18 : memref<8x1024xf32, #tpu.memory_space<vmem>>) target(%dma_start3A_984 : memref<8x1024xf32, #tpu.memory_space<hbm>>) target_semaphore(%arg45 : memref<!tpu.dma_semaphore, #tpu.memory_space<semaphore_mem>>)
    %add3A_985 = arith.constant 8192 : i32
    %add3A_986 = arith.addi %add3A_985, %mul3A_2 : i32
    %add3A_987 = arith.constant 64 : i32
    %add3A_988 = arith.addi %add3A_986, %add3A_987 : i32
    %dma_start3A_989 = arith.constant 0 : i32
    %dma_start3A_990 = tpu.memref_slice %arg5[%add3A_988, %dma_start3A_989] : memref<16384x1024xf32, #tpu.memory_space<hbm>> -> memref<8x1024xf32, #tpu.memory_space<hbm>>
    %dma_start3A_991 = arith.constant 0 : i32
    %dma_start3A_992 = tpu.memref_slice %arg5[%add3A_988, %dma_start3A_991] : memref<16384x1024xf32, #tpu.memory_space<hbm>> -> memref<8x1024xf32, #tpu.memory_space<hbm>>
    tpu.enqueue_dma source(%arg19 : memref<8x1024xf32, #tpu.memory_space<vmem>>) target(%dma_start3A_992 : memref<8x1024xf32, #tpu.memory_space<hbm>>) target_semaphore(%arg46 : memref<!tpu.dma_semaphore, #tpu.memory_space<semaphore_mem>>)
    %add3A_993 = arith.constant 12288 : i32
    %add3A_994 = arith.addi %add3A_993, %mul3A_2 : i32
    %add3A_995 = arith.constant 64 : i32
    %add3A_996 = arith.addi %add3A_994, %add3A_995 : i32
    %dma_start3A_997 = arith.constant 0 : i32
    %dma_start3A_998 = tpu.memref_slice %arg5[%add3A_996, %dma_start3A_997] : memref<16384x1024xf32, #tpu.memory_space<hbm>> -> memref<8x1024xf32, #tpu.memory_space<hbm>>
    %dma_start3A_999 = arith.constant 0 : i32
    %dma_start3A_1000 = tpu.memref_slice %arg5[%add3A_996, %dma_start3A_999] : memref<16384x1024xf32, #tpu.memory_space<hbm>> -> memref<8x1024xf32, #tpu.memory_space<hbm>>
    tpu.enqueue_dma source(%arg20 : memref<8x1024xf32, #tpu.memory_space<vmem>>) target(%dma_start3A_1000 : memref<8x1024xf32, #tpu.memory_space<hbm>>) target_semaphore(%arg47 : memref<!tpu.dma_semaphore, #tpu.memory_space<semaphore_mem>>)
    %dma_wait3A_1001 = arith.constant 0 : i32
    %dma_wait3A_1002 = tpu.memref_slice %arg5[%add3A_972, %dma_wait3A_1001] : memref<16384x1024xf32, #tpu.memory_space<hbm>> -> memref<8x1024xf32, #tpu.memory_space<hbm>>
    %dma_wait3A_1003 = arith.constant 0 : i32
    %dma_wait3A_1004 = tpu.memref_slice %arg5[%add3A_972, %dma_wait3A_1003] : memref<16384x1024xf32, #tpu.memory_space<hbm>> -> memref<8x1024xf32, #tpu.memory_space<hbm>>
    tpu.wait_dma2 semaphore(%arg44 : memref<!tpu.dma_semaphore, #tpu.memory_space<semaphore_mem>>) src(%arg17 : memref<8x1024xf32, #tpu.memory_space<vmem>>) dst(%dma_wait3A_1004 : memref<8x1024xf32, #tpu.memory_space<hbm>>)
    %dma_start3A_1005 = arith.constant 88 : i32
    %dma_start3A_1006 = tpu.memref_slice %arg6[%dma_start3A_1005] : memref<512xi32, #tpu.memory_space<vmem>> -> memref<8xi32, #tpu.memory_space<vmem>>
    %dma_start3A_1007 = arith.constant 0 : i32
    %dma_start3A_1008 = arith.constant 0 : i32
    %dma_start3A_1009 = tpu.memref_slice %arg3[%dma_start3A_1007, %dma_start3A_1008] : memref<100000x1024xf32, #tpu.memory_space<hbm>> -> memref<100000x1024xf32, #tpu.memory_space<hbm>>
    tpu.enqueue_indirect_dma source(%dma_start3A_1009 : memref<100000x1024xf32, #tpu.memory_space<hbm>>) target(%arg17 : memref<8x1024xf32, #tpu.memory_space<vmem>>) offsets(%dma_start3A_1006 : memref<8xi32, #tpu.memory_space<vmem>>) semaphore(%arg32 : memref<!tpu.dma_semaphore, #tpu.memory_space<semaphore_mem>>)
    %dma_wait3A_1010 = arith.constant 0 : i32
    %dma_wait3A_1011 = tpu.memref_slice %arg5[%add3A_980, %dma_wait3A_1010] : memref<16384x1024xf32, #tpu.memory_space<hbm>> -> memref<8x1024xf32, #tpu.memory_space<hbm>>
    %dma_wait3A_1012 = arith.constant 0 : i32
    %dma_wait3A_1013 = tpu.memref_slice %arg5[%add3A_980, %dma_wait3A_1012] : memref<16384x1024xf32, #tpu.memory_space<hbm>> -> memref<8x1024xf32, #tpu.memory_space<hbm>>
    tpu.wait_dma2 semaphore(%arg45 : memref<!tpu.dma_semaphore, #tpu.memory_space<semaphore_mem>>) src(%arg18 : memref<8x1024xf32, #tpu.memory_space<vmem>>) dst(%dma_wait3A_1013 : memref<8x1024xf32, #tpu.memory_space<hbm>>)
    %dma_start3A_1014 = arith.constant 216 : i32
    %dma_start3A_1015 = tpu.memref_slice %arg6[%dma_start3A_1014] : memref<512xi32, #tpu.memory_space<vmem>> -> memref<8xi32, #tpu.memory_space<vmem>>
    %dma_start3A_1016 = arith.constant 0 : i32
    %dma_start3A_1017 = arith.constant 0 : i32
    %dma_start3A_1018 = tpu.memref_slice %arg3[%dma_start3A_1016, %dma_start3A_1017] : memref<100000x1024xf32, #tpu.memory_space<hbm>> -> memref<100000x1024xf32, #tpu.memory_space<hbm>>
    tpu.enqueue_indirect_dma source(%dma_start3A_1018 : memref<100000x1024xf32, #tpu.memory_space<hbm>>) target(%arg18 : memref<8x1024xf32, #tpu.memory_space<vmem>>) offsets(%dma_start3A_1015 : memref<8xi32, #tpu.memory_space<vmem>>) semaphore(%arg33 : memref<!tpu.dma_semaphore, #tpu.memory_space<semaphore_mem>>)
    %dma_wait3A_1019 = arith.constant 0 : i32
    %dma_wait3A_1020 = tpu.memref_slice %arg5[%add3A_988, %dma_wait3A_1019] : memref<16384x1024xf32, #tpu.memory_space<hbm>> -> memref<8x1024xf32, #tpu.memory_space<hbm>>
    %dma_wait3A_1021 = arith.constant 0 : i32
    %dma_wait3A_1022 = tpu.memref_slice %arg5[%add3A_988, %dma_wait3A_1021] : memref<16384x1024xf32, #tpu.memory_space<hbm>> -> memref<8x1024xf32, #tpu.memory_space<hbm>>
    tpu.wait_dma2 semaphore(%arg46 : memref<!tpu.dma_semaphore, #tpu.memory_space<semaphore_mem>>) src(%arg19 : memref<8x1024xf32, #tpu.memory_space<vmem>>) dst(%dma_wait3A_1022 : memref<8x1024xf32, #tpu.memory_space<hbm>>)
    %dma_start3A_1023 = arith.constant 344 : i32
    %dma_start3A_1024 = tpu.memref_slice %arg6[%dma_start3A_1023] : memref<512xi32, #tpu.memory_space<vmem>> -> memref<8xi32, #tpu.memory_space<vmem>>
    %dma_start3A_1025 = arith.constant 0 : i32
    %dma_start3A_1026 = arith.constant 0 : i32
    %dma_start3A_1027 = tpu.memref_slice %arg3[%dma_start3A_1025, %dma_start3A_1026] : memref<100000x1024xf32, #tpu.memory_space<hbm>> -> memref<100000x1024xf32, #tpu.memory_space<hbm>>
    tpu.enqueue_indirect_dma source(%dma_start3A_1027 : memref<100000x1024xf32, #tpu.memory_space<hbm>>) target(%arg19 : memref<8x1024xf32, #tpu.memory_space<vmem>>) offsets(%dma_start3A_1024 : memref<8xi32, #tpu.memory_space<vmem>>) semaphore(%arg34 : memref<!tpu.dma_semaphore, #tpu.memory_space<semaphore_mem>>)
    %dma_wait3A_1028 = arith.constant 0 : i32
    %dma_wait3A_1029 = tpu.memref_slice %arg5[%add3A_996, %dma_wait3A_1028] : memref<16384x1024xf32, #tpu.memory_space<hbm>> -> memref<8x1024xf32, #tpu.memory_space<hbm>>
    %dma_wait3A_1030 = arith.constant 0 : i32
    %dma_wait3A_1031 = tpu.memref_slice %arg5[%add3A_996, %dma_wait3A_1030] : memref<16384x1024xf32, #tpu.memory_space<hbm>> -> memref<8x1024xf32, #tpu.memory_space<hbm>>
    tpu.wait_dma2 semaphore(%arg47 : memref<!tpu.dma_semaphore, #tpu.memory_space<semaphore_mem>>) src(%arg20 : memref<8x1024xf32, #tpu.memory_space<vmem>>) dst(%dma_wait3A_1031 : memref<8x1024xf32, #tpu.memory_space<hbm>>)
    %dma_start3A_1032 = arith.constant 472 : i32
    %dma_start3A_1033 = tpu.memref_slice %arg6[%dma_start3A_1032] : memref<512xi32, #tpu.memory_space<vmem>> -> memref<8xi32, #tpu.memory_space<vmem>>
    %dma_start3A_1034 = arith.constant 0 : i32
    %dma_start3A_1035 = arith.constant 0 : i32
    %dma_start3A_1036 = tpu.memref_slice %arg3[%dma_start3A_1034, %dma_start3A_1035] : memref<100000x1024xf32, #tpu.memory_space<hbm>> -> memref<100000x1024xf32, #tpu.memory_space<hbm>>
    tpu.enqueue_indirect_dma source(%dma_start3A_1036 : memref<100000x1024xf32, #tpu.memory_space<hbm>>) target(%arg20 : memref<8x1024xf32, #tpu.memory_space<vmem>>) offsets(%dma_start3A_1033 : memref<8xi32, #tpu.memory_space<vmem>>) semaphore(%arg35 : memref<!tpu.dma_semaphore, #tpu.memory_space<semaphore_mem>>)
    %dma_wait3A_1037 = arith.constant 0 : i32
    %dma_wait3A_1038 = tpu.memref_slice %arg4[%add3A_863, %dma_wait3A_1037] : memref<4096x1024xf32, #tpu.memory_space<hbm>> -> memref<8x1024xf32, #tpu.memory_space<hbm>>
    %dma_wait3A_1039 = arith.constant 0 : i32
    %dma_wait3A_1040 = tpu.memref_slice %arg4[%add3A_863, %dma_wait3A_1039] : memref<4096x1024xf32, #tpu.memory_space<hbm>> -> memref<8x1024xf32, #tpu.memory_space<hbm>>
    tpu.wait_dma2 semaphore(%arg23 : memref<!tpu.dma_semaphore, #tpu.memory_space<semaphore_mem>>) src(%dma_wait3A_1040 : memref<8x1024xf32, #tpu.memory_space<hbm>>) dst(%arg8 : memref<8x1024xf32, #tpu.memory_space<vmem>>)
    %dma_wait3A_1041 = arith.constant 72 : i32
    %dma_wait3A_1042 = tpu.memref_slice %arg6[%dma_wait3A_1041] : memref<512xi32, #tpu.memory_space<vmem>> -> memref<8xi32, #tpu.memory_space<vmem>>
    %dma_wait3A_1043 = arith.constant 0 : i32
    %dma_wait3A_1044 = arith.constant 0 : i32
    %dma_wait3A_1045 = tpu.memref_slice %arg3[%dma_wait3A_1043, %dma_wait3A_1044] : memref<100000x1024xf32, #tpu.memory_space<hbm>> -> memref<100000x1024xf32, #tpu.memory_space<hbm>>
    tpu.wait_indirect_dma semaphore(%arg24 : memref<!tpu.dma_semaphore, #tpu.memory_space<semaphore_mem>>) src(%dma_wait3A_1045 : memref<100000x1024xf32, #tpu.memory_space<hbm>>) dst(%arg9 : memref<8x1024xf32, #tpu.memory_space<vmem>>)
    %dma_wait3A_1046 = arith.constant 200 : i32
    %dma_wait3A_1047 = tpu.memref_slice %arg6[%dma_wait3A_1046] : memref<512xi32, #tpu.memory_space<vmem>> -> memref<8xi32, #tpu.memory_space<vmem>>
    %dma_wait3A_1048 = arith.constant 0 : i32
    %dma_wait3A_1049 = arith.constant 0 : i32
    %dma_wait3A_1050 = tpu.memref_slice %arg3[%dma_wait3A_1048, %dma_wait3A_1049] : memref<100000x1024xf32, #tpu.memory_space<hbm>> -> memref<100000x1024xf32, #tpu.memory_space<hbm>>
    tpu.wait_indirect_dma semaphore(%arg25 : memref<!tpu.dma_semaphore, #tpu.memory_space<semaphore_mem>>) src(%dma_wait3A_1050 : memref<100000x1024xf32, #tpu.memory_space<hbm>>) dst(%arg10 : memref<8x1024xf32, #tpu.memory_space<vmem>>)
    %dma_wait3A_1051 = arith.constant 328 : i32
    %dma_wait3A_1052 = tpu.memref_slice %arg6[%dma_wait3A_1051] : memref<512xi32, #tpu.memory_space<vmem>> -> memref<8xi32, #tpu.memory_space<vmem>>
    %dma_wait3A_1053 = arith.constant 0 : i32
    %dma_wait3A_1054 = arith.constant 0 : i32
    %dma_wait3A_1055 = tpu.memref_slice %arg3[%dma_wait3A_1053, %dma_wait3A_1054] : memref<100000x1024xf32, #tpu.memory_space<hbm>> -> memref<100000x1024xf32, #tpu.memory_space<hbm>>
    tpu.wait_indirect_dma semaphore(%arg26 : memref<!tpu.dma_semaphore, #tpu.memory_space<semaphore_mem>>) src(%dma_wait3A_1055 : memref<100000x1024xf32, #tpu.memory_space<hbm>>) dst(%arg11 : memref<8x1024xf32, #tpu.memory_space<vmem>>)
    %dma_wait3A_1056 = arith.constant 456 : i32
    %dma_wait3A_1057 = tpu.memref_slice %arg6[%dma_wait3A_1056] : memref<512xi32, #tpu.memory_space<vmem>> -> memref<8xi32, #tpu.memory_space<vmem>>
    %dma_wait3A_1058 = arith.constant 0 : i32
    %dma_wait3A_1059 = arith.constant 0 : i32
    %dma_wait3A_1060 = tpu.memref_slice %arg3[%dma_wait3A_1058, %dma_wait3A_1059] : memref<100000x1024xf32, #tpu.memory_space<hbm>> -> memref<100000x1024xf32, #tpu.memory_space<hbm>>
    tpu.wait_indirect_dma semaphore(%arg27 : memref<!tpu.dma_semaphore, #tpu.memory_space<semaphore_mem>>) src(%dma_wait3A_1060 : memref<100000x1024xf32, #tpu.memory_space<hbm>>) dst(%arg12 : memref<8x1024xf32, #tpu.memory_space<vmem>>)
    %parallel_loop3A_1061 = arith.constant 0 : i32
    %parallel_loop3A_1062 = arith.constant 512 : i32
    %parallel_loop3A_1063 = arith.constant 1 : i32
    scf.for %parallel_loop3A_1672 = %parallel_loop3A_1061 to %parallel_loop3A_1062 step %parallel_loop3A_1063  : i32 {
      %parallel_loop3A_1673 = arith.constant 6 : i32
      %parallel_loop3A_1674 = arith.shrsi %parallel_loop3A_1672, %parallel_loop3A_1673 : i32
      %parallel_loop3A_1675 = arith.constant 63 : i32
      %parallel_loop3A_1676 = arith.andi %parallel_loop3A_1672, %parallel_loop3A_1675 : i32
      %parallel_loop3A_1677 = arith.constant 16 : i32
      %parallel_loop3A_1678 = arith.muli %parallel_loop3A_1676, %parallel_loop3A_1677 : i32
      %parallel_loop3A_1679 = arith.index_cast %parallel_loop3A_1674 : i32 to index
      %parallel_loop3A_1680 = arith.index_cast %parallel_loop3A_1678 : i32 to index
      %parallel_loop3A_1681 = tpu.vector_load %arg8[%parallel_loop3A_1679, %parallel_loop3A_1680] {strides = array<i32>} : memref<8x1024xf32, #tpu.memory_space<vmem>>, vector<1x16xf32>,
      %parallel_loop3A_1682 = vector.shape_cast %parallel_loop3A_1681 : vector<1x16xf32> to vector<16xf32>
      %parallel_loop3A_1683 = arith.index_cast %parallel_loop3A_1674 : i32 to index
      %parallel_loop3A_1684 = arith.index_cast %parallel_loop3A_1678 : i32 to index
      %parallel_loop3A_1685 = tpu.vector_load %arg9[%parallel_loop3A_1683, %parallel_loop3A_1684] {strides = array<i32>} : memref<8x1024xf32, #tpu.memory_space<vmem>>, vector<1x16xf32>,
      %parallel_loop3A_1686 = vector.shape_cast %parallel_loop3A_1685 : vector<1x16xf32> to vector<16xf32>
      %parallel_loop3A_1687 = vector.shape_cast %parallel_loop3A_1682 : vector<16xf32> to vector<1x16xf32>
      tpu.vector_store %arg9[%parallel_loop3A_1683, %parallel_loop3A_1684], %parallel_loop3A_1687 {add = true, strides = array<i32>} : memref<8x1024xf32, #tpu.memory_space<vmem>>, vector<1x16xf32>,
      %parallel_loop3A_1688 = arith.index_cast %parallel_loop3A_1674 : i32 to index
      %parallel_loop3A_1689 = arith.index_cast %parallel_loop3A_1678 : i32 to index
      %parallel_loop3A_1690 = tpu.vector_load %arg10[%parallel_loop3A_1688, %parallel_loop3A_1689] {strides = array<i32>} : memref<8x1024xf32, #tpu.memory_space<vmem>>, vector<1x16xf32>,
      %parallel_loop3A_1691 = vector.shape_cast %parallel_loop3A_1690 : vector<1x16xf32> to vector<16xf32>
      %parallel_loop3A_1692 = vector.shape_cast %parallel_loop3A_1682 : vector<16xf32> to vector<1x16xf32>
      tpu.vector_store %arg10[%parallel_loop3A_1688, %parallel_loop3A_1689], %parallel_loop3A_1692 {add = true, strides = array<i32>} : memref<8x1024xf32, #tpu.memory_space<vmem>>, vector<1x16xf32>,
      %parallel_loop3A_1693 = arith.index_cast %parallel_loop3A_1674 : i32 to index
      %parallel_loop3A_1694 = arith.index_cast %parallel_loop3A_1678 : i32 to index
      %parallel_loop3A_1695 = tpu.vector_load %arg11[%parallel_loop3A_1693, %parallel_loop3A_1694] {strides = array<i32>} : memref<8x1024xf32, #tpu.memory_space<vmem>>, vector<1x16xf32>,
      %parallel_loop3A_1696 = vector.shape_cast %parallel_loop3A_1695 : vector<1x16xf32> to vector<16xf32>
      %parallel_loop3A_1697 = vector.shape_cast %parallel_loop3A_1682 : vector<16xf32> to vector<1x16xf32>
      tpu.vector_store %arg11[%parallel_loop3A_1693, %parallel_loop3A_1694], %parallel_loop3A_1697 {add = true, strides = array<i32>} : memref<8x1024xf32, #tpu.memory_space<vmem>>, vector<1x16xf32>,
      %parallel_loop3A_1698 = arith.index_cast %parallel_loop3A_1674 : i32 to index
      %parallel_loop3A_1699 = arith.index_cast %parallel_loop3A_1678 : i32 to index
      %parallel_loop3A_1700 = tpu.vector_load %arg12[%parallel_loop3A_1698, %parallel_loop3A_1699] {strides = array<i32>} : memref<8x1024xf32, #tpu.memory_space<vmem>>, vector<1x16xf32>,
      %parallel_loop3A_1701 = vector.shape_cast %parallel_loop3A_1700 : vector<1x16xf32> to vector<16xf32>
      %parallel_loop3A_1702 = vector.shape_cast %parallel_loop3A_1682 : vector<16xf32> to vector<1x16xf32>
      tpu.vector_store %arg12[%parallel_loop3A_1698, %parallel_loop3A_1699], %parallel_loop3A_1702 {add = true, strides = array<i32>} : memref<8x1024xf32, #tpu.memory_space<vmem>>, vector<1x16xf32>,
    } {sc.loop_unroll_factor = 2 : i64, sc.parallel_access}
    %add3A_1064 = arith.constant 88 : i32
    %add3A_1065 = arith.addi %mul3A_2, %add3A_1064 : i32
    %dma_start3A_1066 = arith.constant 0 : i32
    %dma_start3A_1067 = tpu.memref_slice %arg4[%add3A_1065, %dma_start3A_1066] : memref<4096x1024xf32, #tpu.memory_space<hbm>> -> memref<8x1024xf32, #tpu.memory_space<hbm>>
    %dma_start3A_1068 = arith.constant 0 : i32
    %dma_start3A_1069 = tpu.memref_slice %arg4[%add3A_1065, %dma_start3A_1068] : memref<4096x1024xf32, #tpu.memory_space<hbm>> -> memref<8x1024xf32, #tpu.memory_space<hbm>>
    tpu.enqueue_dma source(%dma_start3A_1069 : memref<8x1024xf32, #tpu.memory_space<hbm>>) target(%arg8 : memref<8x1024xf32, #tpu.memory_space<vmem>>) target_semaphore(%arg23 : memref<!tpu.dma_semaphore, #tpu.memory_space<semaphore_mem>>)
    %add3A_1070 = arith.constant 0 : i32
    %add3A_1071 = arith.addi %add3A_1070, %mul3A_2 : i32
    %add3A_1072 = arith.constant 72 : i32
    %add3A_1073 = arith.addi %add3A_1071, %add3A_1072 : i32
    %dma_start3A_1074 = arith.constant 0 : i32
    %dma_start3A_1075 = tpu.memref_slice %arg5[%add3A_1073, %dma_start3A_1074] : memref<16384x1024xf32, #tpu.memory_space<hbm>> -> memref<8x1024xf32, #tpu.memory_space<hbm>>
    %dma_start3A_1076 = arith.constant 0 : i32
    %dma_start3A_1077 = tpu.memref_slice %arg5[%add3A_1073, %dma_start3A_1076] : memref<16384x1024xf32, #tpu.memory_space<hbm>> -> memref<8x1024xf32, #tpu.memory_space<hbm>>
    tpu.enqueue_dma source(%arg9 : memref<8x1024xf32, #tpu.memory_space<vmem>>) target(%dma_start3A_1077 : memref<8x1024xf32, #tpu.memory_space<hbm>>) target_semaphore(%arg36 : memref<!tpu.dma_semaphore, #tpu.memory_space<semaphore_mem>>)
    %add3A_1078 = arith.constant 4096 : i32
    %add3A_1079 = arith.addi %add3A_1078, %mul3A_2 : i32
    %add3A_1080 = arith.constant 72 : i32
    %add3A_1081 = arith.addi %add3A_1079, %add3A_1080 : i32
    %dma_start3A_1082 = arith.constant 0 : i32
    %dma_start3A_1083 = tpu.memref_slice %arg5[%add3A_1081, %dma_start3A_1082] : memref<16384x1024xf32, #tpu.memory_space<hbm>> -> memref<8x1024xf32, #tpu.memory_space<hbm>>
    %dma_start3A_1084 = arith.constant 0 : i32
    %dma_start3A_1085 = tpu.memref_slice %arg5[%add3A_1081, %dma_start3A_1084] : memref<16384x1024xf32, #tpu.memory_space<hbm>> -> memref<8x1024xf32, #tpu.memory_space<hbm>>
    tpu.enqueue_dma source(%arg10 : memref<8x1024xf32, #tpu.memory_space<vmem>>) target(%dma_start3A_1085 : memref<8x1024xf32, #tpu.memory_space<hbm>>) target_semaphore(%arg37 : memref<!tpu.dma_semaphore, #tpu.memory_space<semaphore_mem>>)
    %add3A_1086 = arith.constant 8192 : i32
    %add3A_1087 = arith.addi %add3A_1086, %mul3A_2 : i32
    %add3A_1088 = arith.constant 72 : i32
    %add3A_1089 = arith.addi %add3A_1087, %add3A_1088 : i32
    %dma_start3A_1090 = arith.constant 0 : i32
    %dma_start3A_1091 = tpu.memref_slice %arg5[%add3A_1089, %dma_start3A_1090] : memref<16384x1024xf32, #tpu.memory_space<hbm>> -> memref<8x1024xf32, #tpu.memory_space<hbm>>
    %dma_start3A_1092 = arith.constant 0 : i32
    %dma_start3A_1093 = tpu.memref_slice %arg5[%add3A_1089, %dma_start3A_1092] : memref<16384x1024xf32, #tpu.memory_space<hbm>> -> memref<8x1024xf32, #tpu.memory_space<hbm>>
    tpu.enqueue_dma source(%arg11 : memref<8x1024xf32, #tpu.memory_space<vmem>>) target(%dma_start3A_1093 : memref<8x1024xf32, #tpu.memory_space<hbm>>) target_semaphore(%arg38 : memref<!tpu.dma_semaphore, #tpu.memory_space<semaphore_mem>>)
    %add3A_1094 = arith.constant 12288 : i32
    %add3A_1095 = arith.addi %add3A_1094, %mul3A_2 : i32
    %add3A_1096 = arith.constant 72 : i32
    %add3A_1097 = arith.addi %add3A_1095, %add3A_1096 : i32
    %dma_start3A_1098 = arith.constant 0 : i32
    %dma_start3A_1099 = tpu.memref_slice %arg5[%add3A_1097, %dma_start3A_1098] : memref<16384x1024xf32, #tpu.memory_space<hbm>> -> memref<8x1024xf32, #tpu.memory_space<hbm>>
    %dma_start3A_1100 = arith.constant 0 : i32
    %dma_start3A_1101 = tpu.memref_slice %arg5[%add3A_1097, %dma_start3A_1100] : memref<16384x1024xf32, #tpu.memory_space<hbm>> -> memref<8x1024xf32, #tpu.memory_space<hbm>>
    tpu.enqueue_dma source(%arg12 : memref<8x1024xf32, #tpu.memory_space<vmem>>) target(%dma_start3A_1101 : memref<8x1024xf32, #tpu.memory_space<hbm>>) target_semaphore(%arg39 : memref<!tpu.dma_semaphore, #tpu.memory_space<semaphore_mem>>)
    %dma_wait3A_1102 = arith.constant 0 : i32
    %dma_wait3A_1103 = tpu.memref_slice %arg5[%add3A_1073, %dma_wait3A_1102] : memref<16384x1024xf32, #tpu.memory_space<hbm>> -> memref<8x1024xf32, #tpu.memory_space<hbm>>
    %dma_wait3A_1104 = arith.constant 0 : i32
    %dma_wait3A_1105 = tpu.memref_slice %arg5[%add3A_1073, %dma_wait3A_1104] : memref<16384x1024xf32, #tpu.memory_space<hbm>> -> memref<8x1024xf32, #tpu.memory_space<hbm>>
    tpu.wait_dma2 semaphore(%arg36 : memref<!tpu.dma_semaphore, #tpu.memory_space<semaphore_mem>>) src(%arg9 : memref<8x1024xf32, #tpu.memory_space<vmem>>) dst(%dma_wait3A_1105 : memref<8x1024xf32, #tpu.memory_space<hbm>>)
    %dma_start3A_1106 = arith.constant 96 : i32
    %dma_start3A_1107 = tpu.memref_slice %arg6[%dma_start3A_1106] : memref<512xi32, #tpu.memory_space<vmem>> -> memref<8xi32, #tpu.memory_space<vmem>>
    %dma_start3A_1108 = arith.constant 0 : i32
    %dma_start3A_1109 = arith.constant 0 : i32
    %dma_start3A_1110 = tpu.memref_slice %arg3[%dma_start3A_1108, %dma_start3A_1109] : memref<100000x1024xf32, #tpu.memory_space<hbm>> -> memref<100000x1024xf32, #tpu.memory_space<hbm>>
    tpu.enqueue_indirect_dma source(%dma_start3A_1110 : memref<100000x1024xf32, #tpu.memory_space<hbm>>) target(%arg9 : memref<8x1024xf32, #tpu.memory_space<vmem>>) offsets(%dma_start3A_1107 : memref<8xi32, #tpu.memory_space<vmem>>) semaphore(%arg24 : memref<!tpu.dma_semaphore, #tpu.memory_space<semaphore_mem>>)
    %dma_wait3A_1111 = arith.constant 0 : i32
    %dma_wait3A_1112 = tpu.memref_slice %arg5[%add3A_1081, %dma_wait3A_1111] : memref<16384x1024xf32, #tpu.memory_space<hbm>> -> memref<8x1024xf32, #tpu.memory_space<hbm>>
    %dma_wait3A_1113 = arith.constant 0 : i32
    %dma_wait3A_1114 = tpu.memref_slice %arg5[%add3A_1081, %dma_wait3A_1113] : memref<16384x1024xf32, #tpu.memory_space<hbm>> -> memref<8x1024xf32, #tpu.memory_space<hbm>>
    tpu.wait_dma2 semaphore(%arg37 : memref<!tpu.dma_semaphore, #tpu.memory_space<semaphore_mem>>) src(%arg10 : memref<8x1024xf32, #tpu.memory_space<vmem>>) dst(%dma_wait3A_1114 : memref<8x1024xf32, #tpu.memory_space<hbm>>)
    %dma_start3A_1115 = arith.constant 224 : i32
    %dma_start3A_1116 = tpu.memref_slice %arg6[%dma_start3A_1115] : memref<512xi32, #tpu.memory_space<vmem>> -> memref<8xi32, #tpu.memory_space<vmem>>
    %dma_start3A_1117 = arith.constant 0 : i32
    %dma_start3A_1118 = arith.constant 0 : i32
    %dma_start3A_1119 = tpu.memref_slice %arg3[%dma_start3A_1117, %dma_start3A_1118] : memref<100000x1024xf32, #tpu.memory_space<hbm>> -> memref<100000x1024xf32, #tpu.memory_space<hbm>>
    tpu.enqueue_indirect_dma source(%dma_start3A_1119 : memref<100000x1024xf32, #tpu.memory_space<hbm>>) target(%arg10 : memref<8x1024xf32, #tpu.memory_space<vmem>>) offsets(%dma_start3A_1116 : memref<8xi32, #tpu.memory_space<vmem>>) semaphore(%arg25 : memref<!tpu.dma_semaphore, #tpu.memory_space<semaphore_mem>>)
    %dma_wait3A_1120 = arith.constant 0 : i32
    %dma_wait3A_1121 = tpu.memref_slice %arg5[%add3A_1089, %dma_wait3A_1120] : memref<16384x1024xf32, #tpu.memory_space<hbm>> -> memref<8x1024xf32, #tpu.memory_space<hbm>>
    %dma_wait3A_1122 = arith.constant 0 : i32
    %dma_wait3A_1123 = tpu.memref_slice %arg5[%add3A_1089, %dma_wait3A_1122] : memref<16384x1024xf32, #tpu.memory_space<hbm>> -> memref<8x1024xf32, #tpu.memory_space<hbm>>
    tpu.wait_dma2 semaphore(%arg38 : memref<!tpu.dma_semaphore, #tpu.memory_space<semaphore_mem>>) src(%arg11 : memref<8x1024xf32, #tpu.memory_space<vmem>>) dst(%dma_wait3A_1123 : memref<8x1024xf32, #tpu.memory_space<hbm>>)
    %dma_start3A_1124 = arith.constant 352 : i32
    %dma_start3A_1125 = tpu.memref_slice %arg6[%dma_start3A_1124] : memref<512xi32, #tpu.memory_space<vmem>> -> memref<8xi32, #tpu.memory_space<vmem>>
    %dma_start3A_1126 = arith.constant 0 : i32
    %dma_start3A_1127 = arith.constant 0 : i32
    %dma_start3A_1128 = tpu.memref_slice %arg3[%dma_start3A_1126, %dma_start3A_1127] : memref<100000x1024xf32, #tpu.memory_space<hbm>> -> memref<100000x1024xf32, #tpu.memory_space<hbm>>
    tpu.enqueue_indirect_dma source(%dma_start3A_1128 : memref<100000x1024xf32, #tpu.memory_space<hbm>>) target(%arg11 : memref<8x1024xf32, #tpu.memory_space<vmem>>) offsets(%dma_start3A_1125 : memref<8xi32, #tpu.memory_space<vmem>>) semaphore(%arg26 : memref<!tpu.dma_semaphore, #tpu.memory_space<semaphore_mem>>)
    %dma_wait3A_1129 = arith.constant 0 : i32
    %dma_wait3A_1130 = tpu.memref_slice %arg5[%add3A_1097, %dma_wait3A_1129] : memref<16384x1024xf32, #tpu.memory_space<hbm>> -> memref<8x1024xf32, #tpu.memory_space<hbm>>
    %dma_wait3A_1131 = arith.constant 0 : i32
    %dma_wait3A_1132 = tpu.memref_slice %arg5[%add3A_1097, %dma_wait3A_1131] : memref<16384x1024xf32, #tpu.memory_space<hbm>> -> memref<8x1024xf32, #tpu.memory_space<hbm>>
    tpu.wait_dma2 semaphore(%arg39 : memref<!tpu.dma_semaphore, #tpu.memory_space<semaphore_mem>>) src(%arg12 : memref<8x1024xf32, #tpu.memory_space<vmem>>) dst(%dma_wait3A_1132 : memref<8x1024xf32, #tpu.memory_space<hbm>>)
    %dma_start3A_1133 = arith.constant 480 : i32
    %dma_start3A_1134 = tpu.memref_slice %arg6[%dma_start3A_1133] : memref<512xi32, #tpu.memory_space<vmem>> -> memref<8xi32, #tpu.memory_space<vmem>>
    %dma_start3A_1135 = arith.constant 0 : i32
    %dma_start3A_1136 = arith.constant 0 : i32
    %dma_start3A_1137 = tpu.memref_slice %arg3[%dma_start3A_1135, %dma_start3A_1136] : memref<100000x1024xf32, #tpu.memory_space<hbm>> -> memref<100000x1024xf32, #tpu.memory_space<hbm>>
    tpu.enqueue_indirect_dma source(%dma_start3A_1137 : memref<100000x1024xf32, #tpu.memory_space<hbm>>) target(%arg12 : memref<8x1024xf32, #tpu.memory_space<vmem>>) offsets(%dma_start3A_1134 : memref<8xi32, #tpu.memory_space<vmem>>) semaphore(%arg27 : memref<!tpu.dma_semaphore, #tpu.memory_space<semaphore_mem>>)
    %dma_wait3A_1138 = arith.constant 0 : i32
    %dma_wait3A_1139 = tpu.memref_slice %arg4[%add3A_964, %dma_wait3A_1138] : memref<4096x1024xf32, #tpu.memory_space<hbm>> -> memref<8x1024xf32, #tpu.memory_space<hbm>>
    %dma_wait3A_1140 = arith.constant 0 : i32
    %dma_wait3A_1141 = tpu.memref_slice %arg4[%add3A_964, %dma_wait3A_1140] : memref<4096x1024xf32, #tpu.memory_space<hbm>> -> memref<8x1024xf32, #tpu.memory_space<hbm>>
    tpu.wait_dma2 semaphore(%arg22 : memref<!tpu.dma_semaphore, #tpu.memory_space<semaphore_mem>>) src(%dma_wait3A_1141 : memref<8x1024xf32, #tpu.memory_space<hbm>>) dst(%arg7 : memref<8x1024xf32, #tpu.memory_space<vmem>>)
    %dma_wait3A_1142 = arith.constant 80 : i32
    %dma_wait3A_1143 = tpu.memref_slice %arg6[%dma_wait3A_1142] : memref<512xi32, #tpu.memory_space<vmem>> -> memref<8xi32, #tpu.memory_space<vmem>>
    %dma_wait3A_1144 = arith.constant 0 : i32
    %dma_wait3A_1145 = arith.constant 0 : i32
    %dma_wait3A_1146 = tpu.memref_slice %arg3[%dma_wait3A_1144, %dma_wait3A_1145] : memref<100000x1024xf32, #tpu.memory_space<hbm>> -> memref<100000x1024xf32, #tpu.memory_space<hbm>>
    tpu.wait_indirect_dma semaphore(%arg28 : memref<!tpu.dma_semaphore, #tpu.memory_space<semaphore_mem>>) src(%dma_wait3A_1146 : memref<100000x1024xf32, #tpu.memory_space<hbm>>) dst(%arg13 : memref<8x1024xf32, #tpu.memory_space<vmem>>)
    %dma_wait3A_1147 = arith.constant 208 : i32
    %dma_wait3A_1148 = tpu.memref_slice %arg6[%dma_wait3A_1147] : memref<512xi32, #tpu.memory_space<vmem>> -> memref<8xi32, #tpu.memory_space<vmem>>
    %dma_wait3A_1149 = arith.constant 0 : i32
    %dma_wait3A_1150 = arith.constant 0 : i32
    %dma_wait3A_1151 = tpu.memref_slice %arg3[%dma_wait3A_1149, %dma_wait3A_1150] : memref<100000x1024xf32, #tpu.memory_space<hbm>> -> memref<100000x1024xf32, #tpu.memory_space<hbm>>
    tpu.wait_indirect_dma semaphore(%arg29 : memref<!tpu.dma_semaphore, #tpu.memory_space<semaphore_mem>>) src(%dma_wait3A_1151 : memref<100000x1024xf32, #tpu.memory_space<hbm>>) dst(%arg14 : memref<8x1024xf32, #tpu.memory_space<vmem>>)
    %dma_wait3A_1152 = arith.constant 336 : i32
    %dma_wait3A_1153 = tpu.memref_slice %arg6[%dma_wait3A_1152] : memref<512xi32, #tpu.memory_space<vmem>> -> memref<8xi32, #tpu.memory_space<vmem>>
    %dma_wait3A_1154 = arith.constant 0 : i32
    %dma_wait3A_1155 = arith.constant 0 : i32
    %dma_wait3A_1156 = tpu.memref_slice %arg3[%dma_wait3A_1154, %dma_wait3A_1155] : memref<100000x1024xf32, #tpu.memory_space<hbm>> -> memref<100000x1024xf32, #tpu.memory_space<hbm>>
    tpu.wait_indirect_dma semaphore(%arg30 : memref<!tpu.dma_semaphore, #tpu.memory_space<semaphore_mem>>) src(%dma_wait3A_1156 : memref<100000x1024xf32, #tpu.memory_space<hbm>>) dst(%arg15 : memref<8x1024xf32, #tpu.memory_space<vmem>>)
    %dma_wait3A_1157 = arith.constant 464 : i32
    %dma_wait3A_1158 = tpu.memref_slice %arg6[%dma_wait3A_1157] : memref<512xi32, #tpu.memory_space<vmem>> -> memref<8xi32, #tpu.memory_space<vmem>>
    %dma_wait3A_1159 = arith.constant 0 : i32
    %dma_wait3A_1160 = arith.constant 0 : i32
    %dma_wait3A_1161 = tpu.memref_slice %arg3[%dma_wait3A_1159, %dma_wait3A_1160] : memref<100000x1024xf32, #tpu.memory_space<hbm>> -> memref<100000x1024xf32, #tpu.memory_space<hbm>>
    tpu.wait_indirect_dma semaphore(%arg31 : memref<!tpu.dma_semaphore, #tpu.memory_space<semaphore_mem>>) src(%dma_wait3A_1161 : memref<100000x1024xf32, #tpu.memory_space<hbm>>) dst(%arg16 : memref<8x1024xf32, #tpu.memory_space<vmem>>)
    %parallel_loop3A_1162 = arith.constant 0 : i32
    %parallel_loop3A_1163 = arith.constant 512 : i32
    %parallel_loop3A_1164 = arith.constant 1 : i32
    scf.for %parallel_loop3A_1672 = %parallel_loop3A_1162 to %parallel_loop3A_1163 step %parallel_loop3A_1164  : i32 {
      %parallel_loop3A_1673 = arith.constant 6 : i32
      %parallel_loop3A_1674 = arith.shrsi %parallel_loop3A_1672, %parallel_loop3A_1673 : i32
      %parallel_loop3A_1675 = arith.constant 63 : i32
      %parallel_loop3A_1676 = arith.andi %parallel_loop3A_1672, %parallel_loop3A_1675 : i32
      %parallel_loop3A_1677 = arith.constant 16 : i32
      %parallel_loop3A_1678 = arith.muli %parallel_loop3A_1676, %parallel_loop3A_1677 : i32
      %parallel_loop3A_1679 = arith.index_cast %parallel_loop3A_1674 : i32 to index
      %parallel_loop3A_1680 = arith.index_cast %parallel_loop3A_1678 : i32 to index
      %parallel_loop3A_1681 = tpu.vector_load %arg7[%parallel_loop3A_1679, %parallel_loop3A_1680] {strides = array<i32>} : memref<8x1024xf32, #tpu.memory_space<vmem>>, vector<1x16xf32>,
      %parallel_loop3A_1682 = vector.shape_cast %parallel_loop3A_1681 : vector<1x16xf32> to vector<16xf32>
      %parallel_loop3A_1683 = arith.index_cast %parallel_loop3A_1674 : i32 to index
      %parallel_loop3A_1684 = arith.index_cast %parallel_loop3A_1678 : i32 to index
      %parallel_loop3A_1685 = tpu.vector_load %arg13[%parallel_loop3A_1683, %parallel_loop3A_1684] {strides = array<i32>} : memref<8x1024xf32, #tpu.memory_space<vmem>>, vector<1x16xf32>,
      %parallel_loop3A_1686 = vector.shape_cast %parallel_loop3A_1685 : vector<1x16xf32> to vector<16xf32>
      %parallel_loop3A_1687 = vector.shape_cast %parallel_loop3A_1682 : vector<16xf32> to vector<1x16xf32>
      tpu.vector_store %arg13[%parallel_loop3A_1683, %parallel_loop3A_1684], %parallel_loop3A_1687 {add = true, strides = array<i32>} : memref<8x1024xf32, #tpu.memory_space<vmem>>, vector<1x16xf32>,
      %parallel_loop3A_1688 = arith.index_cast %parallel_loop3A_1674 : i32 to index
      %parallel_loop3A_1689 = arith.index_cast %parallel_loop3A_1678 : i32 to index
      %parallel_loop3A_1690 = tpu.vector_load %arg14[%parallel_loop3A_1688, %parallel_loop3A_1689] {strides = array<i32>} : memref<8x1024xf32, #tpu.memory_space<vmem>>, vector<1x16xf32>,
      %parallel_loop3A_1691 = vector.shape_cast %parallel_loop3A_1690 : vector<1x16xf32> to vector<16xf32>
      %parallel_loop3A_1692 = vector.shape_cast %parallel_loop3A_1682 : vector<16xf32> to vector<1x16xf32>
      tpu.vector_store %arg14[%parallel_loop3A_1688, %parallel_loop3A_1689], %parallel_loop3A_1692 {add = true, strides = array<i32>} : memref<8x1024xf32, #tpu.memory_space<vmem>>, vector<1x16xf32>,
      %parallel_loop3A_1693 = arith.index_cast %parallel_loop3A_1674 : i32 to index
      %parallel_loop3A_1694 = arith.index_cast %parallel_loop3A_1678 : i32 to index
      %parallel_loop3A_1695 = tpu.vector_load %arg15[%parallel_loop3A_1693, %parallel_loop3A_1694] {strides = array<i32>} : memref<8x1024xf32, #tpu.memory_space<vmem>>, vector<1x16xf32>,
      %parallel_loop3A_1696 = vector.shape_cast %parallel_loop3A_1695 : vector<1x16xf32> to vector<16xf32>
      %parallel_loop3A_1697 = vector.shape_cast %parallel_loop3A_1682 : vector<16xf32> to vector<1x16xf32>
      tpu.vector_store %arg15[%parallel_loop3A_1693, %parallel_loop3A_1694], %parallel_loop3A_1697 {add = true, strides = array<i32>} : memref<8x1024xf32, #tpu.memory_space<vmem>>, vector<1x16xf32>,
      %parallel_loop3A_1698 = arith.index_cast %parallel_loop3A_1674 : i32 to index
      %parallel_loop3A_1699 = arith.index_cast %parallel_loop3A_1678 : i32 to index
      %parallel_loop3A_1700 = tpu.vector_load %arg16[%parallel_loop3A_1698, %parallel_loop3A_1699] {strides = array<i32>} : memref<8x1024xf32, #tpu.memory_space<vmem>>, vector<1x16xf32>,
      %parallel_loop3A_1701 = vector.shape_cast %parallel_loop3A_1700 : vector<1x16xf32> to vector<16xf32>
      %parallel_loop3A_1702 = vector.shape_cast %parallel_loop3A_1682 : vector<16xf32> to vector<1x16xf32>
      tpu.vector_store %arg16[%parallel_loop3A_1698, %parallel_loop3A_1699], %parallel_loop3A_1702 {add = true, strides = array<i32>} : memref<8x1024xf32, #tpu.memory_space<vmem>>, vector<1x16xf32>,
    } {sc.loop_unroll_factor = 2 : i64, sc.parallel_access}
    %add3A_1165 = arith.constant 96 : i32
    %add3A_1166 = arith.addi %mul3A_2, %add3A_1165 : i32
    %dma_start3A_1167 = arith.constant 0 : i32
    %dma_start3A_1168 = tpu.memref_slice %arg4[%add3A_1166, %dma_start3A_1167] : memref<4096x1024xf32, #tpu.memory_space<hbm>> -> memref<8x1024xf32, #tpu.memory_space<hbm>>
    %dma_start3A_1169 = arith.constant 0 : i32
    %dma_start3A_1170 = tpu.memref_slice %arg4[%add3A_1166, %dma_start3A_1169] : memref<4096x1024xf32, #tpu.memory_space<hbm>> -> memref<8x1024xf32, #tpu.memory_space<hbm>>
    tpu.enqueue_dma source(%dma_start3A_1170 : memref<8x1024xf32, #tpu.memory_space<hbm>>) target(%arg7 : memref<8x1024xf32, #tpu.memory_space<vmem>>) target_semaphore(%arg22 : memref<!tpu.dma_semaphore, #tpu.memory_space<semaphore_mem>>)
    %add3A_1171 = arith.constant 0 : i32
    %add3A_1172 = arith.addi %add3A_1171, %mul3A_2 : i32
    %add3A_1173 = arith.constant 80 : i32
    %add3A_1174 = arith.addi %add3A_1172, %add3A_1173 : i32
    %dma_start3A_1175 = arith.constant 0 : i32
    %dma_start3A_1176 = tpu.memref_slice %arg5[%add3A_1174, %dma_start3A_1175] : memref<16384x1024xf32, #tpu.memory_space<hbm>> -> memref<8x1024xf32, #tpu.memory_space<hbm>>
    %dma_start3A_1177 = arith.constant 0 : i32
    %dma_start3A_1178 = tpu.memref_slice %arg5[%add3A_1174, %dma_start3A_1177] : memref<16384x1024xf32, #tpu.memory_space<hbm>> -> memref<8x1024xf32, #tpu.memory_space<hbm>>
    tpu.enqueue_dma source(%arg13 : memref<8x1024xf32, #tpu.memory_space<vmem>>) target(%dma_start3A_1178 : memref<8x1024xf32, #tpu.memory_space<hbm>>) target_semaphore(%arg40 : memref<!tpu.dma_semaphore, #tpu.memory_space<semaphore_mem>>)
    %add3A_1179 = arith.constant 4096 : i32
    %add3A_1180 = arith.addi %add3A_1179, %mul3A_2 : i32
    %add3A_1181 = arith.constant 80 : i32
    %add3A_1182 = arith.addi %add3A_1180, %add3A_1181 : i32
    %dma_start3A_1183 = arith.constant 0 : i32
    %dma_start3A_1184 = tpu.memref_slice %arg5[%add3A_1182, %dma_start3A_1183] : memref<16384x1024xf32, #tpu.memory_space<hbm>> -> memref<8x1024xf32, #tpu.memory_space<hbm>>
    %dma_start3A_1185 = arith.constant 0 : i32
    %dma_start3A_1186 = tpu.memref_slice %arg5[%add3A_1182, %dma_start3A_1185] : memref<16384x1024xf32, #tpu.memory_space<hbm>> -> memref<8x1024xf32, #tpu.memory_space<hbm>>
    tpu.enqueue_dma source(%arg14 : memref<8x1024xf32, #tpu.memory_space<vmem>>) target(%dma_start3A_1186 : memref<8x1024xf32, #tpu.memory_space<hbm>>) target_semaphore(%arg41 : memref<!tpu.dma_semaphore, #tpu.memory_space<semaphore_mem>>)
    %add3A_1187 = arith.constant 8192 : i32
    %add3A_1188 = arith.addi %add3A_1187, %mul3A_2 : i32
    %add3A_1189 = arith.constant 80 : i32
    %add3A_1190 = arith.addi %add3A_1188, %add3A_1189 : i32
    %dma_start3A_1191 = arith.constant 0 : i32
    %dma_start3A_1192 = tpu.memref_slice %arg5[%add3A_1190, %dma_start3A_1191] : memref<16384x1024xf32, #tpu.memory_space<hbm>> -> memref<8x1024xf32, #tpu.memory_space<hbm>>
    %dma_start3A_1193 = arith.constant 0 : i32
    %dma_start3A_1194 = tpu.memref_slice %arg5[%add3A_1190, %dma_start3A_1193] : memref<16384x1024xf32, #tpu.memory_space<hbm>> -> memref<8x1024xf32, #tpu.memory_space<hbm>>
    tpu.enqueue_dma source(%arg15 : memref<8x1024xf32, #tpu.memory_space<vmem>>) target(%dma_start3A_1194 : memref<8x1024xf32, #tpu.memory_space<hbm>>) target_semaphore(%arg42 : memref<!tpu.dma_semaphore, #tpu.memory_space<semaphore_mem>>)
    %add3A_1195 = arith.constant 12288 : i32
    %add3A_1196 = arith.addi %add3A_1195, %mul3A_2 : i32
    %add3A_1197 = arith.constant 80 : i32
    %add3A_1198 = arith.addi %add3A_1196, %add3A_1197 : i32
    %dma_start3A_1199 = arith.constant 0 : i32
    %dma_start3A_1200 = tpu.memref_slice %arg5[%add3A_1198, %dma_start3A_1199] : memref<16384x1024xf32, #tpu.memory_space<hbm>> -> memref<8x1024xf32, #tpu.memory_space<hbm>>
    %dma_start3A_1201 = arith.constant 0 : i32
    %dma_start3A_1202 = tpu.memref_slice %arg5[%add3A_1198, %dma_start3A_1201] : memref<16384x1024xf32, #tpu.memory_space<hbm>> -> memref<8x1024xf32, #tpu.memory_space<hbm>>
    tpu.enqueue_dma source(%arg16 : memref<8x1024xf32, #tpu.memory_space<vmem>>) target(%dma_start3A_1202 : memref<8x1024xf32, #tpu.memory_space<hbm>>) target_semaphore(%arg43 : memref<!tpu.dma_semaphore, #tpu.memory_space<semaphore_mem>>)
    %dma_wait3A_1203 = arith.constant 0 : i32
    %dma_wait3A_1204 = tpu.memref_slice %arg5[%add3A_1174, %dma_wait3A_1203] : memref<16384x1024xf32, #tpu.memory_space<hbm>> -> memref<8x1024xf32, #tpu.memory_space<hbm>>
    %dma_wait3A_1205 = arith.constant 0 : i32
    %dma_wait3A_1206 = tpu.memref_slice %arg5[%add3A_1174, %dma_wait3A_1205] : memref<16384x1024xf32, #tpu.memory_space<hbm>> -> memref<8x1024xf32, #tpu.memory_space<hbm>>
    tpu.wait_dma2 semaphore(%arg40 : memref<!tpu.dma_semaphore, #tpu.memory_space<semaphore_mem>>) src(%arg13 : memref<8x1024xf32, #tpu.memory_space<vmem>>) dst(%dma_wait3A_1206 : memref<8x1024xf32, #tpu.memory_space<hbm>>)
    %dma_start3A_1207 = arith.constant 104 : i32
    %dma_start3A_1208 = tpu.memref_slice %arg6[%dma_start3A_1207] : memref<512xi32, #tpu.memory_space<vmem>> -> memref<8xi32, #tpu.memory_space<vmem>>
    %dma_start3A_1209 = arith.constant 0 : i32
    %dma_start3A_1210 = arith.constant 0 : i32
    %dma_start3A_1211 = tpu.memref_slice %arg3[%dma_start3A_1209, %dma_start3A_1210] : memref<100000x1024xf32, #tpu.memory_space<hbm>> -> memref<100000x1024xf32, #tpu.memory_space<hbm>>
    tpu.enqueue_indirect_dma source(%dma_start3A_1211 : memref<100000x1024xf32, #tpu.memory_space<hbm>>) target(%arg13 : memref<8x1024xf32, #tpu.memory_space<vmem>>) offsets(%dma_start3A_1208 : memref<8xi32, #tpu.memory_space<vmem>>) semaphore(%arg28 : memref<!tpu.dma_semaphore, #tpu.memory_space<semaphore_mem>>)
    %dma_wait3A_1212 = arith.constant 0 : i32
    %dma_wait3A_1213 = tpu.memref_slice %arg5[%add3A_1182, %dma_wait3A_1212] : memref<16384x1024xf32, #tpu.memory_space<hbm>> -> memref<8x1024xf32, #tpu.memory_space<hbm>>
    %dma_wait3A_1214 = arith.constant 0 : i32
    %dma_wait3A_1215 = tpu.memref_slice %arg5[%add3A_1182, %dma_wait3A_1214] : memref<16384x1024xf32, #tpu.memory_space<hbm>> -> memref<8x1024xf32, #tpu.memory_space<hbm>>
    tpu.wait_dma2 semaphore(%arg41 : memref<!tpu.dma_semaphore, #tpu.memory_space<semaphore_mem>>) src(%arg14 : memref<8x1024xf32, #tpu.memory_space<vmem>>) dst(%dma_wait3A_1215 : memref<8x1024xf32, #tpu.memory_space<hbm>>)
    %dma_start3A_1216 = arith.constant 232 : i32
    %dma_start3A_1217 = tpu.memref_slice %arg6[%dma_start3A_1216] : memref<512xi32, #tpu.memory_space<vmem>> -> memref<8xi32, #tpu.memory_space<vmem>>
    %dma_start3A_1218 = arith.constant 0 : i32
    %dma_start3A_1219 = arith.constant 0 : i32
    %dma_start3A_1220 = tpu.memref_slice %arg3[%dma_start3A_1218, %dma_start3A_1219] : memref<100000x1024xf32, #tpu.memory_space<hbm>> -> memref<100000x1024xf32, #tpu.memory_space<hbm>>
    tpu.enqueue_indirect_dma source(%dma_start3A_1220 : memref<100000x1024xf32, #tpu.memory_space<hbm>>) target(%arg14 : memref<8x1024xf32, #tpu.memory_space<vmem>>) offsets(%dma_start3A_1217 : memref<8xi32, #tpu.memory_space<vmem>>) semaphore(%arg29 : memref<!tpu.dma_semaphore, #tpu.memory_space<semaphore_mem>>)
    %dma_wait3A_1221 = arith.constant 0 : i32
    %dma_wait3A_1222 = tpu.memref_slice %arg5[%add3A_1190, %dma_wait3A_1221] : memref<16384x1024xf32, #tpu.memory_space<hbm>> -> memref<8x1024xf32, #tpu.memory_space<hbm>>
    %dma_wait3A_1223 = arith.constant 0 : i32
    %dma_wait3A_1224 = tpu.memref_slice %arg5[%add3A_1190, %dma_wait3A_1223] : memref<16384x1024xf32, #tpu.memory_space<hbm>> -> memref<8x1024xf32, #tpu.memory_space<hbm>>
    tpu.wait_dma2 semaphore(%arg42 : memref<!tpu.dma_semaphore, #tpu.memory_space<semaphore_mem>>) src(%arg15 : memref<8x1024xf32, #tpu.memory_space<vmem>>) dst(%dma_wait3A_1224 : memref<8x1024xf32, #tpu.memory_space<hbm>>)
    %dma_start3A_1225 = arith.constant 360 : i32
    %dma_start3A_1226 = tpu.memref_slice %arg6[%dma_start3A_1225] : memref<512xi32, #tpu.memory_space<vmem>> -> memref<8xi32, #tpu.memory_space<vmem>>
    %dma_start3A_1227 = arith.constant 0 : i32
    %dma_start3A_1228 = arith.constant 0 : i32
    %dma_start3A_1229 = tpu.memref_slice %arg3[%dma_start3A_1227, %dma_start3A_1228] : memref<100000x1024xf32, #tpu.memory_space<hbm>> -> memref<100000x1024xf32, #tpu.memory_space<hbm>>
    tpu.enqueue_indirect_dma source(%dma_start3A_1229 : memref<100000x1024xf32, #tpu.memory_space<hbm>>) target(%arg15 : memref<8x1024xf32, #tpu.memory_space<vmem>>) offsets(%dma_start3A_1226 : memref<8xi32, #tpu.memory_space<vmem>>) semaphore(%arg30 : memref<!tpu.dma_semaphore, #tpu.memory_space<semaphore_mem>>)
    %dma_wait3A_1230 = arith.constant 0 : i32
    %dma_wait3A_1231 = tpu.memref_slice %arg5[%add3A_1198, %dma_wait3A_1230] : memref<16384x1024xf32, #tpu.memory_space<hbm>> -> memref<8x1024xf32, #tpu.memory_space<hbm>>
    %dma_wait3A_1232 = arith.constant 0 : i32
    %dma_wait3A_1233 = tpu.memref_slice %arg5[%add3A_1198, %dma_wait3A_1232] : memref<16384x1024xf32, #tpu.memory_space<hbm>> -> memref<8x1024xf32, #tpu.memory_space<hbm>>
    tpu.wait_dma2 semaphore(%arg43 : memref<!tpu.dma_semaphore, #tpu.memory_space<semaphore_mem>>) src(%arg16 : memref<8x1024xf32, #tpu.memory_space<vmem>>) dst(%dma_wait3A_1233 : memref<8x1024xf32, #tpu.memory_space<hbm>>)
    %dma_start3A_1234 = arith.constant 488 : i32
    %dma_start3A_1235 = tpu.memref_slice %arg6[%dma_start3A_1234] : memref<512xi32, #tpu.memory_space<vmem>> -> memref<8xi32, #tpu.memory_space<vmem>>
    %dma_start3A_1236 = arith.constant 0 : i32
    %dma_start3A_1237 = arith.constant 0 : i32
    %dma_start3A_1238 = tpu.memref_slice %arg3[%dma_start3A_1236, %dma_start3A_1237] : memref<100000x1024xf32, #tpu.memory_space<hbm>> -> memref<100000x1024xf32, #tpu.memory_space<hbm>>
    tpu.enqueue_indirect_dma source(%dma_start3A_1238 : memref<100000x1024xf32, #tpu.memory_space<hbm>>) target(%arg16 : memref<8x1024xf32, #tpu.memory_space<vmem>>) offsets(%dma_start3A_1235 : memref<8xi32, #tpu.memory_space<vmem>>) semaphore(%arg31 : memref<!tpu.dma_semaphore, #tpu.memory_space<semaphore_mem>>)
    %dma_wait3A_1239 = arith.constant 0 : i32
    %dma_wait3A_1240 = tpu.memref_slice %arg4[%add3A_1065, %dma_wait3A_1239] : memref<4096x1024xf32, #tpu.memory_space<hbm>> -> memref<8x1024xf32, #tpu.memory_space<hbm>>
    %dma_wait3A_1241 = arith.constant 0 : i32
    %dma_wait3A_1242 = tpu.memref_slice %arg4[%add3A_1065, %dma_wait3A_1241] : memref<4096x1024xf32, #tpu.memory_space<hbm>> -> memref<8x1024xf32, #tpu.memory_space<hbm>>
    tpu.wait_dma2 semaphore(%arg23 : memref<!tpu.dma_semaphore, #tpu.memory_space<semaphore_mem>>) src(%dma_wait3A_1242 : memref<8x1024xf32, #tpu.memory_space<hbm>>) dst(%arg8 : memref<8x1024xf32, #tpu.memory_space<vmem>>)
    %dma_wait3A_1243 = arith.constant 88 : i32
    %dma_wait3A_1244 = tpu.memref_slice %arg6[%dma_wait3A_1243] : memref<512xi32, #tpu.memory_space<vmem>> -> memref<8xi32, #tpu.memory_space<vmem>>
    %dma_wait3A_1245 = arith.constant 0 : i32
    %dma_wait3A_1246 = arith.constant 0 : i32
    %dma_wait3A_1247 = tpu.memref_slice %arg3[%dma_wait3A_1245, %dma_wait3A_1246] : memref<100000x1024xf32, #tpu.memory_space<hbm>> -> memref<100000x1024xf32, #tpu.memory_space<hbm>>
    tpu.wait_indirect_dma semaphore(%arg32 : memref<!tpu.dma_semaphore, #tpu.memory_space<semaphore_mem>>) src(%dma_wait3A_1247 : memref<100000x1024xf32, #tpu.memory_space<hbm>>) dst(%arg17 : memref<8x1024xf32, #tpu.memory_space<vmem>>)
    %dma_wait3A_1248 = arith.constant 216 : i32
    %dma_wait3A_1249 = tpu.memref_slice %arg6[%dma_wait3A_1248] : memref<512xi32, #tpu.memory_space<vmem>> -> memref<8xi32, #tpu.memory_space<vmem>>
    %dma_wait3A_1250 = arith.constant 0 : i32
    %dma_wait3A_1251 = arith.constant 0 : i32
    %dma_wait3A_1252 = tpu.memref_slice %arg3[%dma_wait3A_1250, %dma_wait3A_1251] : memref<100000x1024xf32, #tpu.memory_space<hbm>> -> memref<100000x1024xf32, #tpu.memory_space<hbm>>
    tpu.wait_indirect_dma semaphore(%arg33 : memref<!tpu.dma_semaphore, #tpu.memory_space<semaphore_mem>>) src(%dma_wait3A_1252 : memref<100000x1024xf32, #tpu.memory_space<hbm>>) dst(%arg18 : memref<8x1024xf32, #tpu.memory_space<vmem>>)
    %dma_wait3A_1253 = arith.constant 344 : i32
    %dma_wait3A_1254 = tpu.memref_slice %arg6[%dma_wait3A_1253] : memref<512xi32, #tpu.memory_space<vmem>> -> memref<8xi32, #tpu.memory_space<vmem>>
    %dma_wait3A_1255 = arith.constant 0 : i32
    %dma_wait3A_1256 = arith.constant 0 : i32
    %dma_wait3A_1257 = tpu.memref_slice %arg3[%dma_wait3A_1255, %dma_wait3A_1256] : memref<100000x1024xf32, #tpu.memory_space<hbm>> -> memref<100000x1024xf32, #tpu.memory_space<hbm>>
    tpu.wait_indirect_dma semaphore(%arg34 : memref<!tpu.dma_semaphore, #tpu.memory_space<semaphore_mem>>) src(%dma_wait3A_1257 : memref<100000x1024xf32, #tpu.memory_space<hbm>>) dst(%arg19 : memref<8x1024xf32, #tpu.memory_space<vmem>>)
    %dma_wait3A_1258 = arith.constant 472 : i32
    %dma_wait3A_1259 = tpu.memref_slice %arg6[%dma_wait3A_1258] : memref<512xi32, #tpu.memory_space<vmem>> -> memref<8xi32, #tpu.memory_space<vmem>>
    %dma_wait3A_1260 = arith.constant 0 : i32
    %dma_wait3A_1261 = arith.constant 0 : i32
    %dma_wait3A_1262 = tpu.memref_slice %arg3[%dma_wait3A_1260, %dma_wait3A_1261] : memref<100000x1024xf32, #tpu.memory_space<hbm>> -> memref<100000x1024xf32, #tpu.memory_space<hbm>>
    tpu.wait_indirect_dma semaphore(%arg35 : memref<!tpu.dma_semaphore, #tpu.memory_space<semaphore_mem>>) src(%dma_wait3A_1262 : memref<100000x1024xf32, #tpu.memory_space<hbm>>) dst(%arg20 : memref<8x1024xf32, #tpu.memory_space<vmem>>)
    %parallel_loop3A_1263 = arith.constant 0 : i32
    %parallel_loop3A_1264 = arith.constant 512 : i32
    %parallel_loop3A_1265 = arith.constant 1 : i32
    scf.for %parallel_loop3A_1672 = %parallel_loop3A_1263 to %parallel_loop3A_1264 step %parallel_loop3A_1265  : i32 {
      %parallel_loop3A_1673 = arith.constant 6 : i32
      %parallel_loop3A_1674 = arith.shrsi %parallel_loop3A_1672, %parallel_loop3A_1673 : i32
      %parallel_loop3A_1675 = arith.constant 63 : i32
      %parallel_loop3A_1676 = arith.andi %parallel_loop3A_1672, %parallel_loop3A_1675 : i32
      %parallel_loop3A_1677 = arith.constant 16 : i32
      %parallel_loop3A_1678 = arith.muli %parallel_loop3A_1676, %parallel_loop3A_1677 : i32
      %parallel_loop3A_1679 = arith.index_cast %parallel_loop3A_1674 : i32 to index
      %parallel_loop3A_1680 = arith.index_cast %parallel_loop3A_1678 : i32 to index
      %parallel_loop3A_1681 = tpu.vector_load %arg8[%parallel_loop3A_1679, %parallel_loop3A_1680] {strides = array<i32>} : memref<8x1024xf32, #tpu.memory_space<vmem>>, vector<1x16xf32>,
      %parallel_loop3A_1682 = vector.shape_cast %parallel_loop3A_1681 : vector<1x16xf32> to vector<16xf32>
      %parallel_loop3A_1683 = arith.index_cast %parallel_loop3A_1674 : i32 to index
      %parallel_loop3A_1684 = arith.index_cast %parallel_loop3A_1678 : i32 to index
      %parallel_loop3A_1685 = tpu.vector_load %arg17[%parallel_loop3A_1683, %parallel_loop3A_1684] {strides = array<i32>} : memref<8x1024xf32, #tpu.memory_space<vmem>>, vector<1x16xf32>,
      %parallel_loop3A_1686 = vector.shape_cast %parallel_loop3A_1685 : vector<1x16xf32> to vector<16xf32>
      %parallel_loop3A_1687 = vector.shape_cast %parallel_loop3A_1682 : vector<16xf32> to vector<1x16xf32>
      tpu.vector_store %arg17[%parallel_loop3A_1683, %parallel_loop3A_1684], %parallel_loop3A_1687 {add = true, strides = array<i32>} : memref<8x1024xf32, #tpu.memory_space<vmem>>, vector<1x16xf32>,
      %parallel_loop3A_1688 = arith.index_cast %parallel_loop3A_1674 : i32 to index
      %parallel_loop3A_1689 = arith.index_cast %parallel_loop3A_1678 : i32 to index
      %parallel_loop3A_1690 = tpu.vector_load %arg18[%parallel_loop3A_1688, %parallel_loop3A_1689] {strides = array<i32>} : memref<8x1024xf32, #tpu.memory_space<vmem>>, vector<1x16xf32>,
      %parallel_loop3A_1691 = vector.shape_cast %parallel_loop3A_1690 : vector<1x16xf32> to vector<16xf32>
      %parallel_loop3A_1692 = vector.shape_cast %parallel_loop3A_1682 : vector<16xf32> to vector<1x16xf32>
      tpu.vector_store %arg18[%parallel_loop3A_1688, %parallel_loop3A_1689], %parallel_loop3A_1692 {add = true, strides = array<i32>} : memref<8x1024xf32, #tpu.memory_space<vmem>>, vector<1x16xf32>,
      %parallel_loop3A_1693 = arith.index_cast %parallel_loop3A_1674 : i32 to index
      %parallel_loop3A_1694 = arith.index_cast %parallel_loop3A_1678 : i32 to index
      %parallel_loop3A_1695 = tpu.vector_load %arg19[%parallel_loop3A_1693, %parallel_loop3A_1694] {strides = array<i32>} : memref<8x1024xf32, #tpu.memory_space<vmem>>, vector<1x16xf32>,
      %parallel_loop3A_1696 = vector.shape_cast %parallel_loop3A_1695 : vector<1x16xf32> to vector<16xf32>
      %parallel_loop3A_1697 = vector.shape_cast %parallel_loop3A_1682 : vector<16xf32> to vector<1x16xf32>
      tpu.vector_store %arg19[%parallel_loop3A_1693, %parallel_loop3A_1694], %parallel_loop3A_1697 {add = true, strides = array<i32>} : memref<8x1024xf32, #tpu.memory_space<vmem>>, vector<1x16xf32>,
      %parallel_loop3A_1698 = arith.index_cast %parallel_loop3A_1674 : i32 to index
      %parallel_loop3A_1699 = arith.index_cast %parallel_loop3A_1678 : i32 to index
      %parallel_loop3A_1700 = tpu.vector_load %arg20[%parallel_loop3A_1698, %parallel_loop3A_1699] {strides = array<i32>} : memref<8x1024xf32, #tpu.memory_space<vmem>>, vector<1x16xf32>,
      %parallel_loop3A_1701 = vector.shape_cast %parallel_loop3A_1700 : vector<1x16xf32> to vector<16xf32>
      %parallel_loop3A_1702 = vector.shape_cast %parallel_loop3A_1682 : vector<16xf32> to vector<1x16xf32>
      tpu.vector_store %arg20[%parallel_loop3A_1698, %parallel_loop3A_1699], %parallel_loop3A_1702 {add = true, strides = array<i32>} : memref<8x1024xf32, #tpu.memory_space<vmem>>, vector<1x16xf32>,
    } {sc.loop_unroll_factor = 2 : i64, sc.parallel_access}
    %add3A_1266 = arith.constant 104 : i32
    %add3A_1267 = arith.addi %mul3A_2, %add3A_1266 : i32
    %dma_start3A_1268 = arith.constant 0 : i32
    %dma_start3A_1269 = tpu.memref_slice %arg4[%add3A_1267, %dma_start3A_1268] : memref<4096x1024xf32, #tpu.memory_space<hbm>> -> memref<8x1024xf32, #tpu.memory_space<hbm>>
    %dma_start3A_1270 = arith.constant 0 : i32
    %dma_start3A_1271 = tpu.memref_slice %arg4[%add3A_1267, %dma_start3A_1270] : memref<4096x1024xf32, #tpu.memory_space<hbm>> -> memref<8x1024xf32, #tpu.memory_space<hbm>>
    tpu.enqueue_dma source(%dma_start3A_1271 : memref<8x1024xf32, #tpu.memory_space<hbm>>) target(%arg8 : memref<8x1024xf32, #tpu.memory_space<vmem>>) target_semaphore(%arg23 : memref<!tpu.dma_semaphore, #tpu.memory_space<semaphore_mem>>)
    %add3A_1272 = arith.constant 0 : i32
    %add3A_1273 = arith.addi %add3A_1272, %mul3A_2 : i32
    %add3A_1274 = arith.constant 88 : i32
    %add3A_1275 = arith.addi %add3A_1273, %add3A_1274 : i32
    %dma_start3A_1276 = arith.constant 0 : i32
    %dma_start3A_1277 = tpu.memref_slice %arg5[%add3A_1275, %dma_start3A_1276] : memref<16384x1024xf32, #tpu.memory_space<hbm>> -> memref<8x1024xf32, #tpu.memory_space<hbm>>
    %dma_start3A_1278 = arith.constant 0 : i32
    %dma_start3A_1279 = tpu.memref_slice %arg5[%add3A_1275, %dma_start3A_1278] : memref<16384x1024xf32, #tpu.memory_space<hbm>> -> memref<8x1024xf32, #tpu.memory_space<hbm>>
    tpu.enqueue_dma source(%arg17 : memref<8x1024xf32, #tpu.memory_space<vmem>>) target(%dma_start3A_1279 : memref<8x1024xf32, #tpu.memory_space<hbm>>) target_semaphore(%arg44 : memref<!tpu.dma_semaphore, #tpu.memory_space<semaphore_mem>>)
    %add3A_1280 = arith.constant 4096 : i32
    %add3A_1281 = arith.addi %add3A_1280, %mul3A_2 : i32
    %add3A_1282 = arith.constant 88 : i32
    %add3A_1283 = arith.addi %add3A_1281, %add3A_1282 : i32
    %dma_start3A_1284 = arith.constant 0 : i32
    %dma_start3A_1285 = tpu.memref_slice %arg5[%add3A_1283, %dma_start3A_1284] : memref<16384x1024xf32, #tpu.memory_space<hbm>> -> memref<8x1024xf32, #tpu.memory_space<hbm>>
    %dma_start3A_1286 = arith.constant 0 : i32
    %dma_start3A_1287 = tpu.memref_slice %arg5[%add3A_1283, %dma_start3A_1286] : memref<16384x1024xf32, #tpu.memory_space<hbm>> -> memref<8x1024xf32, #tpu.memory_space<hbm>>
    tpu.enqueue_dma source(%arg18 : memref<8x1024xf32, #tpu.memory_space<vmem>>) target(%dma_start3A_1287 : memref<8x1024xf32, #tpu.memory_space<hbm>>) target_semaphore(%arg45 : memref<!tpu.dma_semaphore, #tpu.memory_space<semaphore_mem>>)
    %add3A_1288 = arith.constant 8192 : i32
    %add3A_1289 = arith.addi %add3A_1288, %mul3A_2 : i32
    %add3A_1290 = arith.constant 88 : i32
    %add3A_1291 = arith.addi %add3A_1289, %add3A_1290 : i32
    %dma_start3A_1292 = arith.constant 0 : i32
    %dma_start3A_1293 = tpu.memref_slice %arg5[%add3A_1291, %dma_start3A_1292] : memref<16384x1024xf32, #tpu.memory_space<hbm>> -> memref<8x1024xf32, #tpu.memory_space<hbm>>
    %dma_start3A_1294 = arith.constant 0 : i32
    %dma_start3A_1295 = tpu.memref_slice %arg5[%add3A_1291, %dma_start3A_1294] : memref<16384x1024xf32, #tpu.memory_space<hbm>> -> memref<8x1024xf32, #tpu.memory_space<hbm>>
    tpu.enqueue_dma source(%arg19 : memref<8x1024xf32, #tpu.memory_space<vmem>>) target(%dma_start3A_1295 : memref<8x1024xf32, #tpu.memory_space<hbm>>) target_semaphore(%arg46 : memref<!tpu.dma_semaphore, #tpu.memory_space<semaphore_mem>>)
    %add3A_1296 = arith.constant 12288 : i32
    %add3A_1297 = arith.addi %add3A_1296, %mul3A_2 : i32
    %add3A_1298 = arith.constant 88 : i32
    %add3A_1299 = arith.addi %add3A_1297, %add3A_1298 : i32
    %dma_start3A_1300 = arith.constant 0 : i32
    %dma_start3A_1301 = tpu.memref_slice %arg5[%add3A_1299, %dma_start3A_1300] : memref<16384x1024xf32, #tpu.memory_space<hbm>> -> memref<8x1024xf32, #tpu.memory_space<hbm>>
    %dma_start3A_1302 = arith.constant 0 : i32
    %dma_start3A_1303 = tpu.memref_slice %arg5[%add3A_1299, %dma_start3A_1302] : memref<16384x1024xf32, #tpu.memory_space<hbm>> -> memref<8x1024xf32, #tpu.memory_space<hbm>>
    tpu.enqueue_dma source(%arg20 : memref<8x1024xf32, #tpu.memory_space<vmem>>) target(%dma_start3A_1303 : memref<8x1024xf32, #tpu.memory_space<hbm>>) target_semaphore(%arg47 : memref<!tpu.dma_semaphore, #tpu.memory_space<semaphore_mem>>)
    %dma_wait3A_1304 = arith.constant 0 : i32
    %dma_wait3A_1305 = tpu.memref_slice %arg5[%add3A_1275, %dma_wait3A_1304] : memref<16384x1024xf32, #tpu.memory_space<hbm>> -> memref<8x1024xf32, #tpu.memory_space<hbm>>
    %dma_wait3A_1306 = arith.constant 0 : i32
    %dma_wait3A_1307 = tpu.memref_slice %arg5[%add3A_1275, %dma_wait3A_1306] : memref<16384x1024xf32, #tpu.memory_space<hbm>> -> memref<8x1024xf32, #tpu.memory_space<hbm>>
    tpu.wait_dma2 semaphore(%arg44 : memref<!tpu.dma_semaphore, #tpu.memory_space<semaphore_mem>>) src(%arg17 : memref<8x1024xf32, #tpu.memory_space<vmem>>) dst(%dma_wait3A_1307 : memref<8x1024xf32, #tpu.memory_space<hbm>>)
    %dma_start3A_1308 = arith.constant 112 : i32
    %dma_start3A_1309 = tpu.memref_slice %arg6[%dma_start3A_1308] : memref<512xi32, #tpu.memory_space<vmem>> -> memref<8xi32, #tpu.memory_space<vmem>>
    %dma_start3A_1310 = arith.constant 0 : i32
    %dma_start3A_1311 = arith.constant 0 : i32
    %dma_start3A_1312 = tpu.memref_slice %arg3[%dma_start3A_1310, %dma_start3A_1311] : memref<100000x1024xf32, #tpu.memory_space<hbm>> -> memref<100000x1024xf32, #tpu.memory_space<hbm>>
    tpu.enqueue_indirect_dma source(%dma_start3A_1312 : memref<100000x1024xf32, #tpu.memory_space<hbm>>) target(%arg17 : memref<8x1024xf32, #tpu.memory_space<vmem>>) offsets(%dma_start3A_1309 : memref<8xi32, #tpu.memory_space<vmem>>) semaphore(%arg32 : memref<!tpu.dma_semaphore, #tpu.memory_space<semaphore_mem>>)
    %dma_wait3A_1313 = arith.constant 0 : i32
    %dma_wait3A_1314 = tpu.memref_slice %arg5[%add3A_1283, %dma_wait3A_1313] : memref<16384x1024xf32, #tpu.memory_space<hbm>> -> memref<8x1024xf32, #tpu.memory_space<hbm>>
    %dma_wait3A_1315 = arith.constant 0 : i32
    %dma_wait3A_1316 = tpu.memref_slice %arg5[%add3A_1283, %dma_wait3A_1315] : memref<16384x1024xf32, #tpu.memory_space<hbm>> -> memref<8x1024xf32, #tpu.memory_space<hbm>>
    tpu.wait_dma2 semaphore(%arg45 : memref<!tpu.dma_semaphore, #tpu.memory_space<semaphore_mem>>) src(%arg18 : memref<8x1024xf32, #tpu.memory_space<vmem>>) dst(%dma_wait3A_1316 : memref<8x1024xf32, #tpu.memory_space<hbm>>)
    %dma_start3A_1317 = arith.constant 240 : i32
    %dma_start3A_1318 = tpu.memref_slice %arg6[%dma_start3A_1317] : memref<512xi32, #tpu.memory_space<vmem>> -> memref<8xi32, #tpu.memory_space<vmem>>
    %dma_start3A_1319 = arith.constant 0 : i32
    %dma_start3A_1320 = arith.constant 0 : i32
    %dma_start3A_1321 = tpu.memref_slice %arg3[%dma_start3A_1319, %dma_start3A_1320] : memref<100000x1024xf32, #tpu.memory_space<hbm>> -> memref<100000x1024xf32, #tpu.memory_space<hbm>>
    tpu.enqueue_indirect_dma source(%dma_start3A_1321 : memref<100000x1024xf32, #tpu.memory_space<hbm>>) target(%arg18 : memref<8x1024xf32, #tpu.memory_space<vmem>>) offsets(%dma_start3A_1318 : memref<8xi32, #tpu.memory_space<vmem>>) semaphore(%arg33 : memref<!tpu.dma_semaphore, #tpu.memory_space<semaphore_mem>>)
    %dma_wait3A_1322 = arith.constant 0 : i32
    %dma_wait3A_1323 = tpu.memref_slice %arg5[%add3A_1291, %dma_wait3A_1322] : memref<16384x1024xf32, #tpu.memory_space<hbm>> -> memref<8x1024xf32, #tpu.memory_space<hbm>>
    %dma_wait3A_1324 = arith.constant 0 : i32
    %dma_wait3A_1325 = tpu.memref_slice %arg5[%add3A_1291, %dma_wait3A_1324] : memref<16384x1024xf32, #tpu.memory_space<hbm>> -> memref<8x1024xf32, #tpu.memory_space<hbm>>
    tpu.wait_dma2 semaphore(%arg46 : memref<!tpu.dma_semaphore, #tpu.memory_space<semaphore_mem>>) src(%arg19 : memref<8x1024xf32, #tpu.memory_space<vmem>>) dst(%dma_wait3A_1325 : memref<8x1024xf32, #tpu.memory_space<hbm>>)
    %dma_start3A_1326 = arith.constant 368 : i32
    %dma_start3A_1327 = tpu.memref_slice %arg6[%dma_start3A_1326] : memref<512xi32, #tpu.memory_space<vmem>> -> memref<8xi32, #tpu.memory_space<vmem>>
    %dma_start3A_1328 = arith.constant 0 : i32
    %dma_start3A_1329 = arith.constant 0 : i32
    %dma_start3A_1330 = tpu.memref_slice %arg3[%dma_start3A_1328, %dma_start3A_1329] : memref<100000x1024xf32, #tpu.memory_space<hbm>> -> memref<100000x1024xf32, #tpu.memory_space<hbm>>
    tpu.enqueue_indirect_dma source(%dma_start3A_1330 : memref<100000x1024xf32, #tpu.memory_space<hbm>>) target(%arg19 : memref<8x1024xf32, #tpu.memory_space<vmem>>) offsets(%dma_start3A_1327 : memref<8xi32, #tpu.memory_space<vmem>>) semaphore(%arg34 : memref<!tpu.dma_semaphore, #tpu.memory_space<semaphore_mem>>)
    %dma_wait3A_1331 = arith.constant 0 : i32
    %dma_wait3A_1332 = tpu.memref_slice %arg5[%add3A_1299, %dma_wait3A_1331] : memref<16384x1024xf32, #tpu.memory_space<hbm>> -> memref<8x1024xf32, #tpu.memory_space<hbm>>
    %dma_wait3A_1333 = arith.constant 0 : i32
    %dma_wait3A_1334 = tpu.memref_slice %arg5[%add3A_1299, %dma_wait3A_1333] : memref<16384x1024xf32, #tpu.memory_space<hbm>> -> memref<8x1024xf32, #tpu.memory_space<hbm>>
    tpu.wait_dma2 semaphore(%arg47 : memref<!tpu.dma_semaphore, #tpu.memory_space<semaphore_mem>>) src(%arg20 : memref<8x1024xf32, #tpu.memory_space<vmem>>) dst(%dma_wait3A_1334 : memref<8x1024xf32, #tpu.memory_space<hbm>>)
    %dma_start3A_1335 = arith.constant 496 : i32
    %dma_start3A_1336 = tpu.memref_slice %arg6[%dma_start3A_1335] : memref<512xi32, #tpu.memory_space<vmem>> -> memref<8xi32, #tpu.memory_space<vmem>>
    %dma_start3A_1337 = arith.constant 0 : i32
    %dma_start3A_1338 = arith.constant 0 : i32
    %dma_start3A_1339 = tpu.memref_slice %arg3[%dma_start3A_1337, %dma_start3A_1338] : memref<100000x1024xf32, #tpu.memory_space<hbm>> -> memref<100000x1024xf32, #tpu.memory_space<hbm>>
    tpu.enqueue_indirect_dma source(%dma_start3A_1339 : memref<100000x1024xf32, #tpu.memory_space<hbm>>) target(%arg20 : memref<8x1024xf32, #tpu.memory_space<vmem>>) offsets(%dma_start3A_1336 : memref<8xi32, #tpu.memory_space<vmem>>) semaphore(%arg35 : memref<!tpu.dma_semaphore, #tpu.memory_space<semaphore_mem>>)
    %dma_wait3A_1340 = arith.constant 0 : i32
    %dma_wait3A_1341 = tpu.memref_slice %arg4[%add3A_1166, %dma_wait3A_1340] : memref<4096x1024xf32, #tpu.memory_space<hbm>> -> memref<8x1024xf32, #tpu.memory_space<hbm>>
    %dma_wait3A_1342 = arith.constant 0 : i32
    %dma_wait3A_1343 = tpu.memref_slice %arg4[%add3A_1166, %dma_wait3A_1342] : memref<4096x1024xf32, #tpu.memory_space<hbm>> -> memref<8x1024xf32, #tpu.memory_space<hbm>>
    tpu.wait_dma2 semaphore(%arg22 : memref<!tpu.dma_semaphore, #tpu.memory_space<semaphore_mem>>) src(%dma_wait3A_1343 : memref<8x1024xf32, #tpu.memory_space<hbm>>) dst(%arg7 : memref<8x1024xf32, #tpu.memory_space<vmem>>)
    %dma_wait3A_1344 = arith.constant 96 : i32
    %dma_wait3A_1345 = tpu.memref_slice %arg6[%dma_wait3A_1344] : memref<512xi32, #tpu.memory_space<vmem>> -> memref<8xi32, #tpu.memory_space<vmem>>
    %dma_wait3A_1346 = arith.constant 0 : i32
    %dma_wait3A_1347 = arith.constant 0 : i32
    %dma_wait3A_1348 = tpu.memref_slice %arg3[%dma_wait3A_1346, %dma_wait3A_1347] : memref<100000x1024xf32, #tpu.memory_space<hbm>> -> memref<100000x1024xf32, #tpu.memory_space<hbm>>
    tpu.wait_indirect_dma semaphore(%arg24 : memref<!tpu.dma_semaphore, #tpu.memory_space<semaphore_mem>>) src(%dma_wait3A_1348 : memref<100000x1024xf32, #tpu.memory_space<hbm>>) dst(%arg9 : memref<8x1024xf32, #tpu.memory_space<vmem>>)
    %dma_wait3A_1349 = arith.constant 224 : i32
    %dma_wait3A_1350 = tpu.memref_slice %arg6[%dma_wait3A_1349] : memref<512xi32, #tpu.memory_space<vmem>> -> memref<8xi32, #tpu.memory_space<vmem>>
    %dma_wait3A_1351 = arith.constant 0 : i32
    %dma_wait3A_1352 = arith.constant 0 : i32
    %dma_wait3A_1353 = tpu.memref_slice %arg3[%dma_wait3A_1351, %dma_wait3A_1352] : memref<100000x1024xf32, #tpu.memory_space<hbm>> -> memref<100000x1024xf32, #tpu.memory_space<hbm>>
    tpu.wait_indirect_dma semaphore(%arg25 : memref<!tpu.dma_semaphore, #tpu.memory_space<semaphore_mem>>) src(%dma_wait3A_1353 : memref<100000x1024xf32, #tpu.memory_space<hbm>>) dst(%arg10 : memref<8x1024xf32, #tpu.memory_space<vmem>>)
    %dma_wait3A_1354 = arith.constant 352 : i32
    %dma_wait3A_1355 = tpu.memref_slice %arg6[%dma_wait3A_1354] : memref<512xi32, #tpu.memory_space<vmem>> -> memref<8xi32, #tpu.memory_space<vmem>>
    %dma_wait3A_1356 = arith.constant 0 : i32
    %dma_wait3A_1357 = arith.constant 0 : i32
    %dma_wait3A_1358 = tpu.memref_slice %arg3[%dma_wait3A_1356, %dma_wait3A_1357] : memref<100000x1024xf32, #tpu.memory_space<hbm>> -> memref<100000x1024xf32, #tpu.memory_space<hbm>>
    tpu.wait_indirect_dma semaphore(%arg26 : memref<!tpu.dma_semaphore, #tpu.memory_space<semaphore_mem>>) src(%dma_wait3A_1358 : memref<100000x1024xf32, #tpu.memory_space<hbm>>) dst(%arg11 : memref<8x1024xf32, #tpu.memory_space<vmem>>)
    %dma_wait3A_1359 = arith.constant 480 : i32
    %dma_wait3A_1360 = tpu.memref_slice %arg6[%dma_wait3A_1359] : memref<512xi32, #tpu.memory_space<vmem>> -> memref<8xi32, #tpu.memory_space<vmem>>
    %dma_wait3A_1361 = arith.constant 0 : i32
    %dma_wait3A_1362 = arith.constant 0 : i32
    %dma_wait3A_1363 = tpu.memref_slice %arg3[%dma_wait3A_1361, %dma_wait3A_1362] : memref<100000x1024xf32, #tpu.memory_space<hbm>> -> memref<100000x1024xf32, #tpu.memory_space<hbm>>
    tpu.wait_indirect_dma semaphore(%arg27 : memref<!tpu.dma_semaphore, #tpu.memory_space<semaphore_mem>>) src(%dma_wait3A_1363 : memref<100000x1024xf32, #tpu.memory_space<hbm>>) dst(%arg12 : memref<8x1024xf32, #tpu.memory_space<vmem>>)
    %parallel_loop3A_1364 = arith.constant 0 : i32
    %parallel_loop3A_1365 = arith.constant 512 : i32
    %parallel_loop3A_1366 = arith.constant 1 : i32
    scf.for %parallel_loop3A_1672 = %parallel_loop3A_1364 to %parallel_loop3A_1365 step %parallel_loop3A_1366  : i32 {
      %parallel_loop3A_1673 = arith.constant 6 : i32
      %parallel_loop3A_1674 = arith.shrsi %parallel_loop3A_1672, %parallel_loop3A_1673 : i32
      %parallel_loop3A_1675 = arith.constant 63 : i32
      %parallel_loop3A_1676 = arith.andi %parallel_loop3A_1672, %parallel_loop3A_1675 : i32
      %parallel_loop3A_1677 = arith.constant 16 : i32
      %parallel_loop3A_1678 = arith.muli %parallel_loop3A_1676, %parallel_loop3A_1677 : i32
      %parallel_loop3A_1679 = arith.index_cast %parallel_loop3A_1674 : i32 to index
      %parallel_loop3A_1680 = arith.index_cast %parallel_loop3A_1678 : i32 to index
      %parallel_loop3A_1681 = tpu.vector_load %arg7[%parallel_loop3A_1679, %parallel_loop3A_1680] {strides = array<i32>} : memref<8x1024xf32, #tpu.memory_space<vmem>>, vector<1x16xf32>,
      %parallel_loop3A_1682 = vector.shape_cast %parallel_loop3A_1681 : vector<1x16xf32> to vector<16xf32>
      %parallel_loop3A_1683 = arith.index_cast %parallel_loop3A_1674 : i32 to index
      %parallel_loop3A_1684 = arith.index_cast %parallel_loop3A_1678 : i32 to index
      %parallel_loop3A_1685 = tpu.vector_load %arg9[%parallel_loop3A_1683, %parallel_loop3A_1684] {strides = array<i32>} : memref<8x1024xf32, #tpu.memory_space<vmem>>, vector<1x16xf32>,
      %parallel_loop3A_1686 = vector.shape_cast %parallel_loop3A_1685 : vector<1x16xf32> to vector<16xf32>
      %parallel_loop3A_1687 = vector.shape_cast %parallel_loop3A_1682 : vector<16xf32> to vector<1x16xf32>
      tpu.vector_store %arg9[%parallel_loop3A_1683, %parallel_loop3A_1684], %parallel_loop3A_1687 {add = true, strides = array<i32>} : memref<8x1024xf32, #tpu.memory_space<vmem>>, vector<1x16xf32>,
      %parallel_loop3A_1688 = arith.index_cast %parallel_loop3A_1674 : i32 to index
      %parallel_loop3A_1689 = arith.index_cast %parallel_loop3A_1678 : i32 to index
      %parallel_loop3A_1690 = tpu.vector_load %arg10[%parallel_loop3A_1688, %parallel_loop3A_1689] {strides = array<i32>} : memref<8x1024xf32, #tpu.memory_space<vmem>>, vector<1x16xf32>,
      %parallel_loop3A_1691 = vector.shape_cast %parallel_loop3A_1690 : vector<1x16xf32> to vector<16xf32>
      %parallel_loop3A_1692 = vector.shape_cast %parallel_loop3A_1682 : vector<16xf32> to vector<1x16xf32>
      tpu.vector_store %arg10[%parallel_loop3A_1688, %parallel_loop3A_1689], %parallel_loop3A_1692 {add = true, strides = array<i32>} : memref<8x1024xf32, #tpu.memory_space<vmem>>, vector<1x16xf32>,
      %parallel_loop3A_1693 = arith.index_cast %parallel_loop3A_1674 : i32 to index
      %parallel_loop3A_1694 = arith.index_cast %parallel_loop3A_1678 : i32 to index
      %parallel_loop3A_1695 = tpu.vector_load %arg11[%parallel_loop3A_1693, %parallel_loop3A_1694] {strides = array<i32>} : memref<8x1024xf32, #tpu.memory_space<vmem>>, vector<1x16xf32>,
      %parallel_loop3A_1696 = vector.shape_cast %parallel_loop3A_1695 : vector<1x16xf32> to vector<16xf32>
      %parallel_loop3A_1697 = vector.shape_cast %parallel_loop3A_1682 : vector<16xf32> to vector<1x16xf32>
      tpu.vector_store %arg11[%parallel_loop3A_1693, %parallel_loop3A_1694], %parallel_loop3A_1697 {add = true, strides = array<i32>} : memref<8x1024xf32, #tpu.memory_space<vmem>>, vector<1x16xf32>,
      %parallel_loop3A_1698 = arith.index_cast %parallel_loop3A_1674 : i32 to index
      %parallel_loop3A_1699 = arith.index_cast %parallel_loop3A_1678 : i32 to index
      %parallel_loop3A_1700 = tpu.vector_load %arg12[%parallel_loop3A_1698, %parallel_loop3A_1699] {strides = array<i32>} : memref<8x1024xf32, #tpu.memory_space<vmem>>, vector<1x16xf32>,
      %parallel_loop3A_1701 = vector.shape_cast %parallel_loop3A_1700 : vector<1x16xf32> to vector<16xf32>
      %parallel_loop3A_1702 = vector.shape_cast %parallel_loop3A_1682 : vector<16xf32> to vector<1x16xf32>
      tpu.vector_store %arg12[%parallel_loop3A_1698, %parallel_loop3A_1699], %parallel_loop3A_1702 {add = true, strides = array<i32>} : memref<8x1024xf32, #tpu.memory_space<vmem>>, vector<1x16xf32>,
    } {sc.loop_unroll_factor = 2 : i64, sc.parallel_access}
    %add3A_1367 = arith.constant 112 : i32
    %add3A_1368 = arith.addi %mul3A_2, %add3A_1367 : i32
    %dma_start3A_1369 = arith.constant 0 : i32
    %dma_start3A_1370 = tpu.memref_slice %arg4[%add3A_1368, %dma_start3A_1369] : memref<4096x1024xf32, #tpu.memory_space<hbm>> -> memref<8x1024xf32, #tpu.memory_space<hbm>>
    %dma_start3A_1371 = arith.constant 0 : i32
    %dma_start3A_1372 = tpu.memref_slice %arg4[%add3A_1368, %dma_start3A_1371] : memref<4096x1024xf32, #tpu.memory_space<hbm>> -> memref<8x1024xf32, #tpu.memory_space<hbm>>
    tpu.enqueue_dma source(%dma_start3A_1372 : memref<8x1024xf32, #tpu.memory_space<hbm>>) target(%arg7 : memref<8x1024xf32, #tpu.memory_space<vmem>>) target_semaphore(%arg22 : memref<!tpu.dma_semaphore, #tpu.memory_space<semaphore_mem>>)
    %add3A_1373 = arith.constant 0 : i32
    %add3A_1374 = arith.addi %add3A_1373, %mul3A_2 : i32
    %add3A_1375 = arith.constant 96 : i32
    %add3A_1376 = arith.addi %add3A_1374, %add3A_1375 : i32
    %dma_start3A_1377 = arith.constant 0 : i32
    %dma_start3A_1378 = tpu.memref_slice %arg5[%add3A_1376, %dma_start3A_1377] : memref<16384x1024xf32, #tpu.memory_space<hbm>> -> memref<8x1024xf32, #tpu.memory_space<hbm>>
    %dma_start3A_1379 = arith.constant 0 : i32
    %dma_start3A_1380 = tpu.memref_slice %arg5[%add3A_1376, %dma_start3A_1379] : memref<16384x1024xf32, #tpu.memory_space<hbm>> -> memref<8x1024xf32, #tpu.memory_space<hbm>>
    tpu.enqueue_dma source(%arg9 : memref<8x1024xf32, #tpu.memory_space<vmem>>) target(%dma_start3A_1380 : memref<8x1024xf32, #tpu.memory_space<hbm>>) target_semaphore(%arg36 : memref<!tpu.dma_semaphore, #tpu.memory_space<semaphore_mem>>)
    %add3A_1381 = arith.constant 4096 : i32
    %add3A_1382 = arith.addi %add3A_1381, %mul3A_2 : i32
    %add3A_1383 = arith.constant 96 : i32
    %add3A_1384 = arith.addi %add3A_1382, %add3A_1383 : i32
    %dma_start3A_1385 = arith.constant 0 : i32
    %dma_start3A_1386 = tpu.memref_slice %arg5[%add3A_1384, %dma_start3A_1385] : memref<16384x1024xf32, #tpu.memory_space<hbm>> -> memref<8x1024xf32, #tpu.memory_space<hbm>>
    %dma_start3A_1387 = arith.constant 0 : i32
    %dma_start3A_1388 = tpu.memref_slice %arg5[%add3A_1384, %dma_start3A_1387] : memref<16384x1024xf32, #tpu.memory_space<hbm>> -> memref<8x1024xf32, #tpu.memory_space<hbm>>
    tpu.enqueue_dma source(%arg10 : memref<8x1024xf32, #tpu.memory_space<vmem>>) target(%dma_start3A_1388 : memref<8x1024xf32, #tpu.memory_space<hbm>>) target_semaphore(%arg37 : memref<!tpu.dma_semaphore, #tpu.memory_space<semaphore_mem>>)
    %add3A_1389 = arith.constant 8192 : i32
    %add3A_1390 = arith.addi %add3A_1389, %mul3A_2 : i32
    %add3A_1391 = arith.constant 96 : i32
    %add3A_1392 = arith.addi %add3A_1390, %add3A_1391 : i32
    %dma_start3A_1393 = arith.constant 0 : i32
    %dma_start3A_1394 = tpu.memref_slice %arg5[%add3A_1392, %dma_start3A_1393] : memref<16384x1024xf32, #tpu.memory_space<hbm>> -> memref<8x1024xf32, #tpu.memory_space<hbm>>
    %dma_start3A_1395 = arith.constant 0 : i32
    %dma_start3A_1396 = tpu.memref_slice %arg5[%add3A_1392, %dma_start3A_1395] : memref<16384x1024xf32, #tpu.memory_space<hbm>> -> memref<8x1024xf32, #tpu.memory_space<hbm>>
    tpu.enqueue_dma source(%arg11 : memref<8x1024xf32, #tpu.memory_space<vmem>>) target(%dma_start3A_1396 : memref<8x1024xf32, #tpu.memory_space<hbm>>) target_semaphore(%arg38 : memref<!tpu.dma_semaphore, #tpu.memory_space<semaphore_mem>>)
    %add3A_1397 = arith.constant 12288 : i32
    %add3A_1398 = arith.addi %add3A_1397, %mul3A_2 : i32
    %add3A_1399 = arith.constant 96 : i32
    %add3A_1400 = arith.addi %add3A_1398, %add3A_1399 : i32
    %dma_start3A_1401 = arith.constant 0 : i32
    %dma_start3A_1402 = tpu.memref_slice %arg5[%add3A_1400, %dma_start3A_1401] : memref<16384x1024xf32, #tpu.memory_space<hbm>> -> memref<8x1024xf32, #tpu.memory_space<hbm>>
    %dma_start3A_1403 = arith.constant 0 : i32
    %dma_start3A_1404 = tpu.memref_slice %arg5[%add3A_1400, %dma_start3A_1403] : memref<16384x1024xf32, #tpu.memory_space<hbm>> -> memref<8x1024xf32, #tpu.memory_space<hbm>>
    tpu.enqueue_dma source(%arg12 : memref<8x1024xf32, #tpu.memory_space<vmem>>) target(%dma_start3A_1404 : memref<8x1024xf32, #tpu.memory_space<hbm>>) target_semaphore(%arg39 : memref<!tpu.dma_semaphore, #tpu.memory_space<semaphore_mem>>)
    %dma_wait3A_1405 = arith.constant 0 : i32
    %dma_wait3A_1406 = tpu.memref_slice %arg5[%add3A_1376, %dma_wait3A_1405] : memref<16384x1024xf32, #tpu.memory_space<hbm>> -> memref<8x1024xf32, #tpu.memory_space<hbm>>
    %dma_wait3A_1407 = arith.constant 0 : i32
    %dma_wait3A_1408 = tpu.memref_slice %arg5[%add3A_1376, %dma_wait3A_1407] : memref<16384x1024xf32, #tpu.memory_space<hbm>> -> memref<8x1024xf32, #tpu.memory_space<hbm>>
    tpu.wait_dma2 semaphore(%arg36 : memref<!tpu.dma_semaphore, #tpu.memory_space<semaphore_mem>>) src(%arg9 : memref<8x1024xf32, #tpu.memory_space<vmem>>) dst(%dma_wait3A_1408 : memref<8x1024xf32, #tpu.memory_space<hbm>>)
    %dma_start3A_1409 = arith.constant 120 : i32
    %dma_start3A_1410 = tpu.memref_slice %arg6[%dma_start3A_1409] : memref<512xi32, #tpu.memory_space<vmem>> -> memref<8xi32, #tpu.memory_space<vmem>>
    %dma_start3A_1411 = arith.constant 0 : i32
    %dma_start3A_1412 = arith.constant 0 : i32
    %dma_start3A_1413 = tpu.memref_slice %arg3[%dma_start3A_1411, %dma_start3A_1412] : memref<100000x1024xf32, #tpu.memory_space<hbm>> -> memref<100000x1024xf32, #tpu.memory_space<hbm>>
    tpu.enqueue_indirect_dma source(%dma_start3A_1413 : memref<100000x1024xf32, #tpu.memory_space<hbm>>) target(%arg9 : memref<8x1024xf32, #tpu.memory_space<vmem>>) offsets(%dma_start3A_1410 : memref<8xi32, #tpu.memory_space<vmem>>) semaphore(%arg24 : memref<!tpu.dma_semaphore, #tpu.memory_space<semaphore_mem>>)
    %dma_wait3A_1414 = arith.constant 0 : i32
    %dma_wait3A_1415 = tpu.memref_slice %arg5[%add3A_1384, %dma_wait3A_1414] : memref<16384x1024xf32, #tpu.memory_space<hbm>> -> memref<8x1024xf32, #tpu.memory_space<hbm>>
    %dma_wait3A_1416 = arith.constant 0 : i32
    %dma_wait3A_1417 = tpu.memref_slice %arg5[%add3A_1384, %dma_wait3A_1416] : memref<16384x1024xf32, #tpu.memory_space<hbm>> -> memref<8x1024xf32, #tpu.memory_space<hbm>>
    tpu.wait_dma2 semaphore(%arg37 : memref<!tpu.dma_semaphore, #tpu.memory_space<semaphore_mem>>) src(%arg10 : memref<8x1024xf32, #tpu.memory_space<vmem>>) dst(%dma_wait3A_1417 : memref<8x1024xf32, #tpu.memory_space<hbm>>)
    %dma_start3A_1418 = arith.constant 248 : i32
    %dma_start3A_1419 = tpu.memref_slice %arg6[%dma_start3A_1418] : memref<512xi32, #tpu.memory_space<vmem>> -> memref<8xi32, #tpu.memory_space<vmem>>
    %dma_start3A_1420 = arith.constant 0 : i32
    %dma_start3A_1421 = arith.constant 0 : i32
    %dma_start3A_1422 = tpu.memref_slice %arg3[%dma_start3A_1420, %dma_start3A_1421] : memref<100000x1024xf32, #tpu.memory_space<hbm>> -> memref<100000x1024xf32, #tpu.memory_space<hbm>>
    tpu.enqueue_indirect_dma source(%dma_start3A_1422 : memref<100000x1024xf32, #tpu.memory_space<hbm>>) target(%arg10 : memref<8x1024xf32, #tpu.memory_space<vmem>>) offsets(%dma_start3A_1419 : memref<8xi32, #tpu.memory_space<vmem>>) semaphore(%arg25 : memref<!tpu.dma_semaphore, #tpu.memory_space<semaphore_mem>>)
    %dma_wait3A_1423 = arith.constant 0 : i32
    %dma_wait3A_1424 = tpu.memref_slice %arg5[%add3A_1392, %dma_wait3A_1423] : memref<16384x1024xf32, #tpu.memory_space<hbm>> -> memref<8x1024xf32, #tpu.memory_space<hbm>>
    %dma_wait3A_1425 = arith.constant 0 : i32
    %dma_wait3A_1426 = tpu.memref_slice %arg5[%add3A_1392, %dma_wait3A_1425] : memref<16384x1024xf32, #tpu.memory_space<hbm>> -> memref<8x1024xf32, #tpu.memory_space<hbm>>
    tpu.wait_dma2 semaphore(%arg38 : memref<!tpu.dma_semaphore, #tpu.memory_space<semaphore_mem>>) src(%arg11 : memref<8x1024xf32, #tpu.memory_space<vmem>>) dst(%dma_wait3A_1426 : memref<8x1024xf32, #tpu.memory_space<hbm>>)
    %dma_start3A_1427 = arith.constant 376 : i32
    %dma_start3A_1428 = tpu.memref_slice %arg6[%dma_start3A_1427] : memref<512xi32, #tpu.memory_space<vmem>> -> memref<8xi32, #tpu.memory_space<vmem>>
    %dma_start3A_1429 = arith.constant 0 : i32
    %dma_start3A_1430 = arith.constant 0 : i32
    %dma_start3A_1431 = tpu.memref_slice %arg3[%dma_start3A_1429, %dma_start3A_1430] : memref<100000x1024xf32, #tpu.memory_space<hbm>> -> memref<100000x1024xf32, #tpu.memory_space<hbm>>
    tpu.enqueue_indirect_dma source(%dma_start3A_1431 : memref<100000x1024xf32, #tpu.memory_space<hbm>>) target(%arg11 : memref<8x1024xf32, #tpu.memory_space<vmem>>) offsets(%dma_start3A_1428 : memref<8xi32, #tpu.memory_space<vmem>>) semaphore(%arg26 : memref<!tpu.dma_semaphore, #tpu.memory_space<semaphore_mem>>)
    %dma_wait3A_1432 = arith.constant 0 : i32
    %dma_wait3A_1433 = tpu.memref_slice %arg5[%add3A_1400, %dma_wait3A_1432] : memref<16384x1024xf32, #tpu.memory_space<hbm>> -> memref<8x1024xf32, #tpu.memory_space<hbm>>
    %dma_wait3A_1434 = arith.constant 0 : i32
    %dma_wait3A_1435 = tpu.memref_slice %arg5[%add3A_1400, %dma_wait3A_1434] : memref<16384x1024xf32, #tpu.memory_space<hbm>> -> memref<8x1024xf32, #tpu.memory_space<hbm>>
    tpu.wait_dma2 semaphore(%arg39 : memref<!tpu.dma_semaphore, #tpu.memory_space<semaphore_mem>>) src(%arg12 : memref<8x1024xf32, #tpu.memory_space<vmem>>) dst(%dma_wait3A_1435 : memref<8x1024xf32, #tpu.memory_space<hbm>>)
    %dma_start3A_1436 = arith.constant 504 : i32
    %dma_start3A_1437 = tpu.memref_slice %arg6[%dma_start3A_1436] : memref<512xi32, #tpu.memory_space<vmem>> -> memref<8xi32, #tpu.memory_space<vmem>>
    %dma_start3A_1438 = arith.constant 0 : i32
    %dma_start3A_1439 = arith.constant 0 : i32
    %dma_start3A_1440 = tpu.memref_slice %arg3[%dma_start3A_1438, %dma_start3A_1439] : memref<100000x1024xf32, #tpu.memory_space<hbm>> -> memref<100000x1024xf32, #tpu.memory_space<hbm>>
    tpu.enqueue_indirect_dma source(%dma_start3A_1440 : memref<100000x1024xf32, #tpu.memory_space<hbm>>) target(%arg12 : memref<8x1024xf32, #tpu.memory_space<vmem>>) offsets(%dma_start3A_1437 : memref<8xi32, #tpu.memory_space<vmem>>) semaphore(%arg27 : memref<!tpu.dma_semaphore, #tpu.memory_space<semaphore_mem>>)
    %dma_wait3A_1441 = arith.constant 0 : i32
    %dma_wait3A_1442 = tpu.memref_slice %arg4[%add3A_1267, %dma_wait3A_1441] : memref<4096x1024xf32, #tpu.memory_space<hbm>> -> memref<8x1024xf32, #tpu.memory_space<hbm>>
    %dma_wait3A_1443 = arith.constant 0 : i32
    %dma_wait3A_1444 = tpu.memref_slice %arg4[%add3A_1267, %dma_wait3A_1443] : memref<4096x1024xf32, #tpu.memory_space<hbm>> -> memref<8x1024xf32, #tpu.memory_space<hbm>>
    tpu.wait_dma2 semaphore(%arg23 : memref<!tpu.dma_semaphore, #tpu.memory_space<semaphore_mem>>) src(%dma_wait3A_1444 : memref<8x1024xf32, #tpu.memory_space<hbm>>) dst(%arg8 : memref<8x1024xf32, #tpu.memory_space<vmem>>)
    %dma_wait3A_1445 = arith.constant 104 : i32
    %dma_wait3A_1446 = tpu.memref_slice %arg6[%dma_wait3A_1445] : memref<512xi32, #tpu.memory_space<vmem>> -> memref<8xi32, #tpu.memory_space<vmem>>
    %dma_wait3A_1447 = arith.constant 0 : i32
    %dma_wait3A_1448 = arith.constant 0 : i32
    %dma_wait3A_1449 = tpu.memref_slice %arg3[%dma_wait3A_1447, %dma_wait3A_1448] : memref<100000x1024xf32, #tpu.memory_space<hbm>> -> memref<100000x1024xf32, #tpu.memory_space<hbm>>
    tpu.wait_indirect_dma semaphore(%arg28 : memref<!tpu.dma_semaphore, #tpu.memory_space<semaphore_mem>>) src(%dma_wait3A_1449 : memref<100000x1024xf32, #tpu.memory_space<hbm>>) dst(%arg13 : memref<8x1024xf32, #tpu.memory_space<vmem>>)
    %dma_wait3A_1450 = arith.constant 232 : i32
    %dma_wait3A_1451 = tpu.memref_slice %arg6[%dma_wait3A_1450] : memref<512xi32, #tpu.memory_space<vmem>> -> memref<8xi32, #tpu.memory_space<vmem>>
    %dma_wait3A_1452 = arith.constant 0 : i32
    %dma_wait3A_1453 = arith.constant 0 : i32
    %dma_wait3A_1454 = tpu.memref_slice %arg3[%dma_wait3A_1452, %dma_wait3A_1453] : memref<100000x1024xf32, #tpu.memory_space<hbm>> -> memref<100000x1024xf32, #tpu.memory_space<hbm>>
    tpu.wait_indirect_dma semaphore(%arg29 : memref<!tpu.dma_semaphore, #tpu.memory_space<semaphore_mem>>) src(%dma_wait3A_1454 : memref<100000x1024xf32, #tpu.memory_space<hbm>>) dst(%arg14 : memref<8x1024xf32, #tpu.memory_space<vmem>>)
    %dma_wait3A_1455 = arith.constant 360 : i32
    %dma_wait3A_1456 = tpu.memref_slice %arg6[%dma_wait3A_1455] : memref<512xi32, #tpu.memory_space<vmem>> -> memref<8xi32, #tpu.memory_space<vmem>>
    %dma_wait3A_1457 = arith.constant 0 : i32
    %dma_wait3A_1458 = arith.constant 0 : i32
    %dma_wait3A_1459 = tpu.memref_slice %arg3[%dma_wait3A_1457, %dma_wait3A_1458] : memref<100000x1024xf32, #tpu.memory_space<hbm>> -> memref<100000x1024xf32, #tpu.memory_space<hbm>>
    tpu.wait_indirect_dma semaphore(%arg30 : memref<!tpu.dma_semaphore, #tpu.memory_space<semaphore_mem>>) src(%dma_wait3A_1459 : memref<100000x1024xf32, #tpu.memory_space<hbm>>) dst(%arg15 : memref<8x1024xf32, #tpu.memory_space<vmem>>)
    %dma_wait3A_1460 = arith.constant 488 : i32
    %dma_wait3A_1461 = tpu.memref_slice %arg6[%dma_wait3A_1460] : memref<512xi32, #tpu.memory_space<vmem>> -> memref<8xi32, #tpu.memory_space<vmem>>
    %dma_wait3A_1462 = arith.constant 0 : i32
    %dma_wait3A_1463 = arith.constant 0 : i32
    %dma_wait3A_1464 = tpu.memref_slice %arg3[%dma_wait3A_1462, %dma_wait3A_1463] : memref<100000x1024xf32, #tpu.memory_space<hbm>> -> memref<100000x1024xf32, #tpu.memory_space<hbm>>
    tpu.wait_indirect_dma semaphore(%arg31 : memref<!tpu.dma_semaphore, #tpu.memory_space<semaphore_mem>>) src(%dma_wait3A_1464 : memref<100000x1024xf32, #tpu.memory_space<hbm>>) dst(%arg16 : memref<8x1024xf32, #tpu.memory_space<vmem>>)
    %parallel_loop3A_1465 = arith.constant 0 : i32
    %parallel_loop3A_1466 = arith.constant 512 : i32
    %parallel_loop3A_1467 = arith.constant 1 : i32
    scf.for %parallel_loop3A_1672 = %parallel_loop3A_1465 to %parallel_loop3A_1466 step %parallel_loop3A_1467  : i32 {
      %parallel_loop3A_1673 = arith.constant 6 : i32
      %parallel_loop3A_1674 = arith.shrsi %parallel_loop3A_1672, %parallel_loop3A_1673 : i32
      %parallel_loop3A_1675 = arith.constant 63 : i32
      %parallel_loop3A_1676 = arith.andi %parallel_loop3A_1672, %parallel_loop3A_1675 : i32
      %parallel_loop3A_1677 = arith.constant 16 : i32
      %parallel_loop3A_1678 = arith.muli %parallel_loop3A_1676, %parallel_loop3A_1677 : i32
      %parallel_loop3A_1679 = arith.index_cast %parallel_loop3A_1674 : i32 to index
      %parallel_loop3A_1680 = arith.index_cast %parallel_loop3A_1678 : i32 to index
      %parallel_loop3A_1681 = tpu.vector_load %arg8[%parallel_loop3A_1679, %parallel_loop3A_1680] {strides = array<i32>} : memref<8x1024xf32, #tpu.memory_space<vmem>>, vector<1x16xf32>,
      %parallel_loop3A_1682 = vector.shape_cast %parallel_loop3A_1681 : vector<1x16xf32> to vector<16xf32>
      %parallel_loop3A_1683 = arith.index_cast %parallel_loop3A_1674 : i32 to index
      %parallel_loop3A_1684 = arith.index_cast %parallel_loop3A_1678 : i32 to index
      %parallel_loop3A_1685 = tpu.vector_load %arg13[%parallel_loop3A_1683, %parallel_loop3A_1684] {strides = array<i32>} : memref<8x1024xf32, #tpu.memory_space<vmem>>, vector<1x16xf32>,
      %parallel_loop3A_1686 = vector.shape_cast %parallel_loop3A_1685 : vector<1x16xf32> to vector<16xf32>
      %parallel_loop3A_1687 = vector.shape_cast %parallel_loop3A_1682 : vector<16xf32> to vector<1x16xf32>
      tpu.vector_store %arg13[%parallel_loop3A_1683, %parallel_loop3A_1684], %parallel_loop3A_1687 {add = true, strides = array<i32>} : memref<8x1024xf32, #tpu.memory_space<vmem>>, vector<1x16xf32>,
      %parallel_loop3A_1688 = arith.index_cast %parallel_loop3A_1674 : i32 to index
      %parallel_loop3A_1689 = arith.index_cast %parallel_loop3A_1678 : i32 to index
      %parallel_loop3A_1690 = tpu.vector_load %arg14[%parallel_loop3A_1688, %parallel_loop3A_1689] {strides = array<i32>} : memref<8x1024xf32, #tpu.memory_space<vmem>>, vector<1x16xf32>,
      %parallel_loop3A_1691 = vector.shape_cast %parallel_loop3A_1690 : vector<1x16xf32> to vector<16xf32>
      %parallel_loop3A_1692 = vector.shape_cast %parallel_loop3A_1682 : vector<16xf32> to vector<1x16xf32>
      tpu.vector_store %arg14[%parallel_loop3A_1688, %parallel_loop3A_1689], %parallel_loop3A_1692 {add = true, strides = array<i32>} : memref<8x1024xf32, #tpu.memory_space<vmem>>, vector<1x16xf32>,
      %parallel_loop3A_1693 = arith.index_cast %parallel_loop3A_1674 : i32 to index
      %parallel_loop3A_1694 = arith.index_cast %parallel_loop3A_1678 : i32 to index
      %parallel_loop3A_1695 = tpu.vector_load %arg15[%parallel_loop3A_1693, %parallel_loop3A_1694] {strides = array<i32>} : memref<8x1024xf32, #tpu.memory_space<vmem>>, vector<1x16xf32>,
      %parallel_loop3A_1696 = vector.shape_cast %parallel_loop3A_1695 : vector<1x16xf32> to vector<16xf32>
      %parallel_loop3A_1697 = vector.shape_cast %parallel_loop3A_1682 : vector<16xf32> to vector<1x16xf32>
      tpu.vector_store %arg15[%parallel_loop3A_1693, %parallel_loop3A_1694], %parallel_loop3A_1697 {add = true, strides = array<i32>} : memref<8x1024xf32, #tpu.memory_space<vmem>>, vector<1x16xf32>,
      %parallel_loop3A_1698 = arith.index_cast %parallel_loop3A_1674 : i32 to index
      %parallel_loop3A_1699 = arith.index_cast %parallel_loop3A_1678 : i32 to index
      %parallel_loop3A_1700 = tpu.vector_load %arg16[%parallel_loop3A_1698, %parallel_loop3A_1699] {strides = array<i32>} : memref<8x1024xf32, #tpu.memory_space<vmem>>, vector<1x16xf32>,
      %parallel_loop3A_1701 = vector.shape_cast %parallel_loop3A_1700 : vector<1x16xf32> to vector<16xf32>
      %parallel_loop3A_1702 = vector.shape_cast %parallel_loop3A_1682 : vector<16xf32> to vector<1x16xf32>
      tpu.vector_store %arg16[%parallel_loop3A_1698, %parallel_loop3A_1699], %parallel_loop3A_1702 {add = true, strides = array<i32>} : memref<8x1024xf32, #tpu.memory_space<vmem>>, vector<1x16xf32>,
    } {sc.loop_unroll_factor = 2 : i64, sc.parallel_access}
    %add3A_1468 = arith.constant 120 : i32
    %add3A_1469 = arith.addi %mul3A_2, %add3A_1468 : i32
    %dma_start3A_1470 = arith.constant 0 : i32
    %dma_start3A_1471 = tpu.memref_slice %arg4[%add3A_1469, %dma_start3A_1470] : memref<4096x1024xf32, #tpu.memory_space<hbm>> -> memref<8x1024xf32, #tpu.memory_space<hbm>>
    %dma_start3A_1472 = arith.constant 0 : i32
    %dma_start3A_1473 = tpu.memref_slice %arg4[%add3A_1469, %dma_start3A_1472] : memref<4096x1024xf32, #tpu.memory_space<hbm>> -> memref<8x1024xf32, #tpu.memory_space<hbm>>
    tpu.enqueue_dma source(%dma_start3A_1473 : memref<8x1024xf32, #tpu.memory_space<hbm>>) target(%arg8 : memref<8x1024xf32, #tpu.memory_space<vmem>>) target_semaphore(%arg23 : memref<!tpu.dma_semaphore, #tpu.memory_space<semaphore_mem>>)
    %add3A_1474 = arith.constant 0 : i32
    %add3A_1475 = arith.addi %add3A_1474, %mul3A_2 : i32
    %add3A_1476 = arith.constant 104 : i32
    %add3A_1477 = arith.addi %add3A_1475, %add3A_1476 : i32
    %dma_start3A_1478 = arith.constant 0 : i32
    %dma_start3A_1479 = tpu.memref_slice %arg5[%add3A_1477, %dma_start3A_1478] : memref<16384x1024xf32, #tpu.memory_space<hbm>> -> memref<8x1024xf32, #tpu.memory_space<hbm>>
    %dma_start3A_1480 = arith.constant 0 : i32
    %dma_start3A_1481 = tpu.memref_slice %arg5[%add3A_1477, %dma_start3A_1480] : memref<16384x1024xf32, #tpu.memory_space<hbm>> -> memref<8x1024xf32, #tpu.memory_space<hbm>>
    tpu.enqueue_dma source(%arg13 : memref<8x1024xf32, #tpu.memory_space<vmem>>) target(%dma_start3A_1481 : memref<8x1024xf32, #tpu.memory_space<hbm>>) target_semaphore(%arg40 : memref<!tpu.dma_semaphore, #tpu.memory_space<semaphore_mem>>)
    %add3A_1482 = arith.constant 4096 : i32
    %add3A_1483 = arith.addi %add3A_1482, %mul3A_2 : i32
    %add3A_1484 = arith.constant 104 : i32
    %add3A_1485 = arith.addi %add3A_1483, %add3A_1484 : i32
    %dma_start3A_1486 = arith.constant 0 : i32
    %dma_start3A_1487 = tpu.memref_slice %arg5[%add3A_1485, %dma_start3A_1486] : memref<16384x1024xf32, #tpu.memory_space<hbm>> -> memref<8x1024xf32, #tpu.memory_space<hbm>>
    %dma_start3A_1488 = arith.constant 0 : i32
    %dma_start3A_1489 = tpu.memref_slice %arg5[%add3A_1485, %dma_start3A_1488] : memref<16384x1024xf32, #tpu.memory_space<hbm>> -> memref<8x1024xf32, #tpu.memory_space<hbm>>
    tpu.enqueue_dma source(%arg14 : memref<8x1024xf32, #tpu.memory_space<vmem>>) target(%dma_start3A_1489 : memref<8x1024xf32, #tpu.memory_space<hbm>>) target_semaphore(%arg41 : memref<!tpu.dma_semaphore, #tpu.memory_space<semaphore_mem>>)
    %add3A_1490 = arith.constant 8192 : i32
    %add3A_1491 = arith.addi %add3A_1490, %mul3A_2 : i32
    %add3A_1492 = arith.constant 104 : i32
    %add3A_1493 = arith.addi %add3A_1491, %add3A_1492 : i32
    %dma_start3A_1494 = arith.constant 0 : i32
    %dma_start3A_1495 = tpu.memref_slice %arg5[%add3A_1493, %dma_start3A_1494] : memref<16384x1024xf32, #tpu.memory_space<hbm>> -> memref<8x1024xf32, #tpu.memory_space<hbm>>
    %dma_start3A_1496 = arith.constant 0 : i32
    %dma_start3A_1497 = tpu.memref_slice %arg5[%add3A_1493, %dma_start3A_1496] : memref<16384x1024xf32, #tpu.memory_space<hbm>> -> memref<8x1024xf32, #tpu.memory_space<hbm>>
    tpu.enqueue_dma source(%arg15 : memref<8x1024xf32, #tpu.memory_space<vmem>>) target(%dma_start3A_1497 : memref<8x1024xf32, #tpu.memory_space<hbm>>) target_semaphore(%arg42 : memref<!tpu.dma_semaphore, #tpu.memory_space<semaphore_mem>>)
    %add3A_1498 = arith.constant 12288 : i32
    %add3A_1499 = arith.addi %add3A_1498, %mul3A_2 : i32
    %add3A_1500 = arith.constant 104 : i32
    %add3A_1501 = arith.addi %add3A_1499, %add3A_1500 : i32
    %dma_start3A_1502 = arith.constant 0 : i32
    %dma_start3A_1503 = tpu.memref_slice %arg5[%add3A_1501, %dma_start3A_1502] : memref<16384x1024xf32, #tpu.memory_space<hbm>> -> memref<8x1024xf32, #tpu.memory_space<hbm>>
    %dma_start3A_1504 = arith.constant 0 : i32
    %dma_start3A_1505 = tpu.memref_slice %arg5[%add3A_1501, %dma_start3A_1504] : memref<16384x1024xf32, #tpu.memory_space<hbm>> -> memref<8x1024xf32, #tpu.memory_space<hbm>>
    tpu.enqueue_dma source(%arg16 : memref<8x1024xf32, #tpu.memory_space<vmem>>) target(%dma_start3A_1505 : memref<8x1024xf32, #tpu.memory_space<hbm>>) target_semaphore(%arg43 : memref<!tpu.dma_semaphore, #tpu.memory_space<semaphore_mem>>)
    %dma_wait3A_1506 = arith.constant 0 : i32
    %dma_wait3A_1507 = tpu.memref_slice %arg4[%add3A_1368, %dma_wait3A_1506] : memref<4096x1024xf32, #tpu.memory_space<hbm>> -> memref<8x1024xf32, #tpu.memory_space<hbm>>
    %dma_wait3A_1508 = arith.constant 0 : i32
    %dma_wait3A_1509 = tpu.memref_slice %arg4[%add3A_1368, %dma_wait3A_1508] : memref<4096x1024xf32, #tpu.memory_space<hbm>> -> memref<8x1024xf32, #tpu.memory_space<hbm>>
    tpu.wait_dma2 semaphore(%arg22 : memref<!tpu.dma_semaphore, #tpu.memory_space<semaphore_mem>>) src(%dma_wait3A_1509 : memref<8x1024xf32, #tpu.memory_space<hbm>>) dst(%arg7 : memref<8x1024xf32, #tpu.memory_space<vmem>>)
    %dma_wait3A_1510 = arith.constant 112 : i32
    %dma_wait3A_1511 = tpu.memref_slice %arg6[%dma_wait3A_1510] : memref<512xi32, #tpu.memory_space<vmem>> -> memref<8xi32, #tpu.memory_space<vmem>>
    %dma_wait3A_1512 = arith.constant 0 : i32
    %dma_wait3A_1513 = arith.constant 0 : i32
    %dma_wait3A_1514 = tpu.memref_slice %arg3[%dma_wait3A_1512, %dma_wait3A_1513] : memref<100000x1024xf32, #tpu.memory_space<hbm>> -> memref<100000x1024xf32, #tpu.memory_space<hbm>>
    tpu.wait_indirect_dma semaphore(%arg32 : memref<!tpu.dma_semaphore, #tpu.memory_space<semaphore_mem>>) src(%dma_wait3A_1514 : memref<100000x1024xf32, #tpu.memory_space<hbm>>) dst(%arg17 : memref<8x1024xf32, #tpu.memory_space<vmem>>)
    %dma_wait3A_1515 = arith.constant 240 : i32
    %dma_wait3A_1516 = tpu.memref_slice %arg6[%dma_wait3A_1515] : memref<512xi32, #tpu.memory_space<vmem>> -> memref<8xi32, #tpu.memory_space<vmem>>
    %dma_wait3A_1517 = arith.constant 0 : i32
    %dma_wait3A_1518 = arith.constant 0 : i32
    %dma_wait3A_1519 = tpu.memref_slice %arg3[%dma_wait3A_1517, %dma_wait3A_1518] : memref<100000x1024xf32, #tpu.memory_space<hbm>> -> memref<100000x1024xf32, #tpu.memory_space<hbm>>
    tpu.wait_indirect_dma semaphore(%arg33 : memref<!tpu.dma_semaphore, #tpu.memory_space<semaphore_mem>>) src(%dma_wait3A_1519 : memref<100000x1024xf32, #tpu.memory_space<hbm>>) dst(%arg18 : memref<8x1024xf32, #tpu.memory_space<vmem>>)
    %dma_wait3A_1520 = arith.constant 368 : i32
    %dma_wait3A_1521 = tpu.memref_slice %arg6[%dma_wait3A_1520] : memref<512xi32, #tpu.memory_space<vmem>> -> memref<8xi32, #tpu.memory_space<vmem>>
    %dma_wait3A_1522 = arith.constant 0 : i32
    %dma_wait3A_1523 = arith.constant 0 : i32
    %dma_wait3A_1524 = tpu.memref_slice %arg3[%dma_wait3A_1522, %dma_wait3A_1523] : memref<100000x1024xf32, #tpu.memory_space<hbm>> -> memref<100000x1024xf32, #tpu.memory_space<hbm>>
    tpu.wait_indirect_dma semaphore(%arg34 : memref<!tpu.dma_semaphore, #tpu.memory_space<semaphore_mem>>) src(%dma_wait3A_1524 : memref<100000x1024xf32, #tpu.memory_space<hbm>>) dst(%arg19 : memref<8x1024xf32, #tpu.memory_space<vmem>>)
    %dma_wait3A_1525 = arith.constant 496 : i32
    %dma_wait3A_1526 = tpu.memref_slice %arg6[%dma_wait3A_1525] : memref<512xi32, #tpu.memory_space<vmem>> -> memref<8xi32, #tpu.memory_space<vmem>>
    %dma_wait3A_1527 = arith.constant 0 : i32
    %dma_wait3A_1528 = arith.constant 0 : i32
    %dma_wait3A_1529 = tpu.memref_slice %arg3[%dma_wait3A_1527, %dma_wait3A_1528] : memref<100000x1024xf32, #tpu.memory_space<hbm>> -> memref<100000x1024xf32, #tpu.memory_space<hbm>>
    tpu.wait_indirect_dma semaphore(%arg35 : memref<!tpu.dma_semaphore, #tpu.memory_space<semaphore_mem>>) src(%dma_wait3A_1529 : memref<100000x1024xf32, #tpu.memory_space<hbm>>) dst(%arg20 : memref<8x1024xf32, #tpu.memory_space<vmem>>)
    %parallel_loop3A_1530 = arith.constant 0 : i32
    %parallel_loop3A_1531 = arith.constant 512 : i32
    %parallel_loop3A_1532 = arith.constant 1 : i32
    scf.for %parallel_loop3A_1672 = %parallel_loop3A_1530 to %parallel_loop3A_1531 step %parallel_loop3A_1532  : i32 {
      %parallel_loop3A_1673 = arith.constant 6 : i32
      %parallel_loop3A_1674 = arith.shrsi %parallel_loop3A_1672, %parallel_loop3A_1673 : i32
      %parallel_loop3A_1675 = arith.constant 63 : i32
      %parallel_loop3A_1676 = arith.andi %parallel_loop3A_1672, %parallel_loop3A_1675 : i32
      %parallel_loop3A_1677 = arith.constant 16 : i32
      %parallel_loop3A_1678 = arith.muli %parallel_loop3A_1676, %parallel_loop3A_1677 : i32
      %parallel_loop3A_1679 = arith.index_cast %parallel_loop3A_1674 : i32 to index
      %parallel_loop3A_1680 = arith.index_cast %parallel_loop3A_1678 : i32 to index
      %parallel_loop3A_1681 = tpu.vector_load %arg7[%parallel_loop3A_1679, %parallel_loop3A_1680] {strides = array<i32>} : memref<8x1024xf32, #tpu.memory_space<vmem>>, vector<1x16xf32>,
      %parallel_loop3A_1682 = vector.shape_cast %parallel_loop3A_1681 : vector<1x16xf32> to vector<16xf32>
      %parallel_loop3A_1683 = arith.index_cast %parallel_loop3A_1674 : i32 to index
      %parallel_loop3A_1684 = arith.index_cast %parallel_loop3A_1678 : i32 to index
      %parallel_loop3A_1685 = tpu.vector_load %arg17[%parallel_loop3A_1683, %parallel_loop3A_1684] {strides = array<i32>} : memref<8x1024xf32, #tpu.memory_space<vmem>>, vector<1x16xf32>,
      %parallel_loop3A_1686 = vector.shape_cast %parallel_loop3A_1685 : vector<1x16xf32> to vector<16xf32>
      %parallel_loop3A_1687 = vector.shape_cast %parallel_loop3A_1682 : vector<16xf32> to vector<1x16xf32>
      tpu.vector_store %arg17[%parallel_loop3A_1683, %parallel_loop3A_1684], %parallel_loop3A_1687 {add = true, strides = array<i32>} : memref<8x1024xf32, #tpu.memory_space<vmem>>, vector<1x16xf32>,
      %parallel_loop3A_1688 = arith.index_cast %parallel_loop3A_1674 : i32 to index
      %parallel_loop3A_1689 = arith.index_cast %parallel_loop3A_1678 : i32 to index
      %parallel_loop3A_1690 = tpu.vector_load %arg18[%parallel_loop3A_1688, %parallel_loop3A_1689] {strides = array<i32>} : memref<8x1024xf32, #tpu.memory_space<vmem>>, vector<1x16xf32>,
      %parallel_loop3A_1691 = vector.shape_cast %parallel_loop3A_1690 : vector<1x16xf32> to vector<16xf32>
      %parallel_loop3A_1692 = vector.shape_cast %parallel_loop3A_1682 : vector<16xf32> to vector<1x16xf32>
      tpu.vector_store %arg18[%parallel_loop3A_1688, %parallel_loop3A_1689], %parallel_loop3A_1692 {add = true, strides = array<i32>} : memref<8x1024xf32, #tpu.memory_space<vmem>>, vector<1x16xf32>,
      %parallel_loop3A_1693 = arith.index_cast %parallel_loop3A_1674 : i32 to index
      %parallel_loop3A_1694 = arith.index_cast %parallel_loop3A_1678 : i32 to index
      %parallel_loop3A_1695 = tpu.vector_load %arg19[%parallel_loop3A_1693, %parallel_loop3A_1694] {strides = array<i32>} : memref<8x1024xf32, #tpu.memory_space<vmem>>, vector<1x16xf32>,
      %parallel_loop3A_1696 = vector.shape_cast %parallel_loop3A_1695 : vector<1x16xf32> to vector<16xf32>
      %parallel_loop3A_1697 = vector.shape_cast %parallel_loop3A_1682 : vector<16xf32> to vector<1x16xf32>
      tpu.vector_store %arg19[%parallel_loop3A_1693, %parallel_loop3A_1694], %parallel_loop3A_1697 {add = true, strides = array<i32>} : memref<8x1024xf32, #tpu.memory_space<vmem>>, vector<1x16xf32>,
      %parallel_loop3A_1698 = arith.index_cast %parallel_loop3A_1674 : i32 to index
      %parallel_loop3A_1699 = arith.index_cast %parallel_loop3A_1678 : i32 to index
      %parallel_loop3A_1700 = tpu.vector_load %arg20[%parallel_loop3A_1698, %parallel_loop3A_1699] {strides = array<i32>} : memref<8x1024xf32, #tpu.memory_space<vmem>>, vector<1x16xf32>,
      %parallel_loop3A_1701 = vector.shape_cast %parallel_loop3A_1700 : vector<1x16xf32> to vector<16xf32>
      %parallel_loop3A_1702 = vector.shape_cast %parallel_loop3A_1682 : vector<16xf32> to vector<1x16xf32>
      tpu.vector_store %arg20[%parallel_loop3A_1698, %parallel_loop3A_1699], %parallel_loop3A_1702 {add = true, strides = array<i32>} : memref<8x1024xf32, #tpu.memory_space<vmem>>, vector<1x16xf32>,
    } {sc.loop_unroll_factor = 2 : i64, sc.parallel_access}
    %add3A_1533 = arith.constant 0 : i32
    %add3A_1534 = arith.addi %add3A_1533, %mul3A_2 : i32
    %add3A_1535 = arith.constant 112 : i32
    %add3A_1536 = arith.addi %add3A_1534, %add3A_1535 : i32
    %dma_start3A_1537 = arith.constant 0 : i32
    %dma_start3A_1538 = tpu.memref_slice %arg5[%add3A_1536, %dma_start3A_1537] : memref<16384x1024xf32, #tpu.memory_space<hbm>> -> memref<8x1024xf32, #tpu.memory_space<hbm>>
    %dma_start3A_1539 = arith.constant 0 : i32
    %dma_start3A_1540 = tpu.memref_slice %arg5[%add3A_1536, %dma_start3A_1539] : memref<16384x1024xf32, #tpu.memory_space<hbm>> -> memref<8x1024xf32, #tpu.memory_space<hbm>>
    tpu.enqueue_dma source(%arg17 : memref<8x1024xf32, #tpu.memory_space<vmem>>) target(%dma_start3A_1540 : memref<8x1024xf32, #tpu.memory_space<hbm>>) target_semaphore(%arg44 : memref<!tpu.dma_semaphore, #tpu.memory_space<semaphore_mem>>)
    %add3A_1541 = arith.constant 4096 : i32
    %add3A_1542 = arith.addi %add3A_1541, %mul3A_2 : i32
    %add3A_1543 = arith.constant 112 : i32
    %add3A_1544 = arith.addi %add3A_1542, %add3A_1543 : i32
    %dma_start3A_1545 = arith.constant 0 : i32
    %dma_start3A_1546 = tpu.memref_slice %arg5[%add3A_1544, %dma_start3A_1545] : memref<16384x1024xf32, #tpu.memory_space<hbm>> -> memref<8x1024xf32, #tpu.memory_space<hbm>>
    %dma_start3A_1547 = arith.constant 0 : i32
    %dma_start3A_1548 = tpu.memref_slice %arg5[%add3A_1544, %dma_start3A_1547] : memref<16384x1024xf32, #tpu.memory_space<hbm>> -> memref<8x1024xf32, #tpu.memory_space<hbm>>
    tpu.enqueue_dma source(%arg18 : memref<8x1024xf32, #tpu.memory_space<vmem>>) target(%dma_start3A_1548 : memref<8x1024xf32, #tpu.memory_space<hbm>>) target_semaphore(%arg45 : memref<!tpu.dma_semaphore, #tpu.memory_space<semaphore_mem>>)
    %add3A_1549 = arith.constant 8192 : i32
    %add3A_1550 = arith.addi %add3A_1549, %mul3A_2 : i32
    %add3A_1551 = arith.constant 112 : i32
    %add3A_1552 = arith.addi %add3A_1550, %add3A_1551 : i32
    %dma_start3A_1553 = arith.constant 0 : i32
    %dma_start3A_1554 = tpu.memref_slice %arg5[%add3A_1552, %dma_start3A_1553] : memref<16384x1024xf32, #tpu.memory_space<hbm>> -> memref<8x1024xf32, #tpu.memory_space<hbm>>
    %dma_start3A_1555 = arith.constant 0 : i32
    %dma_start3A_1556 = tpu.memref_slice %arg5[%add3A_1552, %dma_start3A_1555] : memref<16384x1024xf32, #tpu.memory_space<hbm>> -> memref<8x1024xf32, #tpu.memory_space<hbm>>
    tpu.enqueue_dma source(%arg19 : memref<8x1024xf32, #tpu.memory_space<vmem>>) target(%dma_start3A_1556 : memref<8x1024xf32, #tpu.memory_space<hbm>>) target_semaphore(%arg46 : memref<!tpu.dma_semaphore, #tpu.memory_space<semaphore_mem>>)
    %add3A_1557 = arith.constant 12288 : i32
    %add3A_1558 = arith.addi %add3A_1557, %mul3A_2 : i32
    %add3A_1559 = arith.constant 112 : i32
    %add3A_1560 = arith.addi %add3A_1558, %add3A_1559 : i32
    %dma_start3A_1561 = arith.constant 0 : i32
    %dma_start3A_1562 = tpu.memref_slice %arg5[%add3A_1560, %dma_start3A_1561] : memref<16384x1024xf32, #tpu.memory_space<hbm>> -> memref<8x1024xf32, #tpu.memory_space<hbm>>
    %dma_start3A_1563 = arith.constant 0 : i32
    %dma_start3A_1564 = tpu.memref_slice %arg5[%add3A_1560, %dma_start3A_1563] : memref<16384x1024xf32, #tpu.memory_space<hbm>> -> memref<8x1024xf32, #tpu.memory_space<hbm>>
    tpu.enqueue_dma source(%arg20 : memref<8x1024xf32, #tpu.memory_space<vmem>>) target(%dma_start3A_1564 : memref<8x1024xf32, #tpu.memory_space<hbm>>) target_semaphore(%arg47 : memref<!tpu.dma_semaphore, #tpu.memory_space<semaphore_mem>>)
    %dma_wait3A_1565 = arith.constant 0 : i32
    %dma_wait3A_1566 = tpu.memref_slice %arg4[%add3A_1469, %dma_wait3A_1565] : memref<4096x1024xf32, #tpu.memory_space<hbm>> -> memref<8x1024xf32, #tpu.memory_space<hbm>>
    %dma_wait3A_1567 = arith.constant 0 : i32
    %dma_wait3A_1568 = tpu.memref_slice %arg4[%add3A_1469, %dma_wait3A_1567] : memref<4096x1024xf32, #tpu.memory_space<hbm>> -> memref<8x1024xf32, #tpu.memory_space<hbm>>
    tpu.wait_dma2 semaphore(%arg23 : memref<!tpu.dma_semaphore, #tpu.memory_space<semaphore_mem>>) src(%dma_wait3A_1568 : memref<8x1024xf32, #tpu.memory_space<hbm>>) dst(%arg8 : memref<8x1024xf32, #tpu.memory_space<vmem>>)
    %dma_wait3A_1569 = arith.constant 120 : i32
    %dma_wait3A_1570 = tpu.memref_slice %arg6[%dma_wait3A_1569] : memref<512xi32, #tpu.memory_space<vmem>> -> memref<8xi32, #tpu.memory_space<vmem>>
    %dma_wait3A_1571 = arith.constant 0 : i32
    %dma_wait3A_1572 = arith.constant 0 : i32
    %dma_wait3A_1573 = tpu.memref_slice %arg3[%dma_wait3A_1571, %dma_wait3A_1572] : memref<100000x1024xf32, #tpu.memory_space<hbm>> -> memref<100000x1024xf32, #tpu.memory_space<hbm>>
    tpu.wait_indirect_dma semaphore(%arg24 : memref<!tpu.dma_semaphore, #tpu.memory_space<semaphore_mem>>) src(%dma_wait3A_1573 : memref<100000x1024xf32, #tpu.memory_space<hbm>>) dst(%arg9 : memref<8x1024xf32, #tpu.memory_space<vmem>>)
    %dma_wait3A_1574 = arith.constant 248 : i32
    %dma_wait3A_1575 = tpu.memref_slice %arg6[%dma_wait3A_1574] : memref<512xi32, #tpu.memory_space<vmem>> -> memref<8xi32, #tpu.memory_space<vmem>>
    %dma_wait3A_1576 = arith.constant 0 : i32
    %dma_wait3A_1577 = arith.constant 0 : i32
    %dma_wait3A_1578 = tpu.memref_slice %arg3[%dma_wait3A_1576, %dma_wait3A_1577] : memref<100000x1024xf32, #tpu.memory_space<hbm>> -> memref<100000x1024xf32, #tpu.memory_space<hbm>>
    tpu.wait_indirect_dma semaphore(%arg25 : memref<!tpu.dma_semaphore, #tpu.memory_space<semaphore_mem>>) src(%dma_wait3A_1578 : memref<100000x1024xf32, #tpu.memory_space<hbm>>) dst(%arg10 : memref<8x1024xf32, #tpu.memory_space<vmem>>)
    %dma_wait3A_1579 = arith.constant 376 : i32
    %dma_wait3A_1580 = tpu.memref_slice %arg6[%dma_wait3A_1579] : memref<512xi32, #tpu.memory_space<vmem>> -> memref<8xi32, #tpu.memory_space<vmem>>
    %dma_wait3A_1581 = arith.constant 0 : i32
    %dma_wait3A_1582 = arith.constant 0 : i32
    %dma_wait3A_1583 = tpu.memref_slice %arg3[%dma_wait3A_1581, %dma_wait3A_1582] : memref<100000x1024xf32, #tpu.memory_space<hbm>> -> memref<100000x1024xf32, #tpu.memory_space<hbm>>
    tpu.wait_indirect_dma semaphore(%arg26 : memref<!tpu.dma_semaphore, #tpu.memory_space<semaphore_mem>>) src(%dma_wait3A_1583 : memref<100000x1024xf32, #tpu.memory_space<hbm>>) dst(%arg11 : memref<8x1024xf32, #tpu.memory_space<vmem>>)
    %dma_wait3A_1584 = arith.constant 504 : i32
    %dma_wait3A_1585 = tpu.memref_slice %arg6[%dma_wait3A_1584] : memref<512xi32, #tpu.memory_space<vmem>> -> memref<8xi32, #tpu.memory_space<vmem>>
    %dma_wait3A_1586 = arith.constant 0 : i32
    %dma_wait3A_1587 = arith.constant 0 : i32
    %dma_wait3A_1588 = tpu.memref_slice %arg3[%dma_wait3A_1586, %dma_wait3A_1587] : memref<100000x1024xf32, #tpu.memory_space<hbm>> -> memref<100000x1024xf32, #tpu.memory_space<hbm>>
    tpu.wait_indirect_dma semaphore(%arg27 : memref<!tpu.dma_semaphore, #tpu.memory_space<semaphore_mem>>) src(%dma_wait3A_1588 : memref<100000x1024xf32, #tpu.memory_space<hbm>>) dst(%arg12 : memref<8x1024xf32, #tpu.memory_space<vmem>>)
    %parallel_loop3A_1589 = arith.constant 0 : i32
    %parallel_loop3A_1590 = arith.constant 512 : i32
    %parallel_loop3A_1591 = arith.constant 1 : i32
    scf.for %parallel_loop3A_1672 = %parallel_loop3A_1589 to %parallel_loop3A_1590 step %parallel_loop3A_1591  : i32 {
      %parallel_loop3A_1673 = arith.constant 6 : i32
      %parallel_loop3A_1674 = arith.shrsi %parallel_loop3A_1672, %parallel_loop3A_1673 : i32
      %parallel_loop3A_1675 = arith.constant 63 : i32
      %parallel_loop3A_1676 = arith.andi %parallel_loop3A_1672, %parallel_loop3A_1675 : i32
      %parallel_loop3A_1677 = arith.constant 16 : i32
      %parallel_loop3A_1678 = arith.muli %parallel_loop3A_1676, %parallel_loop3A_1677 : i32
      %parallel_loop3A_1679 = arith.index_cast %parallel_loop3A_1674 : i32 to index
      %parallel_loop3A_1680 = arith.index_cast %parallel_loop3A_1678 : i32 to index
      %parallel_loop3A_1681 = tpu.vector_load %arg8[%parallel_loop3A_1679, %parallel_loop3A_1680] {strides = array<i32>} : memref<8x1024xf32, #tpu.memory_space<vmem>>, vector<1x16xf32>,
      %parallel_loop3A_1682 = vector.shape_cast %parallel_loop3A_1681 : vector<1x16xf32> to vector<16xf32>
      %parallel_loop3A_1683 = arith.index_cast %parallel_loop3A_1674 : i32 to index
      %parallel_loop3A_1684 = arith.index_cast %parallel_loop3A_1678 : i32 to index
      %parallel_loop3A_1685 = tpu.vector_load %arg9[%parallel_loop3A_1683, %parallel_loop3A_1684] {strides = array<i32>} : memref<8x1024xf32, #tpu.memory_space<vmem>>, vector<1x16xf32>,
      %parallel_loop3A_1686 = vector.shape_cast %parallel_loop3A_1685 : vector<1x16xf32> to vector<16xf32>
      %parallel_loop3A_1687 = vector.shape_cast %parallel_loop3A_1682 : vector<16xf32> to vector<1x16xf32>
      tpu.vector_store %arg9[%parallel_loop3A_1683, %parallel_loop3A_1684], %parallel_loop3A_1687 {add = true, strides = array<i32>} : memref<8x1024xf32, #tpu.memory_space<vmem>>, vector<1x16xf32>,
      %parallel_loop3A_1688 = arith.index_cast %parallel_loop3A_1674 : i32 to index
      %parallel_loop3A_1689 = arith.index_cast %parallel_loop3A_1678 : i32 to index
      %parallel_loop3A_1690 = tpu.vector_load %arg10[%parallel_loop3A_1688, %parallel_loop3A_1689] {strides = array<i32>} : memref<8x1024xf32, #tpu.memory_space<vmem>>, vector<1x16xf32>,
      %parallel_loop3A_1691 = vector.shape_cast %parallel_loop3A_1690 : vector<1x16xf32> to vector<16xf32>
      %parallel_loop3A_1692 = vector.shape_cast %parallel_loop3A_1682 : vector<16xf32> to vector<1x16xf32>
      tpu.vector_store %arg10[%parallel_loop3A_1688, %parallel_loop3A_1689], %parallel_loop3A_1692 {add = true, strides = array<i32>} : memref<8x1024xf32, #tpu.memory_space<vmem>>, vector<1x16xf32>,
      %parallel_loop3A_1693 = arith.index_cast %parallel_loop3A_1674 : i32 to index
      %parallel_loop3A_1694 = arith.index_cast %parallel_loop3A_1678 : i32 to index
      %parallel_loop3A_1695 = tpu.vector_load %arg11[%parallel_loop3A_1693, %parallel_loop3A_1694] {strides = array<i32>} : memref<8x1024xf32, #tpu.memory_space<vmem>>, vector<1x16xf32>,
      %parallel_loop3A_1696 = vector.shape_cast %parallel_loop3A_1695 : vector<1x16xf32> to vector<16xf32>
      %parallel_loop3A_1697 = vector.shape_cast %parallel_loop3A_1682 : vector<16xf32> to vector<1x16xf32>
      tpu.vector_store %arg11[%parallel_loop3A_1693, %parallel_loop3A_1694], %parallel_loop3A_1697 {add = true, strides = array<i32>} : memref<8x1024xf32, #tpu.memory_space<vmem>>, vector<1x16xf32>,
      %parallel_loop3A_1698 = arith.index_cast %parallel_loop3A_1674 : i32 to index
      %parallel_loop3A_1699 = arith.index_cast %parallel_loop3A_1678 : i32 to index
      %parallel_loop3A_1700 = tpu.vector_load %arg12[%parallel_loop3A_1698, %parallel_loop3A_1699] {strides = array<i32>} : memref<8x1024xf32, #tpu.memory_space<vmem>>, vector<1x16xf32>,
      %parallel_loop3A_1701 = vector.shape_cast %parallel_loop3A_1700 : vector<1x16xf32> to vector<16xf32>
      %parallel_loop3A_1702 = vector.shape_cast %parallel_loop3A_1682 : vector<16xf32> to vector<1x16xf32>
      tpu.vector_store %arg12[%parallel_loop3A_1698, %parallel_loop3A_1699], %parallel_loop3A_1702 {add = true, strides = array<i32>} : memref<8x1024xf32, #tpu.memory_space<vmem>>, vector<1x16xf32>,
    } {sc.loop_unroll_factor = 2 : i64, sc.parallel_access}
    %add3A_1592 = arith.constant 0 : i32
    %add3A_1593 = arith.addi %add3A_1592, %mul3A_2 : i32
    %add3A_1594 = arith.constant 120 : i32
    %add3A_1595 = arith.addi %add3A_1593, %add3A_1594 : i32
    %dma_start3A_1596 = arith.constant 0 : i32
    %dma_start3A_1597 = tpu.memref_slice %arg5[%add3A_1595, %dma_start3A_1596] : memref<16384x1024xf32, #tpu.memory_space<hbm>> -> memref<8x1024xf32, #tpu.memory_space<hbm>>
    %dma_start3A_1598 = arith.constant 0 : i32
    %dma_start3A_1599 = tpu.memref_slice %arg5[%add3A_1595, %dma_start3A_1598] : memref<16384x1024xf32, #tpu.memory_space<hbm>> -> memref<8x1024xf32, #tpu.memory_space<hbm>>
    tpu.enqueue_dma source(%arg9 : memref<8x1024xf32, #tpu.memory_space<vmem>>) target(%dma_start3A_1599 : memref<8x1024xf32, #tpu.memory_space<hbm>>) target_semaphore(%arg36 : memref<!tpu.dma_semaphore, #tpu.memory_space<semaphore_mem>>)
    %add3A_1600 = arith.constant 4096 : i32
    %add3A_1601 = arith.addi %add3A_1600, %mul3A_2 : i32
    %add3A_1602 = arith.constant 120 : i32
    %add3A_1603 = arith.addi %add3A_1601, %add3A_1602 : i32
    %dma_start3A_1604 = arith.constant 0 : i32
    %dma_start3A_1605 = tpu.memref_slice %arg5[%add3A_1603, %dma_start3A_1604] : memref<16384x1024xf32, #tpu.memory_space<hbm>> -> memref<8x1024xf32, #tpu.memory_space<hbm>>
    %dma_start3A_1606 = arith.constant 0 : i32
    %dma_start3A_1607 = tpu.memref_slice %arg5[%add3A_1603, %dma_start3A_1606] : memref<16384x1024xf32, #tpu.memory_space<hbm>> -> memref<8x1024xf32, #tpu.memory_space<hbm>>
    tpu.enqueue_dma source(%arg10 : memref<8x1024xf32, #tpu.memory_space<vmem>>) target(%dma_start3A_1607 : memref<8x1024xf32, #tpu.memory_space<hbm>>) target_semaphore(%arg37 : memref<!tpu.dma_semaphore, #tpu.memory_space<semaphore_mem>>)
    %add3A_1608 = arith.constant 8192 : i32
    %add3A_1609 = arith.addi %add3A_1608, %mul3A_2 : i32
    %add3A_1610 = arith.constant 120 : i32
    %add3A_1611 = arith.addi %add3A_1609, %add3A_1610 : i32
    %dma_start3A_1612 = arith.constant 0 : i32
    %dma_start3A_1613 = tpu.memref_slice %arg5[%add3A_1611, %dma_start3A_1612] : memref<16384x1024xf32, #tpu.memory_space<hbm>> -> memref<8x1024xf32, #tpu.memory_space<hbm>>
    %dma_start3A_1614 = arith.constant 0 : i32
    %dma_start3A_1615 = tpu.memref_slice %arg5[%add3A_1611, %dma_start3A_1614] : memref<16384x1024xf32, #tpu.memory_space<hbm>> -> memref<8x1024xf32, #tpu.memory_space<hbm>>
    tpu.enqueue_dma source(%arg11 : memref<8x1024xf32, #tpu.memory_space<vmem>>) target(%dma_start3A_1615 : memref<8x1024xf32, #tpu.memory_space<hbm>>) target_semaphore(%arg38 : memref<!tpu.dma_semaphore, #tpu.memory_space<semaphore_mem>>)
    %add3A_1616 = arith.constant 12288 : i32
    %add3A_1617 = arith.addi %add3A_1616, %mul3A_2 : i32
    %add3A_1618 = arith.constant 120 : i32
    %add3A_1619 = arith.addi %add3A_1617, %add3A_1618 : i32
    %dma_start3A_1620 = arith.constant 0 : i32
    %dma_start3A_1621 = tpu.memref_slice %arg5[%add3A_1619, %dma_start3A_1620] : memref<16384x1024xf32, #tpu.memory_space<hbm>> -> memref<8x1024xf32, #tpu.memory_space<hbm>>
    %dma_start3A_1622 = arith.constant 0 : i32
    %dma_start3A_1623 = tpu.memref_slice %arg5[%add3A_1619, %dma_start3A_1622] : memref<16384x1024xf32, #tpu.memory_space<hbm>> -> memref<8x1024xf32, #tpu.memory_space<hbm>>
    tpu.enqueue_dma source(%arg12 : memref<8x1024xf32, #tpu.memory_space<vmem>>) target(%dma_start3A_1623 : memref<8x1024xf32, #tpu.memory_space<hbm>>) target_semaphore(%arg39 : memref<!tpu.dma_semaphore, #tpu.memory_space<semaphore_mem>>)
    %dma_wait3A_1624 = arith.constant 0 : i32
    %dma_wait3A_1625 = tpu.memref_slice %arg5[%add3A_1595, %dma_wait3A_1624] : memref<16384x1024xf32, #tpu.memory_space<hbm>> -> memref<8x1024xf32, #tpu.memory_space<hbm>>
    %dma_wait3A_1626 = arith.constant 0 : i32
    %dma_wait3A_1627 = tpu.memref_slice %arg5[%add3A_1595, %dma_wait3A_1626] : memref<16384x1024xf32, #tpu.memory_space<hbm>> -> memref<8x1024xf32, #tpu.memory_space<hbm>>
    tpu.wait_dma2 semaphore(%arg36 : memref<!tpu.dma_semaphore, #tpu.memory_space<semaphore_mem>>) src(%arg9 : memref<8x1024xf32, #tpu.memory_space<vmem>>) dst(%dma_wait3A_1627 : memref<8x1024xf32, #tpu.memory_space<hbm>>)
    %dma_wait3A_1628 = arith.constant 0 : i32
    %dma_wait3A_1629 = tpu.memref_slice %arg5[%add3A_1603, %dma_wait3A_1628] : memref<16384x1024xf32, #tpu.memory_space<hbm>> -> memref<8x1024xf32, #tpu.memory_space<hbm>>
    %dma_wait3A_1630 = arith.constant 0 : i32
    %dma_wait3A_1631 = tpu.memref_slice %arg5[%add3A_1603, %dma_wait3A_1630] : memref<16384x1024xf32, #tpu.memory_space<hbm>> -> memref<8x1024xf32, #tpu.memory_space<hbm>>
    tpu.wait_dma2 semaphore(%arg37 : memref<!tpu.dma_semaphore, #tpu.memory_space<semaphore_mem>>) src(%arg10 : memref<8x1024xf32, #tpu.memory_space<vmem>>) dst(%dma_wait3A_1631 : memref<8x1024xf32, #tpu.memory_space<hbm>>)
    %dma_wait3A_1632 = arith.constant 0 : i32
    %dma_wait3A_1633 = tpu.memref_slice %arg5[%add3A_1611, %dma_wait3A_1632] : memref<16384x1024xf32, #tpu.memory_space<hbm>> -> memref<8x1024xf32, #tpu.memory_space<hbm>>
    %dma_wait3A_1634 = arith.constant 0 : i32
    %dma_wait3A_1635 = tpu.memref_slice %arg5[%add3A_1611, %dma_wait3A_1634] : memref<16384x1024xf32, #tpu.memory_space<hbm>> -> memref<8x1024xf32, #tpu.memory_space<hbm>>
    tpu.wait_dma2 semaphore(%arg38 : memref<!tpu.dma_semaphore, #tpu.memory_space<semaphore_mem>>) src(%arg11 : memref<8x1024xf32, #tpu.memory_space<vmem>>) dst(%dma_wait3A_1635 : memref<8x1024xf32, #tpu.memory_space<hbm>>)
    %dma_wait3A_1636 = arith.constant 0 : i32
    %dma_wait3A_1637 = tpu.memref_slice %arg5[%add3A_1619, %dma_wait3A_1636] : memref<16384x1024xf32, #tpu.memory_space<hbm>> -> memref<8x1024xf32, #tpu.memory_space<hbm>>
    %dma_wait3A_1638 = arith.constant 0 : i32
    %dma_wait3A_1639 = tpu.memref_slice %arg5[%add3A_1619, %dma_wait3A_1638] : memref<16384x1024xf32, #tpu.memory_space<hbm>> -> memref<8x1024xf32, #tpu.memory_space<hbm>>
    tpu.wait_dma2 semaphore(%arg39 : memref<!tpu.dma_semaphore, #tpu.memory_space<semaphore_mem>>) src(%arg12 : memref<8x1024xf32, #tpu.memory_space<vmem>>) dst(%dma_wait3A_1639 : memref<8x1024xf32, #tpu.memory_space<hbm>>)
    %dma_wait3A_1640 = arith.constant 0 : i32
    %dma_wait3A_1641 = tpu.memref_slice %arg5[%add3A_1477, %dma_wait3A_1640] : memref<16384x1024xf32, #tpu.memory_space<hbm>> -> memref<8x1024xf32, #tpu.memory_space<hbm>>
    %dma_wait3A_1642 = arith.constant 0 : i32
    %dma_wait3A_1643 = tpu.memref_slice %arg5[%add3A_1477, %dma_wait3A_1642] : memref<16384x1024xf32, #tpu.memory_space<hbm>> -> memref<8x1024xf32, #tpu.memory_space<hbm>>
    tpu.wait_dma2 semaphore(%arg40 : memref<!tpu.dma_semaphore, #tpu.memory_space<semaphore_mem>>) src(%arg13 : memref<8x1024xf32, #tpu.memory_space<vmem>>) dst(%dma_wait3A_1643 : memref<8x1024xf32, #tpu.memory_space<hbm>>)
    %dma_wait3A_1644 = arith.constant 0 : i32
    %dma_wait3A_1645 = tpu.memref_slice %arg5[%add3A_1485, %dma_wait3A_1644] : memref<16384x1024xf32, #tpu.memory_space<hbm>> -> memref<8x1024xf32, #tpu.memory_space<hbm>>
    %dma_wait3A_1646 = arith.constant 0 : i32
    %dma_wait3A_1647 = tpu.memref_slice %arg5[%add3A_1485, %dma_wait3A_1646] : memref<16384x1024xf32, #tpu.memory_space<hbm>> -> memref<8x1024xf32, #tpu.memory_space<hbm>>
    tpu.wait_dma2 semaphore(%arg41 : memref<!tpu.dma_semaphore, #tpu.memory_space<semaphore_mem>>) src(%arg14 : memref<8x1024xf32, #tpu.memory_space<vmem>>) dst(%dma_wait3A_1647 : memref<8x1024xf32, #tpu.memory_space<hbm>>)
    %dma_wait3A_1648 = arith.constant 0 : i32
    %dma_wait3A_1649 = tpu.memref_slice %arg5[%add3A_1493, %dma_wait3A_1648] : memref<16384x1024xf32, #tpu.memory_space<hbm>> -> memref<8x1024xf32, #tpu.memory_space<hbm>>
    %dma_wait3A_1650 = arith.constant 0 : i32
    %dma_wait3A_1651 = tpu.memref_slice %arg5[%add3A_1493, %dma_wait3A_1650] : memref<16384x1024xf32, #tpu.memory_space<hbm>> -> memref<8x1024xf32, #tpu.memory_space<hbm>>
    tpu.wait_dma2 semaphore(%arg42 : memref<!tpu.dma_semaphore, #tpu.memory_space<semaphore_mem>>) src(%arg15 : memref<8x1024xf32, #tpu.memory_space<vmem>>) dst(%dma_wait3A_1651 : memref<8x1024xf32, #tpu.memory_space<hbm>>)
    %dma_wait3A_1652 = arith.constant 0 : i32
    %dma_wait3A_1653 = tpu.memref_slice %arg5[%add3A_1501, %dma_wait3A_1652] : memref<16384x1024xf32, #tpu.memory_space<hbm>> -> memref<8x1024xf32, #tpu.memory_space<hbm>>
    %dma_wait3A_1654 = arith.constant 0 : i32
    %dma_wait3A_1655 = tpu.memref_slice %arg5[%add3A_1501, %dma_wait3A_1654] : memref<16384x1024xf32, #tpu.memory_space<hbm>> -> memref<8x1024xf32, #tpu.memory_space<hbm>>
    tpu.wait_dma2 semaphore(%arg43 : memref<!tpu.dma_semaphore, #tpu.memory_space<semaphore_mem>>) src(%arg16 : memref<8x1024xf32, #tpu.memory_space<vmem>>) dst(%dma_wait3A_1655 : memref<8x1024xf32, #tpu.memory_space<hbm>>)
    %dma_wait3A_1656 = arith.constant 0 : i32
    %dma_wait3A_1657 = tpu.memref_slice %arg5[%add3A_1536, %dma_wait3A_1656] : memref<16384x1024xf32, #tpu.memory_space<hbm>> -> memref<8x1024xf32, #tpu.memory_space<hbm>>
    %dma_wait3A_1658 = arith.constant 0 : i32
    %dma_wait3A_1659 = tpu.memref_slice %arg5[%add3A_1536, %dma_wait3A_1658] : memref<16384x1024xf32, #tpu.memory_space<hbm>> -> memref<8x1024xf32, #tpu.memory_space<hbm>>
    tpu.wait_dma2 semaphore(%arg44 : memref<!tpu.dma_semaphore, #tpu.memory_space<semaphore_mem>>) src(%arg17 : memref<8x1024xf32, #tpu.memory_space<vmem>>) dst(%dma_wait3A_1659 : memref<8x1024xf32, #tpu.memory_space<hbm>>)
    %dma_wait3A_1660 = arith.constant 0 : i32
    %dma_wait3A_1661 = tpu.memref_slice %arg5[%add3A_1544, %dma_wait3A_1660] : memref<16384x1024xf32, #tpu.memory_space<hbm>> -> memref<8x1024xf32, #tpu.memory_space<hbm>>
    %dma_wait3A_1662 = arith.constant 0 : i32
    %dma_wait3A_1663 = tpu.memref_slice %arg5[%add3A_1544, %dma_wait3A_1662] : memref<16384x1024xf32, #tpu.memory_space<hbm>> -> memref<8x1024xf32, #tpu.memory_space<hbm>>
    tpu.wait_dma2 semaphore(%arg45 : memref<!tpu.dma_semaphore, #tpu.memory_space<semaphore_mem>>) src(%arg18 : memref<8x1024xf32, #tpu.memory_space<vmem>>) dst(%dma_wait3A_1663 : memref<8x1024xf32, #tpu.memory_space<hbm>>)
    %dma_wait3A_1664 = arith.constant 0 : i32
    %dma_wait3A_1665 = tpu.memref_slice %arg5[%add3A_1552, %dma_wait3A_1664] : memref<16384x1024xf32, #tpu.memory_space<hbm>> -> memref<8x1024xf32, #tpu.memory_space<hbm>>
    %dma_wait3A_1666 = arith.constant 0 : i32
    %dma_wait3A_1667 = tpu.memref_slice %arg5[%add3A_1552, %dma_wait3A_1666] : memref<16384x1024xf32, #tpu.memory_space<hbm>> -> memref<8x1024xf32, #tpu.memory_space<hbm>>
    tpu.wait_dma2 semaphore(%arg46 : memref<!tpu.dma_semaphore, #tpu.memory_space<semaphore_mem>>) src(%arg19 : memref<8x1024xf32, #tpu.memory_space<vmem>>) dst(%dma_wait3A_1667 : memref<8x1024xf32, #tpu.memory_space<hbm>>)
    %dma_wait3A_1668 = arith.constant 0 : i32
    %dma_wait3A_1669 = tpu.memref_slice %arg5[%add3A_1560, %dma_wait3A_1668] : memref<16384x1024xf32, #tpu.memory_space<hbm>> -> memref<8x1024xf32, #tpu.memory_space<hbm>>
    %dma_wait3A_1670 = arith.constant 0 : i32
    %dma_wait3A_1671 = tpu.memref_slice %arg5[%add3A_1560, %dma_wait3A_1670] : memref<16384x1024xf32, #tpu.memory_space<hbm>> -> memref<8x1024xf32, #tpu.memory_space<hbm>>
    tpu.wait_dma2 semaphore(%arg47 : memref<!tpu.dma_semaphore, #tpu.memory_space<semaphore_mem>>) src(%arg20 : memref<8x1024xf32, #tpu.memory_space<vmem>>) dst(%dma_wait3A_1671 : memref<8x1024xf32, #tpu.memory_space<hbm>>)
    return
  }
}

</mosaic_0001>

<sc_bundles>
// kernel: kernel.3.cloned.1.call-start
scs
__scs_entry_jumppad:
0x0: {  	(pc) =	sbr.rel $0x88, $3  }
0x1: {  	(tag) =	ssettag $0x0;
	lr =	simm.s32 $0x1  }
0x2: {  	[smem:$0x3F9E] =	sst lr;
	_ =	strace $0xD0000000  }
0x3: {  	_ = 	snop  }
0x4: {  	_ = 	snop  }
0x5: {  	_ = 	snop  }
0x6: {  	_ = 	snop  }
0x7: {  	_ = 	snop  }
__scs_overlays_trampoline_lowered:
0x8: {  	[smem:$0x3FAD] =	sst s0  }
0x9: {  	[smem:$0x3FAE] =	sst s1  }
0xa: {  	[smem:$0x3FAF] =	sst s2  }
0xb: {  	[smem:$0x3FB0] =	sst s3  }
0xc: {  	[smem:$0x3FB1] =	sst s4  }
0xd: {  	[smem:$0x3FB2] =	sst s5  }
0xe: {  	[smem:$0x3FB3] =	sst s6  }
0xf: {  	[smem:$0x3FB4] =	sst s7  }
0x10: {  	[smem:$0x3FB5] =	sst s8  }
0x11: {  	[smem:$0x3FB6] =	sst s9;
	s0 =	simm.s32 @!p0 $0x0  }
0x12: {  	s1 =	sld [smem:$0x3F9C];
	s0 =	simm.s32 @p0 $0x1  }
0x13: {  	[smem:$0x3FB7] =	sst s0;
	s0 =	simm.s32 @!p1 $0x0  }
0x14: {  	s2 =	sld [smem:$0x3F9B];
	s0 =	simm.s32 @p1 $0x1  }
0x15: {  	[smem:$0x3FB8] =	sst s0;
	s0 =	simm.s32 @!p2 $0x0  }
0x16: {  	s3 =	sld [smem:$0x3FDB];
	s0 =	simm.s32 @p2 $0x1  }
0x17: {  	s4 =	simm.s32 $0x1BF5;
	[smem:$0x3FBA] =	sst s0  }
0x18: {  	s0 =	sld [smem:$0x3F9D];
	_ =	swait.ge [sflag:s4], $0x0  }
0x19: {  	s7 =	sld [smem:$0x3F9E]  }
0x1a: {  	s8 =	sadd.s32 $0xFFFFE003, lr  }
0x1b: {  	s9 =	sadd.s32 $0xFFFFFEF7, lr;
	s5 =	simm.s32 $0xFFFFFFFF;
	p2 =	slt.u32 s8, $0xFFFFF086  }
0x1c: {  	p1 =	slt.u32 s9, $0xF7A;
	s5 =	simm.s32 @!p2 $0x0  }
0x1d: {  	s5 =	simm.s32 @p1 $0x1;
	p0 =	seq.s32 s7, s2  }
0x1e: {  	s7 =	smul.u32 @!p0 $0xF7A, s2;
	p2 =	seq.s32 @!p0 s5, $0x0  }
0x1f: {  	s9 =	smul.u32 $0xF7A, s1;
	s8 =	simm.s32 @!p0 $0x1BF5;
	p2 =	por !p2, p0  }
0x20: {  	[sflag:s8] =	ssyncset.s32 @!p0 $0xFFFFF086;
	s6 =	sadd.s32 @!p0 s3, s7;
	s7 =	simm.s32 @!p0 $0x108  }
0x21: {  	s3 =	sadd.s32 s3, s9;
	s6 =	sadd.s32 @!p0 $0x88, s6;
	s7 =	simm.s32 @p2 $0x1082  }
0x22: {  	[simem:s7], [sflag:s8] =	dma.local @!p0 [hbm:s6], $0xF7A  }
0x23: {  	s9 =	sor.u32 $0xD0000000, s2;
	s6 =	simm.s32 $0x108;
	_ =	swait.ge @!p0 [sflag:s8], $0x0  }
0x24: {  	s3 =	sadd.s32 $0x88, s3;
	s6 =	simm.s32 @!p1 $0x1082;
	[sflag:s4] =	ssyncset.s32 $0xFFFFF086  }
0x25: {  	[simem:s6], [sflag:s4] =	dma.local [hbm:s3], $0xF7A  }
0x26: {  	[smem:$0x3F9E] =	sst s1;
	(tag) =	ssettag s2;
	_ =	strace s9  }
0x27: {  	s1 =	sld [smem:$0x3FAE]  }
0x28: {  	s2 =	sld [smem:$0x3FAF]  }
0x29: {  	s4 =	sld [smem:$0x3FB1]  }
0x2a: {  	p0 =	seq.s32 s5, $0x0;
	s5 =	sld [smem:$0x3FB2]  }
0x2b: {  	s6 =	sld [smem:$0x3FB3]  }
0x2c: {  	s7 =	sld [smem:$0x3FB4]  }
0x2d: {  	s3 =	simm.s32 $0x108;
	s8 =	sld [smem:$0x3FB5]  }
0x2e: {  	s3 =	simm.s32 @!p0 $0x1082;
	s9 =	sld [smem:$0x3FB6]  }
0x2f: {  	lr =	sadd.s32 s0, s3;
	s0 =	sld [smem:$0x3FAD]  }
0x30: {  	s3 =	sld [smem:$0x3FB0]  }
0x31: {  	[smem:$0x3FB9] =	sst s10  }
0x32: {  	s10 =	sld [smem:$0x3FB7];
	_ =	sdelay $0x3  }
0x33: {  	p0 =	seq.s32 s10, $0x1;
	s10 =	sld [smem:$0x3FB9];
	_ =	sdelay $0x3  }
0x34: {  	[smem:$0x3FB9] =	sst s10  }
0x35: {  	s10 =	sld [smem:$0x3FB8];
	_ =	sdelay $0x3  }
0x36: {  	p1 =	seq.s32 s10, $0x1;
	s10 =	sld [smem:$0x3FB9];
	_ =	sdelay $0x3  }
0x37: {  	[smem:$0x3FB9] =	sst s10  }
0x38: {  	s10 =	sld [smem:$0x3FBA]  }
0x39: {  	_ = 	snop;
	(pc) =	sbr.ind lr, $3  }
0x3a: {  	_ = 	snop  }
0x3b: {  	_ = 	snop  }
0x3c: {  	p2 =	seq.s32 s10, $0x1;
	s10 =	sld [smem:$0x3FB9]  }
0x3d: {  	_ =	shalt  }
0x3e: {  	_ =	shalt  }
0x3f: {  	_ =	shalt  }
0x40: {  	_ =	shalt  }
0x41: {  	_ =	shalt  }
0x42: {  	_ =	shalt  }
0x43: {  	_ =	shalt  }
0x44: {  	_ =	shalt  }
0x45: {  	_ =	shalt  }
0x46: {  	_ =	shalt  }
0x47: {  	_ =	shalt  }
0x48: {  	_ =	shalt  }
0x49: {  	_ =	shalt  }
0x4a: {  	_ =	shalt  }
0x4b: {  	_ =	shalt  }
0x4c: {  	_ =	shalt  }
0x4d: {  	_ =	shalt  }
0x4e: {  	_ =	shalt  }
0x4f: {  	_ =	shalt  }
0x50: {  	_ =	shalt  }
0x51: {  	_ =	shalt  }
0x52: {  	_ =	shalt  }
0x53: {  	_ =	shalt  }
0x54: {  	_ =	shalt  }
0x55: {  	_ =	shalt  }
0x56: {  	_ =	shalt  }
0x57: {  	_ =	shalt  }
0x58: {  	_ =	shalt  }
0x59: {  	_ =	shalt  }
0x5a: {  	_ =	shalt  }
0x5b: {  	_ =	shalt  }
0x5c: {  	_ =	shalt  }
0x5d: {  	_ =	shalt  }
0x5e: {  	_ =	shalt  }
0x5f: {  	_ =	shalt  }
0x60: {  	_ =	shalt  }
0x61: {  	_ =	shalt  }
0x62: {  	_ =	shalt  }
0x63: {  	_ =	shalt  }
0x64: {  	_ =	shalt  }
0x65: {  	_ =	shalt  }
0x66: {  	_ =	shalt  }
0x67: {  	_ =	shalt  }
0x68: {  	_ =	shalt  }
0x69: {  	_ =	shalt  }
0x6a: {  	_ =	shalt  }
0x6b: {  	_ =	shalt  }
0x6c: {  	_ =	shalt  }
0x6d: {  	_ =	shalt  }
0x6e: {  	_ =	shalt  }
0x6f: {  	_ =	shalt  }
0x70: {  	_ =	shalt  }
0x71: {  	_ =	shalt  }
0x72: {  	_ =	shalt  }
0x73: {  	_ =	shalt  }
0x74: {  	_ =	shalt  }
0x75: {  	_ =	shalt  }
0x76: {  	_ =	shalt  }
0x77: {  	_ =	shalt  }
0x78: {  	_ =	shalt  }
0x79: {  	_ =	shalt  }
0x7a: {  	_ =	shalt  }
0x7b: {  	_ =	shalt  }
0x7c: {  	_ =	shalt  }
0x7d: {  	_ =	shalt  }
0x7e: {  	_ =	shalt  }
0x7f: {  	_ =	shalt  }
0x80: {  	_ =	shalt  }
0x81: {  	_ =	shalt  }
0x82: {  	_ =	shalt  }
0x83: {  	_ =	shalt  }
0x84: {  	_ =	shalt  }
0x85: {  	_ =	shalt  }
0x86: {  	_ =	shalt  }
0x87: {  	_ =	shalt  }
.Lfunc_end0:
.L_simem_size_0:
called_computation_lowered:
.L_overlay_start_0:
0x88: {  	s2 =	sld [smem:$0x3FD9]  }
0x89: {  	s3 =	sld [smem:$0x3FFE];
	_ =	sdelay $0x1  }
0x8a: {  	s1 =	srdreg.scid  }
0x8b: {  	s0 =	sand.u32 $0x1, s1  }
0x8c: {  	s17 =	sshll.u32 s0, $0xA;
	s2 =	sadd.s32 s3, s2  }
0x8d: {  	s2 =	sadd.s32 s2, s17  }
0x8e: {  	[smem:$0x3FC5] =	sst s2  }
0x8f: {  	_ = 	snop  }
0x90: {  	s2 =	sld [smem:$0x3FC8]  }
0x91: {  	s18 =	sld [smem:$0x3FC7]  }
0x92: {  	s4 =	sld [smem:$0x3FD0];
	(tm) =	ssettm $0x1  }
0x93: {  	s5 =	sld [smem:$0x3FFB];
	_ =	sdelay $0x3  }
0x94: {  	_ =	strace s5  }
0x95: {  	s5 =	sld [smem:$0x3FFC];
	_ =	sdelay $0x3  }
0x96: {  	_ =	strace s5  }
0x97: {  	s5 =	sld [smem:$0x3FFD];
	_ =	sdelay $0x3  }
0x98: {  	_ =	strace s5  }
0x99: {  	_ =	strace $0x8FFFFFFF  }
0x9a: {  	s19 =	sld [smem:$0x3FDB];
	_ =	sdelay $0x1  }
0x9b: {  	s6 =	simm.s32 $_scs_section_size  }
0x9c: {  	s7 =	simm.s32 $_size__tile_overlayer_lowered;
	s8 =	simm.s32 $_tile_overlayer_lowered  }
0x9d: {  	s22 =	simm.s32 $0x1BFF;
	s21 =	sshll.u32 s8, $0x1;
	s5 =	sadd.s32 s6, s19  }
0x9e: {  	s9 =	simm.s32 $0x0;
	s20 =	sshll.u32 s7, $0x1;
	s7 =	sadd.s32 s21, s5  }
0x9f: {  	[timem:s9], [sflag:s22] =	dma.local [hbm:s7], s20  }
0xa0: {  	_ =	swait.ge [sflag:s22], s20  }
0xa1: {  	s6 =	ssub.s32 $0x0, s20;
	[sflag:s22] =	ssyncset.done $0x0  }
0xa2: {  	[sflag:s22] =	ssyncadd.s32 s6;
	_ =	sdelay $0x1  }
0xa3: {  	s23 =	simm.s32 $0x1B8B  }
0xa4: {  	_ =	swait.ge [sflag:s23], $0x1  }
0xa5: {  	[sflag:s23] =	ssyncset.done $0x0  }
0xa6: {  	s25 =	simm.s32 $0x1B8E;
	s24 =	sld [smem:$0x3FFE];
	[sflag:s23] =	ssyncadd.s32 $0xFFFFFFFF  }
0xa7: {  	s26 =	simm.s32 $execute0_lowered;
	[smem:$0x3FD2] =	sst s25  }
0xa8: {  	s7 =	sshll.u32 s26, $0x1;
	_ =	strace $0x80000046;
	[dreg:$0x1] =	wrdreg $0xFFFFFFFF  }
0xa9: {  	s28 =	simm.s32 $_size_execute0_lowered;
	s5 =	sadd.s32 s5, s7;
	[dreg:$0x0] =	wrdreg $0x0  }
0xaa: {  	s7 =	sshll.u32 s28, $0x1;
	[dreg:$0x2] =	wrdreg s5  }
0xab: {  	[dreg:$0x3] =	wrdreg s7  }
0xac: {  	[dreg:$0x4] =	wrdreg $0xC0  }
0xad: {  	_ =	task [dreg:s9], $0x5FFFF  }
0xae: {  	[dreg:$0x1] =	wrdreg $0xFFFFFFFF  }
0xaf: {  	[dreg:$0x0] =	wrdreg $0x60  }
0xb0: {  	[dreg:$0x2] =	wrdreg s24  }
0xb1: {  	[dreg:$0x3] =	wrdreg s2  }
0xb2: {  	[dreg:$0x4] =	wrdreg s18  }
0xb3: {  	[dreg:$0x5] =	wrdreg s4  }
0xb4: {  	[dreg:$0x6] =	wrdreg $0x9  }
0xb5: {  	_ =	task.clear_ibuf [dreg:s9], $0x7FFFF;
	_ =	strace $0x90000046  }
0xb6: {  	s29 =	simm.s32 $0x9;
	_ =	strace $0x80000048  }
0xb7: {  	_ =	swait.ge [sflag:s29], $0x1  }
0xb8: {  	[sflag:s29] =	ssyncadd.s32 $0xFFFFFFFF  }
0xb9: {  	_ =	strace $0x90000048  }
0xba: {  	_ =	sfence  }
0xbb: {  	s30 =	sld [smem:$0x0];
	_ =	sdelay $0x2  }
0xbc: {  	s31 =	sshll.u32 s1, $0xD;
	s1 =	sshrl.u32 s1, $0x2  }
0xbd: {  	s3 =	sand.u32 $0x4000, s31;
	s1 =	sadd.s32 s1, s30  }
0xbe: {  	s0 =	sor.u32 s3, s0;
	s1 =	sshll.u32 s1, $0x11  }
0xbf: {  	s0 =	sor.u32 s1, s0  }
0xc0: {  	s0 =	sadd.s32 $0x8F2B, s0  }
0xc1: {  	[sflag:s0] =	ssyncadd.remote.s32 $0x1  }
0xc2: {  	_ =	sfence.sel $0xFFFF  }
0xc3: {  	[dreg:$0x0] =	wrdreg $0xFFFFFFFF;
	(pc) =	sbr.abs _section_cstart, $3  }
0xc4: {  	[dreg:$0x1] =	wrdreg $0xFFFFFFFF  }
0xc5: {  	_ =	task.clear_ibuf [dreg:s9], $0x2FFFF;
	_ =	strace $0x9FFFFFFF  }
0xc6: {  	(tm) =	ssettm $0x7FFFFFFF  }
0xc7: {  	_ =	shalt  }
tec
execute0_lowered:
.L_overlay_start_1:
0x0: {  	(tag) =	ssettag $0x1  }
0x1: {  	s2 =	rddreg [dreg:$0x0]  }
0x2: {  	s1 =	rddreg [dreg:$0x1];
	s0 =	srdreg.scid  }
0x3: {  	s4 =	rddreg [dreg:$0x2];
	s3 =	stileid.u32;
	s5 =	sand.u32 $0x1, s0  }
0x4: {  	s0 =	rddreg [dreg:$0x3];
	s6 =	sshll.u32 s3, $0x8;
	s3 =	simm.s32 $0x0  }
0x5: {  	s10 =	sadd.s32 $0x400, s2;
	s7 =	sshll.u32 s5, $0x7;
	s5 =	ssub.s32 $0x2, s5  }
0x6: {  	[smem:$0x7FF] =	sst s3;
	s6 =	sor.u32 s7, s6;
	s8 =	sshrl.u32 s5, $0x1  }
0x7: {  	_ =	strace $0x80000047;
	s7 =	sshll.u32 s6, $0x7;
	s2 =	ssub.s32 s5, s8  }
0x8: {  	s13 =	sshrl.u32 s6, $0x3;
	s14 =	sor.u32 $0x1000, s6;
	s11 =	sor.u32 $0x2000, s6  }
0x9: {  	s17 =	sor.u32 $0x3000, s6;
	s9 =	sor.u32 $0x400, s7;
	s5 =	sadd.s32 s10, s13  }
0xa: {  	s15 =	sshrl.u32 s14, $0x3;
	s12 =	sadd.s32 s4, s9;
	[dreg:$0x6] =	wrdreg s5  }
0xb: {  	s6 =	sshrl.u32 s17, $0x3;
	s5 =	sadd.s32 s10, s15;
	[dreg:$0x5] =	wrdreg s12  }
0xc: {  	s18 =	sor.u32 $0x800, s7;
	s6 =	sadd.s32 s10, s6;
	[dreg:$0x7] =	wrdreg s5  }
0xd: {  	s8 =	sshll.u32 s14, $0x7;
	s19 =	sadd.s32 s4, s18;
	[dreg:$0x9] =	wrdreg s6  }
0xe: {  	s22 =	sor.u32 $0xC00, s7;
	s20 =	sadd.s32 s0, s8;
	[dreg:$0xa] =	wrdreg s19  }
0xf: {  	s23 =	sadd.s32 s4, s22;
	[dreg:$0xb] =	wrdreg s20  }
0x10: {  	s25 =	sor.u32 $0x1000, s7;
	s24 =	sadd.s32 s0, s9;
	[dreg:$0xe] =	wrdreg s23  }
0x11: {  	s21 =	sshll.u32 s11, $0x7;
	s31 =	sadd.s32 s4, s25;
	[dreg:$0xf] =	wrdreg s24  }
0x12: {  	s26 =	sor.u32 $0x1400, s7;
	s8 =	sadd.s32 s0, s22;
	[dreg:$0x10] =	wrdreg s31  }
0x13: {  	s13 =	sadd.s32 s0, s26;
	s15 =	sor.u32 $0x1C00, s7;
	[dreg:$0x13] =	wrdreg s8  }
0x14: {  	s22 =	sor.u32 $0x2800, s7;
	s6 =	sadd.s32 s0, s21;
	[dreg:$0x15] =	wrdreg s13  }
0x15: {  	s12 =	sshrl.u32 s11, $0x3;
	s11 =	sadd.s32 s4, s26;
	[dreg:$0xc] =	wrdreg s6  }
0x16: {  	s5 =	sshll.u32 s17, $0x7;
	s17 =	sadd.s32 s4, s15;
	[dreg:$0x12] =	wrdreg s11  }
0x17: {  	s23 =	sadd.s32 s4, s22;
	[dreg:$0x18] =	wrdreg s17  }
0x18: {  	s26 =	sadd.s32 s4, s7;
	[dreg:$0x1e] =	wrdreg s23  }
0x19: {  	s16 =	sadd.s32 s10, s12;
	[smem:$0x7C6] =	sst s26  }
0x1a: {  	s5 =	sadd.s32 s0, s5;
	[dreg:$0x8] =	wrdreg s16  }
0x1b: {  	s20 =	sor.u32 $0x2400, s7;
	s10 =	sadd.s32 s0, s18;
	[dreg:$0xd] =	wrdreg s5  }
0x1c: {  	s8 =	sor.u32 $0x3400, s7;
	s21 =	sadd.s32 s4, s20;
	[dreg:$0x11] =	wrdreg s10  }
0x1d: {  	s26 =	sadd.s32 s4, s8;
	[dreg:$0x1c] =	wrdreg s21  }
0x1e: {  	s11 =	sadd.s32 s0, s7;
	[smem:$0x7D5] =	sst s26  }
0x1f: {  	s12 =	sor.u32 $0x1800, s7;
	s5 =	sadd.s32 s0, s25;
	[smem:$0x7FC] =	sst s11  }
0x20: {  	s14 =	sadd.s32 s4, s12;
	[dreg:$0x14] =	wrdreg s5  }
0x21: {  	s18 =	sor.u32 $0x2000, s7;
	s16 =	sadd.s32 s0, s12;
	[dreg:$0x16] =	wrdreg s14  }
0x22: {  	s19 =	sadd.s32 s4, s18;
	[dreg:$0x17] =	wrdreg s16  }
0x23: {  	s24 =	sor.u32 $0x2C00, s7;
	s6 =	sadd.s32 s0, s18;
	[dreg:$0x1a] =	wrdreg s19  }
0x24: {  	s25 =	sadd.s32 s4, s24;
	[dreg:$0x1b] =	wrdreg s6  }
0x25: {  	s13 =	sadd.s32 $0x80400, s11;
	[smem:$0x7C4] =	sst s25  }
0x26: {  	s17 =	sadd.s32 $0x100800, s11;
	[smem:$0x7C7] =	sst s13  }
0x27: {  	s18 =	sadd.s32 $0x180800, s11;
	[smem:$0x7CC] =	sst s17  }
0x28: {  	s21 =	sadd.s32 $0x100C00, s11;
	[smem:$0x7CD] =	sst s18  }
0x29: {  	s23 =	sadd.s32 $0x81000, s11;
	[smem:$0x7D0] =	sst s21  }
0x2a: {  	s9 =	sor.u32 $0x3800, s7;
	s12 =	sadd.s32 $0x101400, s11;
	[smem:$0x7D2] =	sst s23  }
0x2b: {  	s26 =	sadd.s32 s0, s9;
	[smem:$0x7D8] =	sst s12  }
0x2c: {  	s5 =	sadd.s32 s0, s15;
	[smem:$0x7E6] =	sst s26  }
0x2d: {  	s6 =	sadd.s32 s0, s22;
	[dreg:$0x19] =	wrdreg s5  }
0x2e: {  	s14 =	sadd.s32 $0x100400, s11;
	[dreg:$0x1f] =	wrdreg s6  }
0x2f: {  	s31 =	sor.u32 $0x3000, s7;
	s15 =	sadd.s32 $0x180400, s11;
	[smem:$0x7C8] =	sst s14  }
0x30: {  	s16 =	sadd.s32 s4, s31;
	[smem:$0x7C9] =	sst s15  }
0x31: {  	s19 =	sadd.s32 $0x80800, s11;
	[smem:$0x7CA] =	sst s16  }
0x32: {  	s22 =	sadd.s32 $0x180C00, s11;
	[smem:$0x7CE] =	sst s19  }
0x33: {  	s25 =	sadd.s32 $0x181000, s11;
	[smem:$0x7D1] =	sst s22  }
0x34: {  	s13 =	sadd.s32 $0x181400, s11;
	[smem:$0x7D4] =	sst s25  }
0x35: {  	s17 =	sadd.s32 s0, s8;
	[smem:$0x7D9] =	sst s13  }
0x36: {  	s18 =	sadd.s32 $0x181800, s11;
	[smem:$0x7DD] =	sst s17  }
0x37: {  	s21 =	sadd.s32 $0x181C00, s11;
	[smem:$0x7DE] =	sst s18  }
0x38: {  	s23 =	sadd.s32 $0x102000, s11;
	[smem:$0x7E1] =	sst s21  }
0x39: {  	s8 =	sadd.s32 $0x102800, s11;
	[smem:$0x7E3] =	sst s23  }
0x3a: {  	s12 =	sadd.s32 $0x82C00, s11;
	[smem:$0x7EA] =	sst s8  }
0x3b: {  	s26 =	sadd.s32 $0x103C00, s11;
	[smem:$0x7ED] =	sst s12  }
0x3c: {  	s5 =	sadd.s32 s0, s20;
	[smem:$0x7FB] =	sst s26  }
0x3d: {  	s20 =	sadd.s32 $0x80C00, s11;
	[dreg:$0x1d] =	wrdreg s5  }
0x3e: {  	s14 =	sadd.s32 $0x81400, s11;
	[smem:$0x7CF] =	sst s20  }
0x3f: {  	s15 =	sadd.s32 $0x81800, s11;
	[smem:$0x7DA] =	sst s14  }
0x40: {  	s16 =	sadd.s32 $0x101800, s11;
	[smem:$0x7DB] =	sst s15  }
0x41: {  	s19 =	sadd.s32 $0x101C00, s11;
	[smem:$0x7DC] =	sst s16  }
0x42: {  	s22 =	sadd.s32 $0x82000, s11;
	[smem:$0x7DF] =	sst s19  }
0x43: {  	s25 =	sadd.s32 $0x82400, s11;
	[smem:$0x7E2] =	sst s22  }
0x44: {  	s13 =	sadd.s32 $0x102C00, s11;
	[smem:$0x7E5] =	sst s25  }
0x45: {  	s28 =	simm.s32 $0x13;
	s17 =	sadd.s32 $0x183000, s11;
	[smem:$0x7EE] =	sst s13  }
0x46: {  	s29 =	simm.s32 $0x3;
	s18 =	sadd.s32 $0x83400, s11;
	[smem:$0x7F2] =	sst s17  }
0x47: {  	s30 =	simm.s32 $0x0;
	s21 =	sadd.s32 $0x183400, s11;
	[smem:$0x7F3] =	sst s18  }
0x48: {  	s10 =	sor.u32 $0x3C00, s7;
	s23 =	sadd.s32 $0x83800, s11;
	[smem:$0x7F6] =	sst s21  }
0x49: {  	s7 =	sadd.s32 $0x300, s1;
	s5 =	sadd.s32 s0, s24;
	[smem:$0x7F8] =	sst s23  }
0x4a: {  	s6 =	sadd.s32 $0x200, s1;
	s24 =	sadd.s32 $0x101000, s11;
	[smem:$0x7C5] =	sst s5  }
0x4b: {  	s8 =	sadd.s32 $0x100, s1;
	s20 =	sadd.s32 $0x81C00, s11;
	[smem:$0x7D3] =	sst s24  }
0x4c: {  	s12 =	simm.s32 $0xA200;
	s14 =	sadd.s32 $0x182C00, s11;
	[smem:$0x7E0] =	sst s20  }
0x4d: {  	s26 =	simm.s32 $0x1A200;
	s15 =	sadd.s32 $0x83000, s11;
	[smem:$0x7EF] =	sst s14  }
0x4e: {  	s16 =	sadd.s32 $0x103000, s11;
	s19 =	sadd.s32 $0x103400, s11;
	[smem:$0x7F0] =	sst s15  }
0x4f: {  	s22 =	sadd.s32 $0x103800, s11;
	s25 =	sadd.s32 $0x83C00, s11;
	[smem:$0x7F1] =	sst s16  }
0x50: {  	s13 =	simm.s32 $0x12200;
	s18 =	simm.s32 $0x16200;
	[smem:$0x7F4] =	sst s19  }
0x51: {  	s17 =	simm.s32 $0x4;
	s21 =	simm.s32 $0x7;
	[smem:$0x7F7] =	sst s22  }
0x52: {  	s23 =	simm.s32 $0x10;
	s5 =	sadd.s32 s0, s31;
	[smem:$0x7FA] =	sst s25  }
0x53: {  	s31 =	sadd.s32 s4, s9;
	s4 =	sadd.s32 s4, s10;
	[smem:$0x7CB] =	sst s5  }
0x54: {  	s24 =	sadd.s32 $0x182000, s11;
	s0 =	sadd.s32 s0, s10;
	[smem:$0x7D6] =	sst s31  }
0x55: {  	s9 =	sadd.s32 $0x182800, s11;
	s10 =	sadd.s32 $0x82800, s11;
	[smem:$0x7D7] =	sst s4  }
0x56: {  	s20 =	smax.u32 s2, $0x1;
	s15 =	simm.s32 $0x10200;
	[smem:$0x7E4] =	sst s24  }
0x57: {  	s14 =	simm.s32 $0x14200;
	s22 =	simm.s32 $0x18200;
	[smem:$0x7E9] =	sst s0  }
0x58: {  	s16 =	simm.s32 $0x2;
	s31 =	sadd.s32 $0x102400, s11;
	[smem:$0x7EB] =	sst s9  }
0x59: {  	s19 =	simm.s32 $0x5;
	s5 =	sadd.s32 $0x182400, s11;
	[smem:$0x7EC] =	sst s10  }
0x5a: {  	s25 =	simm.s32 $0x12;
	[smem:$0x7F5] =	sst s20;
	s24 =	sadd.s32 $0x183800, s11  }
0x5b: {  	s4 =	simm.s32 $0x4200;
	s9 =	simm.s32 $0x6200;
	[smem:$0x7E7] =	sst s31  }
0x5c: {  	v0 =	vlaneseq.u32;
	s10 =	simm.s32 $0xE200;
	s20 =	simm.s32 $0x6;
	[smem:$0x7E8] =	sst s5  }
0x5d: {  	v1 =	vshrl.u32 v0, $0x3;
	[smem:$0x7F9] =	sst s24;
	s31 =	sadd.s32 $0x183C00, s11;
	s11 =	simm.s32 $0x8200  }
0x5e: {  	vm0 =	vmmov $0xffff;
	v0 =	vand.u32 $0x7, v0;
	v1 =	vmul.u32 $0x8, v1;
	s5 =	simm.s32 $0xC200;
	s24 =	simm.s32 $0x11;
	[smem:$0x7FD] =	sst s31  }
.LBB2_1:
0x5f: {  	s0 =	sld [smem:$0x7C6];
	_ =	sdelay $0x1  }
0x60: {  	s2 =	simm.s32 $0x200  }
0x61: {  	[tilespmem:s2], [sflag:$0x2] =	stream.linear.gather [hbm4b:s0+s3], $0x2000, $0x38;
	[tilespmem:$0x1C200] =	vst v63  }
0x62: {  	s0 =	rddreg [dreg:$0x5];
	s2 =	simm.s32 $0x2200  }
0x63: {  	[tilespmem:s2], [sflag:$0x3] =	stream.linear.gather [hbm4b:s0+s3], $0x2000, $0x38;
	[tilespmem:$0x1C200] =	vst v63  }
0x64: {  	s2 =	rddreg [dreg:$0x6]  }
0x65: {  	[tilespmem:s3], [sflag:$0x1] =	stream.linear.gather [hbm4b:s2+s3], $0x80, $0x38;
	[tilespmem:$0x1C200] =	vst v63  }
0x66: {  	s0 =	rddreg [dreg:$0x7];
	s2 =	simm.s32 $0x80  }
0x67: {  	[tilespmem:s2], [sflag:$0x1] =	stream.linear.gather [hbm4b:s0+s3], $0x80, $0x38;
	[tilespmem:$0x1C200] =	vst v63  }
0x68: {  	s0 =	rddreg [dreg:$0x8];
	s2 =	simm.s32 $0x100  }
0x69: {  	[tilespmem:s2], [sflag:$0x1] =	stream.linear.gather [hbm4b:s0+s3], $0x80, $0x38;
	[tilespmem:$0x1C200] =	vst v63  }
0x6a: {  	s0 =	rddreg [dreg:$0x9];
	s2 =	simm.s32 $0x180  }
0x6b: {  	[tilespmem:s2], [sflag:$0x1] =	stream.linear.gather [hbm4b:s0+s3], $0x80, $0x38;
	[tilespmem:$0x1C200] =	vst v63  }
0x6c: {  	[smem:$0x7C3] =	sst s30;
	s2 =	simm.s32 $0x1  }
0x6d: {  	_ =	swait.ge [sflag:s2], $0x80  }
0x6e: {  	[sflag:s2] =	ssyncset.done $0x0  }
0x6f: {  	[sflag:s2] =	ssyncadd.s32 $0xFFFFFF80  }
0x70: {  	_ =	swait.ge [sflag:s2], $0x80  }
0x71: {  	[sflag:s2] =	ssyncset.done $0x0  }
0x72: {  	[sflag:s2] =	ssyncadd.s32 $0xFFFFFF80  }
0x73: {  	_ =	swait.ge [sflag:s2], $0x80  }
0x74: {  	[sflag:s2] =	ssyncset.done $0x0  }
0x75: {  	[sflag:s2] =	ssyncadd.s32 $0xFFFFFF80  }
0x76: {  	_ =	swait.ge [sflag:s2], $0x80  }
0x77: {  	[sflag:s2] =	ssyncset.done $0x0  }
0x78: {  	[sflag:s2] =	ssyncadd.s32 $0xFFFFFF80  }
0x79: {  	v2 =	vld.msk [tilespmem:$0x0], $0xff;
	_ =	sdelay $0x4  }
0x7a: {  	v3 =	vshll.u32 v2, $0x3  }
0x7b: {  	v2 =	vand.u32 $0x7, v2;
	v3 =	vand.u32 $0xFFFFFFC0, v3  }
0x7c: {  	v2 =	vor.u32 v2, v3  }
0x7d: {  	v2 =	vperm.xlane v2, v0;
	_ =	sdelay $0x1  }
0x7e: {  	v2 =	vadd.s32 v1, v2;
	_ =	sdelay $0x4  }
0x7f: {  	[tilespmem:s4], [sflag:$0x4] =	stream.indirect_vreg.gather [hbm4b:s1+s3], $0x80, v2, vm0, $0xb8;
	[tilespmem:$0x1C200] =	vst v63  }
0x80: {  	s4 =	simm.s32 $0x4A00  }
0x81: {  	[tilespmem:s4], [sflag:$0x4] =	stream.indirect_vreg.gather [hbm4b:s8+s3], $0x80, v2, vm0, $0xb8;
	[tilespmem:$0x1C200] =	vst v63  }
0x82: {  	s2 =	simm.s32 $0x5200  }
0x83: {  	[tilespmem:s2], [sflag:$0x4] =	stream.indirect_vreg.gather [hbm4b:s6+s3], $0x80, v2, vm0, $0xb8;
	[tilespmem:$0x1C200] =	vst v63  }
0x84: {  	s4 =	simm.s32 $0x5A00  }
0x85: {  	[tilespmem:s4], [sflag:$0x4] =	stream.indirect_vreg.gather [hbm4b:s7+s3], $0x80, v2, vm0, $0xb8;
	[tilespmem:$0x1C200] =	vst v63  }
0x86: {  	v2 =	vld.msk [tilespmem:$0x80], $0xff;
	_ =	sdelay $0x4  }
0x87: {  	v3 =	vshll.u32 v2, $0x3  }
0x88: {  	v2 =	vand.u32 $0x7, v2;
	v3 =	vand.u32 $0xFFFFFFC0, v3  }
0x89: {  	v2 =	vor.u32 v2, v3  }
0x8a: {  	v2 =	vperm.xlane v2, v0;
	_ =	sdelay $0x1  }
0x8b: {  	v2 =	vadd.s32 v1, v2;
	_ =	sdelay $0x4  }
0x8c: {  	[tilespmem:s9], [sflag:$0x5] =	stream.indirect_vreg.gather [hbm4b:s1+s3], $0x80, v2, vm0, $0xb8;
	[tilespmem:$0x1C200] =	vst v63  }
0x8d: {  	s9 =	simm.s32 $0x6A00  }
0x8e: {  	[tilespmem:s9], [sflag:$0x5] =	stream.indirect_vreg.gather [hbm4b:s8+s3], $0x80, v2, vm0, $0xb8;
	[tilespmem:$0x1C200] =	vst v63  }
0x8f: {  	s2 =	simm.s32 $0x7200  }
0x90: {  	[tilespmem:s2], [sflag:$0x5] =	stream.indirect_vreg.gather [hbm4b:s6+s3], $0x80, v2, vm0, $0xb8;
	[tilespmem:$0x1C200] =	vst v63  }
0x91: {  	s4 =	simm.s32 $0x7A00  }
0x92: {  	[tilespmem:s4], [sflag:$0x5] =	stream.indirect_vreg.gather [hbm4b:s7+s3], $0x80, v2, vm0, $0xb8;
	[tilespmem:$0x1C200] =	vst v63  }
0x93: {  	v2 =	vld.msk [tilespmem:$0x100], $0xff;
	_ =	sdelay $0x4  }
0x94: {  	v3 =	vshll.u32 v2, $0x3  }
0x95: {  	v2 =	vand.u32 $0x7, v2;
	v3 =	vand.u32 $0xFFFFFFC0, v3  }
0x96: {  	v2 =	vor.u32 v2, v3  }
0x97: {  	v2 =	vperm.xlane v2, v0;
	_ =	sdelay $0x1  }
0x98: {  	v2 =	vadd.s32 v1, v2;
	_ =	sdelay $0x4  }
0x99: {  	[tilespmem:s11], [sflag:$0x6] =	stream.indirect_vreg.gather [hbm4b:s1+s3], $0x80, v2, vm0, $0xb8;
	[tilespmem:$0x1C200] =	vst v63  }
0x9a: {  	s9 =	simm.s32 $0x8A00  }
0x9b: {  	[tilespmem:s9], [sflag:$0x6] =	stream.indirect_vreg.gather [hbm4b:s8+s3], $0x80, v2, vm0, $0xb8;
	[tilespmem:$0x1C200] =	vst v63  }
0x9c: {  	s11 =	simm.s32 $0x9200  }
0x9d: {  	[tilespmem:s11], [sflag:$0x6] =	stream.indirect_vreg.gather [hbm4b:s6+s3], $0x80, v2, vm0, $0xb8;
	[tilespmem:$0x1C200] =	vst v63  }
0x9e: {  	s2 =	simm.s32 $0x9A00  }
0x9f: {  	[tilespmem:s2], [sflag:$0x6] =	stream.indirect_vreg.gather [hbm4b:s7+s3], $0x80, v2, vm0, $0xb8;
	[tilespmem:$0x1C200] =	vst v63  }
0xa0: {  	v2 =	vld.msk [tilespmem:$0x180], $0xff;
	_ =	sdelay $0x4  }
0xa1: {  	v3 =	vshll.u32 v2, $0x3  }
0xa2: {  	v2 =	vand.u32 $0x7, v2;
	v3 =	vand.u32 $0xFFFFFFC0, v3  }
0xa3: {  	v2 =	vor.u32 v2, v3  }
0xa4: {  	v2 =	vperm.xlane v2, v0;
	_ =	sdelay $0x1  }
0xa5: {  	v2 =	vadd.s32 v1, v2;
	_ =	sdelay $0x4  }
0xa6: {  	[tilespmem:s12], [sflag:$0x7] =	stream.indirect_vreg.gather [hbm4b:s1+s3], $0x80, v2, vm0, $0xb8;
	[tilespmem:$0x1C200] =	vst v63  }
0xa7: {  	s4 =	simm.s32 $0xAA00  }
0xa8: {  	[tilespmem:s4], [sflag:$0x7] =	stream.indirect_vreg.gather [hbm4b:s8+s3], $0x80, v2, vm0, $0xb8;
	[tilespmem:$0x1C200] =	vst v63  }
0xa9: {  	s9 =	simm.s32 $0xB200  }
0xaa: {  	[tilespmem:s9], [sflag:$0x7] =	stream.indirect_vreg.gather [hbm4b:s6+s3], $0x80, v2, vm0, $0xb8;
	[tilespmem:$0x1C200] =	vst v63  }
0xab: {  	s11 =	simm.s32 $0xBA00  }
0xac: {  	[tilespmem:s11], [sflag:$0x7] =	stream.indirect_vreg.gather [hbm4b:s7+s3], $0x80, v2, vm0, $0xb8;
	[tilespmem:$0x1C200] =	vst v63  }
0xad: {  	v2 =	vld.msk [tilespmem:$0x8], $0xff;
	_ =	sdelay $0x4  }
0xae: {  	v3 =	vshll.u32 v2, $0x3  }
0xaf: {  	v2 =	vand.u32 $0x7, v2;
	v3 =	vand.u32 $0xFFFFFFC0, v3  }
0xb0: {  	v2 =	vor.u32 v2, v3  }
0xb1: {  	v2 =	vperm.xlane v2, v0;
	_ =	sdelay $0x1  }
0xb2: {  	v2 =	vadd.s32 v1, v2;
	_ =	sdelay $0x4  }
0xb3: {  	[tilespmem:s5], [sflag:$0x8] =	stream.indirect_vreg.gather [hbm4b:s1+s3], $0x80, v2, vm0, $0xb8;
	[tilespmem:$0x1C200] =	vst v63  }
0xb4: {  	s5 =	simm.s32 $0xCA00  }
0xb5: {  	[tilespmem:s5], [sflag:$0x8] =	stream.indirect_vreg.gather [hbm4b:s8+s3], $0x80, v2, vm0, $0xb8;
	[tilespmem:$0x1C200] =	vst v63  }
0xb6: {  	s12 =	simm.s32 $0xD200  }
0xb7: {  	[tilespmem:s12], [sflag:$0x8] =	stream.indirect_vreg.gather [hbm4b:s6+s3], $0x80, v2, vm0, $0xb8;
	[tilespmem:$0x1C200] =	vst v63  }
0xb8: {  	s2 =	simm.s32 $0xDA00  }
0xb9: {  	[tilespmem:s2], [sflag:$0x8] =	stream.indirect_vreg.gather [hbm4b:s7+s3], $0x80, v2, vm0, $0xb8;
	[tilespmem:$0x1C200] =	vst v63  }
0xba: {  	v2 =	vld.msk [tilespmem:$0x88], $0xff;
	_ =	sdelay $0x4  }
0xbb: {  	v3 =	vshll.u32 v2, $0x3  }
0xbc: {  	v2 =	vand.u32 $0x7, v2;
	v3 =	vand.u32 $0xFFFFFFC0, v3  }
0xbd: {  	v2 =	vor.u32 v2, v3  }
0xbe: {  	v2 =	vperm.xlane v2, v0;
	_ =	sdelay $0x1  }
0xbf: {  	v2 =	vadd.s32 v1, v2;
	_ =	sdelay $0x4  }
0xc0: {  	[tilespmem:s10], [sflag:$0x9] =	stream.indirect_vreg.gather [hbm4b:s1+s3], $0x80, v2, vm0, $0xb8;
	[tilespmem:$0x1C200] =	vst v63  }
0xc1: {  	s10 =	simm.s32 $0xEA00  }
0xc2: {  	[tilespmem:s10], [sflag:$0x9] =	stream.indirect_vreg.gather [hbm4b:s8+s3], $0x80, v2, vm0, $0xb8;
	[tilespmem:$0x1C200] =	vst v63  }
0xc3: {  	s4 =	simm.s32 $0xF200  }
0xc4: {  	[tilespmem:s4], [sflag:$0x9] =	stream.indirect_vreg.gather [hbm4b:s6+s3], $0x80, v2, vm0, $0xb8;
	[tilespmem:$0x1C200] =	vst v63  }
0xc5: {  	s9 =	simm.s32 $0xFA00  }
0xc6: {  	[tilespmem:s9], [sflag:$0x9] =	stream.indirect_vreg.gather [hbm4b:s7+s3], $0x80, v2, vm0, $0xb8;
	[tilespmem:$0x1C200] =	vst v63  }
0xc7: {  	v2 =	vld.msk [tilespmem:$0x108], $0xff;
	_ =	sdelay $0x4  }
0xc8: {  	v3 =	vshll.u32 v2, $0x3  }
0xc9: {  	v2 =	vand.u32 $0x7, v2;
	v3 =	vand.u32 $0xFFFFFFC0, v3  }
0xca: {  	v2 =	vor.u32 v2, v3  }
0xcb: {  	v2 =	vperm.xlane v2, v0;
	_ =	sdelay $0x1  }
0xcc: {  	v2 =	vadd.s32 v1, v2;
	_ =	sdelay $0x4  }
0xcd: {  	[tilespmem:s15], [sflag:$0xA] =	stream.indirect_vreg.gather [hbm4b:s1+s3], $0x80, v2, vm0, $0xb8;
	[tilespmem:$0x1C200] =	vst v63  }
0xce: {  	s15 =	simm.s32 $0x10A00  }
0xcf: {  	[tilespmem:s15], [sflag:$0xA] =	stream.indirect_vreg.gather [hbm4b:s8+s3], $0x80, v2, vm0, $0xb8;
	[tilespmem:$0x1C200] =	vst v63  }
0xd0: {  	s11 =	simm.s32 $0x11200  }
0xd1: {  	[tilespmem:s11], [sflag:$0xA] =	stream.indirect_vreg.gather [hbm4b:s6+s3], $0x80, v2, vm0, $0xb8;
	[tilespmem:$0x1C200] =	vst v63  }
0xd2: {  	s12 =	simm.s32 $0x11A00  }
0xd3: {  	[tilespmem:s12], [sflag:$0xA] =	stream.indirect_vreg.gather [hbm4b:s7+s3], $0x80, v2, vm0, $0xb8;
	[tilespmem:$0x1C200] =	vst v63  }
0xd4: {  	v2 =	vld.msk [tilespmem:$0x188], $0xff;
	_ =	sdelay $0x4  }
0xd5: {  	v3 =	vshll.u32 v2, $0x3  }
0xd6: {  	v2 =	vand.u32 $0x7, v2;
	v3 =	vand.u32 $0xFFFFFFC0, v3  }
0xd7: {  	v2 =	vor.u32 v2, v3  }
0xd8: {  	v2 =	vperm.xlane v2, v0;
	_ =	sdelay $0x1  }
0xd9: {  	v2 =	vadd.s32 v1, v2;
	_ =	sdelay $0x4  }
0xda: {  	[tilespmem:s13], [sflag:$0xB] =	stream.indirect_vreg.gather [hbm4b:s1+s3], $0x80, v2, vm0, $0xb8;
	[tilespmem:$0x1C200] =	vst v63  }
0xdb: {  	s13 =	simm.s32 $0x12A00  }
0xdc: {  	[tilespmem:s13], [sflag:$0xB] =	stream.indirect_vreg.gather [hbm4b:s8+s3], $0x80, v2, vm0, $0xb8;
	[tilespmem:$0x1C200] =	vst v63  }
0xdd: {  	s2 =	simm.s32 $0x13200  }
0xde: {  	[tilespmem:s2], [sflag:$0xB] =	stream.indirect_vreg.gather [hbm4b:s6+s3], $0x80, v2, vm0, $0xb8;
	[tilespmem:$0x1C200] =	vst v63  }
0xdf: {  	s4 =	simm.s32 $0x13A00  }
0xe0: {  	[tilespmem:s4], [sflag:$0xB] =	stream.indirect_vreg.gather [hbm4b:s7+s3], $0x80, v2, vm0, $0xb8;
	[tilespmem:$0x1C200] =	vst v63  }
0xe1: {  	v2 =	vld.msk [tilespmem:$0x10], $0xff;
	_ =	sdelay $0x4  }
0xe2: {  	v3 =	vshll.u32 v2, $0x3  }
0xe3: {  	v2 =	vand.u32 $0x7, v2;
	v3 =	vand.u32 $0xFFFFFFC0, v3  }
0xe4: {  	v2 =	vor.u32 v2, v3  }
0xe5: {  	v2 =	vperm.xlane v2, v0;
	_ =	sdelay $0x1  }
0xe6: {  	v2 =	vadd.s32 v1, v2;
	_ =	sdelay $0x4  }
0xe7: {  	[tilespmem:s14], [sflag:$0xC] =	stream.indirect_vreg.gather [hbm4b:s1+s3], $0x80, v2, vm0, $0xb8;
	[tilespmem:$0x1C200] =	vst v63  }
0xe8: {  	s14 =	simm.s32 $0x14A00  }
0xe9: {  	[tilespmem:s14], [sflag:$0xC] =	stream.indirect_vreg.gather [hbm4b:s8+s3], $0x80, v2, vm0, $0xb8;
	[tilespmem:$0x1C200] =	vst v63  }
0xea: {  	s9 =	simm.s32 $0x15200  }
0xeb: {  	[tilespmem:s9], [sflag:$0xC] =	stream.indirect_vreg.gather [hbm4b:s6+s3], $0x80, v2, vm0, $0xb8;
	[tilespmem:$0x1C200] =	vst v63  }
0xec: {  	s11 =	simm.s32 $0x15A00  }
0xed: {  	[tilespmem:s11], [sflag:$0xC] =	stream.indirect_vreg.gather [hbm4b:s7+s3], $0x80, v2, vm0, $0xb8;
	[tilespmem:$0x1C200] =	vst v63  }
0xee: {  	v2 =	vld.msk [tilespmem:$0x90], $0xff;
	_ =	sdelay $0x4  }
0xef: {  	v3 =	vshll.u32 v2, $0x3  }
0xf0: {  	v2 =	vand.u32 $0x7, v2;
	v3 =	vand.u32 $0xFFFFFFC0, v3  }
0xf1: {  	v2 =	vor.u32 v2, v3  }
0xf2: {  	v2 =	vperm.xlane v2, v0;
	_ =	sdelay $0x1  }
0xf3: {  	v2 =	vadd.s32 v1, v2;
	_ =	sdelay $0x4  }
0xf4: {  	[tilespmem:s18], [sflag:$0xD] =	stream.indirect_vreg.gather [hbm4b:s1+s3], $0x80, v2, vm0, $0xb8;
	[tilespmem:$0x1C200] =	vst v63  }
0xf5: {  	s18 =	simm.s32 $0x16A00  }
0xf6: {  	[tilespmem:s18], [sflag:$0xD] =	stream.indirect_vreg.gather [hbm4b:s8+s3], $0x80, v2, vm0, $0xb8;
	[tilespmem:$0x1C200] =	vst v63  }
0xf7: {  	s12 =	simm.s32 $0x17200  }
0xf8: {  	[tilespmem:s12], [sflag:$0xD] =	stream.indirect_vreg.gather [hbm4b:s6+s3], $0x80, v2, vm0, $0xb8;
	[tilespmem:$0x1C200] =	vst v63  }
0xf9: {  	s2 =	simm.s32 $0x17A00  }
0xfa: {  	[tilespmem:s2], [sflag:$0xD] =	stream.indirect_vreg.gather [hbm4b:s7+s3], $0x80, v2, vm0, $0xb8;
	[tilespmem:$0x1C200] =	vst v63  }
0xfb: {  	v2 =	vld.msk [tilespmem:$0x110], $0xff;
	_ =	sdelay $0x4  }
0xfc: {  	v3 =	vshll.u32 v2, $0x3  }
0xfd: {  	v2 =	vand.u32 $0x7, v2;
	v3 =	vand.u32 $0xFFFFFFC0, v3  }
0xfe: {  	v2 =	vor.u32 v2, v3  }
0xff: {  	v2 =	vperm.xlane v2, v0;
	_ =	sdelay $0x1  }
0x100: {  	v2 =	vadd.s32 v1, v2;
	_ =	sdelay $0x4  }
0x101: {  	[tilespmem:s22], [sflag:$0xE] =	stream.indirect_vreg.gather [hbm4b:s1+s3], $0x80, v2, vm0, $0xb8;
	[tilespmem:$0x1C200] =	vst v63  }
0x102: {  	s22 =	simm.s32 $0x18A00  }
0x103: {  	[tilespmem:s22], [sflag:$0xE] =	stream.indirect_vreg.gather [hbm4b:s8+s3], $0x80, v2, vm0, $0xb8;
	[tilespmem:$0x1C200] =	vst v63  }
0x104: {  	s4 =	simm.s32 $0x19200  }
0x105: {  	[tilespmem:s4], [sflag:$0xE] =	stream.indirect_vreg.gather [hbm4b:s6+s3], $0x80, v2, vm0, $0xb8;
	[tilespmem:$0x1C200] =	vst v63  }
0x106: {  	s9 =	simm.s32 $0x19A00  }
0x107: {  	[tilespmem:s9], [sflag:$0xE] =	stream.indirect_vreg.gather [hbm4b:s7+s3], $0x80, v2, vm0, $0xb8;
	[tilespmem:$0x1C200] =	vst v63  }
0x108: {  	v2 =	vld.msk [tilespmem:$0x190], $0xff;
	_ =	sdelay $0x4  }
0x109: {  	v3 =	vshll.u32 v2, $0x3  }
0x10a: {  	v2 =	vand.u32 $0x7, v2;
	v3 =	vand.u32 $0xFFFFFFC0, v3  }
0x10b: {  	v2 =	vor.u32 v2, v3  }
0x10c: {  	v2 =	vperm.xlane v2, v0;
	_ =	sdelay $0x1  }
0x10d: {  	v2 =	vadd.s32 v1, v2;
	_ =	sdelay $0x4  }
0x10e: {  	[tilespmem:s26], [sflag:$0xF] =	stream.indirect_vreg.gather [hbm4b:s1+s3], $0x80, v2, vm0, $0xb8;
	[tilespmem:$0x1C200] =	vst v63  }
0x10f: {  	s26 =	simm.s32 $0x1AA00  }
0x110: {  	[tilespmem:s26], [sflag:$0xF] =	stream.indirect_vreg.gather [hbm4b:s8+s3], $0x80, v2, vm0, $0xb8;
	[tilespmem:$0x1C200] =	vst v63  }
0x111: {  	s11 =	simm.s32 $0x1B200  }
0x112: {  	[tilespmem:s11], [sflag:$0xF] =	stream.indirect_vreg.gather [hbm4b:s6+s3], $0x80, v2, vm0, $0xb8;
	[tilespmem:$0x1C200] =	vst v63  }
0x113: {  	s12 =	simm.s32 $0x1BA00  }
0x114: {  	[tilespmem:s12], [sflag:$0xF] =	stream.indirect_vreg.gather [hbm4b:s7+s3], $0x80, v2, vm0, $0xb8;
	[tilespmem:$0x1C200] =	vst v63  }
0x115: {  	_ =	swait.ge [sflag:s16], $0x2000  }
0x116: {  	[sflag:s16] =	ssyncset.done $0x0  }
0x117: {  	[sflag:s16] =	ssyncadd.s32 $0xFFFFE000  }
0x118: {  	_ =	swait.ge [sflag:s17], $0x2000  }
0x119: {  	[sflag:s17] =	ssyncset.done $0x0  }
0x11a: {  	[sflag:s17] =	ssyncadd.s32 $0xFFFFE000  }
0x11b: {  	_ =	swait.ge [sflag:s19], $0x2000  }
0x11c: {  	[sflag:s19] =	ssyncset.done $0x0  }
0x11d: {  	[sflag:s19] =	ssyncadd.s32 $0xFFFFE000  }
0x11e: {  	_ =	swait.ge [sflag:s20], $0x2000  }
0x11f: {  	[sflag:s20] =	ssyncset.done $0x0  }
0x120: {  	[sflag:s20] =	ssyncadd.s32 $0xFFFFE000  }
0x121: {  	s0 =	sand.u32 $0x1C00, s3;
	s2 =	sand.u32 $0x380, s3;
	_ =	swait.ge [sflag:s21], $0x2000  }
0x122: {  	s4 =	sand.u32 $0x60, s3;
	s9 =	sor.u32 s2, s0;
	[sflag:s21] =	ssyncset.done $0x0  }
0x123: {  	s30 =	sor.u32 s4, s9;
	[sflag:s21] =	ssyncadd.s32 $0xFFFFE000  }
0x124: {  	v2 =	vld [tilespmem:s30+$0x210]  }
0x125: {  	v3 =	vld [tilespmem:s30+$0x200];
	_ =	sdelay $0x3  }
0x126: {  	s31 =	simm.s32 $0x20;
	[tilespmem:s30+$0xA210] =	vst.add.f32.msk $0xffff, v2  }
0x127: {  	s9 =	simm.s32 $0x4;
	s11 =	simm.s32 $0x0;
	s12 =	simm.s32 $0x100;
	[tilespmem:s30+$0x4200] =	vst.add.f32.msk $0xffff, v3  }
.LBB2_2:
0x128: {  	s0 =	sand.u32 $0x1C00, s12;
	s2 =	sand.u32 $0x380, s9;
	s11 =	sadd.s32 $0x2, s11;
	[tilespmem:s30+$0x6200] =	vst.add.f32.msk $0xffff, v3  }
0x129: {  	s4 =	sand.u32 $0x60, s31;
	s0 =	sor.u32 s2, s0;
	p0 =	slt.u32 s11, $0x1FE;
	[tilespmem:s30+$0x8200] =	vst.add.f32.msk $0xffff, v3  }
0x12a: {  	s0 =	sor.u32 s4, s0;
	[tilespmem:s30+$0xA200] =	vst.add.f32.msk $0xffff, v3  }
0x12b: {  	v4 =	vld [tilespmem:s0+$0x210]  }
0x12c: {  	v3 =	vld [tilespmem:s0+$0x200]  }
.Ltmp0:
0x12d: {  	[tilespmem:s30+$0x4210] =	vst.add.f32.msk $0xffff, v2;
	(pc) =	sbr.rel @p0 .LBB2_2-.Ltmp0, $4  }
0x12e: {  	[tilespmem:s30+$0x6210] =	vst.add.f32.msk $0xffff, v2  }
0x12f: {  	[tilespmem:s30+$0x8210] =	vst.add.f32.msk $0xffff, v2;
	s30 =	smov.u32 s0  }
0x130: {  	[tilespmem:s30+$0xA210] =	vst.add.f32.msk $0xffff, v4;
	v2 =	vmov v4  }
0x131: {  	s12 =	sadd.s32 $0x100, s12;
	s31 =	sadd.s32 $0x20, s31;
	s9 =	sadd.s32 $0x4, s9;
	[tilespmem:s30+$0x4200] =	vst.add.f32.msk $0xffff, v3  }
0x132: {  	[tilespmem:s30+$0x6200] =	vst.add.f32.msk $0xffff, v3  }
0x133: {  	[tilespmem:s30+$0x8200] =	vst.add.f32.msk $0xffff, v3  }
0x134: {  	[tilespmem:s30+$0xA200] =	vst.add.f32.msk $0xffff, v3  }
0x135: {  	[tilespmem:s30+$0x4210] =	vst.add.f32.msk $0xffff, v2  }
0x136: {  	[tilespmem:s30+$0x6210] =	vst.add.f32.msk $0xffff, v2  }
0x137: {  	[tilespmem:s30+$0x8210] =	vst.add.f32.msk $0xffff, v2  }
0x138: {  	s0 =	rddreg [dreg:$0xa]  }
0x139: {  	s30 =	simm.s32 $0x0;
	s2 =	simm.s32 $0x200;
	s4 =	sld [smem:$0x7FC]  }
0x13a: {  	[tilespmem:s2], [sflag:$0x2] =	stream.linear.gather [hbm4b:s0+s30], $0x2000, $0x38;
	[tilespmem:$0x1C200] =	vst v63  }
0x13b: {  	s2 =	simm.s32 $0x4200  }
0x13c: {  	[hbm4b:s4+s30] =	stream.linear.scatter [tilespmem:s2], [sflag:$0x10], $0x2000, $0x38;
	[tilespmem:$0x1C200] =	vst v63  }
0x13d: {  	s9 =	rddreg [dreg:$0xb];
	s4 =	simm.s32 $0x6200  }
0x13e: {  	[hbm4b:s9+s30] =	stream.linear.scatter [tilespmem:s4], [sflag:$0x11], $0x2000, $0x38;
	[tilespmem:$0x1C200] =	vst v63  }
0x13f: {  	s11 =	rddreg [dreg:$0xc];
	s9 =	simm.s32 $0x8200  }
0x140: {  	[hbm4b:s11+s30] =	stream.linear.scatter [tilespmem:s9], [sflag:$0x12], $0x2000, $0x38;
	[tilespmem:$0x1C200] =	vst v63  }
0x141: {  	s12 =	rddreg [dreg:$0xd];
	s11 =	simm.s32 $0xA200  }
0x142: {  	[hbm4b:s12+s30] =	stream.linear.scatter [tilespmem:s11], [sflag:$0x13], $0x2000, $0x38;
	[tilespmem:$0x1C200] =	vst v63  }
0x143: {  	_ =	swait.ge [sflag:s23], $0x2000  }
0x144: {  	[sflag:s23] =	ssyncset.done $0x0  }
0x145: {  	[sflag:s23] =	ssyncadd.s32 $0xFFFFE000  }
0x146: {  	v2 =	vld.msk [tilespmem:$0x18], $0xff;
	_ =	sdelay $0x4  }
0x147: {  	v3 =	vshll.u32 v2, $0x3  }
0x148: {  	v2 =	vand.u32 $0x7, v2;
	v3 =	vand.u32 $0xFFFFFFC0, v3  }
0x149: {  	v2 =	vor.u32 v2, v3  }
0x14a: {  	v2 =	vperm.xlane v2, v0;
	_ =	sdelay $0x1  }
0x14b: {  	v2 =	vadd.s32 v1, v2;
	_ =	sdelay $0x4  }
0x14c: {  	[tilespmem:s2], [sflag:$0x4] =	stream.indirect_vreg.gather [hbm4b:s1+s30], $0x80, v2, vm0, $0xb8;
	[tilespmem:$0x1C200] =	vst v63  }
0x14d: {  	s2 =	simm.s32 $0x4A00  }
0x14e: {  	[tilespmem:s2], [sflag:$0x4] =	stream.indirect_vreg.gather [hbm4b:s8+s30], $0x80, v2, vm0, $0xb8;
	[tilespmem:$0x1C200] =	vst v63  }
0x14f: {  	s12 =	simm.s32 $0x5200  }
0x150: {  	[tilespmem:s12], [sflag:$0x4] =	stream.indirect_vreg.gather [hbm4b:s6+s30], $0x80, v2, vm0, $0xb8;
	[tilespmem:$0x1C200] =	vst v63  }
0x151: {  	s2 =	simm.s32 $0x5A00  }
0x152: {  	[tilespmem:s2], [sflag:$0x4] =	stream.indirect_vreg.gather [hbm4b:s7+s30], $0x80, v2, vm0, $0xb8;
	[tilespmem:$0x1C200] =	vst v63  }
0x153: {  	_ =	swait.ge [sflag:s24], $0x2000  }
0x154: {  	[sflag:s24] =	ssyncset.done $0x0  }
0x155: {  	[sflag:s24] =	ssyncadd.s32 $0xFFFFE000  }
0x156: {  	v2 =	vld.msk [tilespmem:$0x98], $0xff;
	_ =	sdelay $0x4  }
0x157: {  	v3 =	vshll.u32 v2, $0x3  }
0x158: {  	v2 =	vand.u32 $0x7, v2;
	v3 =	vand.u32 $0xFFFFFFC0, v3  }
0x159: {  	v2 =	vor.u32 v2, v3  }
0x15a: {  	v2 =	vperm.xlane v2, v0;
	_ =	sdelay $0x1  }
0x15b: {  	v2 =	vadd.s32 v1, v2;
	_ =	sdelay $0x4  }
0x15c: {  	[tilespmem:s4], [sflag:$0x5] =	stream.indirect_vreg.gather [hbm4b:s1+s30], $0x80, v2, vm0, $0xb8;
	[tilespmem:$0x1C200] =	vst v63  }
0x15d: {  	s4 =	simm.s32 $0x6A00  }
0x15e: {  	[tilespmem:s4], [sflag:$0x5] =	stream.indirect_vreg.gather [hbm4b:s8+s30], $0x80, v2, vm0, $0xb8;
	[tilespmem:$0x1C200] =	vst v63  }
0x15f: {  	s12 =	simm.s32 $0x7200  }
0x160: {  	[tilespmem:s12], [sflag:$0x5] =	stream.indirect_vreg.gather [hbm4b:s6+s30], $0x80, v2, vm0, $0xb8;
	[tilespmem:$0x1C200] =	vst v63  }
0x161: {  	s2 =	simm.s32 $0x7A00  }
0x162: {  	[tilespmem:s2], [sflag:$0x5] =	stream.indirect_vreg.gather [hbm4b:s7+s30], $0x80, v2, vm0, $0xb8;
	[tilespmem:$0x1C200] =	vst v63  }
0x163: {  	_ =	swait.ge [sflag:s25], $0x2000  }
0x164: {  	[sflag:s25] =	ssyncset.done $0x0  }
0x165: {  	[sflag:s25] =	ssyncadd.s32 $0xFFFFE000  }
0x166: {  	v2 =	vld.msk [tilespmem:$0x118], $0xff;
	_ =	sdelay $0x4  }
0x167: {  	v3 =	vshll.u32 v2, $0x3  }
0x168: {  	v2 =	vand.u32 $0x7, v2;
	v3 =	vand.u32 $0xFFFFFFC0, v3  }
0x169: {  	v2 =	vor.u32 v2, v3  }
0x16a: {  	v2 =	vperm.xlane v2, v0;
	_ =	sdelay $0x1  }
0x16b: {  	v2 =	vadd.s32 v1, v2;
	_ =	sdelay $0x4  }
0x16c: {  	[tilespmem:s9], [sflag:$0x6] =	stream.indirect_vreg.gather [hbm4b:s1+s30], $0x80, v2, vm0, $0xb8;
	[tilespmem:$0x1C200] =	vst v63  }
0x16d: {  	s4 =	simm.s32 $0x8A00  }
0x16e: {  	[tilespmem:s4], [sflag:$0x6] =	stream.indirect_vreg.gather [hbm4b:s8+s30], $0x80, v2, vm0, $0xb8;
	[tilespmem:$0x1C200] =	vst v63  }
0x16f: {  	s9 =	simm.s32 $0x9200  }
0x170: {  	[tilespmem:s9], [sflag:$0x6] =	stream.indirect_vreg.gather [hbm4b:s6+s30], $0x80, v2, vm0, $0xb8;
	[tilespmem:$0x1C200] =	vst v63  }
0x171: {  	s12 =	simm.s32 $0x9A00  }
0x172: {  	[tilespmem:s12], [sflag:$0x6] =	stream.indirect_vreg.gather [hbm4b:s7+s30], $0x80, v2, vm0, $0xb8;
	[tilespmem:$0x1C200] =	vst v63  }
0x173: {  	_ =	swait.ge [sflag:s28], $0x2000  }
0x174: {  	[sflag:s28] =	ssyncset.done $0x0  }
0x175: {  	[sflag:s28] =	ssyncadd.s32 $0xFFFFE000  }
0x176: {  	v2 =	vld.msk [tilespmem:$0x198], $0xff;
	_ =	sdelay $0x4  }
0x177: {  	v3 =	vshll.u32 v2, $0x3  }
0x178: {  	v2 =	vand.u32 $0x7, v2;
	v3 =	vand.u32 $0xFFFFFFC0, v3  }
0x179: {  	v2 =	vor.u32 v2, v3  }
0x17a: {  	v2 =	vperm.xlane v2, v0;
	_ =	sdelay $0x1  }
0x17b: {  	v2 =	vadd.s32 v1, v2;
	_ =	sdelay $0x4  }
0x17c: {  	[tilespmem:s11], [sflag:$0x7] =	stream.indirect_vreg.gather [hbm4b:s1+s30], $0x80, v2, vm0, $0xb8;
	[tilespmem:$0x1C200] =	vst v63  }
0x17d: {  	s2 =	simm.s32 $0xAA00  }
0x17e: {  	[tilespmem:s2], [sflag:$0x7] =	stream.indirect_vreg.gather [hbm4b:s8+s30], $0x80, v2, vm0, $0xb8;
	[tilespmem:$0x1C200] =	vst v63  }
0x17f: {  	s4 =	simm.s32 $0xB200  }
0x180: {  	[tilespmem:s4], [sflag:$0x7] =	stream.indirect_vreg.gather [hbm4b:s6+s30], $0x80, v2, vm0, $0xb8;
	[tilespmem:$0x1C200] =	vst v63  }
0x181: {  	s9 =	simm.s32 $0xBA00  }
0x182: {  	[tilespmem:s9], [sflag:$0x7] =	stream.indirect_vreg.gather [hbm4b:s7+s30], $0x80, v2, vm0, $0xb8;
	[tilespmem:$0x1C200] =	vst v63  }
0x183: {  	_ =	swait.ge [sflag:s29], $0x2000  }
0x184: {  	[sflag:s29] =	ssyncset.done $0x0  }
0x185: {  	s11 =	simm.s32 $0x8;
	[sflag:s29] =	ssyncadd.s32 $0xFFFFE000  }
0x186: {  	_ =	swait.ge [sflag:s11], $0x2000  }
0x187: {  	[sflag:s11] =	ssyncset.done $0x0  }
0x188: {  	s12 =	simm.s32 $0x9;
	[sflag:s11] =	ssyncadd.s32 $0xFFFFE000  }
0x189: {  	_ =	swait.ge [sflag:s12], $0x2000  }
0x18a: {  	[sflag:s12] =	ssyncset.done $0x0  }
0x18b: {  	s2 =	simm.s32 $0xA;
	[sflag:s12] =	ssyncadd.s32 $0xFFFFE000  }
0x18c: {  	_ =	swait.ge [sflag:s2], $0x2000  }
0x18d: {  	[sflag:s2] =	ssyncset.done $0x0  }
0x18e: {  	s9 =	simm.s32 $0xB;
	[sflag:s2] =	ssyncadd.s32 $0xFFFFE000  }
0x18f: {  	s4 =	sand.u32 $0x1C00, s30;
	s11 =	sand.u32 $0x380, s30;
	_ =	swait.ge [sflag:s9], $0x2000  }
0x190: {  	s0 =	sor.u32 s11, s4;
	s12 =	sand.u32 $0x60, s30;
	[sflag:s9] =	ssyncset.done $0x0  }
0x191: {  	s30 =	sor.u32 s12, s0;
	[sflag:s9] =	ssyncadd.s32 $0xFFFFE000  }
0x192: {  	v2 =	vld [tilespmem:s30+$0x2210]  }
0x193: {  	v3 =	vld [tilespmem:s30+$0x2200];
	_ =	sdelay $0x3  }
0x194: {  	s31 =	simm.s32 $0x20;
	[tilespmem:s30+$0x12210] =	vst.add.f32.msk $0xffff, v2  }
0x195: {  	s11 =	simm.s32 $0x0;
	s12 =	simm.s32 $0x100;
	s9 =	simm.s32 $0x4;
	[tilespmem:s30+$0xC200] =	vst.add.f32.msk $0xffff, v3  }
.LBB2_4:
0x196: {  	s0 =	sand.u32 $0x1C00, s12;
	s2 =	sand.u32 $0x380, s9;
	s11 =	sadd.s32 $0x2, s11;
	[tilespmem:s30+$0xE200] =	vst.add.f32.msk $0xffff, v3  }
0x197: {  	s4 =	sand.u32 $0x60, s31;
	s0 =	sor.u32 s2, s0;
	p0 =	slt.u32 s11, $0x1FE;
	[tilespmem:s30+$0x10200] =	vst.add.f32.msk $0xffff, v3  }
0x198: {  	s0 =	sor.u32 s4, s0;
	[tilespmem:s30+$0x12200] =	vst.add.f32.msk $0xffff, v3  }
0x199: {  	v4 =	vld [tilespmem:s0+$0x2210]  }
0x19a: {  	v3 =	vld [tilespmem:s0+$0x2200]  }
.Ltmp1:
0x19b: {  	[tilespmem:s30+$0xC210] =	vst.add.f32.msk $0xffff, v2;
	(pc) =	sbr.rel @p0 .LBB2_4-.Ltmp1, $4  }
0x19c: {  	[tilespmem:s30+$0xE210] =	vst.add.f32.msk $0xffff, v2  }
0x19d: {  	[tilespmem:s30+$0x10210] =	vst.add.f32.msk $0xffff, v2;
	s30 =	smov.u32 s0  }
0x19e: {  	[tilespmem:s30+$0x12210] =	vst.add.f32.msk $0xffff, v4;
	v2 =	vmov v4  }
0x19f: {  	s12 =	sadd.s32 $0x100, s12;
	s31 =	sadd.s32 $0x20, s31;
	s9 =	sadd.s32 $0x4, s9;
	[tilespmem:s30+$0xC200] =	vst.add.f32.msk $0xffff, v3  }
0x1a0: {  	[tilespmem:s30+$0xE200] =	vst.add.f32.msk $0xffff, v3  }
0x1a1: {  	[tilespmem:s30+$0x10200] =	vst.add.f32.msk $0xffff, v3  }
0x1a2: {  	[tilespmem:s30+$0x12200] =	vst.add.f32.msk $0xffff, v3  }
0x1a3: {  	[tilespmem:s30+$0xC210] =	vst.add.f32.msk $0xffff, v2  }
0x1a4: {  	[tilespmem:s30+$0xE210] =	vst.add.f32.msk $0xffff, v2  }
0x1a5: {  	[tilespmem:s30+$0x10210] =	vst.add.f32.msk $0xffff, v2  }
0x1a6: {  	s0 =	rddreg [dreg:$0xe]  }
0x1a7: {  	s30 =	simm.s32 $0x0;
	s2 =	simm.s32 $0x2200;
	s4 =	rddreg [dreg:$0xf]  }
0x1a8: {  	[tilespmem:s2], [sflag:$0x3] =	stream.linear.gather [hbm4b:s0+s30], $0x2000, $0x38;
	[tilespmem:$0x1C200] =	vst v63  }
0x1a9: {  	s9 =	sld [smem:$0x7C7];
	s2 =	simm.s32 $0xC200  }
0x1aa: {  	[hbm4b:s4+s30] =	stream.linear.scatter [tilespmem:s2], [sflag:$0x14], $0x2000, $0x38;
	[tilespmem:$0x1C200] =	vst v63  }
0x1ab: {  	s11 =	sld [smem:$0x7C8];
	s4 =	simm.s32 $0xE200  }
0x1ac: {  	[hbm4b:s9+s30] =	stream.linear.scatter [tilespmem:s4], [sflag:$0x15], $0x2000, $0x38;
	[tilespmem:$0x1C200] =	vst v63  }
0x1ad: {  	s12 =	sld [smem:$0x7C9];
	s9 =	simm.s32 $0x10200  }
0x1ae: {  	[hbm4b:s11+s30] =	stream.linear.scatter [tilespmem:s9], [sflag:$0x16], $0x2000, $0x38;
	[tilespmem:$0x1C200] =	vst v63  }
0x1af: {  	s11 =	simm.s32 $0x12200  }
0x1b0: {  	[hbm4b:s12+s30] =	stream.linear.scatter [tilespmem:s11], [sflag:$0x17], $0x2000, $0x38;
	[tilespmem:$0x1C200] =	vst v63  }
0x1b1: {  	s12 =	simm.s32 $0x14  }
0x1b2: {  	_ =	swait.ge [sflag:s12], $0x2000  }
0x1b3: {  	[sflag:s12] =	ssyncset.done $0x0  }
0x1b4: {  	[sflag:s12] =	ssyncadd.s32 $0xFFFFE000  }
0x1b5: {  	v2 =	vld.msk [tilespmem:$0x20], $0xff;
	_ =	sdelay $0x4  }
0x1b6: {  	v3 =	vshll.u32 v2, $0x3  }
0x1b7: {  	v2 =	vand.u32 $0x7, v2;
	v3 =	vand.u32 $0xFFFFFFC0, v3  }
0x1b8: {  	v2 =	vor.u32 v2, v3  }
0x1b9: {  	v2 =	vperm.xlane v2, v0;
	_ =	sdelay $0x1  }
0x1ba: {  	v2 =	vadd.s32 v1, v2;
	_ =	sdelay $0x4  }
0x1bb: {  	[tilespmem:s2], [sflag:$0x8] =	stream.indirect_vreg.gather [hbm4b:s1+s30], $0x80, v2, vm0, $0xb8;
	[tilespmem:$0x1C200] =	vst v63  }
0x1bc: {  	_ = 	snop  }
0x1bd: {  	[tilespmem:s5], [sflag:$0x8] =	stream.indirect_vreg.gather [hbm4b:s8+s30], $0x80, v2, vm0, $0xb8;
	[tilespmem:$0x1C200] =	vst v63  }
0x1be: {  	s2 =	simm.s32 $0xD200  }
0x1bf: {  	[tilespmem:s2], [sflag:$0x8] =	stream.indirect_vreg.gather [hbm4b:s6+s30], $0x80, v2, vm0, $0xb8;
	[tilespmem:$0x1C200] =	vst v63  }
0x1c0: {  	s12 =	simm.s32 $0xDA00;
	s2 =	simm.s32 $0x15  }
0x1c1: {  	[tilespmem:s12], [sflag:$0x8] =	stream.indirect_vreg.gather [hbm4b:s7+s30], $0x80, v2, vm0, $0xb8;
	[tilespmem:$0x1C200] =	vst v63  }
0x1c2: {  	_ =	swait.ge [sflag:s2], $0x2000  }
0x1c3: {  	[sflag:s2] =	ssyncset.done $0x0  }
0x1c4: {  	[sflag:s2] =	ssyncadd.s32 $0xFFFFE000  }
0x1c5: {  	v2 =	vld.msk [tilespmem:$0xA0], $0xff;
	_ =	sdelay $0x4  }
0x1c6: {  	v3 =	vshll.u32 v2, $0x3  }
0x1c7: {  	v2 =	vand.u32 $0x7, v2;
	v3 =	vand.u32 $0xFFFFFFC0, v3  }
0x1c8: {  	v2 =	vor.u32 v2, v3  }
0x1c9: {  	v2 =	vperm.xlane v2, v0;
	_ =	sdelay $0x1  }
0x1ca: {  	v2 =	vadd.s32 v1, v2;
	_ =	sdelay $0x4  }
0x1cb: {  	[tilespmem:s4], [sflag:$0x9] =	stream.indirect_vreg.gather [hbm4b:s1+s30], $0x80, v2, vm0, $0xb8;
	[tilespmem:$0x1C200] =	vst v63  }
0x1cc: {  	_ = 	snop  }
0x1cd: {  	[tilespmem:s10], [sflag:$0x9] =	stream.indirect_vreg.gather [hbm4b:s8+s30], $0x80, v2, vm0, $0xb8;
	[tilespmem:$0x1C200] =	vst v63  }
0x1ce: {  	s12 =	simm.s32 $0xF200  }
0x1cf: {  	[tilespmem:s12], [sflag:$0x9] =	stream.indirect_vreg.gather [hbm4b:s6+s30], $0x80, v2, vm0, $0xb8;
	[tilespmem:$0x1C200] =	vst v63  }
0x1d0: {  	s2 =	simm.s32 $0xFA00;
	s4 =	simm.s32 $0x16  }
0x1d1: {  	[tilespmem:s2], [sflag:$0x9] =	stream.indirect_vreg.gather [hbm4b:s7+s30], $0x80, v2, vm0, $0xb8;
	[tilespmem:$0x1C200] =	vst v63  }
0x1d2: {  	_ =	swait.ge [sflag:s4], $0x2000  }
0x1d3: {  	[sflag:s4] =	ssyncset.done $0x0  }
0x1d4: {  	[sflag:s4] =	ssyncadd.s32 $0xFFFFE000  }
0x1d5: {  	v2 =	vld.msk [tilespmem:$0x120], $0xff;
	_ =	sdelay $0x4  }
0x1d6: {  	v3 =	vshll.u32 v2, $0x3  }
0x1d7: {  	v2 =	vand.u32 $0x7, v2;
	v3 =	vand.u32 $0xFFFFFFC0, v3  }
0x1d8: {  	v2 =	vor.u32 v2, v3  }
0x1d9: {  	v2 =	vperm.xlane v2, v0;
	_ =	sdelay $0x1  }
0x1da: {  	v2 =	vadd.s32 v1, v2;
	_ =	sdelay $0x4  }
0x1db: {  	[tilespmem:s9], [sflag:$0xA] =	stream.indirect_vreg.gather [hbm4b:s1+s30], $0x80, v2, vm0, $0xb8;
	[tilespmem:$0x1C200] =	vst v63  }
0x1dc: {  	_ = 	snop  }
0x1dd: {  	[tilespmem:s15], [sflag:$0xA] =	stream.indirect_vreg.gather [hbm4b:s8+s30], $0x80, v2, vm0, $0xb8;
	[tilespmem:$0x1C200] =	vst v63  }
0x1de: {  	s9 =	simm.s32 $0x11200  }
0x1df: {  	[tilespmem:s9], [sflag:$0xA] =	stream.indirect_vreg.gather [hbm4b:s6+s30], $0x80, v2, vm0, $0xb8;
	[tilespmem:$0x1C200] =	vst v63  }
0x1e0: {  	s12 =	simm.s32 $0x11A00;
	s2 =	simm.s32 $0x17  }
0x1e1: {  	[tilespmem:s12], [sflag:$0xA] =	stream.indirect_vreg.gather [hbm4b:s7+s30], $0x80, v2, vm0, $0xb8;
	[tilespmem:$0x1C200] =	vst v63  }
0x1e2: {  	_ =	swait.ge [sflag:s2], $0x2000  }
0x1e3: {  	[sflag:s2] =	ssyncset.done $0x0  }
0x1e4: {  	[sflag:s2] =	ssyncadd.s32 $0xFFFFE000  }
0x1e5: {  	v2 =	vld.msk [tilespmem:$0x1A0], $0xff;
	_ =	sdelay $0x4  }
0x1e6: {  	v3 =	vshll.u32 v2, $0x3  }
0x1e7: {  	v2 =	vand.u32 $0x7, v2;
	v3 =	vand.u32 $0xFFFFFFC0, v3  }
0x1e8: {  	v2 =	vor.u32 v2, v3  }
0x1e9: {  	v2 =	vperm.xlane v2, v0;
	_ =	sdelay $0x1  }
0x1ea: {  	v2 =	vadd.s32 v1, v2;
	_ =	sdelay $0x4  }
0x1eb: {  	[tilespmem:s11], [sflag:$0xB] =	stream.indirect_vreg.gather [hbm4b:s1+s30], $0x80, v2, vm0, $0xb8;
	[tilespmem:$0x1C200] =	vst v63  }
0x1ec: {  	_ = 	snop  }
0x1ed: {  	[tilespmem:s13], [sflag:$0xB] =	stream.indirect_vreg.gather [hbm4b:s8+s30], $0x80, v2, vm0, $0xb8;
	[tilespmem:$0x1C200] =	vst v63  }
0x1ee: {  	s4 =	simm.s32 $0x13200  }
0x1ef: {  	[tilespmem:s4], [sflag:$0xB] =	stream.indirect_vreg.gather [hbm4b:s6+s30], $0x80, v2, vm0, $0xb8;
	[tilespmem:$0x1C200] =	vst v63  }
0x1f0: {  	s9 =	simm.s32 $0x13A00  }
0x1f1: {  	[tilespmem:s9], [sflag:$0xB] =	stream.indirect_vreg.gather [hbm4b:s7+s30], $0x80, v2, vm0, $0xb8;
	[tilespmem:$0x1C200] =	vst v63  }
0x1f2: {  	_ =	swait.ge [sflag:s16], $0x2000  }
0x1f3: {  	[sflag:s16] =	ssyncset.done $0x0  }
0x1f4: {  	s11 =	simm.s32 $0xC;
	[sflag:s16] =	ssyncadd.s32 $0xFFFFE000  }
0x1f5: {  	_ =	swait.ge [sflag:s11], $0x2000  }
0x1f6: {  	[sflag:s11] =	ssyncset.done $0x0  }
0x1f7: {  	s12 =	simm.s32 $0xD;
	[sflag:s11] =	ssyncadd.s32 $0xFFFFE000  }
0x1f8: {  	_ =	swait.ge [sflag:s12], $0x2000  }
0x1f9: {  	[sflag:s12] =	ssyncset.done $0x0  }
0x1fa: {  	s2 =	simm.s32 $0xE;
	[sflag:s12] =	ssyncadd.s32 $0xFFFFE000  }
0x1fb: {  	_ =	swait.ge [sflag:s2], $0x2000  }
0x1fc: {  	[sflag:s2] =	ssyncset.done $0x0  }
0x1fd: {  	s9 =	simm.s32 $0xF;
	[sflag:s2] =	ssyncadd.s32 $0xFFFFE000  }
0x1fe: {  	s4 =	sand.u32 $0x1C00, s30;
	s11 =	sand.u32 $0x380, s30;
	_ =	swait.ge [sflag:s9], $0x2000  }
0x1ff: {  	s0 =	sor.u32 s11, s4;
	s12 =	sand.u32 $0x60, s30;
	[sflag:s9] =	ssyncset.done $0x0  }
0x200: {  	s30 =	sor.u32 s12, s0;
	[sflag:s9] =	ssyncadd.s32 $0xFFFFE000  }
0x201: {  	v2 =	vld [tilespmem:s30+$0x210]  }
0x202: {  	v3 =	vld [tilespmem:s30+$0x200];
	_ =	sdelay $0x3  }
0x203: {  	s31 =	simm.s32 $0x20;
	[tilespmem:s30+$0x1A210] =	vst.add.f32.msk $0xffff, v2  }
0x204: {  	s11 =	simm.s32 $0x0;
	s12 =	simm.s32 $0x100;
	s9 =	simm.s32 $0x4;
	[tilespmem:s30+$0x14200] =	vst.add.f32.msk $0xffff, v3  }
.LBB2_6:
0x205: {  	s0 =	sand.u32 $0x1C00, s12;
	s2 =	sand.u32 $0x380, s9;
	s11 =	sadd.s32 $0x2, s11;
	[tilespmem:s30+$0x16200] =	vst.add.f32.msk $0xffff, v3  }
0x206: {  	s4 =	sand.u32 $0x60, s31;
	s0 =	sor.u32 s2, s0;
	p0 =	slt.u32 s11, $0x1FE;
	[tilespmem:s30+$0x18200] =	vst.add.f32.msk $0xffff, v3  }
0x207: {  	s0 =	sor.u32 s4, s0;
	[tilespmem:s30+$0x1A200] =	vst.add.f32.msk $0xffff, v3  }
0x208: {  	v4 =	vld [tilespmem:s0+$0x210]  }
0x209: {  	v3 =	vld [tilespmem:s0+$0x200]  }
.Ltmp2:
0x20a: {  	[tilespmem:s30+$0x14210] =	vst.add.f32.msk $0xffff, v2;
	(pc) =	sbr.rel @p0 .LBB2_6-.Ltmp2, $4  }
0x20b: {  	[tilespmem:s30+$0x16210] =	vst.add.f32.msk $0xffff, v2  }
0x20c: {  	[tilespmem:s30+$0x18210] =	vst.add.f32.msk $0xffff, v2;
	s30 =	smov.u32 s0  }
0x20d: {  	[tilespmem:s30+$0x1A210] =	vst.add.f32.msk $0xffff, v4;
	v2 =	vmov v4  }
0x20e: {  	s12 =	sadd.s32 $0x100, s12;
	s31 =	sadd.s32 $0x20, s31;
	s9 =	sadd.s32 $0x4, s9;
	[tilespmem:s30+$0x14200] =	vst.add.f32.msk $0xffff, v3  }
0x20f: {  	[tilespmem:s30+$0x16200] =	vst.add.f32.msk $0xffff, v3  }
0x210: {  	[tilespmem:s30+$0x18200] =	vst.add.f32.msk $0xffff, v3  }
0x211: {  	[tilespmem:s30+$0x1A200] =	vst.add.f32.msk $0xffff, v3  }
0x212: {  	[tilespmem:s30+$0x14210] =	vst.add.f32.msk $0xffff, v2  }
0x213: {  	[tilespmem:s30+$0x16210] =	vst.add.f32.msk $0xffff, v2  }
0x214: {  	[tilespmem:s30+$0x18210] =	vst.add.f32.msk $0xffff, v2  }
0x215: {  	s0 =	rddreg [dreg:$0x10]  }
0x216: {  	s30 =	simm.s32 $0x0;
	s2 =	simm.s32 $0x200;
	s4 =	rddreg [dreg:$0x11]  }
0x217: {  	[tilespmem:s2], [sflag:$0x2] =	stream.linear.gather [hbm4b:s0+s30], $0x2000, $0x38;
	[tilespmem:$0x1C200] =	vst v63  }
0x218: {  	s9 =	sld [smem:$0x7CE];
	s2 =	simm.s32 $0x14200  }
0x219: {  	[hbm4b:s4+s30] =	stream.linear.scatter [tilespmem:s2], [sflag:$0x18], $0x2000, $0x38;
	[tilespmem:$0x1C200] =	vst v63  }
0x21a: {  	s11 =	sld [smem:$0x7CC];
	s4 =	simm.s32 $0x16200  }
0x21b: {  	[hbm4b:s9+s30] =	stream.linear.scatter [tilespmem:s4], [sflag:$0x19], $0x2000, $0x38;
	[tilespmem:$0x1C200] =	vst v63  }
0x21c: {  	s12 =	sld [smem:$0x7CD];
	s9 =	simm.s32 $0x18200  }
0x21d: {  	[hbm4b:s11+s30] =	stream.linear.scatter [tilespmem:s9], [sflag:$0x1A], $0x2000, $0x38;
	[tilespmem:$0x1C200] =	vst v63  }
0x21e: {  	s11 =	simm.s32 $0x1A200  }
0x21f: {  	[hbm4b:s12+s30] =	stream.linear.scatter [tilespmem:s11], [sflag:$0x1B], $0x2000, $0x38;
	[tilespmem:$0x1C200] =	vst v63  }
0x220: {  	s12 =	simm.s32 $0x18  }
0x221: {  	_ =	swait.ge [sflag:s12], $0x2000  }
0x222: {  	[sflag:s12] =	ssyncset.done $0x0  }
0x223: {  	[sflag:s12] =	ssyncadd.s32 $0xFFFFE000  }
0x224: {  	v2 =	vld.msk [tilespmem:$0x28], $0xff;
	_ =	sdelay $0x4  }
0x225: {  	v3 =	vshll.u32 v2, $0x3  }
0x226: {  	v2 =	vand.u32 $0x7, v2;
	v3 =	vand.u32 $0xFFFFFFC0, v3  }
0x227: {  	v2 =	vor.u32 v2, v3  }
0x228: {  	v2 =	vperm.xlane v2, v0;
	_ =	sdelay $0x1  }
0x229: {  	v2 =	vadd.s32 v1, v2;
	_ =	sdelay $0x4  }
0x22a: {  	[tilespmem:s2], [sflag:$0xC] =	stream.indirect_vreg.gather [hbm4b:s1+s30], $0x80, v2, vm0, $0xb8;
	[tilespmem:$0x1C200] =	vst v63  }
0x22b: {  	_ = 	snop  }
0x22c: {  	[tilespmem:s14], [sflag:$0xC] =	stream.indirect_vreg.gather [hbm4b:s8+s30], $0x80, v2, vm0, $0xb8;
	[tilespmem:$0x1C200] =	vst v63  }
0x22d: {  	s2 =	simm.s32 $0x15200  }
0x22e: {  	[tilespmem:s2], [sflag:$0xC] =	stream.indirect_vreg.gather [hbm4b:s6+s30], $0x80, v2, vm0, $0xb8;
	[tilespmem:$0x1C200] =	vst v63  }
0x22f: {  	s12 =	simm.s32 $0x15A00;
	s2 =	simm.s32 $0x19  }
0x230: {  	[tilespmem:s12], [sflag:$0xC] =	stream.indirect_vreg.gather [hbm4b:s7+s30], $0x80, v2, vm0, $0xb8;
	[tilespmem:$0x1C200] =	vst v63  }
0x231: {  	_ =	swait.ge [sflag:s2], $0x2000  }
0x232: {  	[sflag:s2] =	ssyncset.done $0x0  }
0x233: {  	[sflag:s2] =	ssyncadd.s32 $0xFFFFE000  }
0x234: {  	v2 =	vld.msk [tilespmem:$0xA8], $0xff;
	_ =	sdelay $0x4  }
0x235: {  	v3 =	vshll.u32 v2, $0x3  }
0x236: {  	v2 =	vand.u32 $0x7, v2;
	v3 =	vand.u32 $0xFFFFFFC0, v3  }
0x237: {  	v2 =	vor.u32 v2, v3  }
0x238: {  	v2 =	vperm.xlane v2, v0;
	_ =	sdelay $0x1  }
0x239: {  	v2 =	vadd.s32 v1, v2;
	_ =	sdelay $0x4  }
0x23a: {  	[tilespmem:s4], [sflag:$0xD] =	stream.indirect_vreg.gather [hbm4b:s1+s30], $0x80, v2, vm0, $0xb8;
	[tilespmem:$0x1C200] =	vst v63  }
0x23b: {  	_ = 	snop  }
0x23c: {  	[tilespmem:s18], [sflag:$0xD] =	stream.indirect_vreg.gather [hbm4b:s8+s30], $0x80, v2, vm0, $0xb8;
	[tilespmem:$0x1C200] =	vst v63  }
0x23d: {  	s4 =	simm.s32 $0x17200  }
0x23e: {  	[tilespmem:s4], [sflag:$0xD] =	stream.indirect_vreg.gather [hbm4b:s6+s30], $0x80, v2, vm0, $0xb8;
	[tilespmem:$0x1C200] =	vst v63  }
0x23f: {  	s12 =	simm.s32 $0x17A00;
	s2 =	simm.s32 $0x1A  }
0x240: {  	[tilespmem:s12], [sflag:$0xD] =	stream.indirect_vreg.gather [hbm4b:s7+s30], $0x80, v2, vm0, $0xb8;
	[tilespmem:$0x1C200] =	vst v63  }
0x241: {  	_ =	swait.ge [sflag:s2], $0x2000  }
0x242: {  	[sflag:s2] =	ssyncset.done $0x0  }
0x243: {  	[sflag:s2] =	ssyncadd.s32 $0xFFFFE000  }
0x244: {  	v2 =	vld.msk [tilespmem:$0x128], $0xff;
	_ =	sdelay $0x4  }
0x245: {  	v3 =	vshll.u32 v2, $0x3  }
0x246: {  	v2 =	vand.u32 $0x7, v2;
	v3 =	vand.u32 $0xFFFFFFC0, v3  }
0x247: {  	v2 =	vor.u32 v2, v3  }
0x248: {  	v2 =	vperm.xlane v2, v0;
	_ =	sdelay $0x1  }
0x249: {  	v2 =	vadd.s32 v1, v2;
	_ =	sdelay $0x4  }
0x24a: {  	[tilespmem:s9], [sflag:$0xE] =	stream.indirect_vreg.gather [hbm4b:s1+s30], $0x80, v2, vm0, $0xb8;
	[tilespmem:$0x1C200] =	vst v63  }
0x24b: {  	_ = 	snop  }
0x24c: {  	[tilespmem:s22], [sflag:$0xE] =	stream.indirect_vreg.gather [hbm4b:s8+s30], $0x80, v2, vm0, $0xb8;
	[tilespmem:$0x1C200] =	vst v63  }
0x24d: {  	s4 =	simm.s32 $0x19200  }
0x24e: {  	[tilespmem:s4], [sflag:$0xE] =	stream.indirect_vreg.gather [hbm4b:s6+s30], $0x80, v2, vm0, $0xb8;
	[tilespmem:$0x1C200] =	vst v63  }
0x24f: {  	s12 =	simm.s32 $0x1B;
	s9 =	simm.s32 $0x19A00  }
0x250: {  	[tilespmem:s9], [sflag:$0xE] =	stream.indirect_vreg.gather [hbm4b:s7+s30], $0x80, v2, vm0, $0xb8;
	[tilespmem:$0x1C200] =	vst v63  }
0x251: {  	_ =	swait.ge [sflag:s12], $0x2000  }
0x252: {  	[sflag:s12] =	ssyncset.done $0x0  }
0x253: {  	[sflag:s12] =	ssyncadd.s32 $0xFFFFE000  }
0x254: {  	v2 =	vld.msk [tilespmem:$0x1A8], $0xff;
	_ =	sdelay $0x4  }
0x255: {  	v3 =	vshll.u32 v2, $0x3  }
0x256: {  	v2 =	vand.u32 $0x7, v2;
	v3 =	vand.u32 $0xFFFFFFC0, v3  }
0x257: {  	v2 =	vor.u32 v2, v3  }
0x258: {  	v2 =	vperm.xlane v2, v0;
	_ =	sdelay $0x1  }
0x259: {  	v2 =	vadd.s32 v1, v2;
	_ =	sdelay $0x4  }
0x25a: {  	[tilespmem:s11], [sflag:$0xF] =	stream.indirect_vreg.gather [hbm4b:s1+s30], $0x80, v2, vm0, $0xb8;
	[tilespmem:$0x1C200] =	vst v63  }
0x25b: {  	_ = 	snop  }
0x25c: {  	[tilespmem:s26], [sflag:$0xF] =	stream.indirect_vreg.gather [hbm4b:s8+s30], $0x80, v2, vm0, $0xb8;
	[tilespmem:$0x1C200] =	vst v63  }
0x25d: {  	s2 =	simm.s32 $0x1B200  }
0x25e: {  	[tilespmem:s2], [sflag:$0xF] =	stream.indirect_vreg.gather [hbm4b:s6+s30], $0x80, v2, vm0, $0xb8;
	[tilespmem:$0x1C200] =	vst v63  }
0x25f: {  	s4 =	simm.s32 $0x1BA00  }
0x260: {  	[tilespmem:s4], [sflag:$0xF] =	stream.indirect_vreg.gather [hbm4b:s7+s30], $0x80, v2, vm0, $0xb8;
	[tilespmem:$0x1C200] =	vst v63  }
0x261: {  	_ =	swait.ge [sflag:s29], $0x2000  }
0x262: {  	[sflag:s29] =	ssyncset.done $0x0  }
0x263: {  	[sflag:s29] =	ssyncadd.s32 $0xFFFFE000  }
0x264: {  	_ =	swait.ge [sflag:s17], $0x2000  }
0x265: {  	[sflag:s17] =	ssyncset.done $0x0  }
0x266: {  	[sflag:s17] =	ssyncadd.s32 $0xFFFFE000  }
0x267: {  	_ =	swait.ge [sflag:s19], $0x2000  }
0x268: {  	[sflag:s19] =	ssyncset.done $0x0  }
0x269: {  	[sflag:s19] =	ssyncadd.s32 $0xFFFFE000  }
0x26a: {  	_ =	swait.ge [sflag:s20], $0x2000  }
0x26b: {  	[sflag:s20] =	ssyncset.done $0x0  }
0x26c: {  	[sflag:s20] =	ssyncadd.s32 $0xFFFFE000  }
0x26d: {  	s9 =	sand.u32 $0x1C00, s30;
	s11 =	sand.u32 $0x380, s30;
	_ =	swait.ge [sflag:s21], $0x2000  }
0x26e: {  	s12 =	sand.u32 $0x60, s30;
	s0 =	sor.u32 s11, s9;
	[sflag:s21] =	ssyncset.done $0x0  }
0x26f: {  	s30 =	sor.u32 s12, s0;
	[sflag:s21] =	ssyncadd.s32 $0xFFFFE000  }
0x270: {  	v2 =	vld [tilespmem:s30+$0x2210]  }
0x271: {  	v3 =	vld [tilespmem:s30+$0x2200];
	_ =	sdelay $0x3  }
0x272: {  	s31 =	simm.s32 $0x20;
	[tilespmem:s30+$0xA210] =	vst.add.f32.msk $0xffff, v2  }
0x273: {  	s11 =	simm.s32 $0x0;
	s9 =	simm.s32 $0x4;
	s12 =	simm.s32 $0x100;
	[tilespmem:s30+$0x4200] =	vst.add.f32.msk $0xffff, v3  }
.LBB2_8:
0x274: {  	s0 =	sand.u32 $0x1C00, s12;
	s2 =	sand.u32 $0x380, s9;
	s11 =	sadd.s32 $0x2, s11;
	[tilespmem:s30+$0x6200] =	vst.add.f32.msk $0xffff, v3  }
0x275: {  	s4 =	sand.u32 $0x60, s31;
	s0 =	sor.u32 s2, s0;
	p0 =	slt.u32 s11, $0x1FE;
	[tilespmem:s30+$0x8200] =	vst.add.f32.msk $0xffff, v3  }
0x276: {  	s0 =	sor.u32 s4, s0;
	[tilespmem:s30+$0xA200] =	vst.add.f32.msk $0xffff, v3  }
0x277: {  	v4 =	vld [tilespmem:s0+$0x2210]  }
0x278: {  	v3 =	vld [tilespmem:s0+$0x2200]  }
.Ltmp3:
0x279: {  	[tilespmem:s30+$0x4210] =	vst.add.f32.msk $0xffff, v2;
	(pc) =	sbr.rel @p0 .LBB2_8-.Ltmp3, $4  }
0x27a: {  	[tilespmem:s30+$0x6210] =	vst.add.f32.msk $0xffff, v2  }
0x27b: {  	[tilespmem:s30+$0x8210] =	vst.add.f32.msk $0xffff, v2;
	s30 =	smov.u32 s0  }
0x27c: {  	[tilespmem:s30+$0xA210] =	vst.add.f32.msk $0xffff, v4;
	v2 =	vmov v4  }
0x27d: {  	s12 =	sadd.s32 $0x100, s12;
	s31 =	sadd.s32 $0x20, s31;
	s9 =	sadd.s32 $0x4, s9;
	[tilespmem:s30+$0x4200] =	vst.add.f32.msk $0xffff, v3  }
0x27e: {  	[tilespmem:s30+$0x6200] =	vst.add.f32.msk $0xffff, v3  }
0x27f: {  	[tilespmem:s30+$0x8200] =	vst.add.f32.msk $0xffff, v3  }
0x280: {  	[tilespmem:s30+$0xA200] =	vst.add.f32.msk $0xffff, v3  }
0x281: {  	[tilespmem:s30+$0x4210] =	vst.add.f32.msk $0xffff, v2  }
0x282: {  	[tilespmem:s30+$0x6210] =	vst.add.f32.msk $0xffff, v2  }
0x283: {  	[tilespmem:s30+$0x8210] =	vst.add.f32.msk $0xffff, v2  }
0x284: {  	s0 =	rddreg [dreg:$0x12]  }
0x285: {  	s30 =	simm.s32 $0x0;
	s2 =	simm.s32 $0x2200;
	s4 =	rddreg [dreg:$0x13]  }
0x286: {  	[tilespmem:s2], [sflag:$0x3] =	stream.linear.gather [hbm4b:s0+s30], $0x2000, $0x38;
	[tilespmem:$0x1C200] =	vst v63  }
0x287: {  	s9 =	sld [smem:$0x7CF];
	s2 =	simm.s32 $0x4200  }
0x288: {  	[hbm4b:s4+s30] =	stream.linear.scatter [tilespmem:s2], [sflag:$0x10], $0x2000, $0x38;
	[tilespmem:$0x1C200] =	vst v63  }
0x289: {  	s11 =	sld [smem:$0x7D0];
	s4 =	simm.s32 $0x6200  }
0x28a: {  	[hbm4b:s9+s30] =	stream.linear.scatter [tilespmem:s4], [sflag:$0x11], $0x2000, $0x38;
	[tilespmem:$0x1C200] =	vst v63  }
0x28b: {  	s12 =	sld [smem:$0x7D1];
	s9 =	simm.s32 $0x8200  }
0x28c: {  	[hbm4b:s11+s30] =	stream.linear.scatter [tilespmem:s9], [sflag:$0x12], $0x2000, $0x38;
	[tilespmem:$0x1C200] =	vst v63  }
0x28d: {  	s11 =	simm.s32 $0xA200  }
0x28e: {  	[hbm4b:s12+s30] =	stream.linear.scatter [tilespmem:s11], [sflag:$0x13], $0x2000, $0x38;
	[tilespmem:$0x1C200] =	vst v63  }
0x28f: {  	_ =	swait.ge [sflag:s23], $0x2000  }
0x290: {  	[sflag:s23] =	ssyncset.done $0x0  }
0x291: {  	[sflag:s23] =	ssyncadd.s32 $0xFFFFE000  }
0x292: {  	v2 =	vld.msk [tilespmem:$0x30], $0xff;
	_ =	sdelay $0x4  }
0x293: {  	v3 =	vshll.u32 v2, $0x3  }
0x294: {  	v2 =	vand.u32 $0x7, v2;
	v3 =	vand.u32 $0xFFFFFFC0, v3  }
0x295: {  	v2 =	vor.u32 v2, v3  }
0x296: {  	v2 =	vperm.xlane v2, v0;
	_ =	sdelay $0x1  }
0x297: {  	v2 =	vadd.s32 v1, v2;
	_ =	sdelay $0x4  }
0x298: {  	[tilespmem:s2], [sflag:$0x4] =	stream.indirect_vreg.gather [hbm4b:s1+s30], $0x80, v2, vm0, $0xb8;
	[tilespmem:$0x1C200] =	vst v63  }
0x299: {  	s2 =	simm.s32 $0x4A00  }
0x29a: {  	[tilespmem:s2], [sflag:$0x4] =	stream.indirect_vreg.gather [hbm4b:s8+s30], $0x80, v2, vm0, $0xb8;
	[tilespmem:$0x1C200] =	vst v63  }
0x29b: {  	s12 =	simm.s32 $0x5200  }
0x29c: {  	[tilespmem:s12], [sflag:$0x4] =	stream.indirect_vreg.gather [hbm4b:s6+s30], $0x80, v2, vm0, $0xb8;
	[tilespmem:$0x1C200] =	vst v63  }
0x29d: {  	s2 =	simm.s32 $0x5A00  }
0x29e: {  	[tilespmem:s2], [sflag:$0x4] =	stream.indirect_vreg.gather [hbm4b:s7+s30], $0x80, v2, vm0, $0xb8;
	[tilespmem:$0x1C200] =	vst v63  }
0x29f: {  	_ =	swait.ge [sflag:s24], $0x2000  }
0x2a0: {  	[sflag:s24] =	ssyncset.done $0x0  }
0x2a1: {  	[sflag:s24] =	ssyncadd.s32 $0xFFFFE000  }
0x2a2: {  	v2 =	vld.msk [tilespmem:$0xB0], $0xff;
	_ =	sdelay $0x4  }
0x2a3: {  	v3 =	vshll.u32 v2, $0x3  }
0x2a4: {  	v2 =	vand.u32 $0x7, v2;
	v3 =	vand.u32 $0xFFFFFFC0, v3  }
0x2a5: {  	v2 =	vor.u32 v2, v3  }
0x2a6: {  	v2 =	vperm.xlane v2, v0;
	_ =	sdelay $0x1  }
0x2a7: {  	v2 =	vadd.s32 v1, v2;
	_ =	sdelay $0x4  }
0x2a8: {  	[tilespmem:s4], [sflag:$0x5] =	stream.indirect_vreg.gather [hbm4b:s1+s30], $0x80, v2, vm0, $0xb8;
	[tilespmem:$0x1C200] =	vst v63  }
0x2a9: {  	s4 =	simm.s32 $0x6A00  }
0x2aa: {  	[tilespmem:s4], [sflag:$0x5] =	stream.indirect_vreg.gather [hbm4b:s8+s30], $0x80, v2, vm0, $0xb8;
	[tilespmem:$0x1C200] =	vst v63  }
0x2ab: {  	s12 =	simm.s32 $0x7200  }
0x2ac: {  	[tilespmem:s12], [sflag:$0x5] =	stream.indirect_vreg.gather [hbm4b:s6+s30], $0x80, v2, vm0, $0xb8;
	[tilespmem:$0x1C200] =	vst v63  }
0x2ad: {  	s2 =	simm.s32 $0x7A00  }
0x2ae: {  	[tilespmem:s2], [sflag:$0x5] =	stream.indirect_vreg.gather [hbm4b:s7+s30], $0x80, v2, vm0, $0xb8;
	[tilespmem:$0x1C200] =	vst v63  }
0x2af: {  	_ =	swait.ge [sflag:s25], $0x2000  }
0x2b0: {  	[sflag:s25] =	ssyncset.done $0x0  }
0x2b1: {  	[sflag:s25] =	ssyncadd.s32 $0xFFFFE000  }
0x2b2: {  	v2 =	vld.msk [tilespmem:$0x130], $0xff;
	_ =	sdelay $0x4  }
0x2b3: {  	v3 =	vshll.u32 v2, $0x3  }
0x2b4: {  	v2 =	vand.u32 $0x7, v2;
	v3 =	vand.u32 $0xFFFFFFC0, v3  }
0x2b5: {  	v2 =	vor.u32 v2, v3  }
0x2b6: {  	v2 =	vperm.xlane v2, v0;
	_ =	sdelay $0x1  }
0x2b7: {  	v2 =	vadd.s32 v1, v2;
	_ =	sdelay $0x4  }
0x2b8: {  	[tilespmem:s9], [sflag:$0x6] =	stream.indirect_vreg.gather [hbm4b:s1+s30], $0x80, v2, vm0, $0xb8;
	[tilespmem:$0x1C200] =	vst v63  }
0x2b9: {  	s4 =	simm.s32 $0x8A00  }
0x2ba: {  	[tilespmem:s4], [sflag:$0x6] =	stream.indirect_vreg.gather [hbm4b:s8+s30], $0x80, v2, vm0, $0xb8;
	[tilespmem:$0x1C200] =	vst v63  }
0x2bb: {  	s9 =	simm.s32 $0x9200  }
0x2bc: {  	[tilespmem:s9], [sflag:$0x6] =	stream.indirect_vreg.gather [hbm4b:s6+s30], $0x80, v2, vm0, $0xb8;
	[tilespmem:$0x1C200] =	vst v63  }
0x2bd: {  	s12 =	simm.s32 $0x9A00  }
0x2be: {  	[tilespmem:s12], [sflag:$0x6] =	stream.indirect_vreg.gather [hbm4b:s7+s30], $0x80, v2, vm0, $0xb8;
	[tilespmem:$0x1C200] =	vst v63  }
0x2bf: {  	_ =	swait.ge [sflag:s28], $0x2000  }
0x2c0: {  	[sflag:s28] =	ssyncset.done $0x0  }
0x2c1: {  	[sflag:s28] =	ssyncadd.s32 $0xFFFFE000  }
0x2c2: {  	v2 =	vld.msk [tilespmem:$0x1B0], $0xff;
	_ =	sdelay $0x4  }
0x2c3: {  	v3 =	vshll.u32 v2, $0x3  }
0x2c4: {  	v2 =	vand.u32 $0x7, v2;
	v3 =	vand.u32 $0xFFFFFFC0, v3  }
0x2c5: {  	v2 =	vor.u32 v2, v3  }
0x2c6: {  	v2 =	vperm.xlane v2, v0;
	_ =	sdelay $0x1  }
0x2c7: {  	v2 =	vadd.s32 v1, v2;
	_ =	sdelay $0x4  }
0x2c8: {  	[tilespmem:s11], [sflag:$0x7] =	stream.indirect_vreg.gather [hbm4b:s1+s30], $0x80, v2, vm0, $0xb8;
	[tilespmem:$0x1C200] =	vst v63  }
0x2c9: {  	s2 =	simm.s32 $0xAA00  }
0x2ca: {  	[tilespmem:s2], [sflag:$0x7] =	stream.indirect_vreg.gather [hbm4b:s8+s30], $0x80, v2, vm0, $0xb8;
	[tilespmem:$0x1C200] =	vst v63  }
0x2cb: {  	s4 =	simm.s32 $0xB200  }
0x2cc: {  	[tilespmem:s4], [sflag:$0x7] =	stream.indirect_vreg.gather [hbm4b:s6+s30], $0x80, v2, vm0, $0xb8;
	[tilespmem:$0x1C200] =	vst v63  }
0x2cd: {  	s9 =	simm.s32 $0xBA00  }
0x2ce: {  	[tilespmem:s9], [sflag:$0x7] =	stream.indirect_vreg.gather [hbm4b:s7+s30], $0x80, v2, vm0, $0xb8;
	[tilespmem:$0x1C200] =	vst v63  }
0x2cf: {  	_ =	swait.ge [sflag:s16], $0x2000  }
0x2d0: {  	[sflag:s16] =	ssyncset.done $0x0  }
0x2d1: {  	s11 =	simm.s32 $0x8;
	[sflag:s16] =	ssyncadd.s32 $0xFFFFE000  }
0x2d2: {  	_ =	swait.ge [sflag:s11], $0x2000  }
0x2d3: {  	[sflag:s11] =	ssyncset.done $0x0  }
0x2d4: {  	s12 =	simm.s32 $0x9;
	[sflag:s11] =	ssyncadd.s32 $0xFFFFE000  }
0x2d5: {  	_ =	swait.ge [sflag:s12], $0x2000  }
0x2d6: {  	[sflag:s12] =	ssyncset.done $0x0  }
0x2d7: {  	s2 =	simm.s32 $0xA;
	[sflag:s12] =	ssyncadd.s32 $0xFFFFE000  }
0x2d8: {  	_ =	swait.ge [sflag:s2], $0x2000  }
0x2d9: {  	[sflag:s2] =	ssyncset.done $0x0  }
0x2da: {  	s9 =	simm.s32 $0xB;
	[sflag:s2] =	ssyncadd.s32 $0xFFFFE000  }
0x2db: {  	s4 =	sand.u32 $0x1C00, s30;
	s11 =	sand.u32 $0x380, s30;
	_ =	swait.ge [sflag:s9], $0x2000  }
0x2dc: {  	s0 =	sor.u32 s11, s4;
	s12 =	sand.u32 $0x60, s30;
	[sflag:s9] =	ssyncset.done $0x0  }
0x2dd: {  	s30 =	sor.u32 s12, s0;
	[sflag:s9] =	ssyncadd.s32 $0xFFFFE000  }
0x2de: {  	v2 =	vld [tilespmem:s30+$0x210]  }
0x2df: {  	v3 =	vld [tilespmem:s30+$0x200];
	_ =	sdelay $0x3  }
0x2e0: {  	s31 =	simm.s32 $0x20;
	[tilespmem:s30+$0x12210] =	vst.add.f32.msk $0xffff, v2  }
0x2e1: {  	s11 =	simm.s32 $0x0;
	s12 =	simm.s32 $0x100;
	s9 =	simm.s32 $0x4;
	[tilespmem:s30+$0xC200] =	vst.add.f32.msk $0xffff, v3  }
.LBB2_10:
0x2e2: {  	s0 =	sand.u32 $0x1C00, s12;
	s2 =	sand.u32 $0x380, s9;
	s11 =	sadd.s32 $0x2, s11;
	[tilespmem:s30+$0xE200] =	vst.add.f32.msk $0xffff, v3  }
0x2e3: {  	s4 =	sand.u32 $0x60, s31;
	s0 =	sor.u32 s2, s0;
	p0 =	slt.u32 s11, $0x1FE;
	[tilespmem:s30+$0x10200] =	vst.add.f32.msk $0xffff, v3  }
0x2e4: {  	s0 =	sor.u32 s4, s0;
	[tilespmem:s30+$0x12200] =	vst.add.f32.msk $0xffff, v3  }
0x2e5: {  	v4 =	vld [tilespmem:s0+$0x210]  }
0x2e6: {  	v3 =	vld [tilespmem:s0+$0x200]  }
.Ltmp4:
0x2e7: {  	[tilespmem:s30+$0xC210] =	vst.add.f32.msk $0xffff, v2;
	(pc) =	sbr.rel @p0 .LBB2_10-.Ltmp4, $4  }
0x2e8: {  	[tilespmem:s30+$0xE210] =	vst.add.f32.msk $0xffff, v2  }
0x2e9: {  	[tilespmem:s30+$0x10210] =	vst.add.f32.msk $0xffff, v2;
	s30 =	smov.u32 s0  }
0x2ea: {  	[tilespmem:s30+$0x12210] =	vst.add.f32.msk $0xffff, v4;
	v2 =	vmov v4  }
0x2eb: {  	s12 =	sadd.s32 $0x100, s12;
	s31 =	sadd.s32 $0x20, s31;
	s9 =	sadd.s32 $0x4, s9;
	[tilespmem:s30+$0xC200] =	vst.add.f32.msk $0xffff, v3  }
0x2ec: {  	[tilespmem:s30+$0xE200] =	vst.add.f32.msk $0xffff, v3  }
0x2ed: {  	[tilespmem:s30+$0x10200] =	vst.add.f32.msk $0xffff, v3  }
0x2ee: {  	[tilespmem:s30+$0x12200] =	vst.add.f32.msk $0xffff, v3  }
0x2ef: {  	[tilespmem:s30+$0xC210] =	vst.add.f32.msk $0xffff, v2  }
0x2f0: {  	[tilespmem:s30+$0xE210] =	vst.add.f32.msk $0xffff, v2  }
0x2f1: {  	[tilespmem:s30+$0x10210] =	vst.add.f32.msk $0xffff, v2  }
0x2f2: {  	s0 =	rddreg [dreg:$0x16]  }
0x2f3: {  	s30 =	simm.s32 $0x0;
	s2 =	simm.s32 $0x200;
	s4 =	rddreg [dreg:$0x14]  }
0x2f4: {  	[tilespmem:s2], [sflag:$0x2] =	stream.linear.gather [hbm4b:s0+s30], $0x2000, $0x38;
	[tilespmem:$0x1C200] =	vst v63  }
0x2f5: {  	s9 =	sld [smem:$0x7D2];
	s2 =	simm.s32 $0xC200  }
0x2f6: {  	[hbm4b:s4+s30] =	stream.linear.scatter [tilespmem:s2], [sflag:$0x14], $0x2000, $0x38;
	[tilespmem:$0x1C200] =	vst v63  }
0x2f7: {  	s11 =	sld [smem:$0x7D3];
	s4 =	simm.s32 $0xE200  }
0x2f8: {  	[hbm4b:s9+s30] =	stream.linear.scatter [tilespmem:s4], [sflag:$0x15], $0x2000, $0x38;
	[tilespmem:$0x1C200] =	vst v63  }
0x2f9: {  	s12 =	sld [smem:$0x7D4];
	s9 =	simm.s32 $0x10200  }
0x2fa: {  	[hbm4b:s11+s30] =	stream.linear.scatter [tilespmem:s9], [sflag:$0x16], $0x2000, $0x38;
	[tilespmem:$0x1C200] =	vst v63  }
0x2fb: {  	s11 =	simm.s32 $0x12200  }
0x2fc: {  	[hbm4b:s12+s30] =	stream.linear.scatter [tilespmem:s11], [sflag:$0x17], $0x2000, $0x38;
	[tilespmem:$0x1C200] =	vst v63  }
0x2fd: {  	s12 =	simm.s32 $0x14  }
0x2fe: {  	_ =	swait.ge [sflag:s12], $0x2000  }
0x2ff: {  	[sflag:s12] =	ssyncset.done $0x0  }
0x300: {  	[sflag:s12] =	ssyncadd.s32 $0xFFFFE000  }
0x301: {  	v2 =	vld.msk [tilespmem:$0x38], $0xff;
	_ =	sdelay $0x4  }
0x302: {  	v3 =	vshll.u32 v2, $0x3  }
0x303: {  	v2 =	vand.u32 $0x7, v2;
	v3 =	vand.u32 $0xFFFFFFC0, v3  }
0x304: {  	v2 =	vor.u32 v2, v3  }
0x305: {  	v2 =	vperm.xlane v2, v0;
	_ =	sdelay $0x1  }
0x306: {  	v2 =	vadd.s32 v1, v2;
	_ =	sdelay $0x4  }
0x307: {  	[tilespmem:s2], [sflag:$0x8] =	stream.indirect_vreg.gather [hbm4b:s1+s30], $0x80, v2, vm0, $0xb8;
	[tilespmem:$0x1C200] =	vst v63  }
0x308: {  	_ = 	snop  }
0x309: {  	[tilespmem:s5], [sflag:$0x8] =	stream.indirect_vreg.gather [hbm4b:s8+s30], $0x80, v2, vm0, $0xb8;
	[tilespmem:$0x1C200] =	vst v63  }
0x30a: {  	s2 =	simm.s32 $0xD200  }
0x30b: {  	[tilespmem:s2], [sflag:$0x8] =	stream.indirect_vreg.gather [hbm4b:s6+s30], $0x80, v2, vm0, $0xb8;
	[tilespmem:$0x1C200] =	vst v63  }
0x30c: {  	s12 =	simm.s32 $0xDA00;
	s2 =	simm.s32 $0x15  }
0x30d: {  	[tilespmem:s12], [sflag:$0x8] =	stream.indirect_vreg.gather [hbm4b:s7+s30], $0x80, v2, vm0, $0xb8;
	[tilespmem:$0x1C200] =	vst v63  }
0x30e: {  	_ =	swait.ge [sflag:s2], $0x2000  }
0x30f: {  	[sflag:s2] =	ssyncset.done $0x0  }
0x310: {  	[sflag:s2] =	ssyncadd.s32 $0xFFFFE000  }
0x311: {  	v2 =	vld.msk [tilespmem:$0xB8], $0xff;
	_ =	sdelay $0x4  }
0x312: {  	v3 =	vshll.u32 v2, $0x3  }
0x313: {  	v2 =	vand.u32 $0x7, v2;
	v3 =	vand.u32 $0xFFFFFFC0, v3  }
0x314: {  	v2 =	vor.u32 v2, v3  }
0x315: {  	v2 =	vperm.xlane v2, v0;
	_ =	sdelay $0x1  }
0x316: {  	v2 =	vadd.s32 v1, v2;
	_ =	sdelay $0x4  }
0x317: {  	[tilespmem:s4], [sflag:$0x9] =	stream.indirect_vreg.gather [hbm4b:s1+s30], $0x80, v2, vm0, $0xb8;
	[tilespmem:$0x1C200] =	vst v63  }
0x318: {  	_ = 	snop  }
0x319: {  	[tilespmem:s10], [sflag:$0x9] =	stream.indirect_vreg.gather [hbm4b:s8+s30], $0x80, v2, vm0, $0xb8;
	[tilespmem:$0x1C200] =	vst v63  }
0x31a: {  	s12 =	simm.s32 $0xF200  }
0x31b: {  	[tilespmem:s12], [sflag:$0x9] =	stream.indirect_vreg.gather [hbm4b:s6+s30], $0x80, v2, vm0, $0xb8;
	[tilespmem:$0x1C200] =	vst v63  }
0x31c: {  	s2 =	simm.s32 $0xFA00;
	s4 =	simm.s32 $0x16  }
0x31d: {  	[tilespmem:s2], [sflag:$0x9] =	stream.indirect_vreg.gather [hbm4b:s7+s30], $0x80, v2, vm0, $0xb8;
	[tilespmem:$0x1C200] =	vst v63  }
0x31e: {  	_ =	swait.ge [sflag:s4], $0x2000  }
0x31f: {  	[sflag:s4] =	ssyncset.done $0x0  }
0x320: {  	[sflag:s4] =	ssyncadd.s32 $0xFFFFE000  }
0x321: {  	v2 =	vld.msk [tilespmem:$0x138], $0xff;
	_ =	sdelay $0x4  }
0x322: {  	v3 =	vshll.u32 v2, $0x3  }
0x323: {  	v2 =	vand.u32 $0x7, v2;
	v3 =	vand.u32 $0xFFFFFFC0, v3  }
0x324: {  	v2 =	vor.u32 v2, v3  }
0x325: {  	v2 =	vperm.xlane v2, v0;
	_ =	sdelay $0x1  }
0x326: {  	v2 =	vadd.s32 v1, v2;
	_ =	sdelay $0x4  }
0x327: {  	[tilespmem:s9], [sflag:$0xA] =	stream.indirect_vreg.gather [hbm4b:s1+s30], $0x80, v2, vm0, $0xb8;
	[tilespmem:$0x1C200] =	vst v63  }
0x328: {  	_ = 	snop  }
0x329: {  	[tilespmem:s15], [sflag:$0xA] =	stream.indirect_vreg.gather [hbm4b:s8+s30], $0x80, v2, vm0, $0xb8;
	[tilespmem:$0x1C200] =	vst v63  }
0x32a: {  	s9 =	simm.s32 $0x11200  }
0x32b: {  	[tilespmem:s9], [sflag:$0xA] =	stream.indirect_vreg.gather [hbm4b:s6+s30], $0x80, v2, vm0, $0xb8;
	[tilespmem:$0x1C200] =	vst v63  }
0x32c: {  	s12 =	simm.s32 $0x11A00;
	s2 =	simm.s32 $0x17  }
0x32d: {  	[tilespmem:s12], [sflag:$0xA] =	stream.indirect_vreg.gather [hbm4b:s7+s30], $0x80, v2, vm0, $0xb8;
	[tilespmem:$0x1C200] =	vst v63  }
0x32e: {  	_ =	swait.ge [sflag:s2], $0x2000  }
0x32f: {  	[sflag:s2] =	ssyncset.done $0x0  }
0x330: {  	[sflag:s2] =	ssyncadd.s32 $0xFFFFE000  }
0x331: {  	v2 =	vld.msk [tilespmem:$0x1B8], $0xff;
	_ =	sdelay $0x4  }
0x332: {  	v3 =	vshll.u32 v2, $0x3  }
0x333: {  	v2 =	vand.u32 $0x7, v2;
	v3 =	vand.u32 $0xFFFFFFC0, v3  }
0x334: {  	v2 =	vor.u32 v2, v3  }
0x335: {  	v2 =	vperm.xlane v2, v0;
	_ =	sdelay $0x1  }
0x336: {  	v2 =	vadd.s32 v1, v2;
	_ =	sdelay $0x4  }
0x337: {  	[tilespmem:s11], [sflag:$0xB] =	stream.indirect_vreg.gather [hbm4b:s1+s30], $0x80, v2, vm0, $0xb8;
	[tilespmem:$0x1C200] =	vst v63  }
0x338: {  	_ = 	snop  }
0x339: {  	[tilespmem:s13], [sflag:$0xB] =	stream.indirect_vreg.gather [hbm4b:s8+s30], $0x80, v2, vm0, $0xb8;
	[tilespmem:$0x1C200] =	vst v63  }
0x33a: {  	s4 =	simm.s32 $0x13200  }
0x33b: {  	[tilespmem:s4], [sflag:$0xB] =	stream.indirect_vreg.gather [hbm4b:s6+s30], $0x80, v2, vm0, $0xb8;
	[tilespmem:$0x1C200] =	vst v63  }
0x33c: {  	s9 =	simm.s32 $0x13A00  }
0x33d: {  	[tilespmem:s9], [sflag:$0xB] =	stream.indirect_vreg.gather [hbm4b:s7+s30], $0x80, v2, vm0, $0xb8;
	[tilespmem:$0x1C200] =	vst v63  }
0x33e: {  	_ =	swait.ge [sflag:s29], $0x2000  }
0x33f: {  	[sflag:s29] =	ssyncset.done $0x0  }
0x340: {  	s11 =	simm.s32 $0xC;
	[sflag:s29] =	ssyncadd.s32 $0xFFFFE000  }
0x341: {  	_ =	swait.ge [sflag:s11], $0x2000  }
0x342: {  	[sflag:s11] =	ssyncset.done $0x0  }
0x343: {  	s12 =	simm.s32 $0xD;
	[sflag:s11] =	ssyncadd.s32 $0xFFFFE000  }
0x344: {  	_ =	swait.ge [sflag:s12], $0x2000  }
0x345: {  	[sflag:s12] =	ssyncset.done $0x0  }
0x346: {  	s2 =	simm.s32 $0xE;
	[sflag:s12] =	ssyncadd.s32 $0xFFFFE000  }
0x347: {  	_ =	swait.ge [sflag:s2], $0x2000  }
0x348: {  	[sflag:s2] =	ssyncset.done $0x0  }
0x349: {  	s9 =	simm.s32 $0xF;
	[sflag:s2] =	ssyncadd.s32 $0xFFFFE000  }
0x34a: {  	s4 =	sand.u32 $0x1C00, s30;
	s11 =	sand.u32 $0x380, s30;
	_ =	swait.ge [sflag:s9], $0x2000  }
0x34b: {  	s0 =	sor.u32 s11, s4;
	s12 =	sand.u32 $0x60, s30;
	[sflag:s9] =	ssyncset.done $0x0  }
0x34c: {  	s30 =	sor.u32 s12, s0;
	[sflag:s9] =	ssyncadd.s32 $0xFFFFE000  }
0x34d: {  	v2 =	vld [tilespmem:s30+$0x2210]  }
0x34e: {  	v3 =	vld [tilespmem:s30+$0x2200];
	_ =	sdelay $0x3  }
0x34f: {  	s31 =	simm.s32 $0x20;
	[tilespmem:s30+$0x1A210] =	vst.add.f32.msk $0xffff, v2  }
0x350: {  	s11 =	simm.s32 $0x0;
	s12 =	simm.s32 $0x100;
	s9 =	simm.s32 $0x4;
	[tilespmem:s30+$0x14200] =	vst.add.f32.msk $0xffff, v3  }
.LBB2_12:
0x351: {  	s0 =	sand.u32 $0x1C00, s12;
	s2 =	sand.u32 $0x380, s9;
	s11 =	sadd.s32 $0x2, s11;
	[tilespmem:s30+$0x16200] =	vst.add.f32.msk $0xffff, v3  }
0x352: {  	s4 =	sand.u32 $0x60, s31;
	s0 =	sor.u32 s2, s0;
	p0 =	slt.u32 s11, $0x1FE;
	[tilespmem:s30+$0x18200] =	vst.add.f32.msk $0xffff, v3  }
0x353: {  	s0 =	sor.u32 s4, s0;
	[tilespmem:s30+$0x1A200] =	vst.add.f32.msk $0xffff, v3  }
0x354: {  	v4 =	vld [tilespmem:s0+$0x2210]  }
0x355: {  	v3 =	vld [tilespmem:s0+$0x2200]  }
.Ltmp5:
0x356: {  	[tilespmem:s30+$0x14210] =	vst.add.f32.msk $0xffff, v2;
	(pc) =	sbr.rel @p0 .LBB2_12-.Ltmp5, $4  }
0x357: {  	[tilespmem:s30+$0x16210] =	vst.add.f32.msk $0xffff, v2  }
0x358: {  	[tilespmem:s30+$0x18210] =	vst.add.f32.msk $0xffff, v2;
	s30 =	smov.u32 s0  }
0x359: {  	[tilespmem:s30+$0x1A210] =	vst.add.f32.msk $0xffff, v4;
	v2 =	vmov v4  }
0x35a: {  	s12 =	sadd.s32 $0x100, s12;
	s31 =	sadd.s32 $0x20, s31;
	s9 =	sadd.s32 $0x4, s9;
	[tilespmem:s30+$0x14200] =	vst.add.f32.msk $0xffff, v3  }
0x35b: {  	[tilespmem:s30+$0x16200] =	vst.add.f32.msk $0xffff, v3  }
0x35c: {  	[tilespmem:s30+$0x18200] =	vst.add.f32.msk $0xffff, v3  }
0x35d: {  	[tilespmem:s30+$0x1A200] =	vst.add.f32.msk $0xffff, v3  }
0x35e: {  	[tilespmem:s30+$0x14210] =	vst.add.f32.msk $0xffff, v2  }
0x35f: {  	[tilespmem:s30+$0x16210] =	vst.add.f32.msk $0xffff, v2  }
0x360: {  	[tilespmem:s30+$0x18210] =	vst.add.f32.msk $0xffff, v2  }
0x361: {  	s0 =	rddreg [dreg:$0x18]  }
0x362: {  	s30 =	simm.s32 $0x0;
	s2 =	simm.s32 $0x2200;
	s4 =	rddreg [dreg:$0x15]  }
0x363: {  	[tilespmem:s2], [sflag:$0x3] =	stream.linear.gather [hbm4b:s0+s30], $0x2000, $0x38;
	[tilespmem:$0x1C200] =	vst v63  }
0x364: {  	s9 =	sld [smem:$0x7DA];
	s2 =	simm.s32 $0x14200  }
0x365: {  	[hbm4b:s4+s30] =	stream.linear.scatter [tilespmem:s2], [sflag:$0x18], $0x2000, $0x38;
	[tilespmem:$0x1C200] =	vst v63  }
0x366: {  	s11 =	sld [smem:$0x7D8];
	s4 =	simm.s32 $0x16200  }
0x367: {  	[hbm4b:s9+s30] =	stream.linear.scatter [tilespmem:s4], [sflag:$0x19], $0x2000, $0x38;
	[tilespmem:$0x1C200] =	vst v63  }
0x368: {  	s12 =	sld [smem:$0x7D9];
	s9 =	simm.s32 $0x18200  }
0x369: {  	[hbm4b:s11+s30] =	stream.linear.scatter [tilespmem:s9], [sflag:$0x1A], $0x2000, $0x38;
	[tilespmem:$0x1C200] =	vst v63  }
0x36a: {  	s11 =	simm.s32 $0x1A200  }
0x36b: {  	[hbm4b:s12+s30] =	stream.linear.scatter [tilespmem:s11], [sflag:$0x1B], $0x2000, $0x38;
	[tilespmem:$0x1C200] =	vst v63  }
0x36c: {  	s12 =	simm.s32 $0x18  }
0x36d: {  	_ =	swait.ge [sflag:s12], $0x2000  }
0x36e: {  	[sflag:s12] =	ssyncset.done $0x0  }
0x36f: {  	[sflag:s12] =	ssyncadd.s32 $0xFFFFE000  }
0x370: {  	v2 =	vld.msk [tilespmem:$0x40], $0xff;
	_ =	sdelay $0x4  }
0x371: {  	v3 =	vshll.u32 v2, $0x3  }
0x372: {  	v2 =	vand.u32 $0x7, v2;
	v3 =	vand.u32 $0xFFFFFFC0, v3  }
0x373: {  	v2 =	vor.u32 v2, v3  }
0x374: {  	v2 =	vperm.xlane v2, v0;
	_ =	sdelay $0x1  }
0x375: {  	v2 =	vadd.s32 v1, v2;
	_ =	sdelay $0x4  }
0x376: {  	[tilespmem:s2], [sflag:$0xC] =	stream.indirect_vreg.gather [hbm4b:s1+s30], $0x80, v2, vm0, $0xb8;
	[tilespmem:$0x1C200] =	vst v63  }
0x377: {  	_ = 	snop  }
0x378: {  	[tilespmem:s14], [sflag:$0xC] =	stream.indirect_vreg.gather [hbm4b:s8+s30], $0x80, v2, vm0, $0xb8;
	[tilespmem:$0x1C200] =	vst v63  }
0x379: {  	s2 =	simm.s32 $0x15200  }
0x37a: {  	[tilespmem:s2], [sflag:$0xC] =	stream.indirect_vreg.gather [hbm4b:s6+s30], $0x80, v2, vm0, $0xb8;
	[tilespmem:$0x1C200] =	vst v63  }
0x37b: {  	s12 =	simm.s32 $0x15A00;
	s2 =	simm.s32 $0x19  }
0x37c: {  	[tilespmem:s12], [sflag:$0xC] =	stream.indirect_vreg.gather [hbm4b:s7+s30], $0x80, v2, vm0, $0xb8;
	[tilespmem:$0x1C200] =	vst v63  }
0x37d: {  	_ =	swait.ge [sflag:s2], $0x2000  }
0x37e: {  	[sflag:s2] =	ssyncset.done $0x0  }
0x37f: {  	[sflag:s2] =	ssyncadd.s32 $0xFFFFE000  }
0x380: {  	v2 =	vld.msk [tilespmem:$0xC0], $0xff;
	_ =	sdelay $0x4  }
0x381: {  	v3 =	vshll.u32 v2, $0x3  }
0x382: {  	v2 =	vand.u32 $0x7, v2;
	v3 =	vand.u32 $0xFFFFFFC0, v3  }
0x383: {  	v2 =	vor.u32 v2, v3  }
0x384: {  	v2 =	vperm.xlane v2, v0;
	_ =	sdelay $0x1  }
0x385: {  	v2 =	vadd.s32 v1, v2;
	_ =	sdelay $0x4  }
0x386: {  	[tilespmem:s4], [sflag:$0xD] =	stream.indirect_vreg.gather [hbm4b:s1+s30], $0x80, v2, vm0, $0xb8;
	[tilespmem:$0x1C200] =	vst v63  }
0x387: {  	_ = 	snop  }
0x388: {  	[tilespmem:s18], [sflag:$0xD] =	stream.indirect_vreg.gather [hbm4b:s8+s30], $0x80, v2, vm0, $0xb8;
	[tilespmem:$0x1C200] =	vst v63  }
0x389: {  	s4 =	simm.s32 $0x17200  }
0x38a: {  	[tilespmem:s4], [sflag:$0xD] =	stream.indirect_vreg.gather [hbm4b:s6+s30], $0x80, v2, vm0, $0xb8;
	[tilespmem:$0x1C200] =	vst v63  }
0x38b: {  	s12 =	simm.s32 $0x17A00;
	s2 =	simm.s32 $0x1A  }
0x38c: {  	[tilespmem:s12], [sflag:$0xD] =	stream.indirect_vreg.gather [hbm4b:s7+s30], $0x80, v2, vm0, $0xb8;
	[tilespmem:$0x1C200] =	vst v63  }
0x38d: {  	_ =	swait.ge [sflag:s2], $0x2000  }
0x38e: {  	[sflag:s2] =	ssyncset.done $0x0  }
0x38f: {  	[sflag:s2] =	ssyncadd.s32 $0xFFFFE000  }
0x390: {  	v2 =	vld.msk [tilespmem:$0x140], $0xff;
	_ =	sdelay $0x4  }
0x391: {  	v3 =	vshll.u32 v2, $0x3  }
0x392: {  	v2 =	vand.u32 $0x7, v2;
	v3 =	vand.u32 $0xFFFFFFC0, v3  }
0x393: {  	v2 =	vor.u32 v2, v3  }
0x394: {  	v2 =	vperm.xlane v2, v0;
	_ =	sdelay $0x1  }
0x395: {  	v2 =	vadd.s32 v1, v2;
	_ =	sdelay $0x4  }
0x396: {  	[tilespmem:s9], [sflag:$0xE] =	stream.indirect_vreg.gather [hbm4b:s1+s30], $0x80, v2, vm0, $0xb8;
	[tilespmem:$0x1C200] =	vst v63  }
0x397: {  	_ = 	snop  }
0x398: {  	[tilespmem:s22], [sflag:$0xE] =	stream.indirect_vreg.gather [hbm4b:s8+s30], $0x80, v2, vm0, $0xb8;
	[tilespmem:$0x1C200] =	vst v63  }
0x399: {  	s4 =	simm.s32 $0x19200  }
0x39a: {  	[tilespmem:s4], [sflag:$0xE] =	stream.indirect_vreg.gather [hbm4b:s6+s30], $0x80, v2, vm0, $0xb8;
	[tilespmem:$0x1C200] =	vst v63  }
0x39b: {  	s12 =	simm.s32 $0x1B;
	s9 =	simm.s32 $0x19A00  }
0x39c: {  	[tilespmem:s9], [sflag:$0xE] =	stream.indirect_vreg.gather [hbm4b:s7+s30], $0x80, v2, vm0, $0xb8;
	[tilespmem:$0x1C200] =	vst v63  }
0x39d: {  	_ =	swait.ge [sflag:s12], $0x2000  }
0x39e: {  	[sflag:s12] =	ssyncset.done $0x0  }
0x39f: {  	[sflag:s12] =	ssyncadd.s32 $0xFFFFE000  }
0x3a0: {  	v2 =	vld.msk [tilespmem:$0x1C0], $0xff;
	_ =	sdelay $0x4  }
0x3a1: {  	v3 =	vshll.u32 v2, $0x3  }
0x3a2: {  	v2 =	vand.u32 $0x7, v2;
	v3 =	vand.u32 $0xFFFFFFC0, v3  }
0x3a3: {  	v2 =	vor.u32 v2, v3  }
0x3a4: {  	v2 =	vperm.xlane v2, v0;
	_ =	sdelay $0x1  }
0x3a5: {  	v2 =	vadd.s32 v1, v2;
	_ =	sdelay $0x4  }
0x3a6: {  	[tilespmem:s11], [sflag:$0xF] =	stream.indirect_vreg.gather [hbm4b:s1+s30], $0x80, v2, vm0, $0xb8;
	[tilespmem:$0x1C200] =	vst v63  }
0x3a7: {  	_ = 	snop  }
0x3a8: {  	[tilespmem:s26], [sflag:$0xF] =	stream.indirect_vreg.gather [hbm4b:s8+s30], $0x80, v2, vm0, $0xb8;
	[tilespmem:$0x1C200] =	vst v63  }
0x3a9: {  	s2 =	simm.s32 $0x1B200  }
0x3aa: {  	[tilespmem:s2], [sflag:$0xF] =	stream.indirect_vreg.gather [hbm4b:s6+s30], $0x80, v2, vm0, $0xb8;
	[tilespmem:$0x1C200] =	vst v63  }
0x3ab: {  	s4 =	simm.s32 $0x1BA00  }
0x3ac: {  	[tilespmem:s4], [sflag:$0xF] =	stream.indirect_vreg.gather [hbm4b:s7+s30], $0x80, v2, vm0, $0xb8;
	[tilespmem:$0x1C200] =	vst v63  }
0x3ad: {  	_ =	swait.ge [sflag:s16], $0x2000  }
0x3ae: {  	[sflag:s16] =	ssyncset.done $0x0  }
0x3af: {  	[sflag:s16] =	ssyncadd.s32 $0xFFFFE000  }
0x3b0: {  	_ =	swait.ge [sflag:s17], $0x2000  }
0x3b1: {  	[sflag:s17] =	ssyncset.done $0x0  }
0x3b2: {  	[sflag:s17] =	ssyncadd.s32 $0xFFFFE000  }
0x3b3: {  	_ =	swait.ge [sflag:s19], $0x2000  }
0x3b4: {  	[sflag:s19] =	ssyncset.done $0x0  }
0x3b5: {  	[sflag:s19] =	ssyncadd.s32 $0xFFFFE000  }
0x3b6: {  	_ =	swait.ge [sflag:s20], $0x2000  }
0x3b7: {  	[sflag:s20] =	ssyncset.done $0x0  }
0x3b8: {  	[sflag:s20] =	ssyncadd.s32 $0xFFFFE000  }
0x3b9: {  	s9 =	sand.u32 $0x1C00, s30;
	s11 =	sand.u32 $0x380, s30;
	_ =	swait.ge [sflag:s21], $0x2000  }
0x3ba: {  	s12 =	sand.u32 $0x60, s30;
	s0 =	sor.u32 s11, s9;
	[sflag:s21] =	ssyncset.done $0x0  }
0x3bb: {  	s30 =	sor.u32 s12, s0;
	[sflag:s21] =	ssyncadd.s32 $0xFFFFE000  }
0x3bc: {  	v2 =	vld [tilespmem:s30+$0x210]  }
0x3bd: {  	v3 =	vld [tilespmem:s30+$0x200];
	_ =	sdelay $0x3  }
0x3be: {  	s31 =	simm.s32 $0x20;
	[tilespmem:s30+$0xA210] =	vst.add.f32.msk $0xffff, v2  }
0x3bf: {  	s11 =	simm.s32 $0x0;
	s9 =	simm.s32 $0x4;
	s12 =	simm.s32 $0x100;
	[tilespmem:s30+$0x4200] =	vst.add.f32.msk $0xffff, v3  }
.LBB2_14:
0x3c0: {  	s0 =	sand.u32 $0x1C00, s12;
	s2 =	sand.u32 $0x380, s9;
	s11 =	sadd.s32 $0x2, s11;
	[tilespmem:s30+$0x6200] =	vst.add.f32.msk $0xffff, v3  }
0x3c1: {  	s4 =	sand.u32 $0x60, s31;
	s0 =	sor.u32 s2, s0;
	p0 =	slt.u32 s11, $0x1FE;
	[tilespmem:s30+$0x8200] =	vst.add.f32.msk $0xffff, v3  }
0x3c2: {  	s0 =	sor.u32 s4, s0;
	[tilespmem:s30+$0xA200] =	vst.add.f32.msk $0xffff, v3  }
0x3c3: {  	v4 =	vld [tilespmem:s0+$0x210]  }
0x3c4: {  	v3 =	vld [tilespmem:s0+$0x200]  }
.Ltmp6:
0x3c5: {  	[tilespmem:s30+$0x4210] =	vst.add.f32.msk $0xffff, v2;
	(pc) =	sbr.rel @p0 .LBB2_14-.Ltmp6, $4  }
0x3c6: {  	[tilespmem:s30+$0x6210] =	vst.add.f32.msk $0xffff, v2  }
0x3c7: {  	[tilespmem:s30+$0x8210] =	vst.add.f32.msk $0xffff, v2;
	s30 =	smov.u32 s0  }
0x3c8: {  	[tilespmem:s30+$0xA210] =	vst.add.f32.msk $0xffff, v4;
	v2 =	vmov v4  }
0x3c9: {  	s12 =	sadd.s32 $0x100, s12;
	s31 =	sadd.s32 $0x20, s31;
	s9 =	sadd.s32 $0x4, s9;
	[tilespmem:s30+$0x4200] =	vst.add.f32.msk $0xffff, v3  }
0x3ca: {  	[tilespmem:s30+$0x6200] =	vst.add.f32.msk $0xffff, v3  }
0x3cb: {  	[tilespmem:s30+$0x8200] =	vst.add.f32.msk $0xffff, v3  }
0x3cc: {  	[tilespmem:s30+$0xA200] =	vst.add.f32.msk $0xffff, v3  }
0x3cd: {  	[tilespmem:s30+$0x4210] =	vst.add.f32.msk $0xffff, v2  }
0x3ce: {  	[tilespmem:s30+$0x6210] =	vst.add.f32.msk $0xffff, v2  }
0x3cf: {  	[tilespmem:s30+$0x8210] =	vst.add.f32.msk $0xffff, v2  }
0x3d0: {  	s0 =	rddreg [dreg:$0x1a]  }
0x3d1: {  	s30 =	simm.s32 $0x0;
	s2 =	simm.s32 $0x200;
	s4 =	rddreg [dreg:$0x17]  }
0x3d2: {  	[tilespmem:s2], [sflag:$0x2] =	stream.linear.gather [hbm4b:s0+s30], $0x2000, $0x38;
	[tilespmem:$0x1C200] =	vst v63  }
0x3d3: {  	s9 =	sld [smem:$0x7DB];
	s2 =	simm.s32 $0x4200  }
0x3d4: {  	[hbm4b:s4+s30] =	stream.linear.scatter [tilespmem:s2], [sflag:$0x10], $0x2000, $0x38;
	[tilespmem:$0x1C200] =	vst v63  }
0x3d5: {  	s11 =	sld [smem:$0x7DC];
	s4 =	simm.s32 $0x6200  }
0x3d6: {  	[hbm4b:s9+s30] =	stream.linear.scatter [tilespmem:s4], [sflag:$0x11], $0x2000, $0x38;
	[tilespmem:$0x1C200] =	vst v63  }
0x3d7: {  	s12 =	sld [smem:$0x7DE];
	s9 =	simm.s32 $0x8200  }
0x3d8: {  	[hbm4b:s11+s30] =	stream.linear.scatter [tilespmem:s9], [sflag:$0x12], $0x2000, $0x38;
	[tilespmem:$0x1C200] =	vst v63  }
0x3d9: {  	s11 =	simm.s32 $0xA200  }
0x3da: {  	[hbm4b:s12+s30] =	stream.linear.scatter [tilespmem:s11], [sflag:$0x13], $0x2000, $0x38;
	[tilespmem:$0x1C200] =	vst v63  }
0x3db: {  	_ =	swait.ge [sflag:s23], $0x2000  }
0x3dc: {  	[sflag:s23] =	ssyncset.done $0x0  }
0x3dd: {  	[sflag:s23] =	ssyncadd.s32 $0xFFFFE000  }
0x3de: {  	v2 =	vld.msk [tilespmem:$0x48], $0xff;
	_ =	sdelay $0x4  }
0x3df: {  	v3 =	vshll.u32 v2, $0x3  }
0x3e0: {  	v2 =	vand.u32 $0x7, v2;
	v3 =	vand.u32 $0xFFFFFFC0, v3  }
0x3e1: {  	v2 =	vor.u32 v2, v3  }
0x3e2: {  	v2 =	vperm.xlane v2, v0;
	_ =	sdelay $0x1  }
0x3e3: {  	v2 =	vadd.s32 v1, v2;
	_ =	sdelay $0x4  }
0x3e4: {  	[tilespmem:s2], [sflag:$0x4] =	stream.indirect_vreg.gather [hbm4b:s1+s30], $0x80, v2, vm0, $0xb8;
	[tilespmem:$0x1C200] =	vst v63  }
0x3e5: {  	s2 =	simm.s32 $0x4A00  }
0x3e6: {  	[tilespmem:s2], [sflag:$0x4] =	stream.indirect_vreg.gather [hbm4b:s8+s30], $0x80, v2, vm0, $0xb8;
	[tilespmem:$0x1C200] =	vst v63  }
0x3e7: {  	s12 =	simm.s32 $0x5200  }
0x3e8: {  	[tilespmem:s12], [sflag:$0x4] =	stream.indirect_vreg.gather [hbm4b:s6+s30], $0x80, v2, vm0, $0xb8;
	[tilespmem:$0x1C200] =	vst v63  }
0x3e9: {  	s2 =	simm.s32 $0x5A00  }
0x3ea: {  	[tilespmem:s2], [sflag:$0x4] =	stream.indirect_vreg.gather [hbm4b:s7+s30], $0x80, v2, vm0, $0xb8;
	[tilespmem:$0x1C200] =	vst v63  }
0x3eb: {  	_ =	swait.ge [sflag:s24], $0x2000  }
0x3ec: {  	[sflag:s24] =	ssyncset.done $0x0  }
0x3ed: {  	[sflag:s24] =	ssyncadd.s32 $0xFFFFE000  }
0x3ee: {  	v2 =	vld.msk [tilespmem:$0xC8], $0xff;
	_ =	sdelay $0x4  }
0x3ef: {  	v3 =	vshll.u32 v2, $0x3  }
0x3f0: {  	v2 =	vand.u32 $0x7, v2;
	v3 =	vand.u32 $0xFFFFFFC0, v3  }
0x3f1: {  	v2 =	vor.u32 v2, v3  }
0x3f2: {  	v2 =	vperm.xlane v2, v0;
	_ =	sdelay $0x1  }
0x3f3: {  	v2 =	vadd.s32 v1, v2;
	_ =	sdelay $0x4  }
0x3f4: {  	[tilespmem:s4], [sflag:$0x5] =	stream.indirect_vreg.gather [hbm4b:s1+s30], $0x80, v2, vm0, $0xb8;
	[tilespmem:$0x1C200] =	vst v63  }
0x3f5: {  	s4 =	simm.s32 $0x6A00  }
0x3f6: {  	[tilespmem:s4], [sflag:$0x5] =	stream.indirect_vreg.gather [hbm4b:s8+s30], $0x80, v2, vm0, $0xb8;
	[tilespmem:$0x1C200] =	vst v63  }
0x3f7: {  	s12 =	simm.s32 $0x7200  }
0x3f8: {  	[tilespmem:s12], [sflag:$0x5] =	stream.indirect_vreg.gather [hbm4b:s6+s30], $0x80, v2, vm0, $0xb8;
	[tilespmem:$0x1C200] =	vst v63  }
0x3f9: {  	s2 =	simm.s32 $0x7A00  }
0x3fa: {  	[tilespmem:s2], [sflag:$0x5] =	stream.indirect_vreg.gather [hbm4b:s7+s30], $0x80, v2, vm0, $0xb8;
	[tilespmem:$0x1C200] =	vst v63  }
0x3fb: {  	_ =	swait.ge [sflag:s25], $0x2000  }
0x3fc: {  	[sflag:s25] =	ssyncset.done $0x0  }
0x3fd: {  	[sflag:s25] =	ssyncadd.s32 $0xFFFFE000  }
0x3fe: {  	v2 =	vld.msk [tilespmem:$0x148], $0xff;
	_ =	sdelay $0x4  }
0x3ff: {  	v3 =	vshll.u32 v2, $0x3  }
0x400: {  	v2 =	vand.u32 $0x7, v2;
	v3 =	vand.u32 $0xFFFFFFC0, v3  }
0x401: {  	v2 =	vor.u32 v2, v3  }
0x402: {  	v2 =	vperm.xlane v2, v0;
	_ =	sdelay $0x1  }
0x403: {  	v2 =	vadd.s32 v1, v2;
	_ =	sdelay $0x4  }
0x404: {  	[tilespmem:s9], [sflag:$0x6] =	stream.indirect_vreg.gather [hbm4b:s1+s30], $0x80, v2, vm0, $0xb8;
	[tilespmem:$0x1C200] =	vst v63  }
0x405: {  	s4 =	simm.s32 $0x8A00  }
0x406: {  	[tilespmem:s4], [sflag:$0x6] =	stream.indirect_vreg.gather [hbm4b:s8+s30], $0x80, v2, vm0, $0xb8;
	[tilespmem:$0x1C200] =	vst v63  }
0x407: {  	s9 =	simm.s32 $0x9200  }
0x408: {  	[tilespmem:s9], [sflag:$0x6] =	stream.indirect_vreg.gather [hbm4b:s6+s30], $0x80, v2, vm0, $0xb8;
	[tilespmem:$0x1C200] =	vst v63  }
0x409: {  	s12 =	simm.s32 $0x9A00  }
0x40a: {  	[tilespmem:s12], [sflag:$0x6] =	stream.indirect_vreg.gather [hbm4b:s7+s30], $0x80, v2, vm0, $0xb8;
	[tilespmem:$0x1C200] =	vst v63  }
0x40b: {  	_ =	swait.ge [sflag:s28], $0x2000  }
0x40c: {  	[sflag:s28] =	ssyncset.done $0x0  }
0x40d: {  	[sflag:s28] =	ssyncadd.s32 $0xFFFFE000  }
0x40e: {  	v2 =	vld.msk [tilespmem:$0x1C8], $0xff;
	_ =	sdelay $0x4  }
0x40f: {  	v3 =	vshll.u32 v2, $0x3  }
0x410: {  	v2 =	vand.u32 $0x7, v2;
	v3 =	vand.u32 $0xFFFFFFC0, v3  }
0x411: {  	v2 =	vor.u32 v2, v3  }
0x412: {  	v2 =	vperm.xlane v2, v0;
	_ =	sdelay $0x1  }
0x413: {  	v2 =	vadd.s32 v1, v2;
	_ =	sdelay $0x4  }
0x414: {  	[tilespmem:s11], [sflag:$0x7] =	stream.indirect_vreg.gather [hbm4b:s1+s30], $0x80, v2, vm0, $0xb8;
	[tilespmem:$0x1C200] =	vst v63  }
0x415: {  	s2 =	simm.s32 $0xAA00  }
0x416: {  	[tilespmem:s2], [sflag:$0x7] =	stream.indirect_vreg.gather [hbm4b:s8+s30], $0x80, v2, vm0, $0xb8;
	[tilespmem:$0x1C200] =	vst v63  }
0x417: {  	s4 =	simm.s32 $0xB200  }
0x418: {  	[tilespmem:s4], [sflag:$0x7] =	stream.indirect_vreg.gather [hbm4b:s6+s30], $0x80, v2, vm0, $0xb8;
	[tilespmem:$0x1C200] =	vst v63  }
0x419: {  	s9 =	simm.s32 $0xBA00  }
0x41a: {  	[tilespmem:s9], [sflag:$0x7] =	stream.indirect_vreg.gather [hbm4b:s7+s30], $0x80, v2, vm0, $0xb8;
	[tilespmem:$0x1C200] =	vst v63  }
0x41b: {  	_ =	swait.ge [sflag:s29], $0x2000  }
0x41c: {  	[sflag:s29] =	ssyncset.done $0x0  }
0x41d: {  	s11 =	simm.s32 $0x8;
	[sflag:s29] =	ssyncadd.s32 $0xFFFFE000  }
0x41e: {  	_ =	swait.ge [sflag:s11], $0x2000  }
0x41f: {  	[sflag:s11] =	ssyncset.done $0x0  }
0x420: {  	s12 =	simm.s32 $0x9;
	[sflag:s11] =	ssyncadd.s32 $0xFFFFE000  }
0x421: {  	_ =	swait.ge [sflag:s12], $0x2000  }
0x422: {  	[sflag:s12] =	ssyncset.done $0x0  }
0x423: {  	s2 =	simm.s32 $0xA;
	[sflag:s12] =	ssyncadd.s32 $0xFFFFE000  }
0x424: {  	_ =	swait.ge [sflag:s2], $0x2000  }
0x425: {  	[sflag:s2] =	ssyncset.done $0x0  }
0x426: {  	s9 =	simm.s32 $0xB;
	[sflag:s2] =	ssyncadd.s32 $0xFFFFE000  }
0x427: {  	s4 =	sand.u32 $0x1C00, s30;
	s11 =	sand.u32 $0x380, s30;
	_ =	swait.ge [sflag:s9], $0x2000  }
0x428: {  	s0 =	sor.u32 s11, s4;
	s12 =	sand.u32 $0x60, s30;
	[sflag:s9] =	ssyncset.done $0x0  }
0x429: {  	s30 =	sor.u32 s12, s0;
	[sflag:s9] =	ssyncadd.s32 $0xFFFFE000  }
0x42a: {  	v2 =	vld [tilespmem:s30+$0x2210]  }
0x42b: {  	v3 =	vld [tilespmem:s30+$0x2200];
	_ =	sdelay $0x3  }
0x42c: {  	s31 =	simm.s32 $0x20;
	[tilespmem:s30+$0x12210] =	vst.add.f32.msk $0xffff, v2  }
0x42d: {  	s11 =	simm.s32 $0x0;
	s12 =	simm.s32 $0x100;
	s9 =	simm.s32 $0x4;
	[tilespmem:s30+$0xC200] =	vst.add.f32.msk $0xffff, v3  }
.LBB2_16:
0x42e: {  	s0 =	sand.u32 $0x1C00, s12;
	s2 =	sand.u32 $0x380, s9;
	s11 =	sadd.s32 $0x2, s11;
	[tilespmem:s30+$0xE200] =	vst.add.f32.msk $0xffff, v3  }
0x42f: {  	s4 =	sand.u32 $0x60, s31;
	s0 =	sor.u32 s2, s0;
	p0 =	slt.u32 s11, $0x1FE;
	[tilespmem:s30+$0x10200] =	vst.add.f32.msk $0xffff, v3  }
0x430: {  	s0 =	sor.u32 s4, s0;
	[tilespmem:s30+$0x12200] =	vst.add.f32.msk $0xffff, v3  }
0x431: {  	v4 =	vld [tilespmem:s0+$0x2210]  }
0x432: {  	v3 =	vld [tilespmem:s0+$0x2200]  }
.Ltmp7:
0x433: {  	[tilespmem:s30+$0xC210] =	vst.add.f32.msk $0xffff, v2;
	(pc) =	sbr.rel @p0 .LBB2_16-.Ltmp7, $4  }
0x434: {  	[tilespmem:s30+$0xE210] =	vst.add.f32.msk $0xffff, v2  }
0x435: {  	[tilespmem:s30+$0x10210] =	vst.add.f32.msk $0xffff, v2;
	s30 =	smov.u32 s0  }
0x436: {  	[tilespmem:s30+$0x12210] =	vst.add.f32.msk $0xffff, v4;
	v2 =	vmov v4  }
0x437: {  	s12 =	sadd.s32 $0x100, s12;
	s31 =	sadd.s32 $0x20, s31;
	s9 =	sadd.s32 $0x4, s9;
	[tilespmem:s30+$0xC200] =	vst.add.f32.msk $0xffff, v3  }
0x438: {  	[tilespmem:s30+$0xE200] =	vst.add.f32.msk $0xffff, v3  }
0x439: {  	[tilespmem:s30+$0x10200] =	vst.add.f32.msk $0xffff, v3  }
0x43a: {  	[tilespmem:s30+$0x12200] =	vst.add.f32.msk $0xffff, v3  }
0x43b: {  	[tilespmem:s30+$0xC210] =	vst.add.f32.msk $0xffff, v2  }
0x43c: {  	[tilespmem:s30+$0xE210] =	vst.add.f32.msk $0xffff, v2  }
0x43d: {  	[tilespmem:s30+$0x10210] =	vst.add.f32.msk $0xffff, v2  }
0x43e: {  	s0 =	rddreg [dreg:$0x1c]  }
0x43f: {  	s30 =	simm.s32 $0x0;
	s2 =	simm.s32 $0x2200;
	s4 =	rddreg [dreg:$0x19]  }
0x440: {  	[tilespmem:s2], [sflag:$0x3] =	stream.linear.gather [hbm4b:s0+s30], $0x2000, $0x38;
	[tilespmem:$0x1C200] =	vst v63  }
0x441: {  	s9 =	sld [smem:$0x7E0];
	s2 =	simm.s32 $0xC200  }
0x442: {  	[hbm4b:s4+s30] =	stream.linear.scatter [tilespmem:s2], [sflag:$0x14], $0x2000, $0x38;
	[tilespmem:$0x1C200] =	vst v63  }
0x443: {  	s11 =	sld [smem:$0x7DF];
	s4 =	simm.s32 $0xE200  }
0x444: {  	[hbm4b:s9+s30] =	stream.linear.scatter [tilespmem:s4], [sflag:$0x15], $0x2000, $0x38;
	[tilespmem:$0x1C200] =	vst v63  }
0x445: {  	s12 =	sld [smem:$0x7E1];
	s9 =	simm.s32 $0x10200  }
0x446: {  	[hbm4b:s11+s30] =	stream.linear.scatter [tilespmem:s9], [sflag:$0x16], $0x2000, $0x38;
	[tilespmem:$0x1C200] =	vst v63  }
0x447: {  	s11 =	simm.s32 $0x12200  }
0x448: {  	[hbm4b:s12+s30] =	stream.linear.scatter [tilespmem:s11], [sflag:$0x17], $0x2000, $0x38;
	[tilespmem:$0x1C200] =	vst v63  }
0x449: {  	s12 =	simm.s32 $0x14  }
0x44a: {  	_ =	swait.ge [sflag:s12], $0x2000  }
0x44b: {  	[sflag:s12] =	ssyncset.done $0x0  }
0x44c: {  	[sflag:s12] =	ssyncadd.s32 $0xFFFFE000  }
0x44d: {  	v2 =	vld.msk [tilespmem:$0x50], $0xff;
	_ =	sdelay $0x4  }
0x44e: {  	v3 =	vshll.u32 v2, $0x3  }
0x44f: {  	v2 =	vand.u32 $0x7, v2;
	v3 =	vand.u32 $0xFFFFFFC0, v3  }
0x450: {  	v2 =	vor.u32 v2, v3  }
0x451: {  	v2 =	vperm.xlane v2, v0;
	_ =	sdelay $0x1  }
0x452: {  	v2 =	vadd.s32 v1, v2;
	_ =	sdelay $0x4  }
0x453: {  	[tilespmem:s2], [sflag:$0x8] =	stream.indirect_vreg.gather [hbm4b:s1+s30], $0x80, v2, vm0, $0xb8;
	[tilespmem:$0x1C200] =	vst v63  }
0x454: {  	_ = 	snop  }
0x455: {  	[tilespmem:s5], [sflag:$0x8] =	stream.indirect_vreg.gather [hbm4b:s8+s30], $0x80, v2, vm0, $0xb8;
	[tilespmem:$0x1C200] =	vst v63  }
0x456: {  	s2 =	simm.s32 $0xD200  }
0x457: {  	[tilespmem:s2], [sflag:$0x8] =	stream.indirect_vreg.gather [hbm4b:s6+s30], $0x80, v2, vm0, $0xb8;
	[tilespmem:$0x1C200] =	vst v63  }
0x458: {  	s12 =	simm.s32 $0x15;
	s5 =	simm.s32 $0xDA00  }
0x459: {  	[tilespmem:s5], [sflag:$0x8] =	stream.indirect_vreg.gather [hbm4b:s7+s30], $0x80, v2, vm0, $0xb8;
	[tilespmem:$0x1C200] =	vst v63  }
0x45a: {  	_ =	swait.ge [sflag:s12], $0x2000  }
0x45b: {  	[sflag:s12] =	ssyncset.done $0x0  }
0x45c: {  	[sflag:s12] =	ssyncadd.s32 $0xFFFFE000  }
0x45d: {  	v2 =	vld.msk [tilespmem:$0xD0], $0xff;
	_ =	sdelay $0x4  }
0x45e: {  	v3 =	vshll.u32 v2, $0x3  }
0x45f: {  	v2 =	vand.u32 $0x7, v2;
	v3 =	vand.u32 $0xFFFFFFC0, v3  }
0x460: {  	v2 =	vor.u32 v2, v3  }
0x461: {  	v2 =	vperm.xlane v2, v0;
	_ =	sdelay $0x1  }
0x462: {  	v2 =	vadd.s32 v1, v2;
	_ =	sdelay $0x4  }
0x463: {  	[tilespmem:s4], [sflag:$0x9] =	stream.indirect_vreg.gather [hbm4b:s1+s30], $0x80, v2, vm0, $0xb8;
	[tilespmem:$0x1C200] =	vst v63  }
0x464: {  	_ = 	snop  }
0x465: {  	[tilespmem:s10], [sflag:$0x9] =	stream.indirect_vreg.gather [hbm4b:s8+s30], $0x80, v2, vm0, $0xb8;
	[tilespmem:$0x1C200] =	vst v63  }
0x466: {  	s2 =	simm.s32 $0xF200  }
0x467: {  	[tilespmem:s2], [sflag:$0x9] =	stream.indirect_vreg.gather [hbm4b:s6+s30], $0x80, v2, vm0, $0xb8;
	[tilespmem:$0x1C200] =	vst v63  }
0x468: {  	s5 =	simm.s32 $0x16;
	s4 =	simm.s32 $0xFA00  }
0x469: {  	[tilespmem:s4], [sflag:$0x9] =	stream.indirect_vreg.gather [hbm4b:s7+s30], $0x80, v2, vm0, $0xb8;
	[tilespmem:$0x1C200] =	vst v63  }
0x46a: {  	_ =	swait.ge [sflag:s5], $0x2000  }
0x46b: {  	[sflag:s5] =	ssyncset.done $0x0  }
0x46c: {  	[sflag:s5] =	ssyncadd.s32 $0xFFFFE000  }
0x46d: {  	v2 =	vld.msk [tilespmem:$0x150], $0xff;
	_ =	sdelay $0x4  }
0x46e: {  	v3 =	vshll.u32 v2, $0x3  }
0x46f: {  	v2 =	vand.u32 $0x7, v2;
	v3 =	vand.u32 $0xFFFFFFC0, v3  }
0x470: {  	v2 =	vor.u32 v2, v3  }
0x471: {  	v2 =	vperm.xlane v2, v0;
	_ =	sdelay $0x1  }
0x472: {  	v2 =	vadd.s32 v1, v2;
	_ =	sdelay $0x4  }
0x473: {  	[tilespmem:s9], [sflag:$0xA] =	stream.indirect_vreg.gather [hbm4b:s1+s30], $0x80, v2, vm0, $0xb8;
	[tilespmem:$0x1C200] =	vst v63  }
0x474: {  	_ = 	snop  }
0x475: {  	[tilespmem:s15], [sflag:$0xA] =	stream.indirect_vreg.gather [hbm4b:s8+s30], $0x80, v2, vm0, $0xb8;
	[tilespmem:$0x1C200] =	vst v63  }
0x476: {  	s10 =	simm.s32 $0x11200  }
0x477: {  	[tilespmem:s10], [sflag:$0xA] =	stream.indirect_vreg.gather [hbm4b:s6+s30], $0x80, v2, vm0, $0xb8;
	[tilespmem:$0x1C200] =	vst v63  }
0x478: {  	s12 =	simm.s32 $0x11A00;
	s15 =	simm.s32 $0x17  }
0x479: {  	[tilespmem:s12], [sflag:$0xA] =	stream.indirect_vreg.gather [hbm4b:s7+s30], $0x80, v2, vm0, $0xb8;
	[tilespmem:$0x1C200] =	vst v63  }
0x47a: {  	_ =	swait.ge [sflag:s15], $0x2000  }
0x47b: {  	[sflag:s15] =	ssyncset.done $0x0  }
0x47c: {  	[sflag:s15] =	ssyncadd.s32 $0xFFFFE000  }
0x47d: {  	v2 =	vld.msk [tilespmem:$0x1D0], $0xff;
	_ =	sdelay $0x4  }
0x47e: {  	v3 =	vshll.u32 v2, $0x3  }
0x47f: {  	v2 =	vand.u32 $0x7, v2;
	v3 =	vand.u32 $0xFFFFFFC0, v3  }
0x480: {  	v2 =	vor.u32 v2, v3  }
0x481: {  	v2 =	vperm.xlane v2, v0;
	_ =	sdelay $0x1  }
0x482: {  	v2 =	vadd.s32 v1, v2;
	_ =	sdelay $0x4  }
0x483: {  	[tilespmem:s11], [sflag:$0xB] =	stream.indirect_vreg.gather [hbm4b:s1+s30], $0x80, v2, vm0, $0xb8;
	[tilespmem:$0x1C200] =	vst v63  }
0x484: {  	_ = 	snop  }
0x485: {  	[tilespmem:s13], [sflag:$0xB] =	stream.indirect_vreg.gather [hbm4b:s8+s30], $0x80, v2, vm0, $0xb8;
	[tilespmem:$0x1C200] =	vst v63  }
0x486: {  	s2 =	simm.s32 $0x13200  }
0x487: {  	[tilespmem:s2], [sflag:$0xB] =	stream.indirect_vreg.gather [hbm4b:s6+s30], $0x80, v2, vm0, $0xb8;
	[tilespmem:$0x1C200] =	vst v63  }
0x488: {  	s4 =	simm.s32 $0x13A00  }
0x489: {  	[tilespmem:s4], [sflag:$0xB] =	stream.indirect_vreg.gather [hbm4b:s7+s30], $0x80, v2, vm0, $0xb8;
	[tilespmem:$0x1C200] =	vst v63  }
0x48a: {  	_ =	swait.ge [sflag:s16], $0x2000  }
0x48b: {  	[sflag:s16] =	ssyncset.done $0x0  }
0x48c: {  	s5 =	simm.s32 $0xC;
	[sflag:s16] =	ssyncadd.s32 $0xFFFFE000  }
0x48d: {  	_ =	swait.ge [sflag:s5], $0x2000  }
0x48e: {  	[sflag:s5] =	ssyncset.done $0x0  }
0x48f: {  	s9 =	simm.s32 $0xD;
	[sflag:s5] =	ssyncadd.s32 $0xFFFFE000  }
0x490: {  	_ =	swait.ge [sflag:s9], $0x2000  }
0x491: {  	[sflag:s9] =	ssyncset.done $0x0  }
0x492: {  	s10 =	simm.s32 $0xE;
	[sflag:s9] =	ssyncadd.s32 $0xFFFFE000  }
0x493: {  	_ =	swait.ge [sflag:s10], $0x2000  }
0x494: {  	[sflag:s10] =	ssyncset.done $0x0  }
0x495: {  	s11 =	simm.s32 $0xF;
	[sflag:s10] =	ssyncadd.s32 $0xFFFFE000  }
0x496: {  	s12 =	sand.u32 $0x1C00, s30;
	s13 =	sand.u32 $0x380, s30;
	_ =	swait.ge [sflag:s11], $0x2000  }
0x497: {  	s15 =	sand.u32 $0x60, s30;
	s0 =	sor.u32 s13, s12;
	[sflag:s11] =	ssyncset.done $0x0  }
0x498: {  	s30 =	sor.u32 s15, s0;
	[sflag:s11] =	ssyncadd.s32 $0xFFFFE000  }
0x499: {  	v2 =	vld [tilespmem:s30+$0x210]  }
0x49a: {  	v3 =	vld [tilespmem:s30+$0x200];
	_ =	sdelay $0x3  }
0x49b: {  	s31 =	simm.s32 $0x20;
	[tilespmem:s30+$0x1A210] =	vst.add.f32.msk $0xffff, v2  }
0x49c: {  	s12 =	simm.s32 $0x100;
	s9 =	simm.s32 $0x4;
	s11 =	simm.s32 $0x0;
	[tilespmem:s30+$0x14200] =	vst.add.f32.msk $0xffff, v3  }
.LBB2_18:
0x49d: {  	s0 =	sand.u32 $0x1C00, s12;
	s2 =	sand.u32 $0x380, s9;
	s11 =	sadd.s32 $0x2, s11;
	[tilespmem:s30+$0x16200] =	vst.add.f32.msk $0xffff, v3  }
0x49e: {  	s4 =	sand.u32 $0x60, s31;
	s0 =	sor.u32 s2, s0;
	p0 =	slt.u32 s11, $0x1FE;
	[tilespmem:s30+$0x18200] =	vst.add.f32.msk $0xffff, v3  }
0x49f: {  	s0 =	sor.u32 s4, s0;
	[tilespmem:s30+$0x1A200] =	vst.add.f32.msk $0xffff, v3  }
0x4a0: {  	v4 =	vld [tilespmem:s0+$0x210]  }
0x4a1: {  	v3 =	vld [tilespmem:s0+$0x200]  }
.Ltmp8:
0x4a2: {  	[tilespmem:s30+$0x14210] =	vst.add.f32.msk $0xffff, v2;
	(pc) =	sbr.rel @p0 .LBB2_18-.Ltmp8, $4  }
0x4a3: {  	[tilespmem:s30+$0x16210] =	vst.add.f32.msk $0xffff, v2  }
0x4a4: {  	[tilespmem:s30+$0x18210] =	vst.add.f32.msk $0xffff, v2;
	s30 =	smov.u32 s0  }
0x4a5: {  	[tilespmem:s30+$0x1A210] =	vst.add.f32.msk $0xffff, v4;
	v2 =	vmov v4  }
0x4a6: {  	s12 =	sadd.s32 $0x100, s12;
	s31 =	sadd.s32 $0x20, s31;
	s9 =	sadd.s32 $0x4, s9;
	[tilespmem:s30+$0x14200] =	vst.add.f32.msk $0xffff, v3  }
0x4a7: {  	[tilespmem:s30+$0x16200] =	vst.add.f32.msk $0xffff, v3  }
0x4a8: {  	[tilespmem:s30+$0x18200] =	vst.add.f32.msk $0xffff, v3  }
0x4a9: {  	[tilespmem:s30+$0x1A200] =	vst.add.f32.msk $0xffff, v3  }
0x4aa: {  	[tilespmem:s30+$0x14210] =	vst.add.f32.msk $0xffff, v2  }
0x4ab: {  	[tilespmem:s30+$0x16210] =	vst.add.f32.msk $0xffff, v2  }
0x4ac: {  	[tilespmem:s30+$0x18210] =	vst.add.f32.msk $0xffff, v2  }
0x4ad: {  	s0 =	rddreg [dreg:$0x1e]  }
0x4ae: {  	s30 =	simm.s32 $0x0;
	s2 =	simm.s32 $0x200;
	s13 =	rddreg [dreg:$0x1b]  }
0x4af: {  	[tilespmem:s2], [sflag:$0x2] =	stream.linear.gather [hbm4b:s0+s30], $0x2000, $0x38;
	[tilespmem:$0x1C200] =	vst v63  }
0x4b0: {  	s15 =	simm.s32 $0x14200;
	s9 =	sld [smem:$0x7E2]  }
0x4b1: {  	[hbm4b:s13+s30] =	stream.linear.scatter [tilespmem:s15], [sflag:$0x18], $0x2000, $0x38;
	[tilespmem:$0x1C200] =	vst v63  }
0x4b2: {  	s4 =	simm.s32 $0x16200;
	s10 =	sld [smem:$0x7E3]  }
0x4b3: {  	[hbm4b:s9+s30] =	stream.linear.scatter [tilespmem:s4], [sflag:$0x19], $0x2000, $0x38;
	[tilespmem:$0x1C200] =	vst v63  }
0x4b4: {  	s5 =	simm.s32 $0x18200;
	s11 =	sld [smem:$0x7E4]  }
0x4b5: {  	[hbm4b:s10+s30] =	stream.linear.scatter [tilespmem:s5], [sflag:$0x1A], $0x2000, $0x38;
	[tilespmem:$0x1C200] =	vst v63  }
0x4b6: {  	s12 =	simm.s32 $0x18;
	s9 =	simm.s32 $0x1A200  }
0x4b7: {  	[hbm4b:s11+s30] =	stream.linear.scatter [tilespmem:s9], [sflag:$0x1B], $0x2000, $0x38;
	[tilespmem:$0x1C200] =	vst v63  }
0x4b8: {  	_ =	swait.ge [sflag:s12], $0x2000  }
0x4b9: {  	[sflag:s12] =	ssyncset.done $0x0  }
0x4ba: {  	[sflag:s12] =	ssyncadd.s32 $0xFFFFE000  }
0x4bb: {  	v2 =	vld.msk [tilespmem:$0x58], $0xff;
	_ =	sdelay $0x4  }
0x4bc: {  	v3 =	vshll.u32 v2, $0x3  }
0x4bd: {  	v2 =	vand.u32 $0x7, v2;
	v3 =	vand.u32 $0xFFFFFFC0, v3  }
0x4be: {  	v2 =	vor.u32 v2, v3  }
0x4bf: {  	v2 =	vperm.xlane v2, v0;
	_ =	sdelay $0x1  }
0x4c0: {  	v2 =	vadd.s32 v1, v2;
	_ =	sdelay $0x4  }
0x4c1: {  	[tilespmem:s15], [sflag:$0xC] =	stream.indirect_vreg.gather [hbm4b:s1+s30], $0x80, v2, vm0, $0xb8;
	[tilespmem:$0x1C200] =	vst v63  }
0x4c2: {  	_ = 	snop  }
0x4c3: {  	[tilespmem:s14], [sflag:$0xC] =	stream.indirect_vreg.gather [hbm4b:s8+s30], $0x80, v2, vm0, $0xb8;
	[tilespmem:$0x1C200] =	vst v63  }
0x4c4: {  	s13 =	simm.s32 $0x15200  }
0x4c5: {  	[tilespmem:s13], [sflag:$0xC] =	stream.indirect_vreg.gather [hbm4b:s6+s30], $0x80, v2, vm0, $0xb8;
	[tilespmem:$0x1C200] =	vst v63  }
0x4c6: {  	s15 =	simm.s32 $0x19;
	s14 =	simm.s32 $0x15A00  }
0x4c7: {  	[tilespmem:s14], [sflag:$0xC] =	stream.indirect_vreg.gather [hbm4b:s7+s30], $0x80, v2, vm0, $0xb8;
	[tilespmem:$0x1C200] =	vst v63  }
0x4c8: {  	_ =	swait.ge [sflag:s15], $0x2000  }
0x4c9: {  	[sflag:s15] =	ssyncset.done $0x0  }
0x4ca: {  	[sflag:s15] =	ssyncadd.s32 $0xFFFFE000  }
0x4cb: {  	v2 =	vld.msk [tilespmem:$0xD8], $0xff;
	_ =	sdelay $0x4  }
0x4cc: {  	v3 =	vshll.u32 v2, $0x3  }
0x4cd: {  	v2 =	vand.u32 $0x7, v2;
	v3 =	vand.u32 $0xFFFFFFC0, v3  }
0x4ce: {  	v2 =	vor.u32 v2, v3  }
0x4cf: {  	v2 =	vperm.xlane v2, v0;
	_ =	sdelay $0x1  }
0x4d0: {  	v2 =	vadd.s32 v1, v2;
	_ =	sdelay $0x4  }
0x4d1: {  	[tilespmem:s4], [sflag:$0xD] =	stream.indirect_vreg.gather [hbm4b:s1+s30], $0x80, v2, vm0, $0xb8;
	[tilespmem:$0x1C200] =	vst v63  }
0x4d2: {  	_ = 	snop  }
0x4d3: {  	[tilespmem:s18], [sflag:$0xD] =	stream.indirect_vreg.gather [hbm4b:s8+s30], $0x80, v2, vm0, $0xb8;
	[tilespmem:$0x1C200] =	vst v63  }
0x4d4: {  	s2 =	simm.s32 $0x17200  }
0x4d5: {  	[tilespmem:s2], [sflag:$0xD] =	stream.indirect_vreg.gather [hbm4b:s6+s30], $0x80, v2, vm0, $0xb8;
	[tilespmem:$0x1C200] =	vst v63  }
0x4d6: {  	s10 =	simm.s32 $0x1A;
	s4 =	simm.s32 $0x17A00  }
0x4d7: {  	[tilespmem:s4], [sflag:$0xD] =	stream.indirect_vreg.gather [hbm4b:s7+s30], $0x80, v2, vm0, $0xb8;
	[tilespmem:$0x1C200] =	vst v63  }
0x4d8: {  	_ =	swait.ge [sflag:s10], $0x2000  }
0x4d9: {  	[sflag:s10] =	ssyncset.done $0x0  }
0x4da: {  	[sflag:s10] =	ssyncadd.s32 $0xFFFFE000  }
0x4db: {  	v2 =	vld.msk [tilespmem:$0x158], $0xff;
	_ =	sdelay $0x4  }
0x4dc: {  	v3 =	vshll.u32 v2, $0x3  }
0x4dd: {  	v2 =	vand.u32 $0x7, v2;
	v3 =	vand.u32 $0xFFFFFFC0, v3  }
0x4de: {  	v2 =	vor.u32 v2, v3  }
0x4df: {  	v2 =	vperm.xlane v2, v0;
	_ =	sdelay $0x1  }
0x4e0: {  	v2 =	vadd.s32 v1, v2;
	_ =	sdelay $0x4  }
0x4e1: {  	[tilespmem:s5], [sflag:$0xE] =	stream.indirect_vreg.gather [hbm4b:s1+s30], $0x80, v2, vm0, $0xb8;
	[tilespmem:$0x1C200] =	vst v63  }
0x4e2: {  	_ = 	snop  }
0x4e3: {  	[tilespmem:s22], [sflag:$0xE] =	stream.indirect_vreg.gather [hbm4b:s8+s30], $0x80, v2, vm0, $0xb8;
	[tilespmem:$0x1C200] =	vst v63  }
0x4e4: {  	s11 =	simm.s32 $0x19200  }
0x4e5: {  	[tilespmem:s11], [sflag:$0xE] =	stream.indirect_vreg.gather [hbm4b:s6+s30], $0x80, v2, vm0, $0xb8;
	[tilespmem:$0x1C200] =	vst v63  }
0x4e6: {  	s12 =	simm.s32 $0x19A00;
	s13 =	simm.s32 $0x1B  }
0x4e7: {  	[tilespmem:s12], [sflag:$0xE] =	stream.indirect_vreg.gather [hbm4b:s7+s30], $0x80, v2, vm0, $0xb8;
	[tilespmem:$0x1C200] =	vst v63  }
0x4e8: {  	_ =	swait.ge [sflag:s13], $0x2000  }
0x4e9: {  	[sflag:s13] =	ssyncset.done $0x0  }
0x4ea: {  	[sflag:s13] =	ssyncadd.s32 $0xFFFFE000  }
0x4eb: {  	v2 =	vld.msk [tilespmem:$0x1D8], $0xff;
	_ =	sdelay $0x4  }
0x4ec: {  	v3 =	vshll.u32 v2, $0x3  }
0x4ed: {  	v2 =	vand.u32 $0x7, v2;
	v3 =	vand.u32 $0xFFFFFFC0, v3  }
0x4ee: {  	v2 =	vor.u32 v2, v3  }
0x4ef: {  	v2 =	vperm.xlane v2, v0;
	_ =	sdelay $0x1  }
0x4f0: {  	v2 =	vadd.s32 v1, v2;
	_ =	sdelay $0x4  }
0x4f1: {  	[tilespmem:s9], [sflag:$0xF] =	stream.indirect_vreg.gather [hbm4b:s1+s30], $0x80, v2, vm0, $0xb8;
	[tilespmem:$0x1C200] =	vst v63  }
0x4f2: {  	_ = 	snop  }
0x4f3: {  	[tilespmem:s26], [sflag:$0xF] =	stream.indirect_vreg.gather [hbm4b:s8+s30], $0x80, v2, vm0, $0xb8;
	[tilespmem:$0x1C200] =	vst v63  }
0x4f4: {  	s14 =	simm.s32 $0x1B200  }
0x4f5: {  	[tilespmem:s14], [sflag:$0xF] =	stream.indirect_vreg.gather [hbm4b:s6+s30], $0x80, v2, vm0, $0xb8;
	[tilespmem:$0x1C200] =	vst v63  }
0x4f6: {  	s15 =	simm.s32 $0x1BA00  }
0x4f7: {  	[tilespmem:s15], [sflag:$0xF] =	stream.indirect_vreg.gather [hbm4b:s7+s30], $0x80, v2, vm0, $0xb8;
	[tilespmem:$0x1C200] =	vst v63  }
0x4f8: {  	_ =	swait.ge [sflag:s29], $0x2000  }
0x4f9: {  	[sflag:s29] =	ssyncset.done $0x0  }
0x4fa: {  	[sflag:s29] =	ssyncadd.s32 $0xFFFFE000  }
0x4fb: {  	_ =	swait.ge [sflag:s17], $0x2000  }
0x4fc: {  	[sflag:s17] =	ssyncset.done $0x0  }
0x4fd: {  	[sflag:s17] =	ssyncadd.s32 $0xFFFFE000  }
0x4fe: {  	_ =	swait.ge [sflag:s19], $0x2000  }
0x4ff: {  	[sflag:s19] =	ssyncset.done $0x0  }
0x500: {  	[sflag:s19] =	ssyncadd.s32 $0xFFFFE000  }
0x501: {  	_ =	swait.ge [sflag:s20], $0x2000  }
0x502: {  	[sflag:s20] =	ssyncset.done $0x0  }
0x503: {  	[sflag:s20] =	ssyncadd.s32 $0xFFFFE000  }
0x504: {  	s18 =	sand.u32 $0x1C00, s30;
	s22 =	sand.u32 $0x380, s30;
	_ =	swait.ge [sflag:s21], $0x2000  }
0x505: {  	s0 =	sor.u32 s22, s18;
	s26 =	sand.u32 $0x60, s30;
	[sflag:s21] =	ssyncset.done $0x0  }
0x506: {  	s30 =	sor.u32 s26, s0;
	[sflag:s21] =	ssyncadd.s32 $0xFFFFE000  }
0x507: {  	v2 =	vld [tilespmem:s30+$0x2210]  }
0x508: {  	v3 =	vld [tilespmem:s30+$0x2200];
	_ =	sdelay $0x3  }
0x509: {  	s31 =	simm.s32 $0x20;
	[tilespmem:s30+$0xA210] =	vst.add.f32.msk $0xffff, v2  }
0x50a: {  	s11 =	simm.s32 $0x0;
	s12 =	simm.s32 $0x100;
	s9 =	simm.s32 $0x4;
	[tilespmem:s30+$0x4200] =	vst.add.f32.msk $0xffff, v3  }
.LBB2_20:
0x50b: {  	s0 =	sand.u32 $0x1C00, s12;
	s2 =	sand.u32 $0x380, s9;
	s11 =	sadd.s32 $0x2, s11;
	[tilespmem:s30+$0x6200] =	vst.add.f32.msk $0xffff, v3  }
0x50c: {  	s4 =	sand.u32 $0x60, s31;
	s0 =	sor.u32 s2, s0;
	p0 =	slt.u32 s11, $0x1FE;
	[tilespmem:s30+$0x8200] =	vst.add.f32.msk $0xffff, v3  }
0x50d: {  	s0 =	sor.u32 s4, s0;
	[tilespmem:s30+$0xA200] =	vst.add.f32.msk $0xffff, v3  }
0x50e: {  	v4 =	vld [tilespmem:s0+$0x2210]  }
0x50f: {  	v3 =	vld [tilespmem:s0+$0x2200]  }
.Ltmp9:
0x510: {  	[tilespmem:s30+$0x4210] =	vst.add.f32.msk $0xffff, v2;
	(pc) =	sbr.rel @p0 .LBB2_20-.Ltmp9, $4  }
0x511: {  	[tilespmem:s30+$0x6210] =	vst.add.f32.msk $0xffff, v2  }
0x512: {  	[tilespmem:s30+$0x8210] =	vst.add.f32.msk $0xffff, v2;
	s30 =	smov.u32 s0  }
0x513: {  	[tilespmem:s30+$0xA210] =	vst.add.f32.msk $0xffff, v4;
	v2 =	vmov v4  }
0x514: {  	s12 =	sadd.s32 $0x100, s12;
	s31 =	sadd.s32 $0x20, s31;
	s9 =	sadd.s32 $0x4, s9;
	[tilespmem:s30+$0x4200] =	vst.add.f32.msk $0xffff, v3  }
0x515: {  	[tilespmem:s30+$0x6200] =	vst.add.f32.msk $0xffff, v3  }
0x516: {  	[tilespmem:s30+$0x8200] =	vst.add.f32.msk $0xffff, v3  }
0x517: {  	[tilespmem:s30+$0xA200] =	vst.add.f32.msk $0xffff, v3  }
0x518: {  	[tilespmem:s30+$0x4210] =	vst.add.f32.msk $0xffff, v2  }
0x519: {  	[tilespmem:s30+$0x6210] =	vst.add.f32.msk $0xffff, v2  }
0x51a: {  	[tilespmem:s30+$0x8210] =	vst.add.f32.msk $0xffff, v2  }
0x51b: {  	s0 =	sld [smem:$0x7C4];
	_ =	sdelay $0x1  }
0x51c: {  	s30 =	simm.s32 $0x0;
	s2 =	simm.s32 $0x2200;
	s14 =	rddreg [dreg:$0x1d]  }
0x51d: {  	[tilespmem:s2], [sflag:$0x3] =	stream.linear.gather [hbm4b:s0+s30], $0x2000, $0x38;
	[tilespmem:$0x1C200] =	vst v63  }
0x51e: {  	s15 =	simm.s32 $0x4200;
	s18 =	sld [smem:$0x7E5]  }
0x51f: {  	[hbm4b:s14+s30] =	stream.linear.scatter [tilespmem:s15], [sflag:$0x10], $0x2000, $0x38;
	[tilespmem:$0x1C200] =	vst v63  }
0x520: {  	s4 =	simm.s32 $0x6200;
	s22 =	sld [smem:$0x7E7]  }
0x521: {  	[hbm4b:s18+s30] =	stream.linear.scatter [tilespmem:s4], [sflag:$0x11], $0x2000, $0x38;
	[tilespmem:$0x1C200] =	vst v63  }
0x522: {  	s9 =	simm.s32 $0x8200;
	s26 =	sld [smem:$0x7E8]  }
0x523: {  	[hbm4b:s22+s30] =	stream.linear.scatter [tilespmem:s9], [sflag:$0x12], $0x2000, $0x38;
	[tilespmem:$0x1C200] =	vst v63  }
0x524: {  	s11 =	simm.s32 $0xA200  }
0x525: {  	[hbm4b:s26+s30] =	stream.linear.scatter [tilespmem:s11], [sflag:$0x13], $0x2000, $0x38;
	[tilespmem:$0x1C200] =	vst v63  }
0x526: {  	_ =	swait.ge [sflag:s23], $0x2000  }
0x527: {  	[sflag:s23] =	ssyncset.done $0x0  }
0x528: {  	[sflag:s23] =	ssyncadd.s32 $0xFFFFE000  }
0x529: {  	v2 =	vld.msk [tilespmem:$0x60], $0xff;
	_ =	sdelay $0x4  }
0x52a: {  	v3 =	vshll.u32 v2, $0x3  }
0x52b: {  	v2 =	vand.u32 $0x7, v2;
	v3 =	vand.u32 $0xFFFFFFC0, v3  }
0x52c: {  	v2 =	vor.u32 v2, v3  }
0x52d: {  	v2 =	vperm.xlane v2, v0;
	_ =	sdelay $0x1  }
0x52e: {  	v2 =	vadd.s32 v1, v2;
	_ =	sdelay $0x4  }
0x52f: {  	[tilespmem:s15], [sflag:$0x4] =	stream.indirect_vreg.gather [hbm4b:s1+s30], $0x80, v2, vm0, $0xb8;
	[tilespmem:$0x1C200] =	vst v63  }
0x530: {  	s5 =	simm.s32 $0x4A00  }
0x531: {  	[tilespmem:s5], [sflag:$0x4] =	stream.indirect_vreg.gather [hbm4b:s8+s30], $0x80, v2, vm0, $0xb8;
	[tilespmem:$0x1C200] =	vst v63  }
0x532: {  	s12 =	simm.s32 $0x5200  }
0x533: {  	[tilespmem:s12], [sflag:$0x4] =	stream.indirect_vreg.gather [hbm4b:s6+s30], $0x80, v2, vm0, $0xb8;
	[tilespmem:$0x1C200] =	vst v63  }
0x534: {  	s14 =	simm.s32 $0x5A00  }
0x535: {  	[tilespmem:s14], [sflag:$0x4] =	stream.indirect_vreg.gather [hbm4b:s7+s30], $0x80, v2, vm0, $0xb8;
	[tilespmem:$0x1C200] =	vst v63  }
0x536: {  	_ =	swait.ge [sflag:s24], $0x2000  }
0x537: {  	[sflag:s24] =	ssyncset.done $0x0  }
0x538: {  	[sflag:s24] =	ssyncadd.s32 $0xFFFFE000  }
0x539: {  	v2 =	vld.msk [tilespmem:$0xE0], $0xff;
	_ =	sdelay $0x4  }
0x53a: {  	v3 =	vshll.u32 v2, $0x3  }
0x53b: {  	v2 =	vand.u32 $0x7, v2;
	v3 =	vand.u32 $0xFFFFFFC0, v3  }
0x53c: {  	v2 =	vor.u32 v2, v3  }
0x53d: {  	v2 =	vperm.xlane v2, v0;
	_ =	sdelay $0x1  }
0x53e: {  	v2 =	vadd.s32 v1, v2;
	_ =	sdelay $0x4  }
0x53f: {  	[tilespmem:s4], [sflag:$0x5] =	stream.indirect_vreg.gather [hbm4b:s1+s30], $0x80, v2, vm0, $0xb8;
	[tilespmem:$0x1C200] =	vst v63  }
0x540: {  	s15 =	simm.s32 $0x6A00  }
0x541: {  	[tilespmem:s15], [sflag:$0x5] =	stream.indirect_vreg.gather [hbm4b:s8+s30], $0x80, v2, vm0, $0xb8;
	[tilespmem:$0x1C200] =	vst v63  }
0x542: {  	s18 =	simm.s32 $0x7200  }
0x543: {  	[tilespmem:s18], [sflag:$0x5] =	stream.indirect_vreg.gather [hbm4b:s6+s30], $0x80, v2, vm0, $0xb8;
	[tilespmem:$0x1C200] =	vst v63  }
0x544: {  	s22 =	simm.s32 $0x7A00  }
0x545: {  	[tilespmem:s22], [sflag:$0x5] =	stream.indirect_vreg.gather [hbm4b:s7+s30], $0x80, v2, vm0, $0xb8;
	[tilespmem:$0x1C200] =	vst v63  }
0x546: {  	_ =	swait.ge [sflag:s25], $0x2000  }
0x547: {  	[sflag:s25] =	ssyncset.done $0x0  }
0x548: {  	[sflag:s25] =	ssyncadd.s32 $0xFFFFE000  }
0x549: {  	v2 =	vld.msk [tilespmem:$0x160], $0xff;
	_ =	sdelay $0x4  }
0x54a: {  	v3 =	vshll.u32 v2, $0x3  }
0x54b: {  	v2 =	vand.u32 $0x7, v2;
	v3 =	vand.u32 $0xFFFFFFC0, v3  }
0x54c: {  	v2 =	vor.u32 v2, v3  }
0x54d: {  	v2 =	vperm.xlane v2, v0;
	_ =	sdelay $0x1  }
0x54e: {  	v2 =	vadd.s32 v1, v2;
	_ =	sdelay $0x4  }
0x54f: {  	[tilespmem:s9], [sflag:$0x6] =	stream.indirect_vreg.gather [hbm4b:s1+s30], $0x80, v2, vm0, $0xb8;
	[tilespmem:$0x1C200] =	vst v63  }
0x550: {  	s26 =	simm.s32 $0x8A00  }
0x551: {  	[tilespmem:s26], [sflag:$0x6] =	stream.indirect_vreg.gather [hbm4b:s8+s30], $0x80, v2, vm0, $0xb8;
	[tilespmem:$0x1C200] =	vst v63  }
0x552: {  	s2 =	simm.s32 $0x9200  }
0x553: {  	[tilespmem:s2], [sflag:$0x6] =	stream.indirect_vreg.gather [hbm4b:s6+s30], $0x80, v2, vm0, $0xb8;
	[tilespmem:$0x1C200] =	vst v63  }
0x554: {  	s4 =	simm.s32 $0x9A00  }
0x555: {  	[tilespmem:s4], [sflag:$0x6] =	stream.indirect_vreg.gather [hbm4b:s7+s30], $0x80, v2, vm0, $0xb8;
	[tilespmem:$0x1C200] =	vst v63  }
0x556: {  	_ =	swait.ge [sflag:s28], $0x2000  }
0x557: {  	[sflag:s28] =	ssyncset.done $0x0  }
0x558: {  	[sflag:s28] =	ssyncadd.s32 $0xFFFFE000  }
0x559: {  	v2 =	vld.msk [tilespmem:$0x1E0], $0xff;
	_ =	sdelay $0x4  }
0x55a: {  	v3 =	vshll.u32 v2, $0x3  }
0x55b: {  	v2 =	vand.u32 $0x7, v2;
	v3 =	vand.u32 $0xFFFFFFC0, v3  }
0x55c: {  	v2 =	vor.u32 v2, v3  }
0x55d: {  	v2 =	vperm.xlane v2, v0;
	_ =	sdelay $0x1  }
0x55e: {  	v2 =	vadd.s32 v1, v2;
	_ =	sdelay $0x4  }
0x55f: {  	[tilespmem:s11], [sflag:$0x7] =	stream.indirect_vreg.gather [hbm4b:s1+s30], $0x80, v2, vm0, $0xb8;
	[tilespmem:$0x1C200] =	vst v63  }
0x560: {  	s5 =	simm.s32 $0xAA00  }
0x561: {  	[tilespmem:s5], [sflag:$0x7] =	stream.indirect_vreg.gather [hbm4b:s8+s30], $0x80, v2, vm0, $0xb8;
	[tilespmem:$0x1C200] =	vst v63  }
0x562: {  	s9 =	simm.s32 $0xB200  }
0x563: {  	[tilespmem:s9], [sflag:$0x7] =	stream.indirect_vreg.gather [hbm4b:s6+s30], $0x80, v2, vm0, $0xb8;
	[tilespmem:$0x1C200] =	vst v63  }
0x564: {  	s11 =	simm.s32 $0xBA00  }
0x565: {  	[tilespmem:s11], [sflag:$0x7] =	stream.indirect_vreg.gather [hbm4b:s7+s30], $0x80, v2, vm0, $0xb8;
	[tilespmem:$0x1C200] =	vst v63  }
0x566: {  	_ =	swait.ge [sflag:s16], $0x2000  }
0x567: {  	[sflag:s16] =	ssyncset.done $0x0  }
0x568: {  	s12 =	simm.s32 $0x8;
	[sflag:s16] =	ssyncadd.s32 $0xFFFFE000  }
0x569: {  	_ =	swait.ge [sflag:s12], $0x2000  }
0x56a: {  	[sflag:s12] =	ssyncset.done $0x0  }
0x56b: {  	s14 =	simm.s32 $0x9;
	[sflag:s12] =	ssyncadd.s32 $0xFFFFE000  }
0x56c: {  	_ =	swait.ge [sflag:s14], $0x2000  }
0x56d: {  	[sflag:s14] =	ssyncset.done $0x0  }
0x56e: {  	s15 =	simm.s32 $0xA;
	[sflag:s14] =	ssyncadd.s32 $0xFFFFE000  }
0x56f: {  	_ =	swait.ge [sflag:s15], $0x2000  }
0x570: {  	[sflag:s15] =	ssyncset.done $0x0  }
0x571: {  	s5 =	simm.s32 $0xB;
	[sflag:s15] =	ssyncadd.s32 $0xFFFFE000  }
0x572: {  	s18 =	sand.u32 $0x1C00, s30;
	s22 =	sand.u32 $0x380, s30;
	_ =	swait.ge [sflag:s5], $0x2000  }
0x573: {  	s0 =	sor.u32 s22, s18;
	s26 =	sand.u32 $0x60, s30;
	[sflag:s5] =	ssyncset.done $0x0  }
0x574: {  	s30 =	sor.u32 s26, s0;
	[sflag:s5] =	ssyncadd.s32 $0xFFFFE000  }
0x575: {  	v2 =	vld [tilespmem:s30+$0x210]  }
0x576: {  	v3 =	vld [tilespmem:s30+$0x200];
	_ =	sdelay $0x3  }
0x577: {  	s13 =	simm.s32 $0x10A00;
	s10 =	simm.s32 $0xCA00;
	s31 =	simm.s32 $0x20;
	[tilespmem:s30+$0x12210] =	vst.add.f32.msk $0xffff, v2  }
0x578: {  	s9 =	simm.s32 $0x4;
	s11 =	simm.s32 $0x0;
	s12 =	simm.s32 $0x100;
	[tilespmem:s30+$0xC200] =	vst.add.f32.msk $0xffff, v3  }
.LBB2_22:
0x579: {  	s0 =	sand.u32 $0x1C00, s12;
	s2 =	sand.u32 $0x380, s9;
	s11 =	sadd.s32 $0x2, s11;
	[tilespmem:s30+$0xE200] =	vst.add.f32.msk $0xffff, v3  }
0x57a: {  	s4 =	sand.u32 $0x60, s31;
	s0 =	sor.u32 s2, s0;
	p0 =	slt.u32 s11, $0x1FE;
	[tilespmem:s30+$0x10200] =	vst.add.f32.msk $0xffff, v3  }
0x57b: {  	s0 =	sor.u32 s4, s0;
	[tilespmem:s30+$0x12200] =	vst.add.f32.msk $0xffff, v3  }
0x57c: {  	v4 =	vld [tilespmem:s0+$0x210]  }
0x57d: {  	v3 =	vld [tilespmem:s0+$0x200]  }
.Ltmp10:
0x57e: {  	[tilespmem:s30+$0xC210] =	vst.add.f32.msk $0xffff, v2;
	(pc) =	sbr.rel @p0 .LBB2_22-.Ltmp10, $4  }
0x57f: {  	[tilespmem:s30+$0xE210] =	vst.add.f32.msk $0xffff, v2  }
0x580: {  	[tilespmem:s30+$0x10210] =	vst.add.f32.msk $0xffff, v2;
	s30 =	smov.u32 s0  }
0x581: {  	[tilespmem:s30+$0x12210] =	vst.add.f32.msk $0xffff, v4;
	v2 =	vmov v4  }
0x582: {  	s12 =	sadd.s32 $0x100, s12;
	s31 =	sadd.s32 $0x20, s31;
	s9 =	sadd.s32 $0x4, s9;
	[tilespmem:s30+$0xC200] =	vst.add.f32.msk $0xffff, v3  }
0x583: {  	[tilespmem:s30+$0xE200] =	vst.add.f32.msk $0xffff, v3  }
0x584: {  	[tilespmem:s30+$0x10200] =	vst.add.f32.msk $0xffff, v3  }
0x585: {  	[tilespmem:s30+$0x12200] =	vst.add.f32.msk $0xffff, v3  }
0x586: {  	[tilespmem:s30+$0xC210] =	vst.add.f32.msk $0xffff, v2  }
0x587: {  	[tilespmem:s30+$0xE210] =	vst.add.f32.msk $0xffff, v2  }
0x588: {  	[tilespmem:s30+$0x10210] =	vst.add.f32.msk $0xffff, v2  }
0x589: {  	s0 =	sld [smem:$0x7CA];
	_ =	sdelay $0x1  }
0x58a: {  	s30 =	simm.s32 $0x0;
	s2 =	simm.s32 $0x200;
	s15 =	rddreg [dreg:$0x1f]  }
0x58b: {  	[tilespmem:s2], [sflag:$0x2] =	stream.linear.gather [hbm4b:s0+s30], $0x2000, $0x38;
	[tilespmem:$0x1C200] =	vst v63  }
0x58c: {  	s22 =	simm.s32 $0xC200;
	s11 =	sld [smem:$0x7EC]  }
0x58d: {  	[hbm4b:s15+s30] =	stream.linear.scatter [tilespmem:s22], [sflag:$0x14], $0x2000, $0x38;
	[tilespmem:$0x1C200] =	vst v63  }
0x58e: {  	s4 =	simm.s32 $0xE200;
	s12 =	sld [smem:$0x7EA]  }
0x58f: {  	[hbm4b:s11+s30] =	stream.linear.scatter [tilespmem:s4], [sflag:$0x15], $0x2000, $0x38;
	[tilespmem:$0x1C200] =	vst v63  }
0x590: {  	s9 =	simm.s32 $0x10200;
	s14 =	sld [smem:$0x7EB]  }
0x591: {  	[hbm4b:s12+s30] =	stream.linear.scatter [tilespmem:s9], [sflag:$0x16], $0x2000, $0x38;
	[tilespmem:$0x1C200] =	vst v63  }
0x592: {  	s15 =	simm.s32 $0x14;
	s11 =	simm.s32 $0x12200  }
0x593: {  	[hbm4b:s14+s30] =	stream.linear.scatter [tilespmem:s11], [sflag:$0x17], $0x2000, $0x38;
	[tilespmem:$0x1C200] =	vst v63  }
0x594: {  	_ =	swait.ge [sflag:s15], $0x2000  }
0x595: {  	[sflag:s15] =	ssyncset.done $0x0  }
0x596: {  	[sflag:s15] =	ssyncadd.s32 $0xFFFFE000  }
0x597: {  	v2 =	vld.msk [tilespmem:$0x68], $0xff;
	_ =	sdelay $0x4  }
0x598: {  	v3 =	vshll.u32 v2, $0x3  }
0x599: {  	v2 =	vand.u32 $0x7, v2;
	v3 =	vand.u32 $0xFFFFFFC0, v3  }
0x59a: {  	v2 =	vor.u32 v2, v3  }
0x59b: {  	v2 =	vperm.xlane v2, v0;
	_ =	sdelay $0x1  }
0x59c: {  	v2 =	vadd.s32 v1, v2;
	_ =	sdelay $0x4  }
0x59d: {  	[tilespmem:s22], [sflag:$0x8] =	stream.indirect_vreg.gather [hbm4b:s1+s30], $0x80, v2, vm0, $0xb8;
	[tilespmem:$0x1C200] =	vst v63  }
0x59e: {  	_ = 	snop  }
0x59f: {  	[tilespmem:s10], [sflag:$0x8] =	stream.indirect_vreg.gather [hbm4b:s8+s30], $0x80, v2, vm0, $0xb8;
	[tilespmem:$0x1C200] =	vst v63  }
0x5a0: {  	s22 =	simm.s32 $0xD200  }
0x5a1: {  	[tilespmem:s22], [sflag:$0x8] =	stream.indirect_vreg.gather [hbm4b:s6+s30], $0x80, v2, vm0, $0xb8;
	[tilespmem:$0x1C200] =	vst v63  }
0x5a2: {  	s2 =	simm.s32 $0xDA00;
	s10 =	simm.s32 $0x15  }
0x5a3: {  	[tilespmem:s2], [sflag:$0x8] =	stream.indirect_vreg.gather [hbm4b:s7+s30], $0x80, v2, vm0, $0xb8;
	[tilespmem:$0x1C200] =	vst v63  }
0x5a4: {  	_ =	swait.ge [sflag:s10], $0x2000  }
0x5a5: {  	[sflag:s10] =	ssyncset.done $0x0  }
0x5a6: {  	[sflag:s10] =	ssyncadd.s32 $0xFFFFE000  }
0x5a7: {  	v2 =	vld.msk [tilespmem:$0xE8], $0xff;
	_ =	sdelay $0x4  }
0x5a8: {  	v3 =	vshll.u32 v2, $0x3  }
0x5a9: {  	v2 =	vand.u32 $0x7, v2;
	v3 =	vand.u32 $0xFFFFFFC0, v3  }
0x5aa: {  	v2 =	vor.u32 v2, v3  }
0x5ab: {  	v2 =	vperm.xlane v2, v0;
	_ =	sdelay $0x1  }
0x5ac: {  	v2 =	vadd.s32 v1, v2;
	_ =	sdelay $0x4  }
0x5ad: {  	[tilespmem:s4], [sflag:$0x9] =	stream.indirect_vreg.gather [hbm4b:s1+s30], $0x80, v2, vm0, $0xb8;
	[tilespmem:$0x1C200] =	vst v63  }
0x5ae: {  	s12 =	simm.s32 $0xEA00  }
0x5af: {  	[tilespmem:s12], [sflag:$0x9] =	stream.indirect_vreg.gather [hbm4b:s8+s30], $0x80, v2, vm0, $0xb8;
	[tilespmem:$0x1C200] =	vst v63  }
0x5b0: {  	s14 =	simm.s32 $0xF200  }
0x5b1: {  	[tilespmem:s14], [sflag:$0x9] =	stream.indirect_vreg.gather [hbm4b:s6+s30], $0x80, v2, vm0, $0xb8;
	[tilespmem:$0x1C200] =	vst v63  }
0x5b2: {  	s15 =	simm.s32 $0xFA00;
	s22 =	simm.s32 $0x16  }
0x5b3: {  	[tilespmem:s15], [sflag:$0x9] =	stream.indirect_vreg.gather [hbm4b:s7+s30], $0x80, v2, vm0, $0xb8;
	[tilespmem:$0x1C200] =	vst v63  }
0x5b4: {  	_ =	swait.ge [sflag:s22], $0x2000  }
0x5b5: {  	[sflag:s22] =	ssyncset.done $0x0  }
0x5b6: {  	[sflag:s22] =	ssyncadd.s32 $0xFFFFE000  }
0x5b7: {  	v2 =	vld.msk [tilespmem:$0x168], $0xff;
	_ =	sdelay $0x4  }
0x5b8: {  	v3 =	vshll.u32 v2, $0x3  }
0x5b9: {  	v2 =	vand.u32 $0x7, v2;
	v3 =	vand.u32 $0xFFFFFFC0, v3  }
0x5ba: {  	v2 =	vor.u32 v2, v3  }
0x5bb: {  	v2 =	vperm.xlane v2, v0;
	_ =	sdelay $0x1  }
0x5bc: {  	v2 =	vadd.s32 v1, v2;
	_ =	sdelay $0x4  }
0x5bd: {  	[tilespmem:s9], [sflag:$0xA] =	stream.indirect_vreg.gather [hbm4b:s1+s30], $0x80, v2, vm0, $0xb8;
	[tilespmem:$0x1C200] =	vst v63  }
0x5be: {  	_ = 	snop  }
0x5bf: {  	[tilespmem:s13], [sflag:$0xA] =	stream.indirect_vreg.gather [hbm4b:s8+s30], $0x80, v2, vm0, $0xb8;
	[tilespmem:$0x1C200] =	vst v63  }
0x5c0: {  	s2 =	simm.s32 $0x11200  }
0x5c1: {  	[tilespmem:s2], [sflag:$0xA] =	stream.indirect_vreg.gather [hbm4b:s6+s30], $0x80, v2, vm0, $0xb8;
	[tilespmem:$0x1C200] =	vst v63  }
0x5c2: {  	s4 =	simm.s32 $0x11A00;
	s9 =	simm.s32 $0x17  }
0x5c3: {  	[tilespmem:s4], [sflag:$0xA] =	stream.indirect_vreg.gather [hbm4b:s7+s30], $0x80, v2, vm0, $0xb8;
	[tilespmem:$0x1C200] =	vst v63  }
0x5c4: {  	_ =	swait.ge [sflag:s9], $0x2000  }
0x5c5: {  	[sflag:s9] =	ssyncset.done $0x0  }
0x5c6: {  	[sflag:s9] =	ssyncadd.s32 $0xFFFFE000  }
0x5c7: {  	v2 =	vld.msk [tilespmem:$0x1E8], $0xff;
	_ =	sdelay $0x4  }
0x5c8: {  	v3 =	vshll.u32 v2, $0x3  }
0x5c9: {  	v2 =	vand.u32 $0x7, v2;
	v3 =	vand.u32 $0xFFFFFFC0, v3  }
0x5ca: {  	v2 =	vor.u32 v2, v3  }
0x5cb: {  	v2 =	vperm.xlane v2, v0;
	_ =	sdelay $0x1  }
0x5cc: {  	v2 =	vadd.s32 v1, v2;
	_ =	sdelay $0x4  }
0x5cd: {  	[tilespmem:s11], [sflag:$0xB] =	stream.indirect_vreg.gather [hbm4b:s1+s30], $0x80, v2, vm0, $0xb8;
	[tilespmem:$0x1C200] =	vst v63  }
0x5ce: {  	s12 =	simm.s32 $0x12A00  }
0x5cf: {  	[tilespmem:s12], [sflag:$0xB] =	stream.indirect_vreg.gather [hbm4b:s8+s30], $0x80, v2, vm0, $0xb8;
	[tilespmem:$0x1C200] =	vst v63  }
0x5d0: {  	s14 =	simm.s32 $0x13200  }
0x5d1: {  	[tilespmem:s14], [sflag:$0xB] =	stream.indirect_vreg.gather [hbm4b:s6+s30], $0x80, v2, vm0, $0xb8;
	[tilespmem:$0x1C200] =	vst v63  }
0x5d2: {  	s22 =	simm.s32 $0x13A00  }
0x5d3: {  	[tilespmem:s22], [sflag:$0xB] =	stream.indirect_vreg.gather [hbm4b:s7+s30], $0x80, v2, vm0, $0xb8;
	[tilespmem:$0x1C200] =	vst v63  }
0x5d4: {  	_ =	swait.ge [sflag:s29], $0x2000  }
0x5d5: {  	[sflag:s29] =	ssyncset.done $0x0  }
0x5d6: {  	s2 =	simm.s32 $0xC;
	[sflag:s29] =	ssyncadd.s32 $0xFFFFE000  }
0x5d7: {  	_ =	swait.ge [sflag:s2], $0x2000  }
0x5d8: {  	[sflag:s2] =	ssyncset.done $0x0  }
0x5d9: {  	s4 =	simm.s32 $0xD;
	[sflag:s2] =	ssyncadd.s32 $0xFFFFE000  }
0x5da: {  	_ =	swait.ge [sflag:s4], $0x2000  }
0x5db: {  	[sflag:s4] =	ssyncset.done $0x0  }
0x5dc: {  	s9 =	simm.s32 $0xE;
	[sflag:s4] =	ssyncadd.s32 $0xFFFFE000  }
0x5dd: {  	_ =	swait.ge [sflag:s9], $0x2000  }
0x5de: {  	[sflag:s9] =	ssyncset.done $0x0  }
0x5df: {  	s11 =	simm.s32 $0xF;
	[sflag:s9] =	ssyncadd.s32 $0xFFFFE000  }
0x5e0: {  	s12 =	sand.u32 $0x1C00, s30;
	s14 =	sand.u32 $0x380, s30;
	_ =	swait.ge [sflag:s11], $0x2000  }
0x5e1: {  	s0 =	sor.u32 s14, s12;
	s22 =	sand.u32 $0x60, s30;
	[sflag:s11] =	ssyncset.done $0x0  }
0x5e2: {  	s30 =	sor.u32 s22, s0;
	[sflag:s11] =	ssyncadd.s32 $0xFFFFE000  }
0x5e3: {  	v2 =	vld [tilespmem:s30+$0x2210]  }
0x5e4: {  	v3 =	vld [tilespmem:s30+$0x2200];
	_ =	sdelay $0x1  }
0x5e5: {  	s26 =	simm.s32 $0x18A00  }
0x5e6: {  	s18 =	simm.s32 $0x14A00;
	s5 =	simm.s32 $0xC200;
	s31 =	simm.s32 $0x20  }
0x5e7: {  	s10 =	simm.s32 $0xE200;
	s15 =	simm.s32 $0x10200;
	s13 =	simm.s32 $0x12200;
	[tilespmem:s30+$0x1A210] =	vst.add.f32.msk $0xffff, v2  }
0x5e8: {  	s12 =	simm.s32 $0x100;
	s9 =	simm.s32 $0x4;
	s11 =	simm.s32 $0x0;
	[tilespmem:s30+$0x14200] =	vst.add.f32.msk $0xffff, v3  }
.LBB2_24:
0x5e9: {  	s0 =	sand.u32 $0x1C00, s12;
	s2 =	sand.u32 $0x380, s9;
	s11 =	sadd.s32 $0x2, s11;
	[tilespmem:s30+$0x16200] =	vst.add.f32.msk $0xffff, v3  }
0x5ea: {  	s4 =	sand.u32 $0x60, s31;
	s0 =	sor.u32 s2, s0;
	p0 =	slt.u32 s11, $0x1FE;
	[tilespmem:s30+$0x18200] =	vst.add.f32.msk $0xffff, v3  }
0x5eb: {  	s0 =	sor.u32 s4, s0;
	[tilespmem:s30+$0x1A200] =	vst.add.f32.msk $0xffff, v3  }
0x5ec: {  	v4 =	vld [tilespmem:s0+$0x2210]  }
0x5ed: {  	v3 =	vld [tilespmem:s0+$0x2200]  }
.Ltmp11:
0x5ee: {  	[tilespmem:s30+$0x14210] =	vst.add.f32.msk $0xffff, v2;
	(pc) =	sbr.rel @p0 .LBB2_24-.Ltmp11, $4  }
0x5ef: {  	[tilespmem:s30+$0x16210] =	vst.add.f32.msk $0xffff, v2  }
0x5f0: {  	[tilespmem:s30+$0x18210] =	vst.add.f32.msk $0xffff, v2;
	s30 =	smov.u32 s0  }
0x5f1: {  	[tilespmem:s30+$0x1A210] =	vst.add.f32.msk $0xffff, v4;
	v2 =	vmov v4  }
0x5f2: {  	s12 =	sadd.s32 $0x100, s12;
	s31 =	sadd.s32 $0x20, s31;
	s9 =	sadd.s32 $0x4, s9;
	[tilespmem:s30+$0x14200] =	vst.add.f32.msk $0xffff, v3  }
0x5f3: {  	[tilespmem:s30+$0x16200] =	vst.add.f32.msk $0xffff, v3  }
0x5f4: {  	[tilespmem:s30+$0x18200] =	vst.add.f32.msk $0xffff, v3  }
0x5f5: {  	[tilespmem:s30+$0x1A200] =	vst.add.f32.msk $0xffff, v3  }
0x5f6: {  	[tilespmem:s30+$0x14210] =	vst.add.f32.msk $0xffff, v2  }
0x5f7: {  	[tilespmem:s30+$0x16210] =	vst.add.f32.msk $0xffff, v2  }
0x5f8: {  	[tilespmem:s30+$0x18210] =	vst.add.f32.msk $0xffff, v2  }
0x5f9: {  	s0 =	sld [smem:$0x7D5];
	_ =	sdelay $0x1  }
0x5fa: {  	s30 =	simm.s32 $0x0;
	s2 =	simm.s32 $0x2200;
	s9 =	sld [smem:$0x7C5]  }
0x5fb: {  	[tilespmem:s2], [sflag:$0x3] =	stream.linear.gather [hbm4b:s0+s30], $0x2000, $0x38;
	[tilespmem:$0x1C200] =	vst v63  }
0x5fc: {  	s11 =	sld [smem:$0x7ED];
	s2 =	simm.s32 $0x14200  }
0x5fd: {  	[hbm4b:s9+s30] =	stream.linear.scatter [tilespmem:s2], [sflag:$0x18], $0x2000, $0x38;
	[tilespmem:$0x1C200] =	vst v63  }
0x5fe: {  	s4 =	simm.s32 $0x16200;
	s12 =	sld [smem:$0x7EE]  }
0x5ff: {  	[hbm4b:s11+s30] =	stream.linear.scatter [tilespmem:s4], [sflag:$0x19], $0x2000, $0x38;
	[tilespmem:$0x1C200] =	vst v63  }
0x600: {  	s14 =	sld [smem:$0x7EF];
	s9 =	simm.s32 $0x18200  }
0x601: {  	[hbm4b:s12+s30] =	stream.linear.scatter [tilespmem:s9], [sflag:$0x1A], $0x2000, $0x38;
	[tilespmem:$0x1C200] =	vst v63  }
0x602: {  	s22 =	simm.s32 $0x18;
	s11 =	simm.s32 $0x1A200  }
0x603: {  	[hbm4b:s14+s30] =	stream.linear.scatter [tilespmem:s11], [sflag:$0x1B], $0x2000, $0x38;
	[tilespmem:$0x1C200] =	vst v63  }
0x604: {  	_ =	swait.ge [sflag:s22], $0x2000  }
0x605: {  	[sflag:s22] =	ssyncset.done $0x0  }
0x606: {  	[sflag:s22] =	ssyncadd.s32 $0xFFFFE000  }
0x607: {  	v2 =	vld.msk [tilespmem:$0x70], $0xff;
	_ =	sdelay $0x4  }
0x608: {  	v3 =	vshll.u32 v2, $0x3  }
0x609: {  	v2 =	vand.u32 $0x7, v2;
	v3 =	vand.u32 $0xFFFFFFC0, v3  }
0x60a: {  	v2 =	vor.u32 v2, v3  }
0x60b: {  	v2 =	vperm.xlane v2, v0;
	_ =	sdelay $0x1  }
0x60c: {  	v2 =	vadd.s32 v1, v2;
	_ =	sdelay $0x4  }
0x60d: {  	[tilespmem:s2], [sflag:$0xC] =	stream.indirect_vreg.gather [hbm4b:s1+s30], $0x80, v2, vm0, $0xb8;
	[tilespmem:$0x1C200] =	vst v63  }
0x60e: {  	_ = 	snop  }
0x60f: {  	[tilespmem:s18], [sflag:$0xC] =	stream.indirect_vreg.gather [hbm4b:s8+s30], $0x80, v2, vm0, $0xb8;
	[tilespmem:$0x1C200] =	vst v63  }
0x610: {  	s12 =	simm.s32 $0x15200  }
0x611: {  	[tilespmem:s12], [sflag:$0xC] =	stream.indirect_vreg.gather [hbm4b:s6+s30], $0x80, v2, vm0, $0xb8;
	[tilespmem:$0x1C200] =	vst v63  }
0x612: {  	s22 =	simm.s32 $0x19;
	s18 =	simm.s32 $0x15A00  }
0x613: {  	[tilespmem:s18], [sflag:$0xC] =	stream.indirect_vreg.gather [hbm4b:s7+s30], $0x80, v2, vm0, $0xb8;
	[tilespmem:$0x1C200] =	vst v63  }
0x614: {  	_ =	swait.ge [sflag:s22], $0x2000  }
0x615: {  	[sflag:s22] =	ssyncset.done $0x0  }
0x616: {  	[sflag:s22] =	ssyncadd.s32 $0xFFFFE000  }
0x617: {  	v2 =	vld.msk [tilespmem:$0xF0], $0xff;
	_ =	sdelay $0x4  }
0x618: {  	v3 =	vshll.u32 v2, $0x3  }
0x619: {  	v2 =	vand.u32 $0x7, v2;
	v3 =	vand.u32 $0xFFFFFFC0, v3  }
0x61a: {  	v2 =	vor.u32 v2, v3  }
0x61b: {  	v2 =	vperm.xlane v2, v0;
	_ =	sdelay $0x1  }
0x61c: {  	v2 =	vadd.s32 v1, v2;
	_ =	sdelay $0x4  }
0x61d: {  	[tilespmem:s4], [sflag:$0xD] =	stream.indirect_vreg.gather [hbm4b:s1+s30], $0x80, v2, vm0, $0xb8;
	[tilespmem:$0x1C200] =	vst v63  }
0x61e: {  	s2 =	simm.s32 $0x16A00  }
0x61f: {  	[tilespmem:s2], [sflag:$0xD] =	stream.indirect_vreg.gather [hbm4b:s8+s30], $0x80, v2, vm0, $0xb8;
	[tilespmem:$0x1C200] =	vst v63  }
0x620: {  	s4 =	simm.s32 $0x17200  }
0x621: {  	[tilespmem:s4], [sflag:$0xD] =	stream.indirect_vreg.gather [hbm4b:s6+s30], $0x80, v2, vm0, $0xb8;
	[tilespmem:$0x1C200] =	vst v63  }
0x622: {  	s12 =	simm.s32 $0x17A00;
	s22 =	simm.s32 $0x1A  }
0x623: {  	[tilespmem:s12], [sflag:$0xD] =	stream.indirect_vreg.gather [hbm4b:s7+s30], $0x80, v2, vm0, $0xb8;
	[tilespmem:$0x1C200] =	vst v63  }
0x624: {  	_ =	swait.ge [sflag:s22], $0x2000  }
0x625: {  	[sflag:s22] =	ssyncset.done $0x0  }
0x626: {  	[sflag:s22] =	ssyncadd.s32 $0xFFFFE000  }
0x627: {  	v2 =	vld.msk [tilespmem:$0x170], $0xff;
	_ =	sdelay $0x4  }
0x628: {  	v3 =	vshll.u32 v2, $0x3  }
0x629: {  	v2 =	vand.u32 $0x7, v2;
	v3 =	vand.u32 $0xFFFFFFC0, v3  }
0x62a: {  	v2 =	vor.u32 v2, v3  }
0x62b: {  	v2 =	vperm.xlane v2, v0;
	_ =	sdelay $0x1  }
0x62c: {  	v2 =	vadd.s32 v1, v2;
	_ =	sdelay $0x4  }
0x62d: {  	[tilespmem:s9], [sflag:$0xE] =	stream.indirect_vreg.gather [hbm4b:s1+s30], $0x80, v2, vm0, $0xb8;
	[tilespmem:$0x1C200] =	vst v63  }
0x62e: {  	_ = 	snop  }
0x62f: {  	[tilespmem:s26], [sflag:$0xE] =	stream.indirect_vreg.gather [hbm4b:s8+s30], $0x80, v2, vm0, $0xb8;
	[tilespmem:$0x1C200] =	vst v63  }
0x630: {  	s2 =	simm.s32 $0x19200  }
0x631: {  	[tilespmem:s2], [sflag:$0xE] =	stream.indirect_vreg.gather [hbm4b:s6+s30], $0x80, v2, vm0, $0xb8;
	[tilespmem:$0x1C200] =	vst v63  }
0x632: {  	s4 =	simm.s32 $0x19A00;
	s9 =	simm.s32 $0x1B  }
0x633: {  	[tilespmem:s4], [sflag:$0xE] =	stream.indirect_vreg.gather [hbm4b:s7+s30], $0x80, v2, vm0, $0xb8;
	[tilespmem:$0x1C200] =	vst v63  }
0x634: {  	_ =	swait.ge [sflag:s9], $0x2000  }
0x635: {  	[sflag:s9] =	ssyncset.done $0x0  }
0x636: {  	[sflag:s9] =	ssyncadd.s32 $0xFFFFE000  }
0x637: {  	v2 =	vld.msk [tilespmem:$0x1F0], $0xff;
	_ =	sdelay $0x4  }
0x638: {  	v3 =	vshll.u32 v2, $0x3  }
0x639: {  	v2 =	vand.u32 $0x7, v2;
	v3 =	vand.u32 $0xFFFFFFC0, v3  }
0x63a: {  	v2 =	vor.u32 v2, v3  }
0x63b: {  	v2 =	vperm.xlane v2, v0;
	_ =	sdelay $0x1  }
0x63c: {  	v2 =	vadd.s32 v1, v2;
	_ =	sdelay $0x4  }
0x63d: {  	[tilespmem:s11], [sflag:$0xF] =	stream.indirect_vreg.gather [hbm4b:s1+s30], $0x80, v2, vm0, $0xb8;
	[tilespmem:$0x1C200] =	vst v63  }
0x63e: {  	s12 =	simm.s32 $0x1AA00  }
0x63f: {  	[tilespmem:s12], [sflag:$0xF] =	stream.indirect_vreg.gather [hbm4b:s8+s30], $0x80, v2, vm0, $0xb8;
	[tilespmem:$0x1C200] =	vst v63  }
0x640: {  	s2 =	simm.s32 $0x1B200  }
0x641: {  	[tilespmem:s2], [sflag:$0xF] =	stream.indirect_vreg.gather [hbm4b:s6+s30], $0x80, v2, vm0, $0xb8;
	[tilespmem:$0x1C200] =	vst v63  }
0x642: {  	s4 =	simm.s32 $0x1BA00  }
0x643: {  	[tilespmem:s4], [sflag:$0xF] =	stream.indirect_vreg.gather [hbm4b:s7+s30], $0x80, v2, vm0, $0xb8;
	[tilespmem:$0x1C200] =	vst v63  }
0x644: {  	_ =	swait.ge [sflag:s16], $0x2000  }
0x645: {  	[sflag:s16] =	ssyncset.done $0x0  }
0x646: {  	[sflag:s16] =	ssyncadd.s32 $0xFFFFE000  }
0x647: {  	_ =	swait.ge [sflag:s17], $0x2000  }
0x648: {  	[sflag:s17] =	ssyncset.done $0x0  }
0x649: {  	[sflag:s17] =	ssyncadd.s32 $0xFFFFE000  }
0x64a: {  	_ =	swait.ge [sflag:s19], $0x2000  }
0x64b: {  	[sflag:s19] =	ssyncset.done $0x0  }
0x64c: {  	[sflag:s19] =	ssyncadd.s32 $0xFFFFE000  }
0x64d: {  	_ =	swait.ge [sflag:s20], $0x2000  }
0x64e: {  	[sflag:s20] =	ssyncset.done $0x0  }
0x64f: {  	[sflag:s20] =	ssyncadd.s32 $0xFFFFE000  }
0x650: {  	s9 =	sand.u32 $0x1C00, s30;
	s11 =	sand.u32 $0x380, s30;
	_ =	swait.ge [sflag:s21], $0x2000  }
0x651: {  	s0 =	sor.u32 s11, s9;
	s12 =	sand.u32 $0x60, s30;
	[sflag:s21] =	ssyncset.done $0x0  }
0x652: {  	s30 =	sor.u32 s12, s0;
	[sflag:s21] =	ssyncadd.s32 $0xFFFFE000  }
0x653: {  	v2 =	vld [tilespmem:s30+$0x210]  }
0x654: {  	v3 =	vld [tilespmem:s30+$0x200];
	_ =	sdelay $0x2  }
0x655: {  	s31 =	simm.s32 $0x20;
	s14 =	simm.s32 $0x14200  }
0x656: {  	s18 =	simm.s32 $0x16200;
	s22 =	simm.s32 $0x18200;
	s26 =	simm.s32 $0x1A200;
	[tilespmem:s30+$0xA210] =	vst.add.f32.msk $0xffff, v2  }
0x657: {  	s11 =	simm.s32 $0x0;
	s9 =	simm.s32 $0x4;
	s12 =	simm.s32 $0x100;
	[tilespmem:s30+$0x4200] =	vst.add.f32.msk $0xffff, v3  }
.LBB2_26:
0x658: {  	s0 =	sand.u32 $0x1C00, s12;
	s2 =	sand.u32 $0x380, s9;
	s11 =	sadd.s32 $0x2, s11;
	[tilespmem:s30+$0x6200] =	vst.add.f32.msk $0xffff, v3  }
0x659: {  	s4 =	sand.u32 $0x60, s31;
	s0 =	sor.u32 s2, s0;
	p0 =	slt.u32 s11, $0x1FE;
	[tilespmem:s30+$0x8200] =	vst.add.f32.msk $0xffff, v3  }
0x65a: {  	s0 =	sor.u32 s4, s0;
	[tilespmem:s30+$0xA200] =	vst.add.f32.msk $0xffff, v3  }
0x65b: {  	v4 =	vld [tilespmem:s0+$0x210]  }
0x65c: {  	v3 =	vld [tilespmem:s0+$0x200]  }
.Ltmp12:
0x65d: {  	[tilespmem:s30+$0x4210] =	vst.add.f32.msk $0xffff, v2;
	(pc) =	sbr.rel @p0 .LBB2_26-.Ltmp12, $4  }
0x65e: {  	[tilespmem:s30+$0x6210] =	vst.add.f32.msk $0xffff, v2  }
0x65f: {  	[tilespmem:s30+$0x8210] =	vst.add.f32.msk $0xffff, v2;
	s30 =	smov.u32 s0  }
0x660: {  	[tilespmem:s30+$0xA210] =	vst.add.f32.msk $0xffff, v4;
	v2 =	vmov v4  }
0x661: {  	s12 =	sadd.s32 $0x100, s12;
	s31 =	sadd.s32 $0x20, s31;
	s9 =	sadd.s32 $0x4, s9;
	[tilespmem:s30+$0x4200] =	vst.add.f32.msk $0xffff, v3  }
0x662: {  	[tilespmem:s30+$0x6200] =	vst.add.f32.msk $0xffff, v3  }
0x663: {  	[tilespmem:s30+$0x8200] =	vst.add.f32.msk $0xffff, v3  }
0x664: {  	[tilespmem:s30+$0xA200] =	vst.add.f32.msk $0xffff, v3  }
0x665: {  	[tilespmem:s30+$0x4210] =	vst.add.f32.msk $0xffff, v2  }
0x666: {  	[tilespmem:s30+$0x6210] =	vst.add.f32.msk $0xffff, v2  }
0x667: {  	[tilespmem:s30+$0x8210] =	vst.add.f32.msk $0xffff, v2  }
0x668: {  	s0 =	sld [smem:$0x7D6];
	_ =	sdelay $0x1  }
0x669: {  	s30 =	simm.s32 $0x0;
	s2 =	simm.s32 $0x200;
	s4 =	sld [smem:$0x7CB]  }
0x66a: {  	[tilespmem:s2], [sflag:$0x2] =	stream.linear.gather [hbm4b:s0+s30], $0x2000, $0x38;
	[tilespmem:$0x1C200] =	vst v63  }
0x66b: {  	s9 =	sld [smem:$0x7F0];
	s2 =	simm.s32 $0x4200  }
0x66c: {  	[hbm4b:s4+s30] =	stream.linear.scatter [tilespmem:s2], [sflag:$0x10], $0x2000, $0x38;
	[tilespmem:$0x1C200] =	vst v63  }
0x66d: {  	s11 =	sld [smem:$0x7F1];
	s4 =	simm.s32 $0x6200  }
0x66e: {  	[hbm4b:s9+s30] =	stream.linear.scatter [tilespmem:s4], [sflag:$0x11], $0x2000, $0x38;
	[tilespmem:$0x1C200] =	vst v63  }
0x66f: {  	s12 =	sld [smem:$0x7F2];
	s9 =	simm.s32 $0x8200  }
0x670: {  	[hbm4b:s11+s30] =	stream.linear.scatter [tilespmem:s9], [sflag:$0x12], $0x2000, $0x38;
	[tilespmem:$0x1C200] =	vst v63  }
0x671: {  	s11 =	simm.s32 $0xA200  }
0x672: {  	[hbm4b:s12+s30] =	stream.linear.scatter [tilespmem:s11], [sflag:$0x13], $0x2000, $0x38;
	[tilespmem:$0x1C200] =	vst v63  }
0x673: {  	_ =	swait.ge [sflag:s23], $0x2000  }
0x674: {  	[sflag:s23] =	ssyncset.done $0x0  }
0x675: {  	[sflag:s23] =	ssyncadd.s32 $0xFFFFE000  }
0x676: {  	v2 =	vld.msk [tilespmem:$0x78], $0xff;
	_ =	sdelay $0x4  }
0x677: {  	v3 =	vshll.u32 v2, $0x3  }
0x678: {  	v2 =	vand.u32 $0x7, v2;
	v3 =	vand.u32 $0xFFFFFFC0, v3  }
0x679: {  	v2 =	vor.u32 v2, v3  }
0x67a: {  	v2 =	vperm.xlane v2, v0;
	_ =	sdelay $0x1  }
0x67b: {  	v2 =	vadd.s32 v1, v2;
	_ =	sdelay $0x4  }
0x67c: {  	[tilespmem:s2], [sflag:$0x4] =	stream.indirect_vreg.gather [hbm4b:s1+s30], $0x80, v2, vm0, $0xb8;
	[tilespmem:$0x1C200] =	vst v63  }
0x67d: {  	s2 =	simm.s32 $0x4A00  }
0x67e: {  	[tilespmem:s2], [sflag:$0x4] =	stream.indirect_vreg.gather [hbm4b:s8+s30], $0x80, v2, vm0, $0xb8;
	[tilespmem:$0x1C200] =	vst v63  }
0x67f: {  	s12 =	simm.s32 $0x5200  }
0x680: {  	[tilespmem:s12], [sflag:$0x4] =	stream.indirect_vreg.gather [hbm4b:s6+s30], $0x80, v2, vm0, $0xb8;
	[tilespmem:$0x1C200] =	vst v63  }
0x681: {  	s2 =	simm.s32 $0x5A00  }
0x682: {  	[tilespmem:s2], [sflag:$0x4] =	stream.indirect_vreg.gather [hbm4b:s7+s30], $0x80, v2, vm0, $0xb8;
	[tilespmem:$0x1C200] =	vst v63  }
0x683: {  	_ =	swait.ge [sflag:s24], $0x2000  }
0x684: {  	[sflag:s24] =	ssyncset.done $0x0  }
0x685: {  	[sflag:s24] =	ssyncadd.s32 $0xFFFFE000  }
0x686: {  	v2 =	vld.msk [tilespmem:$0xF8], $0xff;
	_ =	sdelay $0x4  }
0x687: {  	v3 =	vshll.u32 v2, $0x3  }
0x688: {  	v2 =	vand.u32 $0x7, v2;
	v3 =	vand.u32 $0xFFFFFFC0, v3  }
0x689: {  	v2 =	vor.u32 v2, v3  }
0x68a: {  	v2 =	vperm.xlane v2, v0;
	_ =	sdelay $0x1  }
0x68b: {  	v2 =	vadd.s32 v1, v2;
	_ =	sdelay $0x4  }
0x68c: {  	[tilespmem:s4], [sflag:$0x5] =	stream.indirect_vreg.gather [hbm4b:s1+s30], $0x80, v2, vm0, $0xb8;
	[tilespmem:$0x1C200] =	vst v63  }
0x68d: {  	s4 =	simm.s32 $0x6A00  }
0x68e: {  	[tilespmem:s4], [sflag:$0x5] =	stream.indirect_vreg.gather [hbm4b:s8+s30], $0x80, v2, vm0, $0xb8;
	[tilespmem:$0x1C200] =	vst v63  }
0x68f: {  	s12 =	simm.s32 $0x7200  }
0x690: {  	[tilespmem:s12], [sflag:$0x5] =	stream.indirect_vreg.gather [hbm4b:s6+s30], $0x80, v2, vm0, $0xb8;
	[tilespmem:$0x1C200] =	vst v63  }
0x691: {  	s2 =	simm.s32 $0x7A00  }
0x692: {  	[tilespmem:s2], [sflag:$0x5] =	stream.indirect_vreg.gather [hbm4b:s7+s30], $0x80, v2, vm0, $0xb8;
	[tilespmem:$0x1C200] =	vst v63  }
0x693: {  	_ =	swait.ge [sflag:s25], $0x2000  }
0x694: {  	[sflag:s25] =	ssyncset.done $0x0  }
0x695: {  	[sflag:s25] =	ssyncadd.s32 $0xFFFFE000  }
0x696: {  	v2 =	vld.msk [tilespmem:$0x178], $0xff;
	_ =	sdelay $0x4  }
0x697: {  	v3 =	vshll.u32 v2, $0x3  }
0x698: {  	v2 =	vand.u32 $0x7, v2;
	v3 =	vand.u32 $0xFFFFFFC0, v3  }
0x699: {  	v2 =	vor.u32 v2, v3  }
0x69a: {  	v2 =	vperm.xlane v2, v0;
	_ =	sdelay $0x1  }
0x69b: {  	v2 =	vadd.s32 v1, v2;
	_ =	sdelay $0x4  }
0x69c: {  	[tilespmem:s9], [sflag:$0x6] =	stream.indirect_vreg.gather [hbm4b:s1+s30], $0x80, v2, vm0, $0xb8;
	[tilespmem:$0x1C200] =	vst v63  }
0x69d: {  	s4 =	simm.s32 $0x8A00  }
0x69e: {  	[tilespmem:s4], [sflag:$0x6] =	stream.indirect_vreg.gather [hbm4b:s8+s30], $0x80, v2, vm0, $0xb8;
	[tilespmem:$0x1C200] =	vst v63  }
0x69f: {  	s9 =	simm.s32 $0x9200  }
0x6a0: {  	[tilespmem:s9], [sflag:$0x6] =	stream.indirect_vreg.gather [hbm4b:s6+s30], $0x80, v2, vm0, $0xb8;
	[tilespmem:$0x1C200] =	vst v63  }
0x6a1: {  	s12 =	simm.s32 $0x9A00  }
0x6a2: {  	[tilespmem:s12], [sflag:$0x6] =	stream.indirect_vreg.gather [hbm4b:s7+s30], $0x80, v2, vm0, $0xb8;
	[tilespmem:$0x1C200] =	vst v63  }
0x6a3: {  	_ =	swait.ge [sflag:s28], $0x2000  }
0x6a4: {  	[sflag:s28] =	ssyncset.done $0x0  }
0x6a5: {  	[sflag:s28] =	ssyncadd.s32 $0xFFFFE000  }
0x6a6: {  	v2 =	vld.msk [tilespmem:$0x1F8], $0xff;
	_ =	sdelay $0x4  }
0x6a7: {  	v3 =	vshll.u32 v2, $0x3  }
0x6a8: {  	v2 =	vand.u32 $0x7, v2;
	v3 =	vand.u32 $0xFFFFFFC0, v3  }
0x6a9: {  	v2 =	vor.u32 v2, v3  }
0x6aa: {  	v2 =	vperm.xlane v2, v0;
	_ =	sdelay $0x1  }
0x6ab: {  	v2 =	vadd.s32 v1, v2;
	_ =	sdelay $0x4  }
0x6ac: {  	[tilespmem:s11], [sflag:$0x7] =	stream.indirect_vreg.gather [hbm4b:s1+s30], $0x80, v2, vm0, $0xb8;
	[tilespmem:$0x1C200] =	vst v63  }
0x6ad: {  	s2 =	simm.s32 $0xAA00  }
0x6ae: {  	[tilespmem:s2], [sflag:$0x7] =	stream.indirect_vreg.gather [hbm4b:s8+s30], $0x80, v2, vm0, $0xb8;
	[tilespmem:$0x1C200] =	vst v63  }
0x6af: {  	s4 =	simm.s32 $0xB200  }
0x6b0: {  	[tilespmem:s4], [sflag:$0x7] =	stream.indirect_vreg.gather [hbm4b:s6+s30], $0x80, v2, vm0, $0xb8;
	[tilespmem:$0x1C200] =	vst v63  }
0x6b1: {  	s9 =	simm.s32 $0xBA00  }
0x6b2: {  	[tilespmem:s9], [sflag:$0x7] =	stream.indirect_vreg.gather [hbm4b:s7+s30], $0x80, v2, vm0, $0xb8;
	[tilespmem:$0x1C200] =	vst v63  }
0x6b3: {  	_ =	swait.ge [sflag:s29], $0x2000  }
0x6b4: {  	[sflag:s29] =	ssyncset.done $0x0  }
0x6b5: {  	s11 =	simm.s32 $0x8;
	[sflag:s29] =	ssyncadd.s32 $0xFFFFE000  }
0x6b6: {  	_ =	swait.ge [sflag:s11], $0x2000  }
0x6b7: {  	[sflag:s11] =	ssyncset.done $0x0  }
0x6b8: {  	s12 =	simm.s32 $0x9;
	[sflag:s11] =	ssyncadd.s32 $0xFFFFE000  }
0x6b9: {  	_ =	swait.ge [sflag:s12], $0x2000  }
0x6ba: {  	[sflag:s12] =	ssyncset.done $0x0  }
0x6bb: {  	s2 =	simm.s32 $0xA;
	[sflag:s12] =	ssyncadd.s32 $0xFFFFE000  }
0x6bc: {  	_ =	swait.ge [sflag:s2], $0x2000  }
0x6bd: {  	[sflag:s2] =	ssyncset.done $0x0  }
0x6be: {  	s9 =	simm.s32 $0xB;
	[sflag:s2] =	ssyncadd.s32 $0xFFFFE000  }
0x6bf: {  	s4 =	sand.u32 $0x1C00, s30;
	s11 =	sand.u32 $0x380, s30;
	_ =	swait.ge [sflag:s9], $0x2000  }
0x6c0: {  	s0 =	sor.u32 s11, s4;
	s12 =	sand.u32 $0x60, s30;
	[sflag:s9] =	ssyncset.done $0x0  }
0x6c1: {  	s30 =	sor.u32 s12, s0;
	[sflag:s9] =	ssyncadd.s32 $0xFFFFE000  }
0x6c2: {  	v2 =	vld [tilespmem:s30+$0x2210]  }
0x6c3: {  	v3 =	vld [tilespmem:s30+$0x2200];
	_ =	sdelay $0x3  }
0x6c4: {  	s31 =	simm.s32 $0x20;
	[tilespmem:s30+$0x12210] =	vst.add.f32.msk $0xffff, v2  }
0x6c5: {  	s11 =	simm.s32 $0x0;
	s12 =	simm.s32 $0x100;
	s9 =	simm.s32 $0x4;
	[tilespmem:s30+$0xC200] =	vst.add.f32.msk $0xffff, v3  }
.LBB2_28:
0x6c6: {  	s0 =	sand.u32 $0x1C00, s12;
	s2 =	sand.u32 $0x380, s9;
	s11 =	sadd.s32 $0x2, s11;
	[tilespmem:s30+$0xE200] =	vst.add.f32.msk $0xffff, v3  }
0x6c7: {  	s4 =	sand.u32 $0x60, s31;
	s0 =	sor.u32 s2, s0;
	p0 =	slt.u32 s11, $0x1FE;
	[tilespmem:s30+$0x10200] =	vst.add.f32.msk $0xffff, v3  }
0x6c8: {  	s0 =	sor.u32 s4, s0;
	[tilespmem:s30+$0x12200] =	vst.add.f32.msk $0xffff, v3  }
0x6c9: {  	v4 =	vld [tilespmem:s0+$0x2210]  }
0x6ca: {  	v3 =	vld [tilespmem:s0+$0x2200]  }
.Ltmp13:
0x6cb: {  	[tilespmem:s30+$0xC210] =	vst.add.f32.msk $0xffff, v2;
	(pc) =	sbr.rel @p0 .LBB2_28-.Ltmp13, $4  }
0x6cc: {  	[tilespmem:s30+$0xE210] =	vst.add.f32.msk $0xffff, v2  }
0x6cd: {  	[tilespmem:s30+$0x10210] =	vst.add.f32.msk $0xffff, v2;
	s30 =	smov.u32 s0  }
0x6ce: {  	[tilespmem:s30+$0x12210] =	vst.add.f32.msk $0xffff, v4;
	v2 =	vmov v4  }
0x6cf: {  	s12 =	sadd.s32 $0x100, s12;
	s31 =	sadd.s32 $0x20, s31;
	s9 =	sadd.s32 $0x4, s9;
	[tilespmem:s30+$0xC200] =	vst.add.f32.msk $0xffff, v3  }
0x6d0: {  	[tilespmem:s30+$0xE200] =	vst.add.f32.msk $0xffff, v3  }
0x6d1: {  	[tilespmem:s30+$0x10200] =	vst.add.f32.msk $0xffff, v3  }
0x6d2: {  	[tilespmem:s30+$0x12200] =	vst.add.f32.msk $0xffff, v3  }
0x6d3: {  	[tilespmem:s30+$0xC210] =	vst.add.f32.msk $0xffff, v2  }
0x6d4: {  	[tilespmem:s30+$0xE210] =	vst.add.f32.msk $0xffff, v2  }
0x6d5: {  	[tilespmem:s30+$0x10210] =	vst.add.f32.msk $0xffff, v2  }
0x6d6: {  	s2 =	sld [smem:$0x7D7];
	_ =	sdelay $0x1  }
0x6d7: {  	s0 =	simm.s32 $0x0;
	s4 =	simm.s32 $0x2200;
	s12 =	sld [smem:$0x7DD]  }
0x6d8: {  	[tilespmem:s4], [sflag:$0x3] =	stream.linear.gather [hbm4b:s2+s0], $0x2000, $0x38;
	[tilespmem:$0x1C200] =	vst v63  }
0x6d9: {  	s4 =	sld [smem:$0x7F3]  }
0x6da: {  	[hbm4b:s12+s0] =	stream.linear.scatter [tilespmem:s5], [sflag:$0x14], $0x2000, $0x38;
	[tilespmem:$0x1C200] =	vst v63  }
0x6db: {  	s9 =	sld [smem:$0x7F4]  }
0x6dc: {  	[hbm4b:s4+s0] =	stream.linear.scatter [tilespmem:s10], [sflag:$0x15], $0x2000, $0x38;
	[tilespmem:$0x1C200] =	vst v63  }
0x6dd: {  	s11 =	sld [smem:$0x7F6]  }
0x6de: {  	[hbm4b:s9+s0] =	stream.linear.scatter [tilespmem:s15], [sflag:$0x16], $0x2000, $0x38;
	[tilespmem:$0x1C200] =	vst v63  }
0x6df: {  	_ = 	snop  }
0x6e0: {  	[hbm4b:s11+s0] =	stream.linear.scatter [tilespmem:s13], [sflag:$0x17], $0x2000, $0x38;
	[tilespmem:$0x1C200] =	vst v63  }
0x6e1: {  	_ =	swait.ge [sflag:s16], $0x2000  }
0x6e2: {  	[sflag:s16] =	ssyncset.done $0x0  }
0x6e3: {  	s12 =	simm.s32 $0xC;
	[sflag:s16] =	ssyncadd.s32 $0xFFFFE000  }
0x6e4: {  	_ =	swait.ge [sflag:s12], $0x2000  }
0x6e5: {  	[sflag:s12] =	ssyncset.done $0x0  }
0x6e6: {  	s4 =	simm.s32 $0xD;
	[sflag:s12] =	ssyncadd.s32 $0xFFFFE000  }
0x6e7: {  	_ =	swait.ge [sflag:s4], $0x2000  }
0x6e8: {  	[sflag:s4] =	ssyncset.done $0x0  }
0x6e9: {  	s9 =	simm.s32 $0xE;
	[sflag:s4] =	ssyncadd.s32 $0xFFFFE000  }
0x6ea: {  	_ =	swait.ge [sflag:s9], $0x2000  }
0x6eb: {  	[sflag:s9] =	ssyncset.done $0x0  }
0x6ec: {  	[sflag:s9] =	ssyncadd.s32 $0xFFFFE000;
	s9 =	simm.s32 $0xF  }
0x6ed: {  	s11 =	sand.u32 $0x1C00, s0;
	s12 =	sand.u32 $0x380, s0;
	_ =	swait.ge [sflag:s9], $0x2000  }
0x6ee: {  	s0 =	sand.u32 $0x60, s0;
	s2 =	sor.u32 s12, s11;
	[sflag:s9] =	ssyncset.done $0x0  }
0x6ef: {  	s30 =	sor.u32 s0, s2;
	[sflag:s9] =	ssyncadd.s32 $0xFFFFE000  }
0x6f0: {  	v2 =	vld [tilespmem:s30+$0x210]  }
0x6f1: {  	v3 =	vld [tilespmem:s30+$0x200];
	_ =	sdelay $0x3  }
0x6f2: {  	s31 =	simm.s32 $0x20;
	[tilespmem:s30+$0x1A210] =	vst.add.f32.msk $0xffff, v2  }
0x6f3: {  	s11 =	simm.s32 $0x0;
	s12 =	simm.s32 $0x100;
	s9 =	simm.s32 $0x4;
	[tilespmem:s30+$0x14200] =	vst.add.f32.msk $0xffff, v3  }
.LBB2_30:
0x6f4: {  	s0 =	sand.u32 $0x1C00, s12;
	s2 =	sand.u32 $0x380, s9;
	s11 =	sadd.s32 $0x2, s11;
	[tilespmem:s30+$0x16200] =	vst.add.f32.msk $0xffff, v3  }
0x6f5: {  	s4 =	sand.u32 $0x60, s31;
	s0 =	sor.u32 s2, s0;
	p0 =	slt.u32 s11, $0x1FE;
	[tilespmem:s30+$0x18200] =	vst.add.f32.msk $0xffff, v3  }
0x6f6: {  	s0 =	sor.u32 s4, s0;
	[tilespmem:s30+$0x1A200] =	vst.add.f32.msk $0xffff, v3  }
0x6f7: {  	v4 =	vld [tilespmem:s0+$0x210]  }
0x6f8: {  	v3 =	vld [tilespmem:s0+$0x200]  }
.Ltmp14:
0x6f9: {  	[tilespmem:s30+$0x14210] =	vst.add.f32.msk $0xffff, v2;
	(pc) =	sbr.rel @p0 .LBB2_30-.Ltmp14, $4  }
0x6fa: {  	[tilespmem:s30+$0x16210] =	vst.add.f32.msk $0xffff, v2  }
0x6fb: {  	[tilespmem:s30+$0x18210] =	vst.add.f32.msk $0xffff, v2;
	s30 =	smov.u32 s0  }
0x6fc: {  	[tilespmem:s30+$0x1A210] =	vst.add.f32.msk $0xffff, v4;
	v2 =	vmov v4  }
0x6fd: {  	s12 =	sadd.s32 $0x100, s12;
	s31 =	sadd.s32 $0x20, s31;
	s9 =	sadd.s32 $0x4, s9;
	[tilespmem:s30+$0x14200] =	vst.add.f32.msk $0xffff, v3  }
0x6fe: {  	[tilespmem:s30+$0x16200] =	vst.add.f32.msk $0xffff, v3  }
0x6ff: {  	[tilespmem:s30+$0x18200] =	vst.add.f32.msk $0xffff, v3  }
0x700: {  	[tilespmem:s30+$0x1A200] =	vst.add.f32.msk $0xffff, v3  }
0x701: {  	[tilespmem:s30+$0x14210] =	vst.add.f32.msk $0xffff, v2  }
0x702: {  	[tilespmem:s30+$0x16210] =	vst.add.f32.msk $0xffff, v2  }
0x703: {  	[tilespmem:s30+$0x18210] =	vst.add.f32.msk $0xffff, v2  }
0x704: {  	s2 =	sld [smem:$0x7E6];
	_ =	sdelay $0x1  }
0x705: {  	s0 =	simm.s32 $0x0;
	s4 =	sld [smem:$0x7F8]  }
0x706: {  	[hbm4b:s2+s0] =	stream.linear.scatter [tilespmem:s14], [sflag:$0x18], $0x2000, $0x38;
	[tilespmem:$0x1C200] =	vst v63  }
0x707: {  	s9 =	sld [smem:$0x7F7]  }
0x708: {  	[hbm4b:s4+s0] =	stream.linear.scatter [tilespmem:s18], [sflag:$0x19], $0x2000, $0x38;
	[tilespmem:$0x1C200] =	vst v63  }
0x709: {  	s11 =	sld [smem:$0x7F9]  }
0x70a: {  	[hbm4b:s9+s0] =	stream.linear.scatter [tilespmem:s22], [sflag:$0x1A], $0x2000, $0x38;
	[tilespmem:$0x1C200] =	vst v63  }
0x70b: {  	_ = 	snop  }
0x70c: {  	[hbm4b:s11+s0] =	stream.linear.scatter [tilespmem:s26], [sflag:$0x1B], $0x2000, $0x38;
	[tilespmem:$0x1C200] =	vst v63  }
0x70d: {  	_ =	swait.ge [sflag:s29], $0x2000  }
0x70e: {  	[sflag:s29] =	ssyncset.done $0x0  }
0x70f: {  	[sflag:s29] =	ssyncadd.s32 $0xFFFFE000  }
0x710: {  	_ =	swait.ge [sflag:s17], $0x2000  }
0x711: {  	[sflag:s17] =	ssyncset.done $0x0  }
0x712: {  	[sflag:s17] =	ssyncadd.s32 $0xFFFFE000  }
0x713: {  	_ =	swait.ge [sflag:s19], $0x2000  }
0x714: {  	[sflag:s19] =	ssyncset.done $0x0  }
0x715: {  	[sflag:s19] =	ssyncadd.s32 $0xFFFFE000  }
0x716: {  	_ =	swait.ge [sflag:s20], $0x2000  }
0x717: {  	[sflag:s20] =	ssyncset.done $0x0  }
0x718: {  	[sflag:s20] =	ssyncadd.s32 $0xFFFFE000  }
0x719: {  	s12 =	sand.u32 $0x1C00, s0;
	s4 =	sand.u32 $0x380, s0;
	_ =	swait.ge [sflag:s21], $0x2000  }
0x71a: {  	s2 =	sor.u32 s4, s12;
	s0 =	sand.u32 $0x60, s0;
	[sflag:s21] =	ssyncset.done $0x0  }
0x71b: {  	s30 =	sor.u32 s0, s2;
	[sflag:s21] =	ssyncadd.s32 $0xFFFFE000  }
0x71c: {  	v2 =	vld [tilespmem:s30+$0x2210]  }
0x71d: {  	v3 =	vld [tilespmem:s30+$0x2200];
	_ =	sdelay $0x3  }
0x71e: {  	s31 =	simm.s32 $0x20;
	[tilespmem:s30+$0xA210] =	vst.add.f32.msk $0xffff, v2  }
0x71f: {  	s12 =	simm.s32 $0x100;
	s9 =	simm.s32 $0x4;
	s11 =	simm.s32 $0x0;
	[tilespmem:s30+$0x4200] =	vst.add.f32.msk $0xffff, v3  }
.LBB2_32:
0x720: {  	s0 =	sand.u32 $0x1C00, s12;
	s2 =	sand.u32 $0x380, s9;
	s11 =	sadd.s32 $0x2, s11;
	[tilespmem:s30+$0x6200] =	vst.add.f32.msk $0xffff, v3  }
0x721: {  	s4 =	sand.u32 $0x60, s31;
	s0 =	sor.u32 s2, s0;
	p0 =	slt.u32 s11, $0x1FE;
	[tilespmem:s30+$0x8200] =	vst.add.f32.msk $0xffff, v3  }
0x722: {  	s0 =	sor.u32 s4, s0;
	[tilespmem:s30+$0xA200] =	vst.add.f32.msk $0xffff, v3  }
0x723: {  	v4 =	vld [tilespmem:s0+$0x2210]  }
0x724: {  	v3 =	vld [tilespmem:s0+$0x2200]  }
.Ltmp15:
0x725: {  	[tilespmem:s30+$0x4210] =	vst.add.f32.msk $0xffff, v2;
	(pc) =	sbr.rel @p0 .LBB2_32-.Ltmp15, $4  }
0x726: {  	[tilespmem:s30+$0x6210] =	vst.add.f32.msk $0xffff, v2  }
0x727: {  	[tilespmem:s30+$0x8210] =	vst.add.f32.msk $0xffff, v2;
	s30 =	smov.u32 s0  }
0x728: {  	[tilespmem:s30+$0xA210] =	vst.add.f32.msk $0xffff, v4;
	v2 =	vmov v4  }
0x729: {  	s12 =	sadd.s32 $0x100, s12;
	s31 =	sadd.s32 $0x20, s31;
	s9 =	sadd.s32 $0x4, s9;
	[tilespmem:s30+$0x4200] =	vst.add.f32.msk $0xffff, v3  }
0x72a: {  	[tilespmem:s30+$0x6200] =	vst.add.f32.msk $0xffff, v3  }
0x72b: {  	[tilespmem:s30+$0x8200] =	vst.add.f32.msk $0xffff, v3  }
0x72c: {  	[tilespmem:s30+$0xA200] =	vst.add.f32.msk $0xffff, v3  }
0x72d: {  	[tilespmem:s30+$0x4210] =	vst.add.f32.msk $0xffff, v2  }
0x72e: {  	[tilespmem:s30+$0x6210] =	vst.add.f32.msk $0xffff, v2  }
0x72f: {  	[tilespmem:s30+$0x8210] =	vst.add.f32.msk $0xffff, v2  }
0x730: {  	s0 =	sld [smem:$0x7E9];
	_ =	sdelay $0x1  }
0x731: {  	s4 =	simm.s32 $0x4200;
	s11 =	sld [smem:$0x7FA]  }
0x732: {  	[hbm4b:s0+s3] =	stream.linear.scatter [tilespmem:s4], [sflag:$0x10], $0x2000, $0x38;
	[tilespmem:$0x1C200] =	vst v63  }
0x733: {  	s9 =	simm.s32 $0x6200;
	s12 =	sld [smem:$0x7FB]  }
0x734: {  	[hbm4b:s11+s3] =	stream.linear.scatter [tilespmem:s9], [sflag:$0x11], $0x2000, $0x38;
	[tilespmem:$0x1C200] =	vst v63  }
0x735: {  	s31 =	sld [smem:$0x7FD];
	s11 =	simm.s32 $0x8200  }
0x736: {  	[hbm4b:s12+s3] =	stream.linear.scatter [tilespmem:s11], [sflag:$0x12], $0x2000, $0x38;
	[tilespmem:$0x1C200] =	vst v63  }
0x737: {  	s12 =	simm.s32 $0xA200  }
0x738: {  	[hbm4b:s31+s3] =	stream.linear.scatter [tilespmem:s12], [sflag:$0x13], $0x2000, $0x38;
	[tilespmem:$0x1C200] =	vst v63  }
0x739: {  	_ =	swait.ge [sflag:s23], $0x2000  }
0x73a: {  	[sflag:s23] =	ssyncset.done $0x0  }
0x73b: {  	[sflag:s23] =	ssyncadd.s32 $0xFFFFE000  }
0x73c: {  	_ =	swait.ge [sflag:s24], $0x2000  }
0x73d: {  	[sflag:s24] =	ssyncset.done $0x0  }
0x73e: {  	[sflag:s24] =	ssyncadd.s32 $0xFFFFE000  }
0x73f: {  	_ =	swait.ge [sflag:s25], $0x2000  }
0x740: {  	[sflag:s25] =	ssyncset.done $0x0  }
0x741: {  	[sflag:s25] =	ssyncadd.s32 $0xFFFFE000  }
0x742: {  	_ =	swait.ge [sflag:s28], $0x2000  }
0x743: {  	[sflag:s28] =	ssyncset.done $0x0  }
0x744: {  	s2 =	simm.s32 $0x14;
	[sflag:s28] =	ssyncadd.s32 $0xFFFFE000  }
0x745: {  	_ =	swait.ge [sflag:s2], $0x2000  }
0x746: {  	[sflag:s2] =	ssyncset.done $0x0  }
0x747: {  	s31 =	simm.s32 $0x15;
	[sflag:s2] =	ssyncadd.s32 $0xFFFFE000  }
0x748: {  	_ =	swait.ge [sflag:s31], $0x2000  }
0x749: {  	[sflag:s31] =	ssyncset.done $0x0  }
0x74a: {  	s2 =	simm.s32 $0x16;
	[sflag:s31] =	ssyncadd.s32 $0xFFFFE000  }
0x74b: {  	_ =	swait.ge [sflag:s2], $0x2000  }
0x74c: {  	[sflag:s2] =	ssyncset.done $0x0  }
0x74d: {  	s31 =	simm.s32 $0x17;
	[sflag:s2] =	ssyncadd.s32 $0xFFFFE000  }
0x74e: {  	_ =	swait.ge [sflag:s31], $0x2000  }
0x74f: {  	[sflag:s31] =	ssyncset.done $0x0  }
0x750: {  	s2 =	simm.s32 $0x18;
	[sflag:s31] =	ssyncadd.s32 $0xFFFFE000  }
0x751: {  	_ =	swait.ge [sflag:s2], $0x2000  }
0x752: {  	[sflag:s2] =	ssyncset.done $0x0  }
0x753: {  	s31 =	simm.s32 $0x19;
	[sflag:s2] =	ssyncadd.s32 $0xFFFFE000  }
0x754: {  	_ =	swait.ge [sflag:s31], $0x2000  }
0x755: {  	[sflag:s31] =	ssyncset.done $0x0  }
0x756: {  	s2 =	simm.s32 $0x1A;
	[sflag:s31] =	ssyncadd.s32 $0xFFFFE000  }
0x757: {  	_ =	swait.ge [sflag:s2], $0x2000  }
0x758: {  	[sflag:s2] =	ssyncset.done $0x0  }
0x759: {  	[sflag:s2] =	ssyncadd.s32 $0xFFFFE000;
	s2 =	simm.s32 $0x1B  }
0x75a: {  	_ =	swait.ge [sflag:s2], $0x2000  }
0x75b: {  	s30 =	sld [smem:$0x7C3]  }
0x75c: {  	s31 =	sld [smem:$0x7F5];
	_ =	sdelay $0x1  }
0x75d: {  	s30 =	sadd.s32 $0x1, s30  }
0x75e: {  	p0 =	sne.s32 s30, s31  }
.Ltmp16:
0x75f: {  	_ = 	snop;
	(pc) =	sbr.rel @p0 .LBB2_1-.Ltmp16, $3  }
0x760: {  	_ =	sdelay $0x1  }
0x761: {  	[sflag:s2] =	ssyncset.done $0x0  }
0x762: {  	[sflag:s2] =	ssyncadd.s32 $0xFFFFE000  }
0x763: {  	_ =	sfence.sel $0x180000  }
0x764: {  	[bflag:$0x0] =	sbarrier.arrive $0xFFFF  }
0x765: {  	_ =	strace $0x90000047  }
0x766: {  	s0 =	stileid.u32;
	[bflag:$0x2] =	sbarrier.arrive $0xFFFF  }
0x767: {  	p0 =	sne.s32 s0, $0x0;
	s0 =	rddreg [dreg:$0x4]  }
0x768: {  	s0 =	sadd.s32 @!p0 $0x100000, s0  }
0x769: {  	[sflag:s0] =	ssyncadd.tile.s32 @!p0 $0x1;
	_ =	shalt  }
.Lfunc_end2:
_tile_overlayer_lowered:
.L_overlay_start_2:
0x76a: {  	(tag) =	ssettag $0x2  }
0x76b: {  	s0 =	rddreg [dreg:$0x0];
	s2 =	stileid.u32  }
0x76c: {  	s1 =	rddreg [dreg:$0x1];
	p0 =	sne.s32 s2, $0x0  }
0x76d: {  	s3 =	rddreg [dreg:$0x2];
	[bflag:$0x3] =	sbarrier.arrive $0xFFFF;
	s2 =	simm.s32 @!p0 $0x1C1C  }
0x76e: {  	[timem:s3], [sflag:s2] =	dma.local @!p0 [hbm:s0], s1  }
0x76f: {  	s0 =	simm.s32 @!p0 $0x1C  }
0x770: {  	_ =	swait.ge @!p0 [sflag:s0], s1  }
0x771: {  	s1 =	ssub.s32 @!p0 $0x0, s1;
	[sflag:s0] =	ssyncset.done @!p0 $0x0  }
0x772: {  	[sflag:s0] =	ssyncadd.s32 @!p0 s1  }
0x773: {  	[bflag:$0x3] =	sbarrier.arrive $0xFFFF  }
0x774: {  	_ =	shalt  }

</sc_bundles>
